<compile_context>
chip_gen: v7x
topology: tpu7x:2x2x1
jax: 0.10.2.dev20260603
libtpu: 0.0.44.dev20260713+nightly
codegen_flags: <defaults>
</compile_context>

<pallas_src>
import functools

import jax
import jax.numpy as jnp
from jax import lax
from jax.experimental import pallas as pl
from jax.experimental.pallas import tpu as pltpu
from jax.experimental.pallas import tpu_sc as plsc

OX, OY, OZ = 8, 8, 8
VOX = OX * OY * OZ
L = 16
NEG = -3.0e38


def _mask_tc(params, x3, y3, z3, n_rois, P):
    CHUNK = 2048
    WPC = CHUNK // L
    nsteps = P // CHUNK

    def body(prm_ref, x_ref, y_ref, z_ref, o_ref):
        x = x_ref[0]
        y = y_ref[0]
        z = z_ref[0]
        cx = prm_ref[:, 0:1]
        cy = prm_ref[:, 1:2]
        cz = prm_ref[:, 2:3]
        ca = prm_ref[:, 3:4]
        sa = prm_ref[:, 4:5]
        hdx = prm_ref[:, 5:6]
        hdy = prm_ref[:, 6:7]
        dz = prm_ref[:, 7:8]
        px = x - cx
        py = y - cy
        pz = z - cz
        lx = px * ca - py * sa
        ly = px * sa + py * ca
        inb = ((jnp.abs(lx) < hdx) & (jnp.abs(ly) < hdy)
               & (pz > 0.0) & (pz < dz))
        bit = lax.broadcasted_iota(jnp.int32, (n_rois, CHUNK), 1) & (L - 1)
        pwf = (jnp.int32(1) << bit).astype(jnp.float32)
        m = inb.astype(jnp.float32) * pwf
        gi = lax.broadcasted_iota(jnp.int32, (CHUNK, WPC), 0) // L
        gj = lax.broadcasted_iota(jnp.int32, (CHUNK, WPC), 1)
        gm = (gi == gj).astype(jnp.float32)
        words = jax.lax.dot_general(
            m, gm, (((1,), (0,)), ((), ())),
            preferred_element_type=jnp.float32)
        o_ref[...] = words.astype(jnp.int32)

    return pl.pallas_call(
        body,
        grid=(nsteps,),
        in_specs=[
            pl.BlockSpec((n_rois, 16), lambda k: (0, 0)),
            pl.BlockSpec((1, 1, CHUNK), lambda k: (k, 0, 0)),
            pl.BlockSpec((1, 1, CHUNK), lambda k: (k, 0, 0)),
            pl.BlockSpec((1, 1, CHUNK), lambda k: (k, 0, 0)),
        ],
        out_specs=pl.BlockSpec((n_rois, WPC), lambda k: (0, k)),
        out_shape=jax.ShapeDtypeStruct((n_rois, P // L), jnp.int32),
    )(params, x3, y3, z3)


def _pool_sc(params, mwords, ptx, pty, ptz, pts_feature, n_rois):
    P, C = pts_feature.shape
    assert C == 2 * L
    assert n_rois % 32 == 0 and n_rois // 32 == 2
    NW = P // L
    pbits = (P - 1).bit_length()
    mesh = plsc.VectorSubcoreMesh(core_axis_name="c", subcore_axis_name="s")

    @functools.partial(
        pl.kernel,
        out_type=jax.ShapeDtypeStruct((n_rois, VOX * C), jnp.float32),
        mesh=mesh,
        scratch_types=[
            pltpu.VMEM((2 * 16,), jnp.float32),
            pltpu.VMEM((3, P), jnp.float32),
            pltpu.VMEM((2, NW), jnp.int32),
            pltpu.VMEM((2, 2, NW), jnp.int32),
            pltpu.VMEM((2, VOX * C), jnp.float32),
            pltpu.VMEM((2, VOX), jnp.int32),
            pltpu.VMEM((2, P), jnp.int32),
            pltpu.VMEM((L, C), jnp.float32),
            pltpu.VMEM((L,), jnp.int32),
            pltpu.SemaphoreType.DMA,
        ],
        compiler_params=pltpu.CompilerParams(
            needs_layout_passes=False, use_tc_tiling_on_sc=False),
    )
    def body(params_hbm, mask_hbm, ptx_hbm, pty_hbm, ptz_hbm, feat_hbm,
             out_hbm, prm, ptsv, mw, wl, grid, hit, lst, rows, idxb, sem):
        wid = lax.axis_index("s") * 2 + lax.axis_index("c")
        r0 = wid * 2
        with jax.named_scope("stage"):
            cpx = pltpu.async_copy(ptx_hbm, ptsv.at[0], sem)
            cpy = pltpu.async_copy(pty_hbm, ptsv.at[1], sem)
            cpz = pltpu.async_copy(ptz_hbm, ptsv.at[2], sem)
            pltpu.sync_copy(params_hbm.at[pl.ds(r0 * 16, 2 * 16)], prm)
            pltpu.sync_copy(mask_hbm.at[pl.ds(r0, 2)], mw)

        lane = lax.iota(jnp.int32, L)
        zf = jnp.zeros((L,), jnp.float32)
        ziv = jnp.zeros((L,), jnp.int32)

        def zero_grid(i, carry):
            base = i * (4 * L)
            for r in range(2):
                for u in range(4):
                    grid[r, pl.ds(base + u * L, L)] = zf
            return carry

        with jax.named_scope("zero"):
            lax.fori_loop(0, VOX * C // (4 * L), zero_grid, 0)

            def zero_hit(i, carry):
                hit[0, pl.ds(i * L, L)] = ziv
                hit[1, pl.ds(i * L, L)] = ziv
                return carry

            lax.fori_loop(0, VOX // L, zero_hit, 0)

        dn = lax.GatherDimensionNumbers(
            offset_dims=(), collapsed_slice_dims=(0,), start_index_map=(0,))

        def splat(vec, k):
            idx = jnp.full((L, 1), k, jnp.int32)
            return lax.gather(vec, idx, dn, (1,),
                              mode=lax.GatherScatterMode.PROMISE_IN_BOUNDS)

        pv = [prm[pl.ds(0, L)], prm[pl.ds(L, L)]]
        pr = [[splat(pv[r], k) for k in range(11)] for r in range(2)]

        def fullv(v):
            return jnp.full((L,), v, jnp.int32)

        def w_body(g, cws):
            news = []
            for r in range(2):
                wv = mw[r, pl.ds(g * L, L)]
                mk = wv != 0
                mi = mk.astype(jnp.int32)
                incl = plsc.cumsum(mi)
                pos = cws[r] + (incl - mi)
                plsc.store_scatter(wl, [fullv(r), fullv(0), pos],
                                   g * L + lane, mask=mk)
                plsc.store_scatter(wl, [fullv(r), fullv(1), pos],
                                   wv, mask=mk)
                news.append(cws[r] + plsc.all_reduce_population_count(mk))
            return tuple(news)

        with jax.named_scope("wsel"):
            wv_a, wv_b = lax.fori_loop(0, NW // L, w_body, (ziv, ziv))
            nw_a = jnp.max(wv_a)
            nw_b = jnp.max(wv_b)

        def clampi(t, hi):
            ti = t.astype(jnp.int32)
            return jnp.minimum(jnp.maximum(ti, 0), hi)

        def fine_roi(r, nw):
            cx, cy, cz, ca, sa, hdx, hdy, dz, xre, yre, zre = pr[r]

            def f_body(j, cv):
                wsp = plsc.load_gather(wl, [fullv(r), fullv(0), fullv(j)])
                wid_s = jnp.max(wsp)
                wvs = plsc.load_gather(wl, [fullv(r), fullv(1), fullv(j)])
                vm = ((wvs >> lane) & 1) == 1
                base = wid_s * L
                x = ptsv[0, pl.ds(base, L)]
                y = ptsv[1, pl.ds(base, L)]
                z = ptsv[2, pl.ds(base, L)]
                pid = base + lane
                px = x - cx
                py = y - cy
                pz = z - cz
                lx = px * ca - py * sa
                ly = px * sa + py * ca
                xi = clampi((lx + hdx) / xre, OX - 1)
                yi = clampi((ly + hdy) / yre, OY - 1)
                zvi = clampi(pz / zre, OZ - 1)
                vox = (xi * OY + yi) * OZ + zvi
                pk = (vox << pbits) | pid
                mi = vm.astype(jnp.int32)
                incl = plsc.cumsum(mi)
                pos = cv + (incl - mi)
                plsc.store_scatter(lst, [fullv(r), pos], pk, mask=vm)
                return cv + plsc.all_reduce_population_count(vm)

            cv = lax.fori_loop(0, nw, f_body, ziv)
            return jnp.max(cv)

        with jax.named_scope("fine"):
            cpx.wait()
            cpy.wait()
            cpz.wait()
            cnt_a = fine_roi(0, nw_a)
            cnt_b = fine_roi(1, nw_b)

        def apply_roi(r, cnt):
            rs = fullv(r)
            ones = jnp.ones((L,), jnp.int32)

            def ch_body(c, carry):
                base = c * L
                pk = lst[r, pl.ds(base, L)]
                rem = cnt - base
                valid = lane < rem
                idxb[...] = jnp.where(valid, pk & (P - 1), 0)
                pltpu.async_copy(feat_hbm.at[idxb], rows, sem).wait()
                for j in range(L):
                    pkj = plsc.load_gather(lst, [rs, fullv(base + j)])
                    voxj = jnp.minimum(
                        jnp.maximum(pkj >> pbits, 0), VOX - 1)
                    vj = fullv(j) < rem
                    idx0 = voxj * C + lane
                    idx1 = idx0 + L
                    hv = plsc.load_gather(hit, [rs, voxj])
                    g0 = plsc.load_gather(grid, [rs, idx0])
                    g1 = plsc.load_gather(grid, [rs, idx1])
                    f0 = rows[j, pl.ds(0, L)]
                    f1 = rows[j, pl.ds(L, L)]
                    hb = hv > 0
                    n0 = jnp.maximum(jnp.where(hb, g0, NEG), f0)
                    n1 = jnp.maximum(jnp.where(hb, g1, NEG), f1)
                    plsc.store_scatter(grid, [rs, idx0], n0, mask=vj)
                    plsc.store_scatter(grid, [rs, idx1], n1, mask=vj)
                    plsc.store_scatter(hit, [rs, voxj], ones, mask=vj)
                return carry

            nch = (cnt + (L - 1)) >> 4
            lax.fori_loop(0, nch, ch_body, 0)

        with jax.named_scope("p2"):
            apply_roi(0, cnt_a)
            apply_roi(1, cnt_b)

        with jax.named_scope("wout"):
            pltpu.sync_copy(grid.at[0], out_hbm.at[r0])
            pltpu.sync_copy(grid.at[1], out_hbm.at[r0 + 1])

    return body(params, mwords, ptx, pty, ptz, pts_feature)


def kernel(rois, pts, pts_feature):
    n = rois.shape[0]
    p, c = pts_feature.shape
    cx, cy, cz = rois[:, 0], rois[:, 1], rois[:, 2]
    dx, dy, dz = rois[:, 3], rois[:, 4], rois[:, 5]
    rz = rois[:, 6]
    cosa = jnp.cos(-rz)
    sina = jnp.sin(-rz)
    zpad = jnp.zeros_like(cx)
    params = jnp.stack(
        [cx, cy, cz, cosa, sina, dx * 0.5, dy * 0.5, dz,
         dx / OX, dy / OY, dz / OZ,
         zpad, zpad, zpad, zpad, zpad], axis=1).astype(jnp.float32)
    ptsf = pts.astype(jnp.float32)
    xcol, ycol, zcol = ptsf[:, 0], ptsf[:, 1], ptsf[:, 2]
    mwords = _mask_tc(params,
                      xcol.reshape(p // 2048, 1, 2048),
                      ycol.reshape(p // 2048, 1, 2048),
                      zcol.reshape(p // 2048, 1, 2048), n, p)
    pooled = _pool_sc(params.reshape(-1), mwords,
                      xcol, ycol, zcol,
                      pts_feature.astype(jnp.float32), n)
    return pooled.reshape(n, OX, OY, OZ, c)

# --- scband reference (transcript-rebuilt; emitter-appended) ---
"""Pipeline reference for scband-ro-iaware-pool3d-4183298146660 (READ-ONLY COPY).

The authoritative reference and input builder live on the scoring server;
editing this copy changes nothing except your own understanding.
"""

import jax, jax.numpy as jnp
import numpy as np

OUT_SIZE = (8, 8, 8)
MAX_PTS_PER_VOXEL = 128  # note: reference pools over all points per voxel (cap rarely binds at this density)
MODE = 0  # 0 = max, 1 = avg


def setup_inputs(seed: int = 0):
    key = jax.random.key(seed)
    k1, k2, k3, k4, k5, k6, k7 = jax.random.split(key, 7)
    N, P, C = 64, 16384, 32
    centers_xy = jax.random.uniform(k1, (N, 2), minval=-40.0, maxval=40.0)
    centers_z = jax.random.uniform(k2, (N, 1), minval=-3.0, maxval=0.0)
    dims = jax.random.uniform(k3, (N, 3), minval=1.5, maxval=5.0)
    ry = jax.random.uniform(k4, (N, 1), minval=-np.pi, maxval=np.pi)
    rois = jnp.concatenate([centers_xy, centers_z, dims, ry], axis=1).astype(jnp.float32)
    pts_xy = jax.random.uniform(k5, (P, 2), minval=-50.0, maxval=50.0)
    pts_z = jax.random.uniform(k6, (P, 1), minval=-3.0, maxval=2.5)
    pts = jnp.concatenate([pts_xy, pts_z], axis=1).astype(jnp.float32)
    pts_feature = jax.random.normal(k7, (P, C), dtype=jnp.float32)
    return {"rois": rois, "pts": pts, "pts_feature": pts_feature}


def _roiaware_pool3d(rois, pts, pts_feature):
    N = rois.shape[0]
    P, C = pts_feature.shape
    ox, oy, oz = OUT_SIZE
    V = ox * oy * oz
    cx, cy, cz = rois[:, 0:1], rois[:, 1:2], rois[:, 2:3]
    dx, dy, dz = rois[:, 3:4], rois[:, 4:5], rois[:, 5:6]
    rz = rois[:, 6:7]
    # shift points into roi frame ((x,y,z) is the BOTTOM center of the roi)
    px = pts[None, :, 0] - cx  # [N, P]
    py = pts[None, :, 1] - cy
    pz = pts[None, :, 2] - cz
    # rotate around z by -rz (LiDAR yaw)
    cosa = jnp.cos(-rz)
    sina = jnp.sin(-rz)
    local_x = px * cosa - py * sina
    local_y = px * sina + py * cosa
    in_box = ((jnp.abs(local_x) < dx / 2.0) & (jnp.abs(local_y) < dy / 2.0) & (pz > 0.0) & (pz < dz))
    # voxel indices within the out_x x out_y x out_z grid of each roi
    x_res = dx / ox
    y_res = dy / oy
    z_res = dz / oz
    xi = jnp.clip(jnp.floor((local_x + dx / 2.0) / x_res), 0, ox - 1).astype(jnp.int32)
    yi = jnp.clip(jnp.floor((local_y + dy / 2.0) / y_res), 0, oy - 1).astype(jnp.int32)
    zi = jnp.clip(jnp.floor(pz / z_res), 0, oz - 1).astype(jnp.int32)
    vox = (xi * oy + yi) * oz + zi
    seg = jnp.where(in_box, jnp.arange(N, dtype=jnp.int32)[:, None] * V + vox, N * V)
    seg_flat = jax.lax.stop_gradient(seg.reshape(-1))
    data = jnp.broadcast_to(pts_feature[None, :, :], (N, P, C)).reshape(N * P, C)
    if MODE == 0:
        pooled = jax.ops.segment_max(data, seg_flat, num_segments=N * V + 1)
        pooled = jnp.where(jnp.isfinite(pooled), pooled, 0.0)  # empty voxels -> 0, matching CUDA kernel
    else:
        sums = jax.ops.segment_sum(data, seg_flat, num_segments=N * V + 1)
        cnts = jax.ops.segment_sum(jnp.ones((N * P, 1), data.dtype), seg_flat, num_segments=N * V + 1)
        pooled = sums / jnp.maximum(cnts, 1.0)
    return pooled[: N * V].reshape(N, ox, oy, oz, C)


def reference(rois, pts, pts_feature):
    return _roiaware_pool3d(rois, pts, pts_feature)

if __name__ == "__main__":
    import jax
    _d = setup_inputs()
    print(jax.jit(kernel)(*tuple(_d.values())))

</pallas_src>

<mosaic_0001>
#map = affine_map<(d0, d1) -> (0)>
#map1 = affine_map<(d0, d1) -> (0, 0)>
module attributes {stable_mosaic.version = 14 : i64} {
  func.func @body(%arg0: i32, %arg1: i32, %arg2: memref<1024xf32, #tpu.memory_space<hbm>>, %arg3: memref<64x1024xi32, #tpu.memory_space<hbm>>, %arg4: memref<16384xf32, #tpu.memory_space<hbm>>, %arg5: memref<16384xf32, #tpu.memory_space<hbm>>, %arg6: memref<16384xf32, #tpu.memory_space<hbm>>, %arg7: memref<16384x32xf32, #tpu.memory_space<hbm>>, %arg8: memref<64x16384xf32, #tpu.memory_space<hbm>>, %arg9: memref<32xf32, #tpu.memory_space<vmem>>, %arg10: memref<3x16384xf32, #tpu.memory_space<vmem>>, %arg11: memref<2x1024xi32, #tpu.memory_space<vmem>>, %arg12: memref<2x2x1024xi32, #tpu.memory_space<vmem>>, %arg13: memref<2x16384xf32, #tpu.memory_space<vmem>>, %arg14: memref<2x512xi32, #tpu.memory_space<vmem>>, %arg15: memref<2x16384xi32, #tpu.memory_space<vmem>>, %arg16: memref<16x32xf32, #tpu.memory_space<vmem>>, %arg17: memref<16xi32, #tpu.memory_space<vmem>>, %arg18: memref<!tpu.dma_semaphore, #tpu.memory_space<semaphore_mem>>) attributes {dimension_semantics = [#tpu.dimension_semantics<core_parallel>, #tpu.dimension_semantics<subcore_parallel>], iteration_bounds = array<i64: 2, 16>, scalar_prefetch = 0 : i64, scratch_operands = 10 : i64, tpu.core_type = #tpu.core_type<sc_vector_subcore>, window_params = [{transform_indices = #map}, {transform_indices = #map1}, {transform_indices = #map}, {transform_indices = #map}, {transform_indices = #map}, {transform_indices = #map1}, {transform_indices = #map1}]} {
    %mul3A = arith.constant 2 : i32
    %mul3A_0 = arith.muli %arg1, %mul3A : i32
    %add3A = arith.addi %mul3A_0, %arg0 : i32
    %mul3A_1 = arith.constant 2 : i32
    %mul3A_2 = arith.muli %add3A, %mul3A_1 : i32
    %dma_start3A = arith.constant 0 : i32
    "tpu.trace_start"() <{level = 10 : i32, message = "stage"}> : () -> ()
    %dma_start3A_3 = arith.constant 0 : i32
    %dma_start3A_4 = tpu.memref_slice %arg10[%dma_start3A, %dma_start3A_3] : memref<3x16384xf32, #tpu.memory_space<vmem>> -> memref<1x16384xf32, #tpu.memory_space<vmem>>
    %dma_start3A_5 = tpu.memref_squeeze %dma_start3A_4 : memref<1x16384xf32, #tpu.memory_space<vmem>> -> memref<16384xf32, #tpu.memory_space<vmem>>
    %dma_start3A_6 = arith.constant 0 : i32
    %dma_start3A_7 = tpu.memref_slice %arg10[%dma_start3A, %dma_start3A_6] : memref<3x16384xf32, #tpu.memory_space<vmem>> -> memref<1x16384xf32, #tpu.memory_space<vmem>>
    %dma_start3A_8 = tpu.memref_squeeze %dma_start3A_7 : memref<1x16384xf32, #tpu.memory_space<vmem>> -> memref<16384xf32, #tpu.memory_space<vmem>>
    tpu.enqueue_dma source(%arg4 : memref<16384xf32, #tpu.memory_space<hbm>>) target(%dma_start3A_8 : memref<16384xf32, #tpu.memory_space<vmem>>) target_semaphore(%arg18 : memref<!tpu.dma_semaphore, #tpu.memory_space<semaphore_mem>>)
    %dma_start3A_9 = arith.constant 1 : i32
    %dma_start3A_10 = arith.constant 0 : i32
    %dma_start3A_11 = tpu.memref_slice %arg10[%dma_start3A_9, %dma_start3A_10] : memref<3x16384xf32, #tpu.memory_space<vmem>> -> memref<1x16384xf32, #tpu.memory_space<vmem>>
    %dma_start3A_12 = tpu.memref_squeeze %dma_start3A_11 : memref<1x16384xf32, #tpu.memory_space<vmem>> -> memref<16384xf32, #tpu.memory_space<vmem>>
    %dma_start3A_13 = arith.constant 0 : i32
    %dma_start3A_14 = tpu.memref_slice %arg10[%dma_start3A_9, %dma_start3A_13] : memref<3x16384xf32, #tpu.memory_space<vmem>> -> memref<1x16384xf32, #tpu.memory_space<vmem>>
    %dma_start3A_15 = tpu.memref_squeeze %dma_start3A_14 : memref<1x16384xf32, #tpu.memory_space<vmem>> -> memref<16384xf32, #tpu.memory_space<vmem>>
    tpu.enqueue_dma source(%arg5 : memref<16384xf32, #tpu.memory_space<hbm>>) target(%dma_start3A_15 : memref<16384xf32, #tpu.memory_space<vmem>>) target_semaphore(%arg18 : memref<!tpu.dma_semaphore, #tpu.memory_space<semaphore_mem>>)
    %dma_start3A_16 = arith.constant 2 : i32
    %dma_start3A_17 = arith.constant 0 : i32
    %dma_start3A_18 = tpu.memref_slice %arg10[%dma_start3A_16, %dma_start3A_17] : memref<3x16384xf32, #tpu.memory_space<vmem>> -> memref<1x16384xf32, #tpu.memory_space<vmem>>
    %dma_start3A_19 = tpu.memref_squeeze %dma_start3A_18 : memref<1x16384xf32, #tpu.memory_space<vmem>> -> memref<16384xf32, #tpu.memory_space<vmem>>
    %dma_start3A_20 = arith.constant 0 : i32
    %dma_start3A_21 = tpu.memref_slice %arg10[%dma_start3A_16, %dma_start3A_20] : memref<3x16384xf32, #tpu.memory_space<vmem>> -> memref<1x16384xf32, #tpu.memory_space<vmem>>
    %dma_start3A_22 = tpu.memref_squeeze %dma_start3A_21 : memref<1x16384xf32, #tpu.memory_space<vmem>> -> memref<16384xf32, #tpu.memory_space<vmem>>
    tpu.enqueue_dma source(%arg6 : memref<16384xf32, #tpu.memory_space<hbm>>) target(%dma_start3A_22 : memref<16384xf32, #tpu.memory_space<vmem>>) target_semaphore(%arg18 : memref<!tpu.dma_semaphore, #tpu.memory_space<semaphore_mem>>)
    %mul3A_23 = arith.constant 16 : i32
    %mul3A_24 = arith.muli %mul3A_2, %mul3A_23 : i32
    "tpu.region"() ({
      %run_scoped3A_245 = tpu.sem_alloc : memref<!tpu.dma_semaphore, #tpu.memory_space<semaphore_mem>>
      %dma_start3A_246 = tpu.memref_slice %arg2[%mul3A_24] : memref<1024xf32, #tpu.memory_space<hbm>> -> memref<32xf32, #tpu.memory_space<hbm>>
      %dma_start3A_247 = tpu.memref_slice %arg2[%mul3A_24] : memref<1024xf32, #tpu.memory_space<hbm>> -> memref<32xf32, #tpu.memory_space<hbm>>
      tpu.enqueue_dma source(%dma_start3A_247 : memref<32xf32, #tpu.memory_space<hbm>>) target(%arg9 : memref<32xf32, #tpu.memory_space<vmem>>) target_semaphore(%run_scoped3A_245 : memref<!tpu.dma_semaphore, #tpu.memory_space<semaphore_mem>>)
      %dma_wait3A_248 = tpu.memref_slice %arg2[%mul3A_24] : memref<1024xf32, #tpu.memory_space<hbm>> -> memref<32xf32, #tpu.memory_space<hbm>>
      %dma_wait3A_249 = tpu.memref_slice %arg2[%mul3A_24] : memref<1024xf32, #tpu.memory_space<hbm>> -> memref<32xf32, #tpu.memory_space<hbm>>
      tpu.wait_dma2 semaphore(%run_scoped3A_245 : memref<!tpu.dma_semaphore, #tpu.memory_space<semaphore_mem>>) src(%dma_wait3A_249 : memref<32xf32, #tpu.memory_space<hbm>>) dst(%arg9 : memref<32xf32, #tpu.memory_space<vmem>>)
      tpu.yield
    }) : () -> ()
    "tpu.region"() ({
      %run_scoped3A_245 = tpu.sem_alloc : memref<!tpu.dma_semaphore, #tpu.memory_space<semaphore_mem>>
      %dma_start3A_246 = arith.constant 0 : i32
      %dma_start3A_247 = tpu.memref_slice %arg3[%mul3A_2, %dma_start3A_246] : memref<64x1024xi32, #tpu.memory_space<hbm>> -> memref<2x1024xi32, #tpu.memory_space<hbm>>
      %dma_start3A_248 = arith.constant 0 : i32
      %dma_start3A_249 = tpu.memref_slice %arg3[%mul3A_2, %dma_start3A_248] : memref<64x1024xi32, #tpu.memory_space<hbm>> -> memref<2x1024xi32, #tpu.memory_space<hbm>>
      tpu.enqueue_dma source(%dma_start3A_249 : memref<2x1024xi32, #tpu.memory_space<hbm>>) target(%arg11 : memref<2x1024xi32, #tpu.memory_space<vmem>>) target_semaphore(%run_scoped3A_245 : memref<!tpu.dma_semaphore, #tpu.memory_space<semaphore_mem>>)
      %dma_wait3A_250 = arith.constant 0 : i32
      %dma_wait3A_251 = tpu.memref_slice %arg3[%mul3A_2, %dma_wait3A_250] : memref<64x1024xi32, #tpu.memory_space<hbm>> -> memref<2x1024xi32, #tpu.memory_space<hbm>>
      %dma_wait3A_252 = arith.constant 0 : i32
      %dma_wait3A_253 = tpu.memref_slice %arg3[%mul3A_2, %dma_wait3A_252] : memref<64x1024xi32, #tpu.memory_space<hbm>> -> memref<2x1024xi32, #tpu.memory_space<hbm>>
      tpu.wait_dma2 semaphore(%run_scoped3A_245 : memref<!tpu.dma_semaphore, #tpu.memory_space<semaphore_mem>>) src(%dma_wait3A_253 : memref<2x1024xi32, #tpu.memory_space<hbm>>) dst(%arg11 : memref<2x1024xi32, #tpu.memory_space<vmem>>)
      tpu.yield
    }) : () -> ()
    "tpu.trace_stop"() : () -> ()
    %iota3A = tpu.iota {dimensions = array<i32: 0>} : vector<16xi32>
    %broadcast_in_dim3A = arith.constant 0.000000e+00 : f32
    %broadcast_in_dim3A_25 = vector.broadcast %broadcast_in_dim3A : f32 to vector<16xf32>
    %broadcast_in_dim3A_26 = arith.constant 0 : i32
    %broadcast_in_dim3A_27 = vector.broadcast %broadcast_in_dim3A_26 : i32 to vector<16xi32>
    "tpu.trace_start"() <{level = 10 : i32, message = "zero"}> : () -> ()
    %scan3A = arith.constant 0 : i32
    %scan3A_28 = arith.constant 0 : i32
    %scan3A_29 = arith.constant 256 : i32
    %scan3A_30 = arith.addi %scan3A_28, %scan3A_29 : i32
    %scan3A_31 = arith.constant 1 : i32
    scf.for %scan3A_245 = %scan3A_28 to %scan3A_30 step %scan3A_31  : i32 {
      %mul3A_246 = arith.constant 64 : i32
      %mul3A_247 = arith.muli %scan3A_245, %mul3A_246 : i32
      %add3A_248 = arith.constant 0 : i32
      %add3A_249 = arith.addi %mul3A_247, %add3A_248 : i32
      %swap3A = arith.constant 0 : i32
      %swap3A_250 = arith.index_cast %swap3A : i32 to index
      %swap3A_251 = arith.index_cast %add3A_249 : i32 to index
      %swap3A_252 = tpu.vector_load %arg13[%swap3A_250, %swap3A_251] {strides = array<i32>} : memref<2x16384xf32, #tpu.memory_space<vmem>>, vector<16xf32>,
      tpu.vector_store %arg13[%swap3A_250, %swap3A_251], %broadcast_in_dim3A_25 {strides = array<i32>} : memref<2x16384xf32, #tpu.memory_space<vmem>>, vector<16xf32>,
      %add3A_253 = arith.constant 16 : i32
      %add3A_254 = arith.addi %mul3A_247, %add3A_253 : i32
      %swap3A_255 = arith.constant 0 : i32
      %swap3A_256 = arith.index_cast %swap3A_255 : i32 to index
      %swap3A_257 = arith.index_cast %add3A_254 : i32 to index
      %swap3A_258 = tpu.vector_load %arg13[%swap3A_256, %swap3A_257] {strides = array<i32>} : memref<2x16384xf32, #tpu.memory_space<vmem>>, vector<16xf32>,
      tpu.vector_store %arg13[%swap3A_256, %swap3A_257], %broadcast_in_dim3A_25 {strides = array<i32>} : memref<2x16384xf32, #tpu.memory_space<vmem>>, vector<16xf32>,
      %add3A_259 = arith.constant 32 : i32
      %add3A_260 = arith.addi %mul3A_247, %add3A_259 : i32
      %swap3A_261 = arith.constant 0 : i32
      %swap3A_262 = arith.index_cast %swap3A_261 : i32 to index
      %swap3A_263 = arith.index_cast %add3A_260 : i32 to index
      %swap3A_264 = tpu.vector_load %arg13[%swap3A_262, %swap3A_263] {strides = array<i32>} : memref<2x16384xf32, #tpu.memory_space<vmem>>, vector<16xf32>,
      tpu.vector_store %arg13[%swap3A_262, %swap3A_263], %broadcast_in_dim3A_25 {strides = array<i32>} : memref<2x16384xf32, #tpu.memory_space<vmem>>, vector<16xf32>,
      %add3A_265 = arith.constant 48 : i32
      %add3A_266 = arith.addi %mul3A_247, %add3A_265 : i32
      %swap3A_267 = arith.constant 0 : i32
      %swap3A_268 = arith.index_cast %swap3A_267 : i32 to index
      %swap3A_269 = arith.index_cast %add3A_266 : i32 to index
      %swap3A_270 = tpu.vector_load %arg13[%swap3A_268, %swap3A_269] {strides = array<i32>} : memref<2x16384xf32, #tpu.memory_space<vmem>>, vector<16xf32>,
      tpu.vector_store %arg13[%swap3A_268, %swap3A_269], %broadcast_in_dim3A_25 {strides = array<i32>} : memref<2x16384xf32, #tpu.memory_space<vmem>>, vector<16xf32>,
      %add3A_271 = arith.constant 0 : i32
      %add3A_272 = arith.addi %mul3A_247, %add3A_271 : i32
      %swap3A_273 = arith.constant 1 : i32
      %swap3A_274 = arith.index_cast %swap3A_273 : i32 to index
      %swap3A_275 = arith.index_cast %add3A_272 : i32 to index
      %swap3A_276 = tpu.vector_load %arg13[%swap3A_274, %swap3A_275] {strides = array<i32>} : memref<2x16384xf32, #tpu.memory_space<vmem>>, vector<16xf32>,
      tpu.vector_store %arg13[%swap3A_274, %swap3A_275], %broadcast_in_dim3A_25 {strides = array<i32>} : memref<2x16384xf32, #tpu.memory_space<vmem>>, vector<16xf32>,
      %add3A_277 = arith.constant 16 : i32
      %add3A_278 = arith.addi %mul3A_247, %add3A_277 : i32
      %swap3A_279 = arith.constant 1 : i32
      %swap3A_280 = arith.index_cast %swap3A_279 : i32 to index
      %swap3A_281 = arith.index_cast %add3A_278 : i32 to index
      %swap3A_282 = tpu.vector_load %arg13[%swap3A_280, %swap3A_281] {strides = array<i32>} : memref<2x16384xf32, #tpu.memory_space<vmem>>, vector<16xf32>,
      tpu.vector_store %arg13[%swap3A_280, %swap3A_281], %broadcast_in_dim3A_25 {strides = array<i32>} : memref<2x16384xf32, #tpu.memory_space<vmem>>, vector<16xf32>,
      %add3A_283 = arith.constant 32 : i32
      %add3A_284 = arith.addi %mul3A_247, %add3A_283 : i32
      %swap3A_285 = arith.constant 1 : i32
      %swap3A_286 = arith.index_cast %swap3A_285 : i32 to index
      %swap3A_287 = arith.index_cast %add3A_284 : i32 to index
      %swap3A_288 = tpu.vector_load %arg13[%swap3A_286, %swap3A_287] {strides = array<i32>} : memref<2x16384xf32, #tpu.memory_space<vmem>>, vector<16xf32>,
      tpu.vector_store %arg13[%swap3A_286, %swap3A_287], %broadcast_in_dim3A_25 {strides = array<i32>} : memref<2x16384xf32, #tpu.memory_space<vmem>>, vector<16xf32>,
      %add3A_289 = arith.constant 48 : i32
      %add3A_290 = arith.addi %mul3A_247, %add3A_289 : i32
      %swap3A_291 = arith.constant 1 : i32
      %swap3A_292 = arith.index_cast %swap3A_291 : i32 to index
      %swap3A_293 = arith.index_cast %add3A_290 : i32 to index
      %swap3A_294 = tpu.vector_load %arg13[%swap3A_292, %swap3A_293] {strides = array<i32>} : memref<2x16384xf32, #tpu.memory_space<vmem>>, vector<16xf32>,
      tpu.vector_store %arg13[%swap3A_292, %swap3A_293], %broadcast_in_dim3A_25 {strides = array<i32>} : memref<2x16384xf32, #tpu.memory_space<vmem>>, vector<16xf32>,
    }
    %scan3A_32 = arith.constant 256 : i32
    %scan3A_33 = arith.constant 0 : i32
    %scan3A_34 = arith.constant 0 : i32
    %scan3A_35 = arith.constant 32 : i32
    %scan3A_36 = arith.addi %scan3A_34, %scan3A_35 : i32
    %scan3A_37 = arith.constant 1 : i32
    scf.for %scan3A_245 = %scan3A_34 to %scan3A_36 step %scan3A_37  : i32 {
      %mul3A_246 = arith.constant 16 : i32
      %mul3A_247 = arith.muli %scan3A_245, %mul3A_246 : i32
      %swap3A = arith.constant 0 : i32
      %swap3A_248 = arith.index_cast %swap3A : i32 to index
      %swap3A_249 = arith.index_cast %mul3A_247 : i32 to index
      %swap3A_250 = tpu.vector_load %arg14[%swap3A_248, %swap3A_249] {strides = array<i32>} : memref<2x512xi32, #tpu.memory_space<vmem>>, vector<16xi32>,
      tpu.vector_store %arg14[%swap3A_248, %swap3A_249], %broadcast_in_dim3A_27 {strides = array<i32>} : memref<2x512xi32, #tpu.memory_space<vmem>>, vector<16xi32>,
      %mul3A_251 = arith.constant 16 : i32
      %mul3A_252 = arith.muli %scan3A_245, %mul3A_251 : i32
      %swap3A_253 = arith.constant 1 : i32
      %swap3A_254 = arith.index_cast %swap3A_253 : i32 to index
      %swap3A_255 = arith.index_cast %mul3A_252 : i32 to index
      %swap3A_256 = tpu.vector_load %arg14[%swap3A_254, %swap3A_255] {strides = array<i32>} : memref<2x512xi32, #tpu.memory_space<vmem>>, vector<16xi32>,
      tpu.vector_store %arg14[%swap3A_254, %swap3A_255], %broadcast_in_dim3A_27 {strides = array<i32>} : memref<2x512xi32, #tpu.memory_space<vmem>>, vector<16xi32>,
    }
    %scan3A_38 = arith.constant 32 : i32
    "tpu.trace_stop"() : () -> ()
    %get3A = arith.constant 0 : index
    %get3A_39 = tpu.vector_load %arg9[%get3A] {strides = array<i32>} : memref<32xf32, #tpu.memory_space<vmem>>, vector<16xf32>,
    %get3A_40 = arith.constant 16 : index
    %get3A_41 = tpu.vector_load %arg9[%get3A_40] {strides = array<i32>} : memref<32xf32, #tpu.memory_space<vmem>>, vector<16xf32>,
    %broadcast_in_dim3A_42 = arith.constant 0 : i32
    %broadcast_in_dim3A_43 = vector.broadcast %broadcast_in_dim3A_42 : i32 to vector<16x1xi32>
    %gather3A = vector.shape_cast %broadcast_in_dim3A_43 : vector<16x1xi32> to vector<16xi32>
    %gather3A_44 = tpu.dynamic_gather %get3A_39[%gather3A] in [0] : vector<16xf32>, vector<16xi32> -> vector<16xf32>
    %broadcast_in_dim3A_45 = arith.constant 1 : i32
    %broadcast_in_dim3A_46 = vector.broadcast %broadcast_in_dim3A_45 : i32 to vector<16x1xi32>
    %gather3A_47 = vector.shape_cast %broadcast_in_dim3A_46 : vector<16x1xi32> to vector<16xi32>
    %gather3A_48 = tpu.dynamic_gather %get3A_39[%gather3A_47] in [0] : vector<16xf32>, vector<16xi32> -> vector<16xf32>
    %broadcast_in_dim3A_49 = arith.constant 2 : i32
    %broadcast_in_dim3A_50 = vector.broadcast %broadcast_in_dim3A_49 : i32 to vector<16x1xi32>
    %gather3A_51 = vector.shape_cast %broadcast_in_dim3A_50 : vector<16x1xi32> to vector<16xi32>
    %gather3A_52 = tpu.dynamic_gather %get3A_39[%gather3A_51] in [0] : vector<16xf32>, vector<16xi32> -> vector<16xf32>
    %broadcast_in_dim3A_53 = arith.constant 3 : i32
    %broadcast_in_dim3A_54 = vector.broadcast %broadcast_in_dim3A_53 : i32 to vector<16x1xi32>
    %gather3A_55 = vector.shape_cast %broadcast_in_dim3A_54 : vector<16x1xi32> to vector<16xi32>
    %gather3A_56 = tpu.dynamic_gather %get3A_39[%gather3A_55] in [0] : vector<16xf32>, vector<16xi32> -> vector<16xf32>
    %broadcast_in_dim3A_57 = arith.constant 4 : i32
    %broadcast_in_dim3A_58 = vector.broadcast %broadcast_in_dim3A_57 : i32 to vector<16x1xi32>
    %gather3A_59 = vector.shape_cast %broadcast_in_dim3A_58 : vector<16x1xi32> to vector<16xi32>
    %gather3A_60 = tpu.dynamic_gather %get3A_39[%gather3A_59] in [0] : vector<16xf32>, vector<16xi32> -> vector<16xf32>
    %broadcast_in_dim3A_61 = arith.constant 5 : i32
    %broadcast_in_dim3A_62 = vector.broadcast %broadcast_in_dim3A_61 : i32 to vector<16x1xi32>
    %gather3A_63 = vector.shape_cast %broadcast_in_dim3A_62 : vector<16x1xi32> to vector<16xi32>
    %gather3A_64 = tpu.dynamic_gather %get3A_39[%gather3A_63] in [0] : vector<16xf32>, vector<16xi32> -> vector<16xf32>
    %broadcast_in_dim3A_65 = arith.constant 6 : i32
    %broadcast_in_dim3A_66 = vector.broadcast %broadcast_in_dim3A_65 : i32 to vector<16x1xi32>
    %gather3A_67 = vector.shape_cast %broadcast_in_dim3A_66 : vector<16x1xi32> to vector<16xi32>
    %gather3A_68 = tpu.dynamic_gather %get3A_39[%gather3A_67] in [0] : vector<16xf32>, vector<16xi32> -> vector<16xf32>
    %broadcast_in_dim3A_69 = arith.constant 7 : i32
    %broadcast_in_dim3A_70 = vector.broadcast %broadcast_in_dim3A_69 : i32 to vector<16x1xi32>
    %gather3A_71 = vector.shape_cast %broadcast_in_dim3A_70 : vector<16x1xi32> to vector<16xi32>
    %gather3A_72 = tpu.dynamic_gather %get3A_39[%gather3A_71] in [0] : vector<16xf32>, vector<16xi32> -> vector<16xf32>
    %broadcast_in_dim3A_73 = arith.constant 8 : i32
    %broadcast_in_dim3A_74 = vector.broadcast %broadcast_in_dim3A_73 : i32 to vector<16x1xi32>
    %gather3A_75 = vector.shape_cast %broadcast_in_dim3A_74 : vector<16x1xi32> to vector<16xi32>
    %gather3A_76 = tpu.dynamic_gather %get3A_39[%gather3A_75] in [0] : vector<16xf32>, vector<16xi32> -> vector<16xf32>
    %broadcast_in_dim3A_77 = arith.constant 9 : i32
    %broadcast_in_dim3A_78 = vector.broadcast %broadcast_in_dim3A_77 : i32 to vector<16x1xi32>
    %gather3A_79 = vector.shape_cast %broadcast_in_dim3A_78 : vector<16x1xi32> to vector<16xi32>
    %gather3A_80 = tpu.dynamic_gather %get3A_39[%gather3A_79] in [0] : vector<16xf32>, vector<16xi32> -> vector<16xf32>
    %broadcast_in_dim3A_81 = arith.constant 10 : i32
    %broadcast_in_dim3A_82 = vector.broadcast %broadcast_in_dim3A_81 : i32 to vector<16x1xi32>
    %gather3A_83 = vector.shape_cast %broadcast_in_dim3A_82 : vector<16x1xi32> to vector<16xi32>
    %gather3A_84 = tpu.dynamic_gather %get3A_39[%gather3A_83] in [0] : vector<16xf32>, vector<16xi32> -> vector<16xf32>
    %broadcast_in_dim3A_85 = arith.constant 0 : i32
    %broadcast_in_dim3A_86 = vector.broadcast %broadcast_in_dim3A_85 : i32 to vector<16x1xi32>
    %gather3A_87 = vector.shape_cast %broadcast_in_dim3A_86 : vector<16x1xi32> to vector<16xi32>
    %gather3A_88 = tpu.dynamic_gather %get3A_41[%gather3A_87] in [0] : vector<16xf32>, vector<16xi32> -> vector<16xf32>
    %broadcast_in_dim3A_89 = arith.constant 1 : i32
    %broadcast_in_dim3A_90 = vector.broadcast %broadcast_in_dim3A_89 : i32 to vector<16x1xi32>
    %gather3A_91 = vector.shape_cast %broadcast_in_dim3A_90 : vector<16x1xi32> to vector<16xi32>
    %gather3A_92 = tpu.dynamic_gather %get3A_41[%gather3A_91] in [0] : vector<16xf32>, vector<16xi32> -> vector<16xf32>
    %broadcast_in_dim3A_93 = arith.constant 2 : i32
    %broadcast_in_dim3A_94 = vector.broadcast %broadcast_in_dim3A_93 : i32 to vector<16x1xi32>
    %gather3A_95 = vector.shape_cast %broadcast_in_dim3A_94 : vector<16x1xi32> to vector<16xi32>
    %gather3A_96 = tpu.dynamic_gather %get3A_41[%gather3A_95] in [0] : vector<16xf32>, vector<16xi32> -> vector<16xf32>
    %broadcast_in_dim3A_97 = arith.constant 3 : i32
    %broadcast_in_dim3A_98 = vector.broadcast %broadcast_in_dim3A_97 : i32 to vector<16x1xi32>
    %gather3A_99 = vector.shape_cast %broadcast_in_dim3A_98 : vector<16x1xi32> to vector<16xi32>
    %gather3A_100 = tpu.dynamic_gather %get3A_41[%gather3A_99] in [0] : vector<16xf32>, vector<16xi32> -> vector<16xf32>
    %broadcast_in_dim3A_101 = arith.constant 4 : i32
    %broadcast_in_dim3A_102 = vector.broadcast %broadcast_in_dim3A_101 : i32 to vector<16x1xi32>
    %gather3A_103 = vector.shape_cast %broadcast_in_dim3A_102 : vector<16x1xi32> to vector<16xi32>
    %gather3A_104 = tpu.dynamic_gather %get3A_41[%gather3A_103] in [0] : vector<16xf32>, vector<16xi32> -> vector<16xf32>
    %broadcast_in_dim3A_105 = arith.constant 5 : i32
    %broadcast_in_dim3A_106 = vector.broadcast %broadcast_in_dim3A_105 : i32 to vector<16x1xi32>
    %gather3A_107 = vector.shape_cast %broadcast_in_dim3A_106 : vector<16x1xi32> to vector<16xi32>
    %gather3A_108 = tpu.dynamic_gather %get3A_41[%gather3A_107] in [0] : vector<16xf32>, vector<16xi32> -> vector<16xf32>
    %broadcast_in_dim3A_109 = arith.constant 6 : i32
    %broadcast_in_dim3A_110 = vector.broadcast %broadcast_in_dim3A_109 : i32 to vector<16x1xi32>
    %gather3A_111 = vector.shape_cast %broadcast_in_dim3A_110 : vector<16x1xi32> to vector<16xi32>
    %gather3A_112 = tpu.dynamic_gather %get3A_41[%gather3A_111] in [0] : vector<16xf32>, vector<16xi32> -> vector<16xf32>
    %broadcast_in_dim3A_113 = arith.constant 7 : i32
    %broadcast_in_dim3A_114 = vector.broadcast %broadcast_in_dim3A_113 : i32 to vector<16x1xi32>
    %gather3A_115 = vector.shape_cast %broadcast_in_dim3A_114 : vector<16x1xi32> to vector<16xi32>
    %gather3A_116 = tpu.dynamic_gather %get3A_41[%gather3A_115] in [0] : vector<16xf32>, vector<16xi32> -> vector<16xf32>
    %broadcast_in_dim3A_117 = arith.constant 8 : i32
    %broadcast_in_dim3A_118 = vector.broadcast %broadcast_in_dim3A_117 : i32 to vector<16x1xi32>
    %gather3A_119 = vector.shape_cast %broadcast_in_dim3A_118 : vector<16x1xi32> to vector<16xi32>
    %gather3A_120 = tpu.dynamic_gather %get3A_41[%gather3A_119] in [0] : vector<16xf32>, vector<16xi32> -> vector<16xf32>
    %broadcast_in_dim3A_121 = arith.constant 9 : i32
    %broadcast_in_dim3A_122 = vector.broadcast %broadcast_in_dim3A_121 : i32 to vector<16x1xi32>
    %gather3A_123 = vector.shape_cast %broadcast_in_dim3A_122 : vector<16x1xi32> to vector<16xi32>
    %gather3A_124 = tpu.dynamic_gather %get3A_41[%gather3A_123] in [0] : vector<16xf32>, vector<16xi32> -> vector<16xf32>
    %broadcast_in_dim3A_125 = arith.constant 10 : i32
    %broadcast_in_dim3A_126 = vector.broadcast %broadcast_in_dim3A_125 : i32 to vector<16x1xi32>
    %gather3A_127 = vector.shape_cast %broadcast_in_dim3A_126 : vector<16x1xi32> to vector<16xi32>
    %gather3A_128 = tpu.dynamic_gather %get3A_41[%gather3A_127] in [0] : vector<16xf32>, vector<16xi32> -> vector<16xf32>
    "tpu.trace_start"() <{level = 10 : i32, message = "wsel"}> : () -> ()
    %scan3A_129 = arith.constant 0 : i32
    %scan3A_130 = arith.constant 64 : i32
    %scan3A_131 = arith.addi %scan3A_129, %scan3A_130 : i32
    %scan3A_132 = arith.constant 1 : i32
    %scan3A_133:2 = scf.for %scan3A_245 = %scan3A_129 to %scan3A_131 step %scan3A_132 iter_args(%scan3A_246 = %broadcast_in_dim3A_27, %scan3A_247 = %broadcast_in_dim3A_27) -> (vector<16xi32>, vector<16xi32>)  : i32 {
      %mul3A_248 = arith.constant 16 : i32
      %mul3A_249 = arith.muli %scan3A_245, %mul3A_248 : i32
      %get3A_250 = arith.constant 0 : i32
      %get3A_251 = arith.index_cast %get3A_250 : i32 to index
      %get3A_252 = arith.index_cast %mul3A_249 : i32 to index
      %get3A_253 = tpu.vector_load %arg11[%get3A_251, %get3A_252] {strides = array<i32>} : memref<2x1024xi32, #tpu.memory_space<vmem>>, vector<16xi32>,
      %ne3A = arith.constant 0 : i32
      %ne3A_254 = vector.broadcast %ne3A : i32 to vector<16xi32>
      %ne3A_255 = arith.cmpi ne, %get3A_253, %ne3A_254 : vector<16xi32>
      %convert_element_type3A = arith.extui %ne3A_255 : vector<16xi1> to vector<16xi32>
      %broadcast_in_dim3A_256 = arith.constant true
      %broadcast_in_dim3A_257 = vector.broadcast %broadcast_in_dim3A_256 : i1 to vector<16xi1>
      %masked_cumsum3A = tpu.scan <sum>, %convert_element_type3A masked %broadcast_in_dim3A_257 : vector<16xi32>, vector<16xi1> -> vector<16xi32>
      %sub3A = arith.subi %masked_cumsum3A, %convert_element_type3A : vector<16xi32>
      %add3A_258 = arith.addi %scan3A_246, %sub3A : vector<16xi32>
      %broadcast_in_dim3A_259 = arith.constant 0 : i32
      %broadcast_in_dim3A_260 = vector.broadcast %broadcast_in_dim3A_259 : i32 to vector<16xi32>
      %broadcast_in_dim3A_261 = arith.constant 0 : i32
      %broadcast_in_dim3A_262 = vector.broadcast %broadcast_in_dim3A_261 : i32 to vector<16xi32>
      %mul3A_263 = arith.constant 16 : i32
      %mul3A_264 = arith.muli %scan3A_245, %mul3A_263 : i32
      %add3A_265 = vector.broadcast %mul3A_264 : i32 to vector<16xi32>
      %add3A_266 = arith.addi %add3A_265, %iota3A : vector<16xi32>
      tpu.vector_store_idx %arg12[%broadcast_in_dim3A_260, %broadcast_in_dim3A_262, %add3A_258], %add3A_266 masked %ne3A_255 : memref<2x2x1024xi32, #tpu.memory_space<vmem>>[vector<16xi32>, vector<16xi32>, vector<16xi32>], vector<16xi32>, vector<16xi1>
      %broadcast_in_dim3A_267 = arith.constant 0 : i32
      %broadcast_in_dim3A_268 = vector.broadcast %broadcast_in_dim3A_267 : i32 to vector<16xi32>
      %broadcast_in_dim3A_269 = arith.constant 1 : i32
      %broadcast_in_dim3A_270 = vector.broadcast %broadcast_in_dim3A_269 : i32 to vector<16xi32>
      tpu.vector_store_idx %arg12[%broadcast_in_dim3A_268, %broadcast_in_dim3A_270, %add3A_258], %get3A_253 masked %ne3A_255 : memref<2x2x1024xi32, #tpu.memory_space<vmem>>[vector<16xi32>, vector<16xi32>, vector<16xi32>], vector<16xi32>, vector<16xi1>
      %all_reduce_population_count3A = tpu.all_reduce %ne3A_255 {dim = 0 : i64, kind = #tpu.reduction_kind<sum>} : vector<16xi1> -> vector<16xi32>
      %add3A_271 = arith.addi %scan3A_246, %all_reduce_population_count3A : vector<16xi32>
      %mul3A_272 = arith.constant 16 : i32
      %mul3A_273 = arith.muli %scan3A_245, %mul3A_272 : i32
      %get3A_274 = arith.constant 1 : i32
      %get3A_275 = arith.index_cast %get3A_274 : i32 to index
      %get3A_276 = arith.index_cast %mul3A_273 : i32 to index
      %get3A_277 = tpu.vector_load %arg11[%get3A_275, %get3A_276] {strides = array<i32>} : memref<2x1024xi32, #tpu.memory_space<vmem>>, vector<16xi32>,
      %ne3A_278 = arith.constant 0 : i32
      %ne3A_279 = vector.broadcast %ne3A_278 : i32 to vector<16xi32>
      %ne3A_280 = arith.cmpi ne, %get3A_277, %ne3A_279 : vector<16xi32>
      %convert_element_type3A_281 = arith.extui %ne3A_280 : vector<16xi1> to vector<16xi32>
      %broadcast_in_dim3A_282 = arith.constant true
      %broadcast_in_dim3A_283 = vector.broadcast %broadcast_in_dim3A_282 : i1 to vector<16xi1>
      %masked_cumsum3A_284 = tpu.scan <sum>, %convert_element_type3A_281 masked %broadcast_in_dim3A_283 : vector<16xi32>, vector<16xi1> -> vector<16xi32>
      %sub3A_285 = arith.subi %masked_cumsum3A_284, %convert_element_type3A_281 : vector<16xi32>
      %add3A_286 = arith.addi %scan3A_247, %sub3A_285 : vector<16xi32>
      %broadcast_in_dim3A_287 = arith.constant 1 : i32
      %broadcast_in_dim3A_288 = vector.broadcast %broadcast_in_dim3A_287 : i32 to vector<16xi32>
      %broadcast_in_dim3A_289 = arith.constant 0 : i32
      %broadcast_in_dim3A_290 = vector.broadcast %broadcast_in_dim3A_289 : i32 to vector<16xi32>
      %mul3A_291 = arith.constant 16 : i32
      %mul3A_292 = arith.muli %scan3A_245, %mul3A_291 : i32
      %add3A_293 = vector.broadcast %mul3A_292 : i32 to vector<16xi32>
      %add3A_294 = arith.addi %add3A_293, %iota3A : vector<16xi32>
      tpu.vector_store_idx %arg12[%broadcast_in_dim3A_288, %broadcast_in_dim3A_290, %add3A_286], %add3A_294 masked %ne3A_280 : memref<2x2x1024xi32, #tpu.memory_space<vmem>>[vector<16xi32>, vector<16xi32>, vector<16xi32>], vector<16xi32>, vector<16xi1>
      %broadcast_in_dim3A_295 = arith.constant 1 : i32
      %broadcast_in_dim3A_296 = vector.broadcast %broadcast_in_dim3A_295 : i32 to vector<16xi32>
      %broadcast_in_dim3A_297 = arith.constant 1 : i32
      %broadcast_in_dim3A_298 = vector.broadcast %broadcast_in_dim3A_297 : i32 to vector<16xi32>
      tpu.vector_store_idx %arg12[%broadcast_in_dim3A_296, %broadcast_in_dim3A_298, %add3A_286], %get3A_277 masked %ne3A_280 : memref<2x2x1024xi32, #tpu.memory_space<vmem>>[vector<16xi32>, vector<16xi32>, vector<16xi32>], vector<16xi32>, vector<16xi1>
      %all_reduce_population_count3A_299 = tpu.all_reduce %ne3A_280 {dim = 0 : i64, kind = #tpu.reduction_kind<sum>} : vector<16xi1> -> vector<16xi32>
      %add3A_300 = arith.addi %scan3A_247, %all_reduce_population_count3A_299 : vector<16xi32>
      scf.yield %add3A_271, %add3A_300 : vector<16xi32>, vector<16xi32>
    }
    %scan3A_134 = arith.constant 64 : i32
    %reduce_max3A = arith.constant true
    %reduce_max3A_135 = vector.broadcast %reduce_max3A : i1 to vector<16xi1>
    %reduce_max3A_136 = arith.constant -2147483648 : i32
    %reduce_max3A_137 = vector.broadcast %reduce_max3A_136 : i32 to vector<16xi32>
    %reduce_max3A_138 = arith.xori %scan3A_133#0, %reduce_max3A_137 : vector<16xi32>
    %reduce_max3A_139 = tpu.scan <max>, %reduce_max3A_138 masked %reduce_max3A_135 : vector<16xi32>, vector<16xi1> -> vector<16xi32>
    %reduce_max3A_140 = arith.xori %reduce_max3A_139, %reduce_max3A_137 : vector<16xi32>
    %reduce_max3A_141 = vector.extract %reduce_max3A_140[15] : i32 from vector<16xi32>
    %reduce_max3A_142 = arith.constant true
    %reduce_max3A_143 = vector.broadcast %reduce_max3A_142 : i1 to vector<16xi1>
    %reduce_max3A_144 = arith.constant -2147483648 : i32
    %reduce_max3A_145 = vector.broadcast %reduce_max3A_144 : i32 to vector<16xi32>
    %reduce_max3A_146 = arith.xori %scan3A_133#1, %reduce_max3A_145 : vector<16xi32>
    %reduce_max3A_147 = tpu.scan <max>, %reduce_max3A_146 masked %reduce_max3A_143 : vector<16xi32>, vector<16xi1> -> vector<16xi32>
    %reduce_max3A_148 = arith.xori %reduce_max3A_147, %reduce_max3A_145 : vector<16xi32>
    %reduce_max3A_149 = vector.extract %reduce_max3A_148[15] : i32 from vector<16xi32>
    %dma_wait3A = arith.constant 0 : i32
    "tpu.trace_stop"() : () -> ()
    "tpu.trace_start"() <{level = 10 : i32, message = "fine"}> : () -> ()
    %dma_wait3A_150 = arith.constant 0 : i32
    %dma_wait3A_151 = tpu.memref_slice %arg10[%dma_wait3A, %dma_wait3A_150] : memref<3x16384xf32, #tpu.memory_space<vmem>> -> memref<1x16384xf32, #tpu.memory_space<vmem>>
    %dma_wait3A_152 = tpu.memref_squeeze %dma_wait3A_151 : memref<1x16384xf32, #tpu.memory_space<vmem>> -> memref<16384xf32, #tpu.memory_space<vmem>>
    %dma_wait3A_153 = arith.constant 0 : i32
    %dma_wait3A_154 = tpu.memref_slice %arg10[%dma_wait3A, %dma_wait3A_153] : memref<3x16384xf32, #tpu.memory_space<vmem>> -> memref<1x16384xf32, #tpu.memory_space<vmem>>
    %dma_wait3A_155 = tpu.memref_squeeze %dma_wait3A_154 : memref<1x16384xf32, #tpu.memory_space<vmem>> -> memref<16384xf32, #tpu.memory_space<vmem>>
    tpu.wait_dma2 semaphore(%arg18 : memref<!tpu.dma_semaphore, #tpu.memory_space<semaphore_mem>>) src(%arg4 : memref<16384xf32, #tpu.memory_space<hbm>>) dst(%dma_wait3A_155 : memref<16384xf32, #tpu.memory_space<vmem>>)
    %dma_wait3A_156 = arith.constant 1 : i32
    %dma_wait3A_157 = arith.constant 0 : i32
    %dma_wait3A_158 = tpu.memref_slice %arg10[%dma_wait3A_156, %dma_wait3A_157] : memref<3x16384xf32, #tpu.memory_space<vmem>> -> memref<1x16384xf32, #tpu.memory_space<vmem>>
    %dma_wait3A_159 = tpu.memref_squeeze %dma_wait3A_158 : memref<1x16384xf32, #tpu.memory_space<vmem>> -> memref<16384xf32, #tpu.memory_space<vmem>>
    %dma_wait3A_160 = arith.constant 0 : i32
    %dma_wait3A_161 = tpu.memref_slice %arg10[%dma_wait3A_156, %dma_wait3A_160] : memref<3x16384xf32, #tpu.memory_space<vmem>> -> memref<1x16384xf32, #tpu.memory_space<vmem>>
    %dma_wait3A_162 = tpu.memref_squeeze %dma_wait3A_161 : memref<1x16384xf32, #tpu.memory_space<vmem>> -> memref<16384xf32, #tpu.memory_space<vmem>>
    tpu.wait_dma2 semaphore(%arg18 : memref<!tpu.dma_semaphore, #tpu.memory_space<semaphore_mem>>) src(%arg5 : memref<16384xf32, #tpu.memory_space<hbm>>) dst(%dma_wait3A_162 : memref<16384xf32, #tpu.memory_space<vmem>>)
    %dma_wait3A_163 = arith.constant 2 : i32
    %dma_wait3A_164 = arith.constant 0 : i32
    %dma_wait3A_165 = tpu.memref_slice %arg10[%dma_wait3A_163, %dma_wait3A_164] : memref<3x16384xf32, #tpu.memory_space<vmem>> -> memref<1x16384xf32, #tpu.memory_space<vmem>>
    %dma_wait3A_166 = tpu.memref_squeeze %dma_wait3A_165 : memref<1x16384xf32, #tpu.memory_space<vmem>> -> memref<16384xf32, #tpu.memory_space<vmem>>
    %dma_wait3A_167 = arith.constant 0 : i32
    %dma_wait3A_168 = tpu.memref_slice %arg10[%dma_wait3A_163, %dma_wait3A_167] : memref<3x16384xf32, #tpu.memory_space<vmem>> -> memref<1x16384xf32, #tpu.memory_space<vmem>>
    %dma_wait3A_169 = tpu.memref_squeeze %dma_wait3A_168 : memref<1x16384xf32, #tpu.memory_space<vmem>> -> memref<16384xf32, #tpu.memory_space<vmem>>
    tpu.wait_dma2 semaphore(%arg18 : memref<!tpu.dma_semaphore, #tpu.memory_space<semaphore_mem>>) src(%arg6 : memref<16384xf32, #tpu.memory_space<hbm>>) dst(%dma_wait3A_169 : memref<16384xf32, #tpu.memory_space<vmem>>)
    %while3A = arith.constant 0 : i32
    %while3A_170 = arith.subi %reduce_max3A_141, %while3A : i32
    %while3A_171 = arith.addi %while3A, %while3A_170 : i32
    %while3A_172 = arith.constant 1 : i32
    %while3A_173 = arith.divsi %while3A_170, %while3A_172 : i32
    %while3A_174 = arith.muli %while3A_173, %while3A_172 : i32
    %while3A_175 = arith.addi %while3A, %while3A_174 : i32
    %while3A_176 = arith.constant 1 : i32
    %while3A_177 = scf.for %while3A_245 = %while3A to %while3A_175 step %while3A_176 iter_args(%while3A_246 = %broadcast_in_dim3A_27) -> (vector<16xi32>)  : i32 {
      %broadcast_in_dim3A_247 = arith.constant 0 : i32
      %broadcast_in_dim3A_248 = vector.broadcast %broadcast_in_dim3A_247 : i32 to vector<16xi32>
      %broadcast_in_dim3A_249 = arith.constant 0 : i32
      %broadcast_in_dim3A_250 = vector.broadcast %broadcast_in_dim3A_249 : i32 to vector<16xi32>
      %broadcast_in_dim3A_251 = vector.broadcast %while3A_245 : i32 to vector<16xi32>
      %gather3A_252 = tpu.vector_load_idx %arg12[%broadcast_in_dim3A_248, %broadcast_in_dim3A_250, %broadcast_in_dim3A_251] : memref<2x2x1024xi32, #tpu.memory_space<vmem>>[vector<16xi32>, vector<16xi32>, vector<16xi32>], vector<16xi32>,
      %reduce_max3A_253 = arith.constant true
      %reduce_max3A_254 = vector.broadcast %reduce_max3A_253 : i1 to vector<16xi1>
      %reduce_max3A_255 = arith.constant -2147483648 : i32
      %reduce_max3A_256 = vector.broadcast %reduce_max3A_255 : i32 to vector<16xi32>
      %reduce_max3A_257 = arith.xori %gather3A_252, %reduce_max3A_256 : vector<16xi32>
      %reduce_max3A_258 = tpu.scan <max>, %reduce_max3A_257 masked %reduce_max3A_254 : vector<16xi32>, vector<16xi1> -> vector<16xi32>
      %reduce_max3A_259 = arith.xori %reduce_max3A_258, %reduce_max3A_256 : vector<16xi32>
      %reduce_max3A_260 = vector.extract %reduce_max3A_259[15] : i32 from vector<16xi32>
      %broadcast_in_dim3A_261 = arith.constant 0 : i32
      %broadcast_in_dim3A_262 = vector.broadcast %broadcast_in_dim3A_261 : i32 to vector<16xi32>
      %broadcast_in_dim3A_263 = arith.constant 1 : i32
      %broadcast_in_dim3A_264 = vector.broadcast %broadcast_in_dim3A_263 : i32 to vector<16xi32>
      %broadcast_in_dim3A_265 = vector.broadcast %while3A_245 : i32 to vector<16xi32>
      %gather3A_266 = tpu.vector_load_idx %arg12[%broadcast_in_dim3A_262, %broadcast_in_dim3A_264, %broadcast_in_dim3A_265] : memref<2x2x1024xi32, #tpu.memory_space<vmem>>[vector<16xi32>, vector<16xi32>, vector<16xi32>], vector<16xi32>,
      %shift_right_arithmetic3A_267 = arith.shrsi %gather3A_266, %iota3A : vector<16xi32>
      %and3A = arith.constant 1 : i32
      %and3A_268 = vector.broadcast %and3A : i32 to vector<16xi32>
      %and3A_269 = arith.andi %shift_right_arithmetic3A_267, %and3A_268 : vector<16xi32>
      %eq3A = arith.constant 1 : i32
      %eq3A_270 = vector.broadcast %eq3A : i32 to vector<16xi32>
      %eq3A_271 = arith.cmpi eq, %and3A_269, %eq3A_270 : vector<16xi32>
      %mul3A_272 = arith.constant 16 : i32
      %mul3A_273 = arith.muli %reduce_max3A_260, %mul3A_272 : i32
      %get3A_274 = arith.constant 0 : i32
      %get3A_275 = arith.index_cast %get3A_274 : i32 to index
      %get3A_276 = arith.index_cast %mul3A_273 : i32 to index
      %get3A_277 = tpu.vector_load %arg10[%get3A_275, %get3A_276] {strides = array<i32>} : memref<3x16384xf32, #tpu.memory_space<vmem>>, vector<16xf32>,
      %get3A_278 = arith.constant 1 : i32
      %get3A_279 = arith.index_cast %get3A_278 : i32 to index
      %get3A_280 = arith.index_cast %mul3A_273 : i32 to index
      %get3A_281 = tpu.vector_load %arg10[%get3A_279, %get3A_280] {strides = array<i32>} : memref<3x16384xf32, #tpu.memory_space<vmem>>, vector<16xf32>,
      %get3A_282 = arith.constant 2 : i32
      %get3A_283 = arith.index_cast %get3A_282 : i32 to index
      %get3A_284 = arith.index_cast %mul3A_273 : i32 to index
      %get3A_285 = tpu.vector_load %arg10[%get3A_283, %get3A_284] {strides = array<i32>} : memref<3x16384xf32, #tpu.memory_space<vmem>>, vector<16xf32>,
      %add3A_286 = vector.broadcast %mul3A_273 : i32 to vector<16xi32>
      %add3A_287 = arith.addi %add3A_286, %iota3A : vector<16xi32>
      %sub3A = arith.subf %get3A_277, %gather3A_44 : vector<16xf32>
      %sub3A_288 = arith.subf %get3A_281, %gather3A_48 : vector<16xf32>
      %sub3A_289 = arith.subf %get3A_285, %gather3A_52 : vector<16xf32>
      %mul3A_290 = arith.mulf %sub3A, %gather3A_56 : vector<16xf32>
      %mul3A_291 = arith.mulf %sub3A_288, %gather3A_60 : vector<16xf32>
      %sub3A_292 = arith.subf %mul3A_290, %mul3A_291 : vector<16xf32>
      %mul3A_293 = arith.mulf %sub3A, %gather3A_60 : vector<16xf32>
      %mul3A_294 = arith.mulf %sub3A_288, %gather3A_56 : vector<16xf32>
      %add3A_295 = arith.addf %mul3A_293, %mul3A_294 : vector<16xf32>
      %add3A_296 = arith.addf %sub3A_292, %gather3A_64 : vector<16xf32>
      %div3A = arith.divf %add3A_296, %gather3A_76 : vector<16xf32>
      %convert_element_type3A = arith.fptosi %div3A : vector<16xf32> to vector<16xi32>
      %max3A = arith.constant 0 : i32
      %max3A_297 = vector.broadcast %max3A : i32 to vector<16xi32>
      %max3A_298 = arith.maxsi %convert_element_type3A, %max3A_297 : vector<16xi32>
      %min3A = arith.constant 7 : i32
      %min3A_299 = vector.broadcast %min3A : i32 to vector<16xi32>
      %min3A_300 = arith.minsi %max3A_298, %min3A_299 : vector<16xi32>
      %add3A_301 = arith.addf %add3A_295, %gather3A_68 : vector<16xf32>
      %div3A_302 = arith.divf %add3A_301, %gather3A_80 : vector<16xf32>
      %convert_element_type3A_303 = arith.fptosi %div3A_302 : vector<16xf32> to vector<16xi32>
      %max3A_304 = arith.constant 0 : i32
      %max3A_305 = vector.broadcast %max3A_304 : i32 to vector<16xi32>
      %max3A_306 = arith.maxsi %convert_element_type3A_303, %max3A_305 : vector<16xi32>
      %min3A_307 = arith.constant 7 : i32
      %min3A_308 = vector.broadcast %min3A_307 : i32 to vector<16xi32>
      %min3A_309 = arith.minsi %max3A_306, %min3A_308 : vector<16xi32>
      %div3A_310 = arith.divf %sub3A_289, %gather3A_84 : vector<16xf32>
      %convert_element_type3A_311 = arith.fptosi %div3A_310 : vector<16xf32> to vector<16xi32>
      %max3A_312 = arith.constant 0 : i32
      %max3A_313 = vector.broadcast %max3A_312 : i32 to vector<16xi32>
      %max3A_314 = arith.maxsi %convert_element_type3A_311, %max3A_313 : vector<16xi32>
      %min3A_315 = arith.constant 7 : i32
      %min3A_316 = vector.broadcast %min3A_315 : i32 to vector<16xi32>
      %min3A_317 = arith.minsi %max3A_314, %min3A_316 : vector<16xi32>
      %mul3A_318 = arith.constant 8 : i32
      %mul3A_319 = vector.broadcast %mul3A_318 : i32 to vector<16xi32>
      %mul3A_320 = arith.muli %min3A_300, %mul3A_319 : vector<16xi32>
      %add3A_321 = arith.addi %mul3A_320, %min3A_309 : vector<16xi32>
      %mul3A_322 = arith.constant 8 : i32
      %mul3A_323 = vector.broadcast %mul3A_322 : i32 to vector<16xi32>
      %mul3A_324 = arith.muli %add3A_321, %mul3A_323 : vector<16xi32>
      %add3A_325 = arith.addi %mul3A_324, %min3A_317 : vector<16xi32>
      %shift_left3A = arith.constant 14 : i32
      %shift_left3A_326 = vector.broadcast %shift_left3A : i32 to vector<16xi32>
      %shift_left3A_327 = arith.shli %add3A_325, %shift_left3A_326 : vector<16xi32>
      %or3A = arith.ori %shift_left3A_327, %add3A_287 : vector<16xi32>
      %convert_element_type3A_328 = arith.extui %eq3A_271 : vector<16xi1> to vector<16xi32>
      %broadcast_in_dim3A_329 = arith.constant true
      %broadcast_in_dim3A_330 = vector.broadcast %broadcast_in_dim3A_329 : i1 to vector<16xi1>
      %masked_cumsum3A = tpu.scan <sum>, %convert_element_type3A_328 masked %broadcast_in_dim3A_330 : vector<16xi32>, vector<16xi1> -> vector<16xi32>
      %sub3A_331 = arith.subi %masked_cumsum3A, %convert_element_type3A_328 : vector<16xi32>
      %add3A_332 = arith.addi %while3A_246, %sub3A_331 : vector<16xi32>
      %broadcast_in_dim3A_333 = arith.constant 0 : i32
      %broadcast_in_dim3A_334 = vector.broadcast %broadcast_in_dim3A_333 : i32 to vector<16xi32>
      tpu.vector_store_idx %arg15[%broadcast_in_dim3A_334, %add3A_332], %or3A masked %eq3A_271 : memref<2x16384xi32, #tpu.memory_space<vmem>>[vector<16xi32>, vector<16xi32>], vector<16xi32>, vector<16xi1>
      %all_reduce_population_count3A = tpu.all_reduce %eq3A_271 {dim = 0 : i64, kind = #tpu.reduction_kind<sum>} : vector<16xi1> -> vector<16xi32>
      %add3A_335 = arith.addi %while3A_246, %all_reduce_population_count3A : vector<16xi32>
      scf.yield %add3A_335 : vector<16xi32>
    }
    %while3A_178 = arith.constant 1 : i32
    %while3A_179 = scf.for %while3A_245 = %while3A_175 to %while3A_171 step %while3A_178 iter_args(%while3A_246 = %while3A_177) -> (vector<16xi32>)  : i32 {
      %broadcast_in_dim3A_247 = arith.constant 0 : i32
      %broadcast_in_dim3A_248 = vector.broadcast %broadcast_in_dim3A_247 : i32 to vector<16xi32>
      %broadcast_in_dim3A_249 = arith.constant 0 : i32
      %broadcast_in_dim3A_250 = vector.broadcast %broadcast_in_dim3A_249 : i32 to vector<16xi32>
      %broadcast_in_dim3A_251 = vector.broadcast %while3A_245 : i32 to vector<16xi32>
      %gather3A_252 = tpu.vector_load_idx %arg12[%broadcast_in_dim3A_248, %broadcast_in_dim3A_250, %broadcast_in_dim3A_251] : memref<2x2x1024xi32, #tpu.memory_space<vmem>>[vector<16xi32>, vector<16xi32>, vector<16xi32>], vector<16xi32>,
      %reduce_max3A_253 = arith.constant true
      %reduce_max3A_254 = vector.broadcast %reduce_max3A_253 : i1 to vector<16xi1>
      %reduce_max3A_255 = arith.constant -2147483648 : i32
      %reduce_max3A_256 = vector.broadcast %reduce_max3A_255 : i32 to vector<16xi32>
      %reduce_max3A_257 = arith.xori %gather3A_252, %reduce_max3A_256 : vector<16xi32>
      %reduce_max3A_258 = tpu.scan <max>, %reduce_max3A_257 masked %reduce_max3A_254 : vector<16xi32>, vector<16xi1> -> vector<16xi32>
      %reduce_max3A_259 = arith.xori %reduce_max3A_258, %reduce_max3A_256 : vector<16xi32>
      %reduce_max3A_260 = vector.extract %reduce_max3A_259[15] : i32 from vector<16xi32>
      %broadcast_in_dim3A_261 = arith.constant 0 : i32
      %broadcast_in_dim3A_262 = vector.broadcast %broadcast_in_dim3A_261 : i32 to vector<16xi32>
      %broadcast_in_dim3A_263 = arith.constant 1 : i32
      %broadcast_in_dim3A_264 = vector.broadcast %broadcast_in_dim3A_263 : i32 to vector<16xi32>
      %broadcast_in_dim3A_265 = vector.broadcast %while3A_245 : i32 to vector<16xi32>
      %gather3A_266 = tpu.vector_load_idx %arg12[%broadcast_in_dim3A_262, %broadcast_in_dim3A_264, %broadcast_in_dim3A_265] : memref<2x2x1024xi32, #tpu.memory_space<vmem>>[vector<16xi32>, vector<16xi32>, vector<16xi32>], vector<16xi32>,
      %shift_right_arithmetic3A_267 = arith.shrsi %gather3A_266, %iota3A : vector<16xi32>
      %and3A = arith.constant 1 : i32
      %and3A_268 = vector.broadcast %and3A : i32 to vector<16xi32>
      %and3A_269 = arith.andi %shift_right_arithmetic3A_267, %and3A_268 : vector<16xi32>
      %eq3A = arith.constant 1 : i32
      %eq3A_270 = vector.broadcast %eq3A : i32 to vector<16xi32>
      %eq3A_271 = arith.cmpi eq, %and3A_269, %eq3A_270 : vector<16xi32>
      %mul3A_272 = arith.constant 16 : i32
      %mul3A_273 = arith.muli %reduce_max3A_260, %mul3A_272 : i32
      %get3A_274 = arith.constant 0 : i32
      %get3A_275 = arith.index_cast %get3A_274 : i32 to index
      %get3A_276 = arith.index_cast %mul3A_273 : i32 to index
      %get3A_277 = tpu.vector_load %arg10[%get3A_275, %get3A_276] {strides = array<i32>} : memref<3x16384xf32, #tpu.memory_space<vmem>>, vector<16xf32>,
      %get3A_278 = arith.constant 1 : i32
      %get3A_279 = arith.index_cast %get3A_278 : i32 to index
      %get3A_280 = arith.index_cast %mul3A_273 : i32 to index
      %get3A_281 = tpu.vector_load %arg10[%get3A_279, %get3A_280] {strides = array<i32>} : memref<3x16384xf32, #tpu.memory_space<vmem>>, vector<16xf32>,
      %get3A_282 = arith.constant 2 : i32
      %get3A_283 = arith.index_cast %get3A_282 : i32 to index
      %get3A_284 = arith.index_cast %mul3A_273 : i32 to index
      %get3A_285 = tpu.vector_load %arg10[%get3A_283, %get3A_284] {strides = array<i32>} : memref<3x16384xf32, #tpu.memory_space<vmem>>, vector<16xf32>,
      %add3A_286 = vector.broadcast %mul3A_273 : i32 to vector<16xi32>
      %add3A_287 = arith.addi %add3A_286, %iota3A : vector<16xi32>
      %sub3A = arith.subf %get3A_277, %gather3A_44 : vector<16xf32>
      %sub3A_288 = arith.subf %get3A_281, %gather3A_48 : vector<16xf32>
      %sub3A_289 = arith.subf %get3A_285, %gather3A_52 : vector<16xf32>
      %mul3A_290 = arith.mulf %sub3A, %gather3A_56 : vector<16xf32>
      %mul3A_291 = arith.mulf %sub3A_288, %gather3A_60 : vector<16xf32>
      %sub3A_292 = arith.subf %mul3A_290, %mul3A_291 : vector<16xf32>
      %mul3A_293 = arith.mulf %sub3A, %gather3A_60 : vector<16xf32>
      %mul3A_294 = arith.mulf %sub3A_288, %gather3A_56 : vector<16xf32>
      %add3A_295 = arith.addf %mul3A_293, %mul3A_294 : vector<16xf32>
      %add3A_296 = arith.addf %sub3A_292, %gather3A_64 : vector<16xf32>
      %div3A = arith.divf %add3A_296, %gather3A_76 : vector<16xf32>
      %convert_element_type3A = arith.fptosi %div3A : vector<16xf32> to vector<16xi32>
      %max3A = arith.constant 0 : i32
      %max3A_297 = vector.broadcast %max3A : i32 to vector<16xi32>
      %max3A_298 = arith.maxsi %convert_element_type3A, %max3A_297 : vector<16xi32>
      %min3A = arith.constant 7 : i32
      %min3A_299 = vector.broadcast %min3A : i32 to vector<16xi32>
      %min3A_300 = arith.minsi %max3A_298, %min3A_299 : vector<16xi32>
      %add3A_301 = arith.addf %add3A_295, %gather3A_68 : vector<16xf32>
      %div3A_302 = arith.divf %add3A_301, %gather3A_80 : vector<16xf32>
      %convert_element_type3A_303 = arith.fptosi %div3A_302 : vector<16xf32> to vector<16xi32>
      %max3A_304 = arith.constant 0 : i32
      %max3A_305 = vector.broadcast %max3A_304 : i32 to vector<16xi32>
      %max3A_306 = arith.maxsi %convert_element_type3A_303, %max3A_305 : vector<16xi32>
      %min3A_307 = arith.constant 7 : i32
      %min3A_308 = vector.broadcast %min3A_307 : i32 to vector<16xi32>
      %min3A_309 = arith.minsi %max3A_306, %min3A_308 : vector<16xi32>
      %div3A_310 = arith.divf %sub3A_289, %gather3A_84 : vector<16xf32>
      %convert_element_type3A_311 = arith.fptosi %div3A_310 : vector<16xf32> to vector<16xi32>
      %max3A_312 = arith.constant 0 : i32
      %max3A_313 = vector.broadcast %max3A_312 : i32 to vector<16xi32>
      %max3A_314 = arith.maxsi %convert_element_type3A_311, %max3A_313 : vector<16xi32>
      %min3A_315 = arith.constant 7 : i32
      %min3A_316 = vector.broadcast %min3A_315 : i32 to vector<16xi32>
      %min3A_317 = arith.minsi %max3A_314, %min3A_316 : vector<16xi32>
      %mul3A_318 = arith.constant 8 : i32
      %mul3A_319 = vector.broadcast %mul3A_318 : i32 to vector<16xi32>
      %mul3A_320 = arith.muli %min3A_300, %mul3A_319 : vector<16xi32>
      %add3A_321 = arith.addi %mul3A_320, %min3A_309 : vector<16xi32>
      %mul3A_322 = arith.constant 8 : i32
      %mul3A_323 = vector.broadcast %mul3A_322 : i32 to vector<16xi32>
      %mul3A_324 = arith.muli %add3A_321, %mul3A_323 : vector<16xi32>
      %add3A_325 = arith.addi %mul3A_324, %min3A_317 : vector<16xi32>
      %shift_left3A = arith.constant 14 : i32
      %shift_left3A_326 = vector.broadcast %shift_left3A : i32 to vector<16xi32>
      %shift_left3A_327 = arith.shli %add3A_325, %shift_left3A_326 : vector<16xi32>
      %or3A = arith.ori %shift_left3A_327, %add3A_287 : vector<16xi32>
      %convert_element_type3A_328 = arith.extui %eq3A_271 : vector<16xi1> to vector<16xi32>
      %broadcast_in_dim3A_329 = arith.constant true
      %broadcast_in_dim3A_330 = vector.broadcast %broadcast_in_dim3A_329 : i1 to vector<16xi1>
      %masked_cumsum3A = tpu.scan <sum>, %convert_element_type3A_328 masked %broadcast_in_dim3A_330 : vector<16xi32>, vector<16xi1> -> vector<16xi32>
      %sub3A_331 = arith.subi %masked_cumsum3A, %convert_element_type3A_328 : vector<16xi32>
      %add3A_332 = arith.addi %while3A_246, %sub3A_331 : vector<16xi32>
      %broadcast_in_dim3A_333 = arith.constant 0 : i32
      %broadcast_in_dim3A_334 = vector.broadcast %broadcast_in_dim3A_333 : i32 to vector<16xi32>
      tpu.vector_store_idx %arg15[%broadcast_in_dim3A_334, %add3A_332], %or3A masked %eq3A_271 : memref<2x16384xi32, #tpu.memory_space<vmem>>[vector<16xi32>, vector<16xi32>], vector<16xi32>, vector<16xi1>
      %all_reduce_population_count3A = tpu.all_reduce %eq3A_271 {dim = 0 : i64, kind = #tpu.reduction_kind<sum>} : vector<16xi1> -> vector<16xi32>
      %add3A_335 = arith.addi %while3A_246, %all_reduce_population_count3A : vector<16xi32>
      scf.yield %add3A_335 : vector<16xi32>
    }
    %reduce_max3A_180 = arith.constant true
    %reduce_max3A_181 = vector.broadcast %reduce_max3A_180 : i1 to vector<16xi1>
    %reduce_max3A_182 = arith.constant -2147483648 : i32
    %reduce_max3A_183 = vector.broadcast %reduce_max3A_182 : i32 to vector<16xi32>
    %reduce_max3A_184 = arith.xori %while3A_179, %reduce_max3A_183 : vector<16xi32>
    %reduce_max3A_185 = tpu.scan <max>, %reduce_max3A_184 masked %reduce_max3A_181 : vector<16xi32>, vector<16xi1> -> vector<16xi32>
    %reduce_max3A_186 = arith.xori %reduce_max3A_185, %reduce_max3A_183 : vector<16xi32>
    %reduce_max3A_187 = vector.extract %reduce_max3A_186[15] : i32 from vector<16xi32>
    %while3A_188 = arith.constant 0 : i32
    %while3A_189 = arith.subi %reduce_max3A_149, %while3A_188 : i32
    %while3A_190 = arith.addi %while3A_188, %while3A_189 : i32
    %while3A_191 = arith.constant 1 : i32
    %while3A_192 = arith.divsi %while3A_189, %while3A_191 : i32
    %while3A_193 = arith.muli %while3A_192, %while3A_191 : i32
    %while3A_194 = arith.addi %while3A_188, %while3A_193 : i32
    %while3A_195 = arith.constant 1 : i32
    %while3A_196 = scf.for %while3A_245 = %while3A_188 to %while3A_194 step %while3A_195 iter_args(%while3A_246 = %broadcast_in_dim3A_27) -> (vector<16xi32>)  : i32 {
      %broadcast_in_dim3A_247 = arith.constant 1 : i32
      %broadcast_in_dim3A_248 = vector.broadcast %broadcast_in_dim3A_247 : i32 to vector<16xi32>
      %broadcast_in_dim3A_249 = arith.constant 0 : i32
      %broadcast_in_dim3A_250 = vector.broadcast %broadcast_in_dim3A_249 : i32 to vector<16xi32>
      %broadcast_in_dim3A_251 = vector.broadcast %while3A_245 : i32 to vector<16xi32>
      %gather3A_252 = tpu.vector_load_idx %arg12[%broadcast_in_dim3A_248, %broadcast_in_dim3A_250, %broadcast_in_dim3A_251] : memref<2x2x1024xi32, #tpu.memory_space<vmem>>[vector<16xi32>, vector<16xi32>, vector<16xi32>], vector<16xi32>,
      %reduce_max3A_253 = arith.constant true
      %reduce_max3A_254 = vector.broadcast %reduce_max3A_253 : i1 to vector<16xi1>
      %reduce_max3A_255 = arith.constant -2147483648 : i32
      %reduce_max3A_256 = vector.broadcast %reduce_max3A_255 : i32 to vector<16xi32>
      %reduce_max3A_257 = arith.xori %gather3A_252, %reduce_max3A_256 : vector<16xi32>
      %reduce_max3A_258 = tpu.scan <max>, %reduce_max3A_257 masked %reduce_max3A_254 : vector<16xi32>, vector<16xi1> -> vector<16xi32>
      %reduce_max3A_259 = arith.xori %reduce_max3A_258, %reduce_max3A_256 : vector<16xi32>
      %reduce_max3A_260 = vector.extract %reduce_max3A_259[15] : i32 from vector<16xi32>
      %broadcast_in_dim3A_261 = arith.constant 1 : i32
      %broadcast_in_dim3A_262 = vector.broadcast %broadcast_in_dim3A_261 : i32 to vector<16xi32>
      %broadcast_in_dim3A_263 = arith.constant 1 : i32
      %broadcast_in_dim3A_264 = vector.broadcast %broadcast_in_dim3A_263 : i32 to vector<16xi32>
      %broadcast_in_dim3A_265 = vector.broadcast %while3A_245 : i32 to vector<16xi32>
      %gather3A_266 = tpu.vector_load_idx %arg12[%broadcast_in_dim3A_262, %broadcast_in_dim3A_264, %broadcast_in_dim3A_265] : memref<2x2x1024xi32, #tpu.memory_space<vmem>>[vector<16xi32>, vector<16xi32>, vector<16xi32>], vector<16xi32>,
      %shift_right_arithmetic3A_267 = arith.shrsi %gather3A_266, %iota3A : vector<16xi32>
      %and3A = arith.constant 1 : i32
      %and3A_268 = vector.broadcast %and3A : i32 to vector<16xi32>
      %and3A_269 = arith.andi %shift_right_arithmetic3A_267, %and3A_268 : vector<16xi32>
      %eq3A = arith.constant 1 : i32
      %eq3A_270 = vector.broadcast %eq3A : i32 to vector<16xi32>
      %eq3A_271 = arith.cmpi eq, %and3A_269, %eq3A_270 : vector<16xi32>
      %mul3A_272 = arith.constant 16 : i32
      %mul3A_273 = arith.muli %reduce_max3A_260, %mul3A_272 : i32
      %get3A_274 = arith.constant 0 : i32
      %get3A_275 = arith.index_cast %get3A_274 : i32 to index
      %get3A_276 = arith.index_cast %mul3A_273 : i32 to index
      %get3A_277 = tpu.vector_load %arg10[%get3A_275, %get3A_276] {strides = array<i32>} : memref<3x16384xf32, #tpu.memory_space<vmem>>, vector<16xf32>,
      %get3A_278 = arith.constant 1 : i32
      %get3A_279 = arith.index_cast %get3A_278 : i32 to index
      %get3A_280 = arith.index_cast %mul3A_273 : i32 to index
      %get3A_281 = tpu.vector_load %arg10[%get3A_279, %get3A_280] {strides = array<i32>} : memref<3x16384xf32, #tpu.memory_space<vmem>>, vector<16xf32>,
      %get3A_282 = arith.constant 2 : i32
      %get3A_283 = arith.index_cast %get3A_282 : i32 to index
      %get3A_284 = arith.index_cast %mul3A_273 : i32 to index
      %get3A_285 = tpu.vector_load %arg10[%get3A_283, %get3A_284] {strides = array<i32>} : memref<3x16384xf32, #tpu.memory_space<vmem>>, vector<16xf32>,
      %add3A_286 = vector.broadcast %mul3A_273 : i32 to vector<16xi32>
      %add3A_287 = arith.addi %add3A_286, %iota3A : vector<16xi32>
      %sub3A = arith.subf %get3A_277, %gather3A_88 : vector<16xf32>
      %sub3A_288 = arith.subf %get3A_281, %gather3A_92 : vector<16xf32>
      %sub3A_289 = arith.subf %get3A_285, %gather3A_96 : vector<16xf32>
      %mul3A_290 = arith.mulf %sub3A, %gather3A_100 : vector<16xf32>
      %mul3A_291 = arith.mulf %sub3A_288, %gather3A_104 : vector<16xf32>
      %sub3A_292 = arith.subf %mul3A_290, %mul3A_291 : vector<16xf32>
      %mul3A_293 = arith.mulf %sub3A, %gather3A_104 : vector<16xf32>
      %mul3A_294 = arith.mulf %sub3A_288, %gather3A_100 : vector<16xf32>
      %add3A_295 = arith.addf %mul3A_293, %mul3A_294 : vector<16xf32>
      %add3A_296 = arith.addf %sub3A_292, %gather3A_108 : vector<16xf32>
      %div3A = arith.divf %add3A_296, %gather3A_120 : vector<16xf32>
      %convert_element_type3A = arith.fptosi %div3A : vector<16xf32> to vector<16xi32>
      %max3A = arith.constant 0 : i32
      %max3A_297 = vector.broadcast %max3A : i32 to vector<16xi32>
      %max3A_298 = arith.maxsi %convert_element_type3A, %max3A_297 : vector<16xi32>
      %min3A = arith.constant 7 : i32
      %min3A_299 = vector.broadcast %min3A : i32 to vector<16xi32>
      %min3A_300 = arith.minsi %max3A_298, %min3A_299 : vector<16xi32>
      %add3A_301 = arith.addf %add3A_295, %gather3A_112 : vector<16xf32>
      %div3A_302 = arith.divf %add3A_301, %gather3A_124 : vector<16xf32>
      %convert_element_type3A_303 = arith.fptosi %div3A_302 : vector<16xf32> to vector<16xi32>
      %max3A_304 = arith.constant 0 : i32
      %max3A_305 = vector.broadcast %max3A_304 : i32 to vector<16xi32>
      %max3A_306 = arith.maxsi %convert_element_type3A_303, %max3A_305 : vector<16xi32>
      %min3A_307 = arith.constant 7 : i32
      %min3A_308 = vector.broadcast %min3A_307 : i32 to vector<16xi32>
      %min3A_309 = arith.minsi %max3A_306, %min3A_308 : vector<16xi32>
      %div3A_310 = arith.divf %sub3A_289, %gather3A_128 : vector<16xf32>
      %convert_element_type3A_311 = arith.fptosi %div3A_310 : vector<16xf32> to vector<16xi32>
      %max3A_312 = arith.constant 0 : i32
      %max3A_313 = vector.broadcast %max3A_312 : i32 to vector<16xi32>
      %max3A_314 = arith.maxsi %convert_element_type3A_311, %max3A_313 : vector<16xi32>
      %min3A_315 = arith.constant 7 : i32
      %min3A_316 = vector.broadcast %min3A_315 : i32 to vector<16xi32>
      %min3A_317 = arith.minsi %max3A_314, %min3A_316 : vector<16xi32>
      %mul3A_318 = arith.constant 8 : i32
      %mul3A_319 = vector.broadcast %mul3A_318 : i32 to vector<16xi32>
      %mul3A_320 = arith.muli %min3A_300, %mul3A_319 : vector<16xi32>
      %add3A_321 = arith.addi %mul3A_320, %min3A_309 : vector<16xi32>
      %mul3A_322 = arith.constant 8 : i32
      %mul3A_323 = vector.broadcast %mul3A_322 : i32 to vector<16xi32>
      %mul3A_324 = arith.muli %add3A_321, %mul3A_323 : vector<16xi32>
      %add3A_325 = arith.addi %mul3A_324, %min3A_317 : vector<16xi32>
      %shift_left3A = arith.constant 14 : i32
      %shift_left3A_326 = vector.broadcast %shift_left3A : i32 to vector<16xi32>
      %shift_left3A_327 = arith.shli %add3A_325, %shift_left3A_326 : vector<16xi32>
      %or3A = arith.ori %shift_left3A_327, %add3A_287 : vector<16xi32>
      %convert_element_type3A_328 = arith.extui %eq3A_271 : vector<16xi1> to vector<16xi32>
      %broadcast_in_dim3A_329 = arith.constant true
      %broadcast_in_dim3A_330 = vector.broadcast %broadcast_in_dim3A_329 : i1 to vector<16xi1>
      %masked_cumsum3A = tpu.scan <sum>, %convert_element_type3A_328 masked %broadcast_in_dim3A_330 : vector<16xi32>, vector<16xi1> -> vector<16xi32>
      %sub3A_331 = arith.subi %masked_cumsum3A, %convert_element_type3A_328 : vector<16xi32>
      %add3A_332 = arith.addi %while3A_246, %sub3A_331 : vector<16xi32>
      %broadcast_in_dim3A_333 = arith.constant 1 : i32
      %broadcast_in_dim3A_334 = vector.broadcast %broadcast_in_dim3A_333 : i32 to vector<16xi32>
      tpu.vector_store_idx %arg15[%broadcast_in_dim3A_334, %add3A_332], %or3A masked %eq3A_271 : memref<2x16384xi32, #tpu.memory_space<vmem>>[vector<16xi32>, vector<16xi32>], vector<16xi32>, vector<16xi1>
      %all_reduce_population_count3A = tpu.all_reduce %eq3A_271 {dim = 0 : i64, kind = #tpu.reduction_kind<sum>} : vector<16xi1> -> vector<16xi32>
      %add3A_335 = arith.addi %while3A_246, %all_reduce_population_count3A : vector<16xi32>
      scf.yield %add3A_335 : vector<16xi32>
    }
    %while3A_197 = arith.constant 1 : i32
    %while3A_198 = scf.for %while3A_245 = %while3A_194 to %while3A_190 step %while3A_197 iter_args(%while3A_246 = %while3A_196) -> (vector<16xi32>)  : i32 {
      %broadcast_in_dim3A_247 = arith.constant 1 : i32
      %broadcast_in_dim3A_248 = vector.broadcast %broadcast_in_dim3A_247 : i32 to vector<16xi32>
      %broadcast_in_dim3A_249 = arith.constant 0 : i32
      %broadcast_in_dim3A_250 = vector.broadcast %broadcast_in_dim3A_249 : i32 to vector<16xi32>
      %broadcast_in_dim3A_251 = vector.broadcast %while3A_245 : i32 to vector<16xi32>
      %gather3A_252 = tpu.vector_load_idx %arg12[%broadcast_in_dim3A_248, %broadcast_in_dim3A_250, %broadcast_in_dim3A_251] : memref<2x2x1024xi32, #tpu.memory_space<vmem>>[vector<16xi32>, vector<16xi32>, vector<16xi32>], vector<16xi32>,
      %reduce_max3A_253 = arith.constant true
      %reduce_max3A_254 = vector.broadcast %reduce_max3A_253 : i1 to vector<16xi1>
      %reduce_max3A_255 = arith.constant -2147483648 : i32
      %reduce_max3A_256 = vector.broadcast %reduce_max3A_255 : i32 to vector<16xi32>
      %reduce_max3A_257 = arith.xori %gather3A_252, %reduce_max3A_256 : vector<16xi32>
      %reduce_max3A_258 = tpu.scan <max>, %reduce_max3A_257 masked %reduce_max3A_254 : vector<16xi32>, vector<16xi1> -> vector<16xi32>
      %reduce_max3A_259 = arith.xori %reduce_max3A_258, %reduce_max3A_256 : vector<16xi32>
      %reduce_max3A_260 = vector.extract %reduce_max3A_259[15] : i32 from vector<16xi32>
      %broadcast_in_dim3A_261 = arith.constant 1 : i32
      %broadcast_in_dim3A_262 = vector.broadcast %broadcast_in_dim3A_261 : i32 to vector<16xi32>
      %broadcast_in_dim3A_263 = arith.constant 1 : i32
      %broadcast_in_dim3A_264 = vector.broadcast %broadcast_in_dim3A_263 : i32 to vector<16xi32>
      %broadcast_in_dim3A_265 = vector.broadcast %while3A_245 : i32 to vector<16xi32>
      %gather3A_266 = tpu.vector_load_idx %arg12[%broadcast_in_dim3A_262, %broadcast_in_dim3A_264, %broadcast_in_dim3A_265] : memref<2x2x1024xi32, #tpu.memory_space<vmem>>[vector<16xi32>, vector<16xi32>, vector<16xi32>], vector<16xi32>,
      %shift_right_arithmetic3A_267 = arith.shrsi %gather3A_266, %iota3A : vector<16xi32>
      %and3A = arith.constant 1 : i32
      %and3A_268 = vector.broadcast %and3A : i32 to vector<16xi32>
      %and3A_269 = arith.andi %shift_right_arithmetic3A_267, %and3A_268 : vector<16xi32>
      %eq3A = arith.constant 1 : i32
      %eq3A_270 = vector.broadcast %eq3A : i32 to vector<16xi32>
      %eq3A_271 = arith.cmpi eq, %and3A_269, %eq3A_270 : vector<16xi32>
      %mul3A_272 = arith.constant 16 : i32
      %mul3A_273 = arith.muli %reduce_max3A_260, %mul3A_272 : i32
      %get3A_274 = arith.constant 0 : i32
      %get3A_275 = arith.index_cast %get3A_274 : i32 to index
      %get3A_276 = arith.index_cast %mul3A_273 : i32 to index
      %get3A_277 = tpu.vector_load %arg10[%get3A_275, %get3A_276] {strides = array<i32>} : memref<3x16384xf32, #tpu.memory_space<vmem>>, vector<16xf32>,
      %get3A_278 = arith.constant 1 : i32
      %get3A_279 = arith.index_cast %get3A_278 : i32 to index
      %get3A_280 = arith.index_cast %mul3A_273 : i32 to index
      %get3A_281 = tpu.vector_load %arg10[%get3A_279, %get3A_280] {strides = array<i32>} : memref<3x16384xf32, #tpu.memory_space<vmem>>, vector<16xf32>,
      %get3A_282 = arith.constant 2 : i32
      %get3A_283 = arith.index_cast %get3A_282 : i32 to index
      %get3A_284 = arith.index_cast %mul3A_273 : i32 to index
      %get3A_285 = tpu.vector_load %arg10[%get3A_283, %get3A_284] {strides = array<i32>} : memref<3x16384xf32, #tpu.memory_space<vmem>>, vector<16xf32>,
      %add3A_286 = vector.broadcast %mul3A_273 : i32 to vector<16xi32>
      %add3A_287 = arith.addi %add3A_286, %iota3A : vector<16xi32>
      %sub3A = arith.subf %get3A_277, %gather3A_88 : vector<16xf32>
      %sub3A_288 = arith.subf %get3A_281, %gather3A_92 : vector<16xf32>
      %sub3A_289 = arith.subf %get3A_285, %gather3A_96 : vector<16xf32>
      %mul3A_290 = arith.mulf %sub3A, %gather3A_100 : vector<16xf32>
      %mul3A_291 = arith.mulf %sub3A_288, %gather3A_104 : vector<16xf32>
      %sub3A_292 = arith.subf %mul3A_290, %mul3A_291 : vector<16xf32>
      %mul3A_293 = arith.mulf %sub3A, %gather3A_104 : vector<16xf32>
      %mul3A_294 = arith.mulf %sub3A_288, %gather3A_100 : vector<16xf32>
      %add3A_295 = arith.addf %mul3A_293, %mul3A_294 : vector<16xf32>
      %add3A_296 = arith.addf %sub3A_292, %gather3A_108 : vector<16xf32>
      %div3A = arith.divf %add3A_296, %gather3A_120 : vector<16xf32>
      %convert_element_type3A = arith.fptosi %div3A : vector<16xf32> to vector<16xi32>
      %max3A = arith.constant 0 : i32
      %max3A_297 = vector.broadcast %max3A : i32 to vector<16xi32>
      %max3A_298 = arith.maxsi %convert_element_type3A, %max3A_297 : vector<16xi32>
      %min3A = arith.constant 7 : i32
      %min3A_299 = vector.broadcast %min3A : i32 to vector<16xi32>
      %min3A_300 = arith.minsi %max3A_298, %min3A_299 : vector<16xi32>
      %add3A_301 = arith.addf %add3A_295, %gather3A_112 : vector<16xf32>
      %div3A_302 = arith.divf %add3A_301, %gather3A_124 : vector<16xf32>
      %convert_element_type3A_303 = arith.fptosi %div3A_302 : vector<16xf32> to vector<16xi32>
      %max3A_304 = arith.constant 0 : i32
      %max3A_305 = vector.broadcast %max3A_304 : i32 to vector<16xi32>
      %max3A_306 = arith.maxsi %convert_element_type3A_303, %max3A_305 : vector<16xi32>
      %min3A_307 = arith.constant 7 : i32
      %min3A_308 = vector.broadcast %min3A_307 : i32 to vector<16xi32>
      %min3A_309 = arith.minsi %max3A_306, %min3A_308 : vector<16xi32>
      %div3A_310 = arith.divf %sub3A_289, %gather3A_128 : vector<16xf32>
      %convert_element_type3A_311 = arith.fptosi %div3A_310 : vector<16xf32> to vector<16xi32>
      %max3A_312 = arith.constant 0 : i32
      %max3A_313 = vector.broadcast %max3A_312 : i32 to vector<16xi32>
      %max3A_314 = arith.maxsi %convert_element_type3A_311, %max3A_313 : vector<16xi32>
      %min3A_315 = arith.constant 7 : i32
      %min3A_316 = vector.broadcast %min3A_315 : i32 to vector<16xi32>
      %min3A_317 = arith.minsi %max3A_314, %min3A_316 : vector<16xi32>
      %mul3A_318 = arith.constant 8 : i32
      %mul3A_319 = vector.broadcast %mul3A_318 : i32 to vector<16xi32>
      %mul3A_320 = arith.muli %min3A_300, %mul3A_319 : vector<16xi32>
      %add3A_321 = arith.addi %mul3A_320, %min3A_309 : vector<16xi32>
      %mul3A_322 = arith.constant 8 : i32
      %mul3A_323 = vector.broadcast %mul3A_322 : i32 to vector<16xi32>
      %mul3A_324 = arith.muli %add3A_321, %mul3A_323 : vector<16xi32>
      %add3A_325 = arith.addi %mul3A_324, %min3A_317 : vector<16xi32>
      %shift_left3A = arith.constant 14 : i32
      %shift_left3A_326 = vector.broadcast %shift_left3A : i32 to vector<16xi32>
      %shift_left3A_327 = arith.shli %add3A_325, %shift_left3A_326 : vector<16xi32>
      %or3A = arith.ori %shift_left3A_327, %add3A_287 : vector<16xi32>
      %convert_element_type3A_328 = arith.extui %eq3A_271 : vector<16xi1> to vector<16xi32>
      %broadcast_in_dim3A_329 = arith.constant true
      %broadcast_in_dim3A_330 = vector.broadcast %broadcast_in_dim3A_329 : i1 to vector<16xi1>
      %masked_cumsum3A = tpu.scan <sum>, %convert_element_type3A_328 masked %broadcast_in_dim3A_330 : vector<16xi32>, vector<16xi1> -> vector<16xi32>
      %sub3A_331 = arith.subi %masked_cumsum3A, %convert_element_type3A_328 : vector<16xi32>
      %add3A_332 = arith.addi %while3A_246, %sub3A_331 : vector<16xi32>
      %broadcast_in_dim3A_333 = arith.constant 1 : i32
      %broadcast_in_dim3A_334 = vector.broadcast %broadcast_in_dim3A_333 : i32 to vector<16xi32>
      tpu.vector_store_idx %arg15[%broadcast_in_dim3A_334, %add3A_332], %or3A masked %eq3A_271 : memref<2x16384xi32, #tpu.memory_space<vmem>>[vector<16xi32>, vector<16xi32>], vector<16xi32>, vector<16xi1>
      %all_reduce_population_count3A = tpu.all_reduce %eq3A_271 {dim = 0 : i64, kind = #tpu.reduction_kind<sum>} : vector<16xi1> -> vector<16xi32>
      %add3A_335 = arith.addi %while3A_246, %all_reduce_population_count3A : vector<16xi32>
      scf.yield %add3A_335 : vector<16xi32>
    }
    %reduce_max3A_199 = arith.constant true
    %reduce_max3A_200 = vector.broadcast %reduce_max3A_199 : i1 to vector<16xi1>
    %reduce_max3A_201 = arith.constant -2147483648 : i32
    %reduce_max3A_202 = vector.broadcast %reduce_max3A_201 : i32 to vector<16xi32>
    %reduce_max3A_203 = arith.xori %while3A_198, %reduce_max3A_202 : vector<16xi32>
    %reduce_max3A_204 = tpu.scan <max>, %reduce_max3A_203 masked %reduce_max3A_200 : vector<16xi32>, vector<16xi1> -> vector<16xi32>
    %reduce_max3A_205 = arith.xori %reduce_max3A_204, %reduce_max3A_202 : vector<16xi32>
    %reduce_max3A_206 = vector.extract %reduce_max3A_205[15] : i32 from vector<16xi32>
    %broadcast_in_dim3A_207 = arith.constant 0 : i32
    "tpu.trace_stop"() : () -> ()
    "tpu.trace_start"() <{level = 10 : i32, message = "p2"}> : () -> ()
    %broadcast_in_dim3A_208 = vector.broadcast %broadcast_in_dim3A_207 : i32 to vector<16xi32>
    %broadcast_in_dim3A_209 = arith.constant 1 : i32
    %broadcast_in_dim3A_210 = vector.broadcast %broadcast_in_dim3A_209 : i32 to vector<16xi32>
    %add3A_211 = arith.constant 15 : i32
    %add3A_212 = arith.addi %reduce_max3A_187, %add3A_211 : i32
    %shift_right_arithmetic3A = arith.constant 4 : i32
    %shift_right_arithmetic3A_213 = arith.shrsi %add3A_212, %shift_right_arithmetic3A : i32
    %while3A_214 = arith.constant 0 : i32
    %while3A_215 = arith.constant 0 : i32
    %while3A_216 = arith.subi %shift_right_arithmetic3A_213, %while3A_215 : i32
    %while3A_217 = arith.addi %while3A_215, %while3A_216 : i32
    %while3A_218 = arith.constant 1 : i32
    %while3A_219 = arith.divsi %while3A_216, %while3A_218 : i32
    %while3A_220 = arith.muli %while3A_219, %while3A_218 : i32
    %while3A_221 = arith.addi %while3A_215, %while3A_220 : i32
    %while3A_222 = arith.constant 1 : i32
    scf.for %while3A_245 = %while3A_215 to %while3A_221 step %while3A_222  : i32 {
      %mul3A_246 = arith.constant 16 : i32
      %mul3A_247 = arith.muli %while3A_245, %mul3A_246 : i32
      %get3A_248 = arith.constant 0 : i32
      %get3A_249 = arith.index_cast %get3A_248 : i32 to index
      %get3A_250 = arith.index_cast %mul3A_247 : i32 to index
      %get3A_251 = tpu.vector_load %arg15[%get3A_249, %get3A_250] {strides = array<i32>} : memref<2x16384xi32, #tpu.memory_space<vmem>>, vector<16xi32>,
      %sub3A = arith.subi %reduce_max3A_187, %mul3A_247 : i32
      %lt3A = vector.broadcast %sub3A : i32 to vector<16xi32>
      %lt3A_252 = arith.cmpi slt, %iota3A, %lt3A : vector<16xi32>
      %and3A = arith.constant 16383 : i32
      %and3A_253 = vector.broadcast %and3A : i32 to vector<16xi32>
      %and3A_254 = arith.andi %get3A_251, %and3A_253 : vector<16xi32>
      %jit3A = arith.constant 0 : i32
      %broadcast_in_dim3A_255 = vector.broadcast %jit3A : i32 to vector<16xi32>
      %select_n3A = arith.select %lt3A_252, %and3A_254, %broadcast_in_dim3A_255 : vector<16xi1>, vector<16xi32>
      %swap3A = arith.constant 0 : index
      %swap3A_256 = tpu.vector_load %arg17[%swap3A] {strides = array<i32>} : memref<16xi32, #tpu.memory_space<vmem>>, vector<16xi32>,
      tpu.vector_store %arg17[%swap3A], %select_n3A {strides = array<i32>} : memref<16xi32, #tpu.memory_space<vmem>>, vector<16xi32>,
      %dma_start3A_257 = arith.constant 0 : i32
      %dma_start3A_258 = arith.constant 0 : i32
      %dma_start3A_259 = tpu.memref_slice %arg7[%dma_start3A_257, %dma_start3A_258] : memref<16384x32xf32, #tpu.memory_space<hbm>> -> memref<16384x32xf32, #tpu.memory_space<hbm>>
      tpu.enqueue_indirect_dma source(%dma_start3A_259 : memref<16384x32xf32, #tpu.memory_space<hbm>>) target(%arg16 : memref<16x32xf32, #tpu.memory_space<vmem>>) offsets(%arg17 : memref<16xi32, #tpu.memory_space<vmem>>) semaphore(%arg18 : memref<!tpu.dma_semaphore, #tpu.memory_space<semaphore_mem>>)
      %dma_wait3A_260 = arith.constant 0 : i32
      %dma_wait3A_261 = arith.constant 0 : i32
      %dma_wait3A_262 = tpu.memref_slice %arg7[%dma_wait3A_260, %dma_wait3A_261] : memref<16384x32xf32, #tpu.memory_space<hbm>> -> memref<16384x32xf32, #tpu.memory_space<hbm>>
      tpu.wait_indirect_dma semaphore(%arg18 : memref<!tpu.dma_semaphore, #tpu.memory_space<semaphore_mem>>) src(%dma_wait3A_262 : memref<16384x32xf32, #tpu.memory_space<hbm>>) dst(%arg16 : memref<16x32xf32, #tpu.memory_space<vmem>>)
      %add3A_263 = arith.constant 0 : i32
      %add3A_264 = arith.addi %mul3A_247, %add3A_263 : i32
      %broadcast_in_dim3A_265 = vector.broadcast %add3A_264 : i32 to vector<16xi32>
      %gather3A_266 = tpu.vector_load_idx %arg15[%broadcast_in_dim3A_208, %broadcast_in_dim3A_265] : memref<2x16384xi32, #tpu.memory_space<vmem>>[vector<16xi32>, vector<16xi32>], vector<16xi32>,
      %shift_right_arithmetic3A_267 = arith.constant 14 : i32
      %shift_right_arithmetic3A_268 = vector.broadcast %shift_right_arithmetic3A_267 : i32 to vector<16xi32>
      %shift_right_arithmetic3A_269 = arith.shrsi %gather3A_266, %shift_right_arithmetic3A_268 : vector<16xi32>
      %max3A = arith.constant 0 : i32
      %max3A_270 = vector.broadcast %max3A : i32 to vector<16xi32>
      %max3A_271 = arith.maxsi %shift_right_arithmetic3A_269, %max3A_270 : vector<16xi32>
      %min3A = arith.constant 511 : i32
      %min3A_272 = vector.broadcast %min3A : i32 to vector<16xi32>
      %min3A_273 = arith.minsi %max3A_271, %min3A_272 : vector<16xi32>
      %broadcast_in_dim3A_274 = arith.constant 0 : i32
      %broadcast_in_dim3A_275 = vector.broadcast %broadcast_in_dim3A_274 : i32 to vector<16xi32>
      %lt3A_276 = vector.broadcast %sub3A : i32 to vector<16xi32>
      %lt3A_277 = arith.cmpi slt, %broadcast_in_dim3A_275, %lt3A_276 : vector<16xi32>
      %mul3A_278 = arith.constant 32 : i32
      %mul3A_279 = vector.broadcast %mul3A_278 : i32 to vector<16xi32>
      %mul3A_280 = arith.muli %min3A_273, %mul3A_279 : vector<16xi32>
      %add3A_281 = arith.addi %mul3A_280, %iota3A : vector<16xi32>
      %add3A_282 = arith.constant 16 : i32
      %add3A_283 = vector.broadcast %add3A_282 : i32 to vector<16xi32>
      %add3A_284 = arith.addi %add3A_281, %add3A_283 : vector<16xi32>
      %gather3A_285 = tpu.vector_load_idx %arg14[%broadcast_in_dim3A_208, %min3A_273] : memref<2x512xi32, #tpu.memory_space<vmem>>[vector<16xi32>, vector<16xi32>], vector<16xi32>,
      %gather3A_286 = tpu.vector_load_idx %arg13[%broadcast_in_dim3A_208, %add3A_281] : memref<2x16384xf32, #tpu.memory_space<vmem>>[vector<16xi32>, vector<16xi32>], vector<16xf32>,
      %gather3A_287 = tpu.vector_load_idx %arg13[%broadcast_in_dim3A_208, %add3A_284] : memref<2x16384xf32, #tpu.memory_space<vmem>>[vector<16xi32>, vector<16xi32>], vector<16xf32>,
      %get3A_288 = arith.constant 0 : i32
      %get3A_289 = arith.index_cast %get3A_288 : i32 to index
      %get3A_290 = arith.constant 0 : index
      %get3A_291 = tpu.vector_load %arg16[%get3A_289, %get3A_290] {strides = array<i32>} : memref<16x32xf32, #tpu.memory_space<vmem>>, vector<16xf32>,
      %get3A_292 = arith.constant 0 : i32
      %get3A_293 = arith.index_cast %get3A_292 : i32 to index
      %get3A_294 = arith.constant 16 : index
      %get3A_295 = tpu.vector_load %arg16[%get3A_293, %get3A_294] {strides = array<i32>} : memref<16x32xf32, #tpu.memory_space<vmem>>, vector<16xf32>,
      %gt3A = arith.constant 0 : i32
      %gt3A_296 = vector.broadcast %gt3A : i32 to vector<16xi32>
      %gt3A_297 = arith.cmpi sgt, %gather3A_285, %gt3A_296 : vector<16xi32>
      %jit3A_298 = arith.constant -3.000000e+38 : f32
      %broadcast_in_dim3A_299 = vector.broadcast %jit3A_298 : f32 to vector<16xf32>
      %select_n3A_300 = arith.select %gt3A_297, %gather3A_286, %broadcast_in_dim3A_299 : vector<16xi1>, vector<16xf32>
      %max3A_301 = arith.maximumf %select_n3A_300, %get3A_291 : vector<16xf32>
      %jit3A_302 = arith.constant -3.000000e+38 : f32
      %broadcast_in_dim3A_303 = vector.broadcast %jit3A_302 : f32 to vector<16xf32>
      %select_n3A_304 = arith.select %gt3A_297, %gather3A_287, %broadcast_in_dim3A_303 : vector<16xi1>, vector<16xf32>
      %max3A_305 = arith.maximumf %select_n3A_304, %get3A_295 : vector<16xf32>
      tpu.vector_store_idx %arg13[%broadcast_in_dim3A_208, %add3A_281], %max3A_301 masked %lt3A_277 : memref<2x16384xf32, #tpu.memory_space<vmem>>[vector<16xi32>, vector<16xi32>], vector<16xf32>, vector<16xi1>
      tpu.vector_store_idx %arg13[%broadcast_in_dim3A_208, %add3A_284], %max3A_305 masked %lt3A_277 : memref<2x16384xf32, #tpu.memory_space<vmem>>[vector<16xi32>, vector<16xi32>], vector<16xf32>, vector<16xi1>
      tpu.vector_store_idx %arg14[%broadcast_in_dim3A_208, %min3A_273], %broadcast_in_dim3A_210 masked %lt3A_277 : memref<2x512xi32, #tpu.memory_space<vmem>>[vector<16xi32>, vector<16xi32>], vector<16xi32>, vector<16xi1>
      %add3A_306 = arith.constant 1 : i32
      %add3A_307 = arith.addi %mul3A_247, %add3A_306 : i32
      %broadcast_in_dim3A_308 = vector.broadcast %add3A_307 : i32 to vector<16xi32>
      %gather3A_309 = tpu.vector_load_idx %arg15[%broadcast_in_dim3A_208, %broadcast_in_dim3A_308] : memref<2x16384xi32, #tpu.memory_space<vmem>>[vector<16xi32>, vector<16xi32>], vector<16xi32>,
      %shift_right_arithmetic3A_310 = arith.constant 14 : i32
      %shift_right_arithmetic3A_311 = vector.broadcast %shift_right_arithmetic3A_310 : i32 to vector<16xi32>
      %shift_right_arithmetic3A_312 = arith.shrsi %gather3A_309, %shift_right_arithmetic3A_311 : vector<16xi32>
      %max3A_313 = arith.constant 0 : i32
      %max3A_314 = vector.broadcast %max3A_313 : i32 to vector<16xi32>
      %max3A_315 = arith.maxsi %shift_right_arithmetic3A_312, %max3A_314 : vector<16xi32>
      %min3A_316 = arith.constant 511 : i32
      %min3A_317 = vector.broadcast %min3A_316 : i32 to vector<16xi32>
      %min3A_318 = arith.minsi %max3A_315, %min3A_317 : vector<16xi32>
      %broadcast_in_dim3A_319 = arith.constant 1 : i32
      %broadcast_in_dim3A_320 = vector.broadcast %broadcast_in_dim3A_319 : i32 to vector<16xi32>
      %lt3A_321 = vector.broadcast %sub3A : i32 to vector<16xi32>
      %lt3A_322 = arith.cmpi slt, %broadcast_in_dim3A_320, %lt3A_321 : vector<16xi32>
      %mul3A_323 = arith.constant 32 : i32
      %mul3A_324 = vector.broadcast %mul3A_323 : i32 to vector<16xi32>
      %mul3A_325 = arith.muli %min3A_318, %mul3A_324 : vector<16xi32>
      %add3A_326 = arith.addi %mul3A_325, %iota3A : vector<16xi32>
      %add3A_327 = arith.constant 16 : i32
      %add3A_328 = vector.broadcast %add3A_327 : i32 to vector<16xi32>
      %add3A_329 = arith.addi %add3A_326, %add3A_328 : vector<16xi32>
      %gather3A_330 = tpu.vector_load_idx %arg14[%broadcast_in_dim3A_208, %min3A_318] : memref<2x512xi32, #tpu.memory_space<vmem>>[vector<16xi32>, vector<16xi32>], vector<16xi32>,
      %gather3A_331 = tpu.vector_load_idx %arg13[%broadcast_in_dim3A_208, %add3A_326] : memref<2x16384xf32, #tpu.memory_space<vmem>>[vector<16xi32>, vector<16xi32>], vector<16xf32>,
      %gather3A_332 = tpu.vector_load_idx %arg13[%broadcast_in_dim3A_208, %add3A_329] : memref<2x16384xf32, #tpu.memory_space<vmem>>[vector<16xi32>, vector<16xi32>], vector<16xf32>,
      %get3A_333 = arith.constant 1 : i32
      %get3A_334 = arith.index_cast %get3A_333 : i32 to index
      %get3A_335 = arith.constant 0 : index
      %get3A_336 = tpu.vector_load %arg16[%get3A_334, %get3A_335] {strides = array<i32>} : memref<16x32xf32, #tpu.memory_space<vmem>>, vector<16xf32>,
      %get3A_337 = arith.constant 1 : i32
      %get3A_338 = arith.index_cast %get3A_337 : i32 to index
      %get3A_339 = arith.constant 16 : index
      %get3A_340 = tpu.vector_load %arg16[%get3A_338, %get3A_339] {strides = array<i32>} : memref<16x32xf32, #tpu.memory_space<vmem>>, vector<16xf32>,
      %gt3A_341 = arith.constant 0 : i32
      %gt3A_342 = vector.broadcast %gt3A_341 : i32 to vector<16xi32>
      %gt3A_343 = arith.cmpi sgt, %gather3A_330, %gt3A_342 : vector<16xi32>
      %jit3A_344 = arith.constant -3.000000e+38 : f32
      %broadcast_in_dim3A_345 = vector.broadcast %jit3A_344 : f32 to vector<16xf32>
      %select_n3A_346 = arith.select %gt3A_343, %gather3A_331, %broadcast_in_dim3A_345 : vector<16xi1>, vector<16xf32>
      %max3A_347 = arith.maximumf %select_n3A_346, %get3A_336 : vector<16xf32>
      %jit3A_348 = arith.constant -3.000000e+38 : f32
      %broadcast_in_dim3A_349 = vector.broadcast %jit3A_348 : f32 to vector<16xf32>
      %select_n3A_350 = arith.select %gt3A_343, %gather3A_332, %broadcast_in_dim3A_349 : vector<16xi1>, vector<16xf32>
      %max3A_351 = arith.maximumf %select_n3A_350, %get3A_340 : vector<16xf32>
      tpu.vector_store_idx %arg13[%broadcast_in_dim3A_208, %add3A_326], %max3A_347 masked %lt3A_322 : memref<2x16384xf32, #tpu.memory_space<vmem>>[vector<16xi32>, vector<16xi32>], vector<16xf32>, vector<16xi1>
      tpu.vector_store_idx %arg13[%broadcast_in_dim3A_208, %add3A_329], %max3A_351 masked %lt3A_322 : memref<2x16384xf32, #tpu.memory_space<vmem>>[vector<16xi32>, vector<16xi32>], vector<16xf32>, vector<16xi1>
      tpu.vector_store_idx %arg14[%broadcast_in_dim3A_208, %min3A_318], %broadcast_in_dim3A_210 masked %lt3A_322 : memref<2x512xi32, #tpu.memory_space<vmem>>[vector<16xi32>, vector<16xi32>], vector<16xi32>, vector<16xi1>
      %add3A_352 = arith.constant 2 : i32
      %add3A_353 = arith.addi %mul3A_247, %add3A_352 : i32
      %broadcast_in_dim3A_354 = vector.broadcast %add3A_353 : i32 to vector<16xi32>
      %gather3A_355 = tpu.vector_load_idx %arg15[%broadcast_in_dim3A_208, %broadcast_in_dim3A_354] : memref<2x16384xi32, #tpu.memory_space<vmem>>[vector<16xi32>, vector<16xi32>], vector<16xi32>,
      %shift_right_arithmetic3A_356 = arith.constant 14 : i32
      %shift_right_arithmetic3A_357 = vector.broadcast %shift_right_arithmetic3A_356 : i32 to vector<16xi32>
      %shift_right_arithmetic3A_358 = arith.shrsi %gather3A_355, %shift_right_arithmetic3A_357 : vector<16xi32>
      %max3A_359 = arith.constant 0 : i32
      %max3A_360 = vector.broadcast %max3A_359 : i32 to vector<16xi32>
      %max3A_361 = arith.maxsi %shift_right_arithmetic3A_358, %max3A_360 : vector<16xi32>
      %min3A_362 = arith.constant 511 : i32
      %min3A_363 = vector.broadcast %min3A_362 : i32 to vector<16xi32>
      %min3A_364 = arith.minsi %max3A_361, %min3A_363 : vector<16xi32>
      %broadcast_in_dim3A_365 = arith.constant 2 : i32
      %broadcast_in_dim3A_366 = vector.broadcast %broadcast_in_dim3A_365 : i32 to vector<16xi32>
      %lt3A_367 = vector.broadcast %sub3A : i32 to vector<16xi32>
      %lt3A_368 = arith.cmpi slt, %broadcast_in_dim3A_366, %lt3A_367 : vector<16xi32>
      %mul3A_369 = arith.constant 32 : i32
      %mul3A_370 = vector.broadcast %mul3A_369 : i32 to vector<16xi32>
      %mul3A_371 = arith.muli %min3A_364, %mul3A_370 : vector<16xi32>
      %add3A_372 = arith.addi %mul3A_371, %iota3A : vector<16xi32>
      %add3A_373 = arith.constant 16 : i32
      %add3A_374 = vector.broadcast %add3A_373 : i32 to vector<16xi32>
      %add3A_375 = arith.addi %add3A_372, %add3A_374 : vector<16xi32>
      %gather3A_376 = tpu.vector_load_idx %arg14[%broadcast_in_dim3A_208, %min3A_364] : memref<2x512xi32, #tpu.memory_space<vmem>>[vector<16xi32>, vector<16xi32>], vector<16xi32>,
      %gather3A_377 = tpu.vector_load_idx %arg13[%broadcast_in_dim3A_208, %add3A_372] : memref<2x16384xf32, #tpu.memory_space<vmem>>[vector<16xi32>, vector<16xi32>], vector<16xf32>,
      %gather3A_378 = tpu.vector_load_idx %arg13[%broadcast_in_dim3A_208, %add3A_375] : memref<2x16384xf32, #tpu.memory_space<vmem>>[vector<16xi32>, vector<16xi32>], vector<16xf32>,
      %get3A_379 = arith.constant 2 : i32
      %get3A_380 = arith.index_cast %get3A_379 : i32 to index
      %get3A_381 = arith.constant 0 : index
      %get3A_382 = tpu.vector_load %arg16[%get3A_380, %get3A_381] {strides = array<i32>} : memref<16x32xf32, #tpu.memory_space<vmem>>, vector<16xf32>,
      %get3A_383 = arith.constant 2 : i32
      %get3A_384 = arith.index_cast %get3A_383 : i32 to index
      %get3A_385 = arith.constant 16 : index
      %get3A_386 = tpu.vector_load %arg16[%get3A_384, %get3A_385] {strides = array<i32>} : memref<16x32xf32, #tpu.memory_space<vmem>>, vector<16xf32>,
      %gt3A_387 = arith.constant 0 : i32
      %gt3A_388 = vector.broadcast %gt3A_387 : i32 to vector<16xi32>
      %gt3A_389 = arith.cmpi sgt, %gather3A_376, %gt3A_388 : vector<16xi32>
      %jit3A_390 = arith.constant -3.000000e+38 : f32
      %broadcast_in_dim3A_391 = vector.broadcast %jit3A_390 : f32 to vector<16xf32>
      %select_n3A_392 = arith.select %gt3A_389, %gather3A_377, %broadcast_in_dim3A_391 : vector<16xi1>, vector<16xf32>
      %max3A_393 = arith.maximumf %select_n3A_392, %get3A_382 : vector<16xf32>
      %jit3A_394 = arith.constant -3.000000e+38 : f32
      %broadcast_in_dim3A_395 = vector.broadcast %jit3A_394 : f32 to vector<16xf32>
      %select_n3A_396 = arith.select %gt3A_389, %gather3A_378, %broadcast_in_dim3A_395 : vector<16xi1>, vector<16xf32>
      %max3A_397 = arith.maximumf %select_n3A_396, %get3A_386 : vector<16xf32>
      tpu.vector_store_idx %arg13[%broadcast_in_dim3A_208, %add3A_372], %max3A_393 masked %lt3A_368 : memref<2x16384xf32, #tpu.memory_space<vmem>>[vector<16xi32>, vector<16xi32>], vector<16xf32>, vector<16xi1>
      tpu.vector_store_idx %arg13[%broadcast_in_dim3A_208, %add3A_375], %max3A_397 masked %lt3A_368 : memref<2x16384xf32, #tpu.memory_space<vmem>>[vector<16xi32>, vector<16xi32>], vector<16xf32>, vector<16xi1>
      tpu.vector_store_idx %arg14[%broadcast_in_dim3A_208, %min3A_364], %broadcast_in_dim3A_210 masked %lt3A_368 : memref<2x512xi32, #tpu.memory_space<vmem>>[vector<16xi32>, vector<16xi32>], vector<16xi32>, vector<16xi1>
      %add3A_398 = arith.constant 3 : i32
      %add3A_399 = arith.addi %mul3A_247, %add3A_398 : i32
      %broadcast_in_dim3A_400 = vector.broadcast %add3A_399 : i32 to vector<16xi32>
      %gather3A_401 = tpu.vector_load_idx %arg15[%broadcast_in_dim3A_208, %broadcast_in_dim3A_400] : memref<2x16384xi32, #tpu.memory_space<vmem>>[vector<16xi32>, vector<16xi32>], vector<16xi32>,
      %shift_right_arithmetic3A_402 = arith.constant 14 : i32
      %shift_right_arithmetic3A_403 = vector.broadcast %shift_right_arithmetic3A_402 : i32 to vector<16xi32>
      %shift_right_arithmetic3A_404 = arith.shrsi %gather3A_401, %shift_right_arithmetic3A_403 : vector<16xi32>
      %max3A_405 = arith.constant 0 : i32
      %max3A_406 = vector.broadcast %max3A_405 : i32 to vector<16xi32>
      %max3A_407 = arith.maxsi %shift_right_arithmetic3A_404, %max3A_406 : vector<16xi32>
      %min3A_408 = arith.constant 511 : i32
      %min3A_409 = vector.broadcast %min3A_408 : i32 to vector<16xi32>
      %min3A_410 = arith.minsi %max3A_407, %min3A_409 : vector<16xi32>
      %broadcast_in_dim3A_411 = arith.constant 3 : i32
      %broadcast_in_dim3A_412 = vector.broadcast %broadcast_in_dim3A_411 : i32 to vector<16xi32>
      %lt3A_413 = vector.broadcast %sub3A : i32 to vector<16xi32>
      %lt3A_414 = arith.cmpi slt, %broadcast_in_dim3A_412, %lt3A_413 : vector<16xi32>
      %mul3A_415 = arith.constant 32 : i32
      %mul3A_416 = vector.broadcast %mul3A_415 : i32 to vector<16xi32>
      %mul3A_417 = arith.muli %min3A_410, %mul3A_416 : vector<16xi32>
      %add3A_418 = arith.addi %mul3A_417, %iota3A : vector<16xi32>
      %add3A_419 = arith.constant 16 : i32
      %add3A_420 = vector.broadcast %add3A_419 : i32 to vector<16xi32>
      %add3A_421 = arith.addi %add3A_418, %add3A_420 : vector<16xi32>
      %gather3A_422 = tpu.vector_load_idx %arg14[%broadcast_in_dim3A_208, %min3A_410] : memref<2x512xi32, #tpu.memory_space<vmem>>[vector<16xi32>, vector<16xi32>], vector<16xi32>,
      %gather3A_423 = tpu.vector_load_idx %arg13[%broadcast_in_dim3A_208, %add3A_418] : memref<2x16384xf32, #tpu.memory_space<vmem>>[vector<16xi32>, vector<16xi32>], vector<16xf32>,
      %gather3A_424 = tpu.vector_load_idx %arg13[%broadcast_in_dim3A_208, %add3A_421] : memref<2x16384xf32, #tpu.memory_space<vmem>>[vector<16xi32>, vector<16xi32>], vector<16xf32>,
      %get3A_425 = arith.constant 3 : i32
      %get3A_426 = arith.index_cast %get3A_425 : i32 to index
      %get3A_427 = arith.constant 0 : index
      %get3A_428 = tpu.vector_load %arg16[%get3A_426, %get3A_427] {strides = array<i32>} : memref<16x32xf32, #tpu.memory_space<vmem>>, vector<16xf32>,
      %get3A_429 = arith.constant 3 : i32
      %get3A_430 = arith.index_cast %get3A_429 : i32 to index
      %get3A_431 = arith.constant 16 : index
      %get3A_432 = tpu.vector_load %arg16[%get3A_430, %get3A_431] {strides = array<i32>} : memref<16x32xf32, #tpu.memory_space<vmem>>, vector<16xf32>,
      %gt3A_433 = arith.constant 0 : i32
      %gt3A_434 = vector.broadcast %gt3A_433 : i32 to vector<16xi32>
      %gt3A_435 = arith.cmpi sgt, %gather3A_422, %gt3A_434 : vector<16xi32>
      %jit3A_436 = arith.constant -3.000000e+38 : f32
      %broadcast_in_dim3A_437 = vector.broadcast %jit3A_436 : f32 to vector<16xf32>
      %select_n3A_438 = arith.select %gt3A_435, %gather3A_423, %broadcast_in_dim3A_437 : vector<16xi1>, vector<16xf32>
      %max3A_439 = arith.maximumf %select_n3A_438, %get3A_428 : vector<16xf32>
      %jit3A_440 = arith.constant -3.000000e+38 : f32
      %broadcast_in_dim3A_441 = vector.broadcast %jit3A_440 : f32 to vector<16xf32>
      %select_n3A_442 = arith.select %gt3A_435, %gather3A_424, %broadcast_in_dim3A_441 : vector<16xi1>, vector<16xf32>
      %max3A_443 = arith.maximumf %select_n3A_442, %get3A_432 : vector<16xf32>
      tpu.vector_store_idx %arg13[%broadcast_in_dim3A_208, %add3A_418], %max3A_439 masked %lt3A_414 : memref<2x16384xf32, #tpu.memory_space<vmem>>[vector<16xi32>, vector<16xi32>], vector<16xf32>, vector<16xi1>
      tpu.vector_store_idx %arg13[%broadcast_in_dim3A_208, %add3A_421], %max3A_443 masked %lt3A_414 : memref<2x16384xf32, #tpu.memory_space<vmem>>[vector<16xi32>, vector<16xi32>], vector<16xf32>, vector<16xi1>
      tpu.vector_store_idx %arg14[%broadcast_in_dim3A_208, %min3A_410], %broadcast_in_dim3A_210 masked %lt3A_414 : memref<2x512xi32, #tpu.memory_space<vmem>>[vector<16xi32>, vector<16xi32>], vector<16xi32>, vector<16xi1>
      %add3A_444 = arith.constant 4 : i32
      %add3A_445 = arith.addi %mul3A_247, %add3A_444 : i32
      %broadcast_in_dim3A_446 = vector.broadcast %add3A_445 : i32 to vector<16xi32>
      %gather3A_447 = tpu.vector_load_idx %arg15[%broadcast_in_dim3A_208, %broadcast_in_dim3A_446] : memref<2x16384xi32, #tpu.memory_space<vmem>>[vector<16xi32>, vector<16xi32>], vector<16xi32>,
      %shift_right_arithmetic3A_448 = arith.constant 14 : i32
      %shift_right_arithmetic3A_449 = vector.broadcast %shift_right_arithmetic3A_448 : i32 to vector<16xi32>
      %shift_right_arithmetic3A_450 = arith.shrsi %gather3A_447, %shift_right_arithmetic3A_449 : vector<16xi32>
      %max3A_451 = arith.constant 0 : i32
      %max3A_452 = vector.broadcast %max3A_451 : i32 to vector<16xi32>
      %max3A_453 = arith.maxsi %shift_right_arithmetic3A_450, %max3A_452 : vector<16xi32>
      %min3A_454 = arith.constant 511 : i32
      %min3A_455 = vector.broadcast %min3A_454 : i32 to vector<16xi32>
      %min3A_456 = arith.minsi %max3A_453, %min3A_455 : vector<16xi32>
      %broadcast_in_dim3A_457 = arith.constant 4 : i32
      %broadcast_in_dim3A_458 = vector.broadcast %broadcast_in_dim3A_457 : i32 to vector<16xi32>
      %lt3A_459 = vector.broadcast %sub3A : i32 to vector<16xi32>
      %lt3A_460 = arith.cmpi slt, %broadcast_in_dim3A_458, %lt3A_459 : vector<16xi32>
      %mul3A_461 = arith.constant 32 : i32
      %mul3A_462 = vector.broadcast %mul3A_461 : i32 to vector<16xi32>
      %mul3A_463 = arith.muli %min3A_456, %mul3A_462 : vector<16xi32>
      %add3A_464 = arith.addi %mul3A_463, %iota3A : vector<16xi32>
      %add3A_465 = arith.constant 16 : i32
      %add3A_466 = vector.broadcast %add3A_465 : i32 to vector<16xi32>
      %add3A_467 = arith.addi %add3A_464, %add3A_466 : vector<16xi32>
      %gather3A_468 = tpu.vector_load_idx %arg14[%broadcast_in_dim3A_208, %min3A_456] : memref<2x512xi32, #tpu.memory_space<vmem>>[vector<16xi32>, vector<16xi32>], vector<16xi32>,
      %gather3A_469 = tpu.vector_load_idx %arg13[%broadcast_in_dim3A_208, %add3A_464] : memref<2x16384xf32, #tpu.memory_space<vmem>>[vector<16xi32>, vector<16xi32>], vector<16xf32>,
      %gather3A_470 = tpu.vector_load_idx %arg13[%broadcast_in_dim3A_208, %add3A_467] : memref<2x16384xf32, #tpu.memory_space<vmem>>[vector<16xi32>, vector<16xi32>], vector<16xf32>,
      %get3A_471 = arith.constant 4 : i32
      %get3A_472 = arith.index_cast %get3A_471 : i32 to index
      %get3A_473 = arith.constant 0 : index
      %get3A_474 = tpu.vector_load %arg16[%get3A_472, %get3A_473] {strides = array<i32>} : memref<16x32xf32, #tpu.memory_space<vmem>>, vector<16xf32>,
      %get3A_475 = arith.constant 4 : i32
      %get3A_476 = arith.index_cast %get3A_475 : i32 to index
      %get3A_477 = arith.constant 16 : index
      %get3A_478 = tpu.vector_load %arg16[%get3A_476, %get3A_477] {strides = array<i32>} : memref<16x32xf32, #tpu.memory_space<vmem>>, vector<16xf32>,
      %gt3A_479 = arith.constant 0 : i32
      %gt3A_480 = vector.broadcast %gt3A_479 : i32 to vector<16xi32>
      %gt3A_481 = arith.cmpi sgt, %gather3A_468, %gt3A_480 : vector<16xi32>
      %jit3A_482 = arith.constant -3.000000e+38 : f32
      %broadcast_in_dim3A_483 = vector.broadcast %jit3A_482 : f32 to vector<16xf32>
      %select_n3A_484 = arith.select %gt3A_481, %gather3A_469, %broadcast_in_dim3A_483 : vector<16xi1>, vector<16xf32>
      %max3A_485 = arith.maximumf %select_n3A_484, %get3A_474 : vector<16xf32>
      %jit3A_486 = arith.constant -3.000000e+38 : f32
      %broadcast_in_dim3A_487 = vector.broadcast %jit3A_486 : f32 to vector<16xf32>
      %select_n3A_488 = arith.select %gt3A_481, %gather3A_470, %broadcast_in_dim3A_487 : vector<16xi1>, vector<16xf32>
      %max3A_489 = arith.maximumf %select_n3A_488, %get3A_478 : vector<16xf32>
      tpu.vector_store_idx %arg13[%broadcast_in_dim3A_208, %add3A_464], %max3A_485 masked %lt3A_460 : memref<2x16384xf32, #tpu.memory_space<vmem>>[vector<16xi32>, vector<16xi32>], vector<16xf32>, vector<16xi1>
      tpu.vector_store_idx %arg13[%broadcast_in_dim3A_208, %add3A_467], %max3A_489 masked %lt3A_460 : memref<2x16384xf32, #tpu.memory_space<vmem>>[vector<16xi32>, vector<16xi32>], vector<16xf32>, vector<16xi1>
      tpu.vector_store_idx %arg14[%broadcast_in_dim3A_208, %min3A_456], %broadcast_in_dim3A_210 masked %lt3A_460 : memref<2x512xi32, #tpu.memory_space<vmem>>[vector<16xi32>, vector<16xi32>], vector<16xi32>, vector<16xi1>
      %add3A_490 = arith.constant 5 : i32
      %add3A_491 = arith.addi %mul3A_247, %add3A_490 : i32
      %broadcast_in_dim3A_492 = vector.broadcast %add3A_491 : i32 to vector<16xi32>
      %gather3A_493 = tpu.vector_load_idx %arg15[%broadcast_in_dim3A_208, %broadcast_in_dim3A_492] : memref<2x16384xi32, #tpu.memory_space<vmem>>[vector<16xi32>, vector<16xi32>], vector<16xi32>,
      %shift_right_arithmetic3A_494 = arith.constant 14 : i32
      %shift_right_arithmetic3A_495 = vector.broadcast %shift_right_arithmetic3A_494 : i32 to vector<16xi32>
      %shift_right_arithmetic3A_496 = arith.shrsi %gather3A_493, %shift_right_arithmetic3A_495 : vector<16xi32>
      %max3A_497 = arith.constant 0 : i32
      %max3A_498 = vector.broadcast %max3A_497 : i32 to vector<16xi32>
      %max3A_499 = arith.maxsi %shift_right_arithmetic3A_496, %max3A_498 : vector<16xi32>
      %min3A_500 = arith.constant 511 : i32
      %min3A_501 = vector.broadcast %min3A_500 : i32 to vector<16xi32>
      %min3A_502 = arith.minsi %max3A_499, %min3A_501 : vector<16xi32>
      %broadcast_in_dim3A_503 = arith.constant 5 : i32
      %broadcast_in_dim3A_504 = vector.broadcast %broadcast_in_dim3A_503 : i32 to vector<16xi32>
      %lt3A_505 = vector.broadcast %sub3A : i32 to vector<16xi32>
      %lt3A_506 = arith.cmpi slt, %broadcast_in_dim3A_504, %lt3A_505 : vector<16xi32>
      %mul3A_507 = arith.constant 32 : i32
      %mul3A_508 = vector.broadcast %mul3A_507 : i32 to vector<16xi32>
      %mul3A_509 = arith.muli %min3A_502, %mul3A_508 : vector<16xi32>
      %add3A_510 = arith.addi %mul3A_509, %iota3A : vector<16xi32>
      %add3A_511 = arith.constant 16 : i32
      %add3A_512 = vector.broadcast %add3A_511 : i32 to vector<16xi32>
      %add3A_513 = arith.addi %add3A_510, %add3A_512 : vector<16xi32>
      %gather3A_514 = tpu.vector_load_idx %arg14[%broadcast_in_dim3A_208, %min3A_502] : memref<2x512xi32, #tpu.memory_space<vmem>>[vector<16xi32>, vector<16xi32>], vector<16xi32>,
      %gather3A_515 = tpu.vector_load_idx %arg13[%broadcast_in_dim3A_208, %add3A_510] : memref<2x16384xf32, #tpu.memory_space<vmem>>[vector<16xi32>, vector<16xi32>], vector<16xf32>,
      %gather3A_516 = tpu.vector_load_idx %arg13[%broadcast_in_dim3A_208, %add3A_513] : memref<2x16384xf32, #tpu.memory_space<vmem>>[vector<16xi32>, vector<16xi32>], vector<16xf32>,
      %get3A_517 = arith.constant 5 : i32
      %get3A_518 = arith.index_cast %get3A_517 : i32 to index
      %get3A_519 = arith.constant 0 : index
      %get3A_520 = tpu.vector_load %arg16[%get3A_518, %get3A_519] {strides = array<i32>} : memref<16x32xf32, #tpu.memory_space<vmem>>, vector<16xf32>,
      %get3A_521 = arith.constant 5 : i32
      %get3A_522 = arith.index_cast %get3A_521 : i32 to index
      %get3A_523 = arith.constant 16 : index
      %get3A_524 = tpu.vector_load %arg16[%get3A_522, %get3A_523] {strides = array<i32>} : memref<16x32xf32, #tpu.memory_space<vmem>>, vector<16xf32>,
      %gt3A_525 = arith.constant 0 : i32
      %gt3A_526 = vector.broadcast %gt3A_525 : i32 to vector<16xi32>
      %gt3A_527 = arith.cmpi sgt, %gather3A_514, %gt3A_526 : vector<16xi32>
      %jit3A_528 = arith.constant -3.000000e+38 : f32
      %broadcast_in_dim3A_529 = vector.broadcast %jit3A_528 : f32 to vector<16xf32>
      %select_n3A_530 = arith.select %gt3A_527, %gather3A_515, %broadcast_in_dim3A_529 : vector<16xi1>, vector<16xf32>
      %max3A_531 = arith.maximumf %select_n3A_530, %get3A_520 : vector<16xf32>
      %jit3A_532 = arith.constant -3.000000e+38 : f32
      %broadcast_in_dim3A_533 = vector.broadcast %jit3A_532 : f32 to vector<16xf32>
      %select_n3A_534 = arith.select %gt3A_527, %gather3A_516, %broadcast_in_dim3A_533 : vector<16xi1>, vector<16xf32>
      %max3A_535 = arith.maximumf %select_n3A_534, %get3A_524 : vector<16xf32>
      tpu.vector_store_idx %arg13[%broadcast_in_dim3A_208, %add3A_510], %max3A_531 masked %lt3A_506 : memref<2x16384xf32, #tpu.memory_space<vmem>>[vector<16xi32>, vector<16xi32>], vector<16xf32>, vector<16xi1>
      tpu.vector_store_idx %arg13[%broadcast_in_dim3A_208, %add3A_513], %max3A_535 masked %lt3A_506 : memref<2x16384xf32, #tpu.memory_space<vmem>>[vector<16xi32>, vector<16xi32>], vector<16xf32>, vector<16xi1>
      tpu.vector_store_idx %arg14[%broadcast_in_dim3A_208, %min3A_502], %broadcast_in_dim3A_210 masked %lt3A_506 : memref<2x512xi32, #tpu.memory_space<vmem>>[vector<16xi32>, vector<16xi32>], vector<16xi32>, vector<16xi1>
      %add3A_536 = arith.constant 6 : i32
      %add3A_537 = arith.addi %mul3A_247, %add3A_536 : i32
      %broadcast_in_dim3A_538 = vector.broadcast %add3A_537 : i32 to vector<16xi32>
      %gather3A_539 = tpu.vector_load_idx %arg15[%broadcast_in_dim3A_208, %broadcast_in_dim3A_538] : memref<2x16384xi32, #tpu.memory_space<vmem>>[vector<16xi32>, vector<16xi32>], vector<16xi32>,
      %shift_right_arithmetic3A_540 = arith.constant 14 : i32
      %shift_right_arithmetic3A_541 = vector.broadcast %shift_right_arithmetic3A_540 : i32 to vector<16xi32>
      %shift_right_arithmetic3A_542 = arith.shrsi %gather3A_539, %shift_right_arithmetic3A_541 : vector<16xi32>
      %max3A_543 = arith.constant 0 : i32
      %max3A_544 = vector.broadcast %max3A_543 : i32 to vector<16xi32>
      %max3A_545 = arith.maxsi %shift_right_arithmetic3A_542, %max3A_544 : vector<16xi32>
      %min3A_546 = arith.constant 511 : i32
      %min3A_547 = vector.broadcast %min3A_546 : i32 to vector<16xi32>
      %min3A_548 = arith.minsi %max3A_545, %min3A_547 : vector<16xi32>
      %broadcast_in_dim3A_549 = arith.constant 6 : i32
      %broadcast_in_dim3A_550 = vector.broadcast %broadcast_in_dim3A_549 : i32 to vector<16xi32>
      %lt3A_551 = vector.broadcast %sub3A : i32 to vector<16xi32>
      %lt3A_552 = arith.cmpi slt, %broadcast_in_dim3A_550, %lt3A_551 : vector<16xi32>
      %mul3A_553 = arith.constant 32 : i32
      %mul3A_554 = vector.broadcast %mul3A_553 : i32 to vector<16xi32>
      %mul3A_555 = arith.muli %min3A_548, %mul3A_554 : vector<16xi32>
      %add3A_556 = arith.addi %mul3A_555, %iota3A : vector<16xi32>
      %add3A_557 = arith.constant 16 : i32
      %add3A_558 = vector.broadcast %add3A_557 : i32 to vector<16xi32>
      %add3A_559 = arith.addi %add3A_556, %add3A_558 : vector<16xi32>
      %gather3A_560 = tpu.vector_load_idx %arg14[%broadcast_in_dim3A_208, %min3A_548] : memref<2x512xi32, #tpu.memory_space<vmem>>[vector<16xi32>, vector<16xi32>], vector<16xi32>,
      %gather3A_561 = tpu.vector_load_idx %arg13[%broadcast_in_dim3A_208, %add3A_556] : memref<2x16384xf32, #tpu.memory_space<vmem>>[vector<16xi32>, vector<16xi32>], vector<16xf32>,
      %gather3A_562 = tpu.vector_load_idx %arg13[%broadcast_in_dim3A_208, %add3A_559] : memref<2x16384xf32, #tpu.memory_space<vmem>>[vector<16xi32>, vector<16xi32>], vector<16xf32>,
      %get3A_563 = arith.constant 6 : i32
      %get3A_564 = arith.index_cast %get3A_563 : i32 to index
      %get3A_565 = arith.constant 0 : index
      %get3A_566 = tpu.vector_load %arg16[%get3A_564, %get3A_565] {strides = array<i32>} : memref<16x32xf32, #tpu.memory_space<vmem>>, vector<16xf32>,
      %get3A_567 = arith.constant 6 : i32
      %get3A_568 = arith.index_cast %get3A_567 : i32 to index
      %get3A_569 = arith.constant 16 : index
      %get3A_570 = tpu.vector_load %arg16[%get3A_568, %get3A_569] {strides = array<i32>} : memref<16x32xf32, #tpu.memory_space<vmem>>, vector<16xf32>,
      %gt3A_571 = arith.constant 0 : i32
      %gt3A_572 = vector.broadcast %gt3A_571 : i32 to vector<16xi32>
      %gt3A_573 = arith.cmpi sgt, %gather3A_560, %gt3A_572 : vector<16xi32>
      %jit3A_574 = arith.constant -3.000000e+38 : f32
      %broadcast_in_dim3A_575 = vector.broadcast %jit3A_574 : f32 to vector<16xf32>
      %select_n3A_576 = arith.select %gt3A_573, %gather3A_561, %broadcast_in_dim3A_575 : vector<16xi1>, vector<16xf32>
      %max3A_577 = arith.maximumf %select_n3A_576, %get3A_566 : vector<16xf32>
      %jit3A_578 = arith.constant -3.000000e+38 : f32
      %broadcast_in_dim3A_579 = vector.broadcast %jit3A_578 : f32 to vector<16xf32>
      %select_n3A_580 = arith.select %gt3A_573, %gather3A_562, %broadcast_in_dim3A_579 : vector<16xi1>, vector<16xf32>
      %max3A_581 = arith.maximumf %select_n3A_580, %get3A_570 : vector<16xf32>
      tpu.vector_store_idx %arg13[%broadcast_in_dim3A_208, %add3A_556], %max3A_577 masked %lt3A_552 : memref<2x16384xf32, #tpu.memory_space<vmem>>[vector<16xi32>, vector<16xi32>], vector<16xf32>, vector<16xi1>
      tpu.vector_store_idx %arg13[%broadcast_in_dim3A_208, %add3A_559], %max3A_581 masked %lt3A_552 : memref<2x16384xf32, #tpu.memory_space<vmem>>[vector<16xi32>, vector<16xi32>], vector<16xf32>, vector<16xi1>
      tpu.vector_store_idx %arg14[%broadcast_in_dim3A_208, %min3A_548], %broadcast_in_dim3A_210 masked %lt3A_552 : memref<2x512xi32, #tpu.memory_space<vmem>>[vector<16xi32>, vector<16xi32>], vector<16xi32>, vector<16xi1>
      %add3A_582 = arith.constant 7 : i32
      %add3A_583 = arith.addi %mul3A_247, %add3A_582 : i32
      %broadcast_in_dim3A_584 = vector.broadcast %add3A_583 : i32 to vector<16xi32>
      %gather3A_585 = tpu.vector_load_idx %arg15[%broadcast_in_dim3A_208, %broadcast_in_dim3A_584] : memref<2x16384xi32, #tpu.memory_space<vmem>>[vector<16xi32>, vector<16xi32>], vector<16xi32>,
      %shift_right_arithmetic3A_586 = arith.constant 14 : i32
      %shift_right_arithmetic3A_587 = vector.broadcast %shift_right_arithmetic3A_586 : i32 to vector<16xi32>
      %shift_right_arithmetic3A_588 = arith.shrsi %gather3A_585, %shift_right_arithmetic3A_587 : vector<16xi32>
      %max3A_589 = arith.constant 0 : i32
      %max3A_590 = vector.broadcast %max3A_589 : i32 to vector<16xi32>
      %max3A_591 = arith.maxsi %shift_right_arithmetic3A_588, %max3A_590 : vector<16xi32>
      %min3A_592 = arith.constant 511 : i32
      %min3A_593 = vector.broadcast %min3A_592 : i32 to vector<16xi32>
      %min3A_594 = arith.minsi %max3A_591, %min3A_593 : vector<16xi32>
      %broadcast_in_dim3A_595 = arith.constant 7 : i32
      %broadcast_in_dim3A_596 = vector.broadcast %broadcast_in_dim3A_595 : i32 to vector<16xi32>
      %lt3A_597 = vector.broadcast %sub3A : i32 to vector<16xi32>
      %lt3A_598 = arith.cmpi slt, %broadcast_in_dim3A_596, %lt3A_597 : vector<16xi32>
      %mul3A_599 = arith.constant 32 : i32
      %mul3A_600 = vector.broadcast %mul3A_599 : i32 to vector<16xi32>
      %mul3A_601 = arith.muli %min3A_594, %mul3A_600 : vector<16xi32>
      %add3A_602 = arith.addi %mul3A_601, %iota3A : vector<16xi32>
      %add3A_603 = arith.constant 16 : i32
      %add3A_604 = vector.broadcast %add3A_603 : i32 to vector<16xi32>
      %add3A_605 = arith.addi %add3A_602, %add3A_604 : vector<16xi32>
      %gather3A_606 = tpu.vector_load_idx %arg14[%broadcast_in_dim3A_208, %min3A_594] : memref<2x512xi32, #tpu.memory_space<vmem>>[vector<16xi32>, vector<16xi32>], vector<16xi32>,
      %gather3A_607 = tpu.vector_load_idx %arg13[%broadcast_in_dim3A_208, %add3A_602] : memref<2x16384xf32, #tpu.memory_space<vmem>>[vector<16xi32>, vector<16xi32>], vector<16xf32>,
      %gather3A_608 = tpu.vector_load_idx %arg13[%broadcast_in_dim3A_208, %add3A_605] : memref<2x16384xf32, #tpu.memory_space<vmem>>[vector<16xi32>, vector<16xi32>], vector<16xf32>,
      %get3A_609 = arith.constant 7 : i32
      %get3A_610 = arith.index_cast %get3A_609 : i32 to index
      %get3A_611 = arith.constant 0 : index
      %get3A_612 = tpu.vector_load %arg16[%get3A_610, %get3A_611] {strides = array<i32>} : memref<16x32xf32, #tpu.memory_space<vmem>>, vector<16xf32>,
      %get3A_613 = arith.constant 7 : i32
      %get3A_614 = arith.index_cast %get3A_613 : i32 to index
      %get3A_615 = arith.constant 16 : index
      %get3A_616 = tpu.vector_load %arg16[%get3A_614, %get3A_615] {strides = array<i32>} : memref<16x32xf32, #tpu.memory_space<vmem>>, vector<16xf32>,
      %gt3A_617 = arith.constant 0 : i32
      %gt3A_618 = vector.broadcast %gt3A_617 : i32 to vector<16xi32>
      %gt3A_619 = arith.cmpi sgt, %gather3A_606, %gt3A_618 : vector<16xi32>
      %jit3A_620 = arith.constant -3.000000e+38 : f32
      %broadcast_in_dim3A_621 = vector.broadcast %jit3A_620 : f32 to vector<16xf32>
      %select_n3A_622 = arith.select %gt3A_619, %gather3A_607, %broadcast_in_dim3A_621 : vector<16xi1>, vector<16xf32>
      %max3A_623 = arith.maximumf %select_n3A_622, %get3A_612 : vector<16xf32>
      %jit3A_624 = arith.constant -3.000000e+38 : f32
      %broadcast_in_dim3A_625 = vector.broadcast %jit3A_624 : f32 to vector<16xf32>
      %select_n3A_626 = arith.select %gt3A_619, %gather3A_608, %broadcast_in_dim3A_625 : vector<16xi1>, vector<16xf32>
      %max3A_627 = arith.maximumf %select_n3A_626, %get3A_616 : vector<16xf32>
      tpu.vector_store_idx %arg13[%broadcast_in_dim3A_208, %add3A_602], %max3A_623 masked %lt3A_598 : memref<2x16384xf32, #tpu.memory_space<vmem>>[vector<16xi32>, vector<16xi32>], vector<16xf32>, vector<16xi1>
      tpu.vector_store_idx %arg13[%broadcast_in_dim3A_208, %add3A_605], %max3A_627 masked %lt3A_598 : memref<2x16384xf32, #tpu.memory_space<vmem>>[vector<16xi32>, vector<16xi32>], vector<16xf32>, vector<16xi1>
      tpu.vector_store_idx %arg14[%broadcast_in_dim3A_208, %min3A_594], %broadcast_in_dim3A_210 masked %lt3A_598 : memref<2x512xi32, #tpu.memory_space<vmem>>[vector<16xi32>, vector<16xi32>], vector<16xi32>, vector<16xi1>
      %add3A_628 = arith.constant 8 : i32
      %add3A_629 = arith.addi %mul3A_247, %add3A_628 : i32
      %broadcast_in_dim3A_630 = vector.broadcast %add3A_629 : i32 to vector<16xi32>
      %gather3A_631 = tpu.vector_load_idx %arg15[%broadcast_in_dim3A_208, %broadcast_in_dim3A_630] : memref<2x16384xi32, #tpu.memory_space<vmem>>[vector<16xi32>, vector<16xi32>], vector<16xi32>,
      %shift_right_arithmetic3A_632 = arith.constant 14 : i32
      %shift_right_arithmetic3A_633 = vector.broadcast %shift_right_arithmetic3A_632 : i32 to vector<16xi32>
      %shift_right_arithmetic3A_634 = arith.shrsi %gather3A_631, %shift_right_arithmetic3A_633 : vector<16xi32>
      %max3A_635 = arith.constant 0 : i32
      %max3A_636 = vector.broadcast %max3A_635 : i32 to vector<16xi32>
      %max3A_637 = arith.maxsi %shift_right_arithmetic3A_634, %max3A_636 : vector<16xi32>
      %min3A_638 = arith.constant 511 : i32
      %min3A_639 = vector.broadcast %min3A_638 : i32 to vector<16xi32>
      %min3A_640 = arith.minsi %max3A_637, %min3A_639 : vector<16xi32>
      %broadcast_in_dim3A_641 = arith.constant 8 : i32
      %broadcast_in_dim3A_642 = vector.broadcast %broadcast_in_dim3A_641 : i32 to vector<16xi32>
      %lt3A_643 = vector.broadcast %sub3A : i32 to vector<16xi32>
      %lt3A_644 = arith.cmpi slt, %broadcast_in_dim3A_642, %lt3A_643 : vector<16xi32>
      %mul3A_645 = arith.constant 32 : i32
      %mul3A_646 = vector.broadcast %mul3A_645 : i32 to vector<16xi32>
      %mul3A_647 = arith.muli %min3A_640, %mul3A_646 : vector<16xi32>
      %add3A_648 = arith.addi %mul3A_647, %iota3A : vector<16xi32>
      %add3A_649 = arith.constant 16 : i32
      %add3A_650 = vector.broadcast %add3A_649 : i32 to vector<16xi32>
      %add3A_651 = arith.addi %add3A_648, %add3A_650 : vector<16xi32>
      %gather3A_652 = tpu.vector_load_idx %arg14[%broadcast_in_dim3A_208, %min3A_640] : memref<2x512xi32, #tpu.memory_space<vmem>>[vector<16xi32>, vector<16xi32>], vector<16xi32>,
      %gather3A_653 = tpu.vector_load_idx %arg13[%broadcast_in_dim3A_208, %add3A_648] : memref<2x16384xf32, #tpu.memory_space<vmem>>[vector<16xi32>, vector<16xi32>], vector<16xf32>,
      %gather3A_654 = tpu.vector_load_idx %arg13[%broadcast_in_dim3A_208, %add3A_651] : memref<2x16384xf32, #tpu.memory_space<vmem>>[vector<16xi32>, vector<16xi32>], vector<16xf32>,
      %get3A_655 = arith.constant 8 : i32
      %get3A_656 = arith.index_cast %get3A_655 : i32 to index
      %get3A_657 = arith.constant 0 : index
      %get3A_658 = tpu.vector_load %arg16[%get3A_656, %get3A_657] {strides = array<i32>} : memref<16x32xf32, #tpu.memory_space<vmem>>, vector<16xf32>,
      %get3A_659 = arith.constant 8 : i32
      %get3A_660 = arith.index_cast %get3A_659 : i32 to index
      %get3A_661 = arith.constant 16 : index
      %get3A_662 = tpu.vector_load %arg16[%get3A_660, %get3A_661] {strides = array<i32>} : memref<16x32xf32, #tpu.memory_space<vmem>>, vector<16xf32>,
      %gt3A_663 = arith.constant 0 : i32
      %gt3A_664 = vector.broadcast %gt3A_663 : i32 to vector<16xi32>
      %gt3A_665 = arith.cmpi sgt, %gather3A_652, %gt3A_664 : vector<16xi32>
      %jit3A_666 = arith.constant -3.000000e+38 : f32
      %broadcast_in_dim3A_667 = vector.broadcast %jit3A_666 : f32 to vector<16xf32>
      %select_n3A_668 = arith.select %gt3A_665, %gather3A_653, %broadcast_in_dim3A_667 : vector<16xi1>, vector<16xf32>
      %max3A_669 = arith.maximumf %select_n3A_668, %get3A_658 : vector<16xf32>
      %jit3A_670 = arith.constant -3.000000e+38 : f32
      %broadcast_in_dim3A_671 = vector.broadcast %jit3A_670 : f32 to vector<16xf32>
      %select_n3A_672 = arith.select %gt3A_665, %gather3A_654, %broadcast_in_dim3A_671 : vector<16xi1>, vector<16xf32>
      %max3A_673 = arith.maximumf %select_n3A_672, %get3A_662 : vector<16xf32>
      tpu.vector_store_idx %arg13[%broadcast_in_dim3A_208, %add3A_648], %max3A_669 masked %lt3A_644 : memref<2x16384xf32, #tpu.memory_space<vmem>>[vector<16xi32>, vector<16xi32>], vector<16xf32>, vector<16xi1>
      tpu.vector_store_idx %arg13[%broadcast_in_dim3A_208, %add3A_651], %max3A_673 masked %lt3A_644 : memref<2x16384xf32, #tpu.memory_space<vmem>>[vector<16xi32>, vector<16xi32>], vector<16xf32>, vector<16xi1>
      tpu.vector_store_idx %arg14[%broadcast_in_dim3A_208, %min3A_640], %broadcast_in_dim3A_210 masked %lt3A_644 : memref<2x512xi32, #tpu.memory_space<vmem>>[vector<16xi32>, vector<16xi32>], vector<16xi32>, vector<16xi1>
      %add3A_674 = arith.constant 9 : i32
      %add3A_675 = arith.addi %mul3A_247, %add3A_674 : i32
      %broadcast_in_dim3A_676 = vector.broadcast %add3A_675 : i32 to vector<16xi32>
      %gather3A_677 = tpu.vector_load_idx %arg15[%broadcast_in_dim3A_208, %broadcast_in_dim3A_676] : memref<2x16384xi32, #tpu.memory_space<vmem>>[vector<16xi32>, vector<16xi32>], vector<16xi32>,
      %shift_right_arithmetic3A_678 = arith.constant 14 : i32
      %shift_right_arithmetic3A_679 = vector.broadcast %shift_right_arithmetic3A_678 : i32 to vector<16xi32>
      %shift_right_arithmetic3A_680 = arith.shrsi %gather3A_677, %shift_right_arithmetic3A_679 : vector<16xi32>
      %max3A_681 = arith.constant 0 : i32
      %max3A_682 = vector.broadcast %max3A_681 : i32 to vector<16xi32>
      %max3A_683 = arith.maxsi %shift_right_arithmetic3A_680, %max3A_682 : vector<16xi32>
      %min3A_684 = arith.constant 511 : i32
      %min3A_685 = vector.broadcast %min3A_684 : i32 to vector<16xi32>
      %min3A_686 = arith.minsi %max3A_683, %min3A_685 : vector<16xi32>
      %broadcast_in_dim3A_687 = arith.constant 9 : i32
      %broadcast_in_dim3A_688 = vector.broadcast %broadcast_in_dim3A_687 : i32 to vector<16xi32>
      %lt3A_689 = vector.broadcast %sub3A : i32 to vector<16xi32>
      %lt3A_690 = arith.cmpi slt, %broadcast_in_dim3A_688, %lt3A_689 : vector<16xi32>
      %mul3A_691 = arith.constant 32 : i32
      %mul3A_692 = vector.broadcast %mul3A_691 : i32 to vector<16xi32>
      %mul3A_693 = arith.muli %min3A_686, %mul3A_692 : vector<16xi32>
      %add3A_694 = arith.addi %mul3A_693, %iota3A : vector<16xi32>
      %add3A_695 = arith.constant 16 : i32
      %add3A_696 = vector.broadcast %add3A_695 : i32 to vector<16xi32>
      %add3A_697 = arith.addi %add3A_694, %add3A_696 : vector<16xi32>
      %gather3A_698 = tpu.vector_load_idx %arg14[%broadcast_in_dim3A_208, %min3A_686] : memref<2x512xi32, #tpu.memory_space<vmem>>[vector<16xi32>, vector<16xi32>], vector<16xi32>,
      %gather3A_699 = tpu.vector_load_idx %arg13[%broadcast_in_dim3A_208, %add3A_694] : memref<2x16384xf32, #tpu.memory_space<vmem>>[vector<16xi32>, vector<16xi32>], vector<16xf32>,
      %gather3A_700 = tpu.vector_load_idx %arg13[%broadcast_in_dim3A_208, %add3A_697] : memref<2x16384xf32, #tpu.memory_space<vmem>>[vector<16xi32>, vector<16xi32>], vector<16xf32>,
      %get3A_701 = arith.constant 9 : i32
      %get3A_702 = arith.index_cast %get3A_701 : i32 to index
      %get3A_703 = arith.constant 0 : index
      %get3A_704 = tpu.vector_load %arg16[%get3A_702, %get3A_703] {strides = array<i32>} : memref<16x32xf32, #tpu.memory_space<vmem>>, vector<16xf32>,
      %get3A_705 = arith.constant 9 : i32
      %get3A_706 = arith.index_cast %get3A_705 : i32 to index
      %get3A_707 = arith.constant 16 : index
      %get3A_708 = tpu.vector_load %arg16[%get3A_706, %get3A_707] {strides = array<i32>} : memref<16x32xf32, #tpu.memory_space<vmem>>, vector<16xf32>,
      %gt3A_709 = arith.constant 0 : i32
      %gt3A_710 = vector.broadcast %gt3A_709 : i32 to vector<16xi32>
      %gt3A_711 = arith.cmpi sgt, %gather3A_698, %gt3A_710 : vector<16xi32>
      %jit3A_712 = arith.constant -3.000000e+38 : f32
      %broadcast_in_dim3A_713 = vector.broadcast %jit3A_712 : f32 to vector<16xf32>
      %select_n3A_714 = arith.select %gt3A_711, %gather3A_699, %broadcast_in_dim3A_713 : vector<16xi1>, vector<16xf32>
      %max3A_715 = arith.maximumf %select_n3A_714, %get3A_704 : vector<16xf32>
      %jit3A_716 = arith.constant -3.000000e+38 : f32
      %broadcast_in_dim3A_717 = vector.broadcast %jit3A_716 : f32 to vector<16xf32>
      %select_n3A_718 = arith.select %gt3A_711, %gather3A_700, %broadcast_in_dim3A_717 : vector<16xi1>, vector<16xf32>
      %max3A_719 = arith.maximumf %select_n3A_718, %get3A_708 : vector<16xf32>
      tpu.vector_store_idx %arg13[%broadcast_in_dim3A_208, %add3A_694], %max3A_715 masked %lt3A_690 : memref<2x16384xf32, #tpu.memory_space<vmem>>[vector<16xi32>, vector<16xi32>], vector<16xf32>, vector<16xi1>
      tpu.vector_store_idx %arg13[%broadcast_in_dim3A_208, %add3A_697], %max3A_719 masked %lt3A_690 : memref<2x16384xf32, #tpu.memory_space<vmem>>[vector<16xi32>, vector<16xi32>], vector<16xf32>, vector<16xi1>
      tpu.vector_store_idx %arg14[%broadcast_in_dim3A_208, %min3A_686], %broadcast_in_dim3A_210 masked %lt3A_690 : memref<2x512xi32, #tpu.memory_space<vmem>>[vector<16xi32>, vector<16xi32>], vector<16xi32>, vector<16xi1>
      %add3A_720 = arith.constant 10 : i32
      %add3A_721 = arith.addi %mul3A_247, %add3A_720 : i32
      %broadcast_in_dim3A_722 = vector.broadcast %add3A_721 : i32 to vector<16xi32>
      %gather3A_723 = tpu.vector_load_idx %arg15[%broadcast_in_dim3A_208, %broadcast_in_dim3A_722] : memref<2x16384xi32, #tpu.memory_space<vmem>>[vector<16xi32>, vector<16xi32>], vector<16xi32>,
      %shift_right_arithmetic3A_724 = arith.constant 14 : i32
      %shift_right_arithmetic3A_725 = vector.broadcast %shift_right_arithmetic3A_724 : i32 to vector<16xi32>
      %shift_right_arithmetic3A_726 = arith.shrsi %gather3A_723, %shift_right_arithmetic3A_725 : vector<16xi32>
      %max3A_727 = arith.constant 0 : i32
      %max3A_728 = vector.broadcast %max3A_727 : i32 to vector<16xi32>
      %max3A_729 = arith.maxsi %shift_right_arithmetic3A_726, %max3A_728 : vector<16xi32>
      %min3A_730 = arith.constant 511 : i32
      %min3A_731 = vector.broadcast %min3A_730 : i32 to vector<16xi32>
      %min3A_732 = arith.minsi %max3A_729, %min3A_731 : vector<16xi32>
      %broadcast_in_dim3A_733 = arith.constant 10 : i32
      %broadcast_in_dim3A_734 = vector.broadcast %broadcast_in_dim3A_733 : i32 to vector<16xi32>
      %lt3A_735 = vector.broadcast %sub3A : i32 to vector<16xi32>
      %lt3A_736 = arith.cmpi slt, %broadcast_in_dim3A_734, %lt3A_735 : vector<16xi32>
      %mul3A_737 = arith.constant 32 : i32
      %mul3A_738 = vector.broadcast %mul3A_737 : i32 to vector<16xi32>
      %mul3A_739 = arith.muli %min3A_732, %mul3A_738 : vector<16xi32>
      %add3A_740 = arith.addi %mul3A_739, %iota3A : vector<16xi32>
      %add3A_741 = arith.constant 16 : i32
      %add3A_742 = vector.broadcast %add3A_741 : i32 to vector<16xi32>
      %add3A_743 = arith.addi %add3A_740, %add3A_742 : vector<16xi32>
      %gather3A_744 = tpu.vector_load_idx %arg14[%broadcast_in_dim3A_208, %min3A_732] : memref<2x512xi32, #tpu.memory_space<vmem>>[vector<16xi32>, vector<16xi32>], vector<16xi32>,
      %gather3A_745 = tpu.vector_load_idx %arg13[%broadcast_in_dim3A_208, %add3A_740] : memref<2x16384xf32, #tpu.memory_space<vmem>>[vector<16xi32>, vector<16xi32>], vector<16xf32>,
      %gather3A_746 = tpu.vector_load_idx %arg13[%broadcast_in_dim3A_208, %add3A_743] : memref<2x16384xf32, #tpu.memory_space<vmem>>[vector<16xi32>, vector<16xi32>], vector<16xf32>,
      %get3A_747 = arith.constant 10 : i32
      %get3A_748 = arith.index_cast %get3A_747 : i32 to index
      %get3A_749 = arith.constant 0 : index
      %get3A_750 = tpu.vector_load %arg16[%get3A_748, %get3A_749] {strides = array<i32>} : memref<16x32xf32, #tpu.memory_space<vmem>>, vector<16xf32>,
      %get3A_751 = arith.constant 10 : i32
      %get3A_752 = arith.index_cast %get3A_751 : i32 to index
      %get3A_753 = arith.constant 16 : index
      %get3A_754 = tpu.vector_load %arg16[%get3A_752, %get3A_753] {strides = array<i32>} : memref<16x32xf32, #tpu.memory_space<vmem>>, vector<16xf32>,
      %gt3A_755 = arith.constant 0 : i32
      %gt3A_756 = vector.broadcast %gt3A_755 : i32 to vector<16xi32>
      %gt3A_757 = arith.cmpi sgt, %gather3A_744, %gt3A_756 : vector<16xi32>
      %jit3A_758 = arith.constant -3.000000e+38 : f32
      %broadcast_in_dim3A_759 = vector.broadcast %jit3A_758 : f32 to vector<16xf32>
      %select_n3A_760 = arith.select %gt3A_757, %gather3A_745, %broadcast_in_dim3A_759 : vector<16xi1>, vector<16xf32>
      %max3A_761 = arith.maximumf %select_n3A_760, %get3A_750 : vector<16xf32>
      %jit3A_762 = arith.constant -3.000000e+38 : f32
      %broadcast_in_dim3A_763 = vector.broadcast %jit3A_762 : f32 to vector<16xf32>
      %select_n3A_764 = arith.select %gt3A_757, %gather3A_746, %broadcast_in_dim3A_763 : vector<16xi1>, vector<16xf32>
      %max3A_765 = arith.maximumf %select_n3A_764, %get3A_754 : vector<16xf32>
      tpu.vector_store_idx %arg13[%broadcast_in_dim3A_208, %add3A_740], %max3A_761 masked %lt3A_736 : memref<2x16384xf32, #tpu.memory_space<vmem>>[vector<16xi32>, vector<16xi32>], vector<16xf32>, vector<16xi1>
      tpu.vector_store_idx %arg13[%broadcast_in_dim3A_208, %add3A_743], %max3A_765 masked %lt3A_736 : memref<2x16384xf32, #tpu.memory_space<vmem>>[vector<16xi32>, vector<16xi32>], vector<16xf32>, vector<16xi1>
      tpu.vector_store_idx %arg14[%broadcast_in_dim3A_208, %min3A_732], %broadcast_in_dim3A_210 masked %lt3A_736 : memref<2x512xi32, #tpu.memory_space<vmem>>[vector<16xi32>, vector<16xi32>], vector<16xi32>, vector<16xi1>
      %add3A_766 = arith.constant 11 : i32
      %add3A_767 = arith.addi %mul3A_247, %add3A_766 : i32
      %broadcast_in_dim3A_768 = vector.broadcast %add3A_767 : i32 to vector<16xi32>
      %gather3A_769 = tpu.vector_load_idx %arg15[%broadcast_in_dim3A_208, %broadcast_in_dim3A_768] : memref<2x16384xi32, #tpu.memory_space<vmem>>[vector<16xi32>, vector<16xi32>], vector<16xi32>,
      %shift_right_arithmetic3A_770 = arith.constant 14 : i32
      %shift_right_arithmetic3A_771 = vector.broadcast %shift_right_arithmetic3A_770 : i32 to vector<16xi32>
      %shift_right_arithmetic3A_772 = arith.shrsi %gather3A_769, %shift_right_arithmetic3A_771 : vector<16xi32>
      %max3A_773 = arith.constant 0 : i32
      %max3A_774 = vector.broadcast %max3A_773 : i32 to vector<16xi32>
      %max3A_775 = arith.maxsi %shift_right_arithmetic3A_772, %max3A_774 : vector<16xi32>
      %min3A_776 = arith.constant 511 : i32
      %min3A_777 = vector.broadcast %min3A_776 : i32 to vector<16xi32>
      %min3A_778 = arith.minsi %max3A_775, %min3A_777 : vector<16xi32>
      %broadcast_in_dim3A_779 = arith.constant 11 : i32
      %broadcast_in_dim3A_780 = vector.broadcast %broadcast_in_dim3A_779 : i32 to vector<16xi32>
      %lt3A_781 = vector.broadcast %sub3A : i32 to vector<16xi32>
      %lt3A_782 = arith.cmpi slt, %broadcast_in_dim3A_780, %lt3A_781 : vector<16xi32>
      %mul3A_783 = arith.constant 32 : i32
      %mul3A_784 = vector.broadcast %mul3A_783 : i32 to vector<16xi32>
      %mul3A_785 = arith.muli %min3A_778, %mul3A_784 : vector<16xi32>
      %add3A_786 = arith.addi %mul3A_785, %iota3A : vector<16xi32>
      %add3A_787 = arith.constant 16 : i32
      %add3A_788 = vector.broadcast %add3A_787 : i32 to vector<16xi32>
      %add3A_789 = arith.addi %add3A_786, %add3A_788 : vector<16xi32>
      %gather3A_790 = tpu.vector_load_idx %arg14[%broadcast_in_dim3A_208, %min3A_778] : memref<2x512xi32, #tpu.memory_space<vmem>>[vector<16xi32>, vector<16xi32>], vector<16xi32>,
      %gather3A_791 = tpu.vector_load_idx %arg13[%broadcast_in_dim3A_208, %add3A_786] : memref<2x16384xf32, #tpu.memory_space<vmem>>[vector<16xi32>, vector<16xi32>], vector<16xf32>,
      %gather3A_792 = tpu.vector_load_idx %arg13[%broadcast_in_dim3A_208, %add3A_789] : memref<2x16384xf32, #tpu.memory_space<vmem>>[vector<16xi32>, vector<16xi32>], vector<16xf32>,
      %get3A_793 = arith.constant 11 : i32
      %get3A_794 = arith.index_cast %get3A_793 : i32 to index
      %get3A_795 = arith.constant 0 : index
      %get3A_796 = tpu.vector_load %arg16[%get3A_794, %get3A_795] {strides = array<i32>} : memref<16x32xf32, #tpu.memory_space<vmem>>, vector<16xf32>,
      %get3A_797 = arith.constant 11 : i32
      %get3A_798 = arith.index_cast %get3A_797 : i32 to index
      %get3A_799 = arith.constant 16 : index
      %get3A_800 = tpu.vector_load %arg16[%get3A_798, %get3A_799] {strides = array<i32>} : memref<16x32xf32, #tpu.memory_space<vmem>>, vector<16xf32>,
      %gt3A_801 = arith.constant 0 : i32
      %gt3A_802 = vector.broadcast %gt3A_801 : i32 to vector<16xi32>
      %gt3A_803 = arith.cmpi sgt, %gather3A_790, %gt3A_802 : vector<16xi32>
      %jit3A_804 = arith.constant -3.000000e+38 : f32
      %broadcast_in_dim3A_805 = vector.broadcast %jit3A_804 : f32 to vector<16xf32>
      %select_n3A_806 = arith.select %gt3A_803, %gather3A_791, %broadcast_in_dim3A_805 : vector<16xi1>, vector<16xf32>
      %max3A_807 = arith.maximumf %select_n3A_806, %get3A_796 : vector<16xf32>
      %jit3A_808 = arith.constant -3.000000e+38 : f32
      %broadcast_in_dim3A_809 = vector.broadcast %jit3A_808 : f32 to vector<16xf32>
      %select_n3A_810 = arith.select %gt3A_803, %gather3A_792, %broadcast_in_dim3A_809 : vector<16xi1>, vector<16xf32>
      %max3A_811 = arith.maximumf %select_n3A_810, %get3A_800 : vector<16xf32>
      tpu.vector_store_idx %arg13[%broadcast_in_dim3A_208, %add3A_786], %max3A_807 masked %lt3A_782 : memref<2x16384xf32, #tpu.memory_space<vmem>>[vector<16xi32>, vector<16xi32>], vector<16xf32>, vector<16xi1>
      tpu.vector_store_idx %arg13[%broadcast_in_dim3A_208, %add3A_789], %max3A_811 masked %lt3A_782 : memref<2x16384xf32, #tpu.memory_space<vmem>>[vector<16xi32>, vector<16xi32>], vector<16xf32>, vector<16xi1>
      tpu.vector_store_idx %arg14[%broadcast_in_dim3A_208, %min3A_778], %broadcast_in_dim3A_210 masked %lt3A_782 : memref<2x512xi32, #tpu.memory_space<vmem>>[vector<16xi32>, vector<16xi32>], vector<16xi32>, vector<16xi1>
      %add3A_812 = arith.constant 12 : i32
      %add3A_813 = arith.addi %mul3A_247, %add3A_812 : i32
      %broadcast_in_dim3A_814 = vector.broadcast %add3A_813 : i32 to vector<16xi32>
      %gather3A_815 = tpu.vector_load_idx %arg15[%broadcast_in_dim3A_208, %broadcast_in_dim3A_814] : memref<2x16384xi32, #tpu.memory_space<vmem>>[vector<16xi32>, vector<16xi32>], vector<16xi32>,
      %shift_right_arithmetic3A_816 = arith.constant 14 : i32
      %shift_right_arithmetic3A_817 = vector.broadcast %shift_right_arithmetic3A_816 : i32 to vector<16xi32>
      %shift_right_arithmetic3A_818 = arith.shrsi %gather3A_815, %shift_right_arithmetic3A_817 : vector<16xi32>
      %max3A_819 = arith.constant 0 : i32
      %max3A_820 = vector.broadcast %max3A_819 : i32 to vector<16xi32>
      %max3A_821 = arith.maxsi %shift_right_arithmetic3A_818, %max3A_820 : vector<16xi32>
      %min3A_822 = arith.constant 511 : i32
      %min3A_823 = vector.broadcast %min3A_822 : i32 to vector<16xi32>
      %min3A_824 = arith.minsi %max3A_821, %min3A_823 : vector<16xi32>
      %broadcast_in_dim3A_825 = arith.constant 12 : i32
      %broadcast_in_dim3A_826 = vector.broadcast %broadcast_in_dim3A_825 : i32 to vector<16xi32>
      %lt3A_827 = vector.broadcast %sub3A : i32 to vector<16xi32>
      %lt3A_828 = arith.cmpi slt, %broadcast_in_dim3A_826, %lt3A_827 : vector<16xi32>
      %mul3A_829 = arith.constant 32 : i32
      %mul3A_830 = vector.broadcast %mul3A_829 : i32 to vector<16xi32>
      %mul3A_831 = arith.muli %min3A_824, %mul3A_830 : vector<16xi32>
      %add3A_832 = arith.addi %mul3A_831, %iota3A : vector<16xi32>
      %add3A_833 = arith.constant 16 : i32
      %add3A_834 = vector.broadcast %add3A_833 : i32 to vector<16xi32>
      %add3A_835 = arith.addi %add3A_832, %add3A_834 : vector<16xi32>
      %gather3A_836 = tpu.vector_load_idx %arg14[%broadcast_in_dim3A_208, %min3A_824] : memref<2x512xi32, #tpu.memory_space<vmem>>[vector<16xi32>, vector<16xi32>], vector<16xi32>,
      %gather3A_837 = tpu.vector_load_idx %arg13[%broadcast_in_dim3A_208, %add3A_832] : memref<2x16384xf32, #tpu.memory_space<vmem>>[vector<16xi32>, vector<16xi32>], vector<16xf32>,
      %gather3A_838 = tpu.vector_load_idx %arg13[%broadcast_in_dim3A_208, %add3A_835] : memref<2x16384xf32, #tpu.memory_space<vmem>>[vector<16xi32>, vector<16xi32>], vector<16xf32>,
      %get3A_839 = arith.constant 12 : i32
      %get3A_840 = arith.index_cast %get3A_839 : i32 to index
      %get3A_841 = arith.constant 0 : index
      %get3A_842 = tpu.vector_load %arg16[%get3A_840, %get3A_841] {strides = array<i32>} : memref<16x32xf32, #tpu.memory_space<vmem>>, vector<16xf32>,
      %get3A_843 = arith.constant 12 : i32
      %get3A_844 = arith.index_cast %get3A_843 : i32 to index
      %get3A_845 = arith.constant 16 : index
      %get3A_846 = tpu.vector_load %arg16[%get3A_844, %get3A_845] {strides = array<i32>} : memref<16x32xf32, #tpu.memory_space<vmem>>, vector<16xf32>,
      %gt3A_847 = arith.constant 0 : i32
      %gt3A_848 = vector.broadcast %gt3A_847 : i32 to vector<16xi32>
      %gt3A_849 = arith.cmpi sgt, %gather3A_836, %gt3A_848 : vector<16xi32>
      %jit3A_850 = arith.constant -3.000000e+38 : f32
      %broadcast_in_dim3A_851 = vector.broadcast %jit3A_850 : f32 to vector<16xf32>
      %select_n3A_852 = arith.select %gt3A_849, %gather3A_837, %broadcast_in_dim3A_851 : vector<16xi1>, vector<16xf32>
      %max3A_853 = arith.maximumf %select_n3A_852, %get3A_842 : vector<16xf32>
      %jit3A_854 = arith.constant -3.000000e+38 : f32
      %broadcast_in_dim3A_855 = vector.broadcast %jit3A_854 : f32 to vector<16xf32>
      %select_n3A_856 = arith.select %gt3A_849, %gather3A_838, %broadcast_in_dim3A_855 : vector<16xi1>, vector<16xf32>
      %max3A_857 = arith.maximumf %select_n3A_856, %get3A_846 : vector<16xf32>
      tpu.vector_store_idx %arg13[%broadcast_in_dim3A_208, %add3A_832], %max3A_853 masked %lt3A_828 : memref<2x16384xf32, #tpu.memory_space<vmem>>[vector<16xi32>, vector<16xi32>], vector<16xf32>, vector<16xi1>
      tpu.vector_store_idx %arg13[%broadcast_in_dim3A_208, %add3A_835], %max3A_857 masked %lt3A_828 : memref<2x16384xf32, #tpu.memory_space<vmem>>[vector<16xi32>, vector<16xi32>], vector<16xf32>, vector<16xi1>
      tpu.vector_store_idx %arg14[%broadcast_in_dim3A_208, %min3A_824], %broadcast_in_dim3A_210 masked %lt3A_828 : memref<2x512xi32, #tpu.memory_space<vmem>>[vector<16xi32>, vector<16xi32>], vector<16xi32>, vector<16xi1>
      %add3A_858 = arith.constant 13 : i32
      %add3A_859 = arith.addi %mul3A_247, %add3A_858 : i32
      %broadcast_in_dim3A_860 = vector.broadcast %add3A_859 : i32 to vector<16xi32>
      %gather3A_861 = tpu.vector_load_idx %arg15[%broadcast_in_dim3A_208, %broadcast_in_dim3A_860] : memref<2x16384xi32, #tpu.memory_space<vmem>>[vector<16xi32>, vector<16xi32>], vector<16xi32>,
      %shift_right_arithmetic3A_862 = arith.constant 14 : i32
      %shift_right_arithmetic3A_863 = vector.broadcast %shift_right_arithmetic3A_862 : i32 to vector<16xi32>
      %shift_right_arithmetic3A_864 = arith.shrsi %gather3A_861, %shift_right_arithmetic3A_863 : vector<16xi32>
      %max3A_865 = arith.constant 0 : i32
      %max3A_866 = vector.broadcast %max3A_865 : i32 to vector<16xi32>
      %max3A_867 = arith.maxsi %shift_right_arithmetic3A_864, %max3A_866 : vector<16xi32>
      %min3A_868 = arith.constant 511 : i32
      %min3A_869 = vector.broadcast %min3A_868 : i32 to vector<16xi32>
      %min3A_870 = arith.minsi %max3A_867, %min3A_869 : vector<16xi32>
      %broadcast_in_dim3A_871 = arith.constant 13 : i32
      %broadcast_in_dim3A_872 = vector.broadcast %broadcast_in_dim3A_871 : i32 to vector<16xi32>
      %lt3A_873 = vector.broadcast %sub3A : i32 to vector<16xi32>
      %lt3A_874 = arith.cmpi slt, %broadcast_in_dim3A_872, %lt3A_873 : vector<16xi32>
      %mul3A_875 = arith.constant 32 : i32
      %mul3A_876 = vector.broadcast %mul3A_875 : i32 to vector<16xi32>
      %mul3A_877 = arith.muli %min3A_870, %mul3A_876 : vector<16xi32>
      %add3A_878 = arith.addi %mul3A_877, %iota3A : vector<16xi32>
      %add3A_879 = arith.constant 16 : i32
      %add3A_880 = vector.broadcast %add3A_879 : i32 to vector<16xi32>
      %add3A_881 = arith.addi %add3A_878, %add3A_880 : vector<16xi32>
      %gather3A_882 = tpu.vector_load_idx %arg14[%broadcast_in_dim3A_208, %min3A_870] : memref<2x512xi32, #tpu.memory_space<vmem>>[vector<16xi32>, vector<16xi32>], vector<16xi32>,
      %gather3A_883 = tpu.vector_load_idx %arg13[%broadcast_in_dim3A_208, %add3A_878] : memref<2x16384xf32, #tpu.memory_space<vmem>>[vector<16xi32>, vector<16xi32>], vector<16xf32>,
      %gather3A_884 = tpu.vector_load_idx %arg13[%broadcast_in_dim3A_208, %add3A_881] : memref<2x16384xf32, #tpu.memory_space<vmem>>[vector<16xi32>, vector<16xi32>], vector<16xf32>,
      %get3A_885 = arith.constant 13 : i32
      %get3A_886 = arith.index_cast %get3A_885 : i32 to index
      %get3A_887 = arith.constant 0 : index
      %get3A_888 = tpu.vector_load %arg16[%get3A_886, %get3A_887] {strides = array<i32>} : memref<16x32xf32, #tpu.memory_space<vmem>>, vector<16xf32>,
      %get3A_889 = arith.constant 13 : i32
      %get3A_890 = arith.index_cast %get3A_889 : i32 to index
      %get3A_891 = arith.constant 16 : index
      %get3A_892 = tpu.vector_load %arg16[%get3A_890, %get3A_891] {strides = array<i32>} : memref<16x32xf32, #tpu.memory_space<vmem>>, vector<16xf32>,
      %gt3A_893 = arith.constant 0 : i32
      %gt3A_894 = vector.broadcast %gt3A_893 : i32 to vector<16xi32>
      %gt3A_895 = arith.cmpi sgt, %gather3A_882, %gt3A_894 : vector<16xi32>
      %jit3A_896 = arith.constant -3.000000e+38 : f32
      %broadcast_in_dim3A_897 = vector.broadcast %jit3A_896 : f32 to vector<16xf32>
      %select_n3A_898 = arith.select %gt3A_895, %gather3A_883, %broadcast_in_dim3A_897 : vector<16xi1>, vector<16xf32>
      %max3A_899 = arith.maximumf %select_n3A_898, %get3A_888 : vector<16xf32>
      %jit3A_900 = arith.constant -3.000000e+38 : f32
      %broadcast_in_dim3A_901 = vector.broadcast %jit3A_900 : f32 to vector<16xf32>
      %select_n3A_902 = arith.select %gt3A_895, %gather3A_884, %broadcast_in_dim3A_901 : vector<16xi1>, vector<16xf32>
      %max3A_903 = arith.maximumf %select_n3A_902, %get3A_892 : vector<16xf32>
      tpu.vector_store_idx %arg13[%broadcast_in_dim3A_208, %add3A_878], %max3A_899 masked %lt3A_874 : memref<2x16384xf32, #tpu.memory_space<vmem>>[vector<16xi32>, vector<16xi32>], vector<16xf32>, vector<16xi1>
      tpu.vector_store_idx %arg13[%broadcast_in_dim3A_208, %add3A_881], %max3A_903 masked %lt3A_874 : memref<2x16384xf32, #tpu.memory_space<vmem>>[vector<16xi32>, vector<16xi32>], vector<16xf32>, vector<16xi1>
      tpu.vector_store_idx %arg14[%broadcast_in_dim3A_208, %min3A_870], %broadcast_in_dim3A_210 masked %lt3A_874 : memref<2x512xi32, #tpu.memory_space<vmem>>[vector<16xi32>, vector<16xi32>], vector<16xi32>, vector<16xi1>
      %add3A_904 = arith.constant 14 : i32
      %add3A_905 = arith.addi %mul3A_247, %add3A_904 : i32
      %broadcast_in_dim3A_906 = vector.broadcast %add3A_905 : i32 to vector<16xi32>
      %gather3A_907 = tpu.vector_load_idx %arg15[%broadcast_in_dim3A_208, %broadcast_in_dim3A_906] : memref<2x16384xi32, #tpu.memory_space<vmem>>[vector<16xi32>, vector<16xi32>], vector<16xi32>,
      %shift_right_arithmetic3A_908 = arith.constant 14 : i32
      %shift_right_arithmetic3A_909 = vector.broadcast %shift_right_arithmetic3A_908 : i32 to vector<16xi32>
      %shift_right_arithmetic3A_910 = arith.shrsi %gather3A_907, %shift_right_arithmetic3A_909 : vector<16xi32>
      %max3A_911 = arith.constant 0 : i32
      %max3A_912 = vector.broadcast %max3A_911 : i32 to vector<16xi32>
      %max3A_913 = arith.maxsi %shift_right_arithmetic3A_910, %max3A_912 : vector<16xi32>
      %min3A_914 = arith.constant 511 : i32
      %min3A_915 = vector.broadcast %min3A_914 : i32 to vector<16xi32>
      %min3A_916 = arith.minsi %max3A_913, %min3A_915 : vector<16xi32>
      %broadcast_in_dim3A_917 = arith.constant 14 : i32
      %broadcast_in_dim3A_918 = vector.broadcast %broadcast_in_dim3A_917 : i32 to vector<16xi32>
      %lt3A_919 = vector.broadcast %sub3A : i32 to vector<16xi32>
      %lt3A_920 = arith.cmpi slt, %broadcast_in_dim3A_918, %lt3A_919 : vector<16xi32>
      %mul3A_921 = arith.constant 32 : i32
      %mul3A_922 = vector.broadcast %mul3A_921 : i32 to vector<16xi32>
      %mul3A_923 = arith.muli %min3A_916, %mul3A_922 : vector<16xi32>
      %add3A_924 = arith.addi %mul3A_923, %iota3A : vector<16xi32>
      %add3A_925 = arith.constant 16 : i32
      %add3A_926 = vector.broadcast %add3A_925 : i32 to vector<16xi32>
      %add3A_927 = arith.addi %add3A_924, %add3A_926 : vector<16xi32>
      %gather3A_928 = tpu.vector_load_idx %arg14[%broadcast_in_dim3A_208, %min3A_916] : memref<2x512xi32, #tpu.memory_space<vmem>>[vector<16xi32>, vector<16xi32>], vector<16xi32>,
      %gather3A_929 = tpu.vector_load_idx %arg13[%broadcast_in_dim3A_208, %add3A_924] : memref<2x16384xf32, #tpu.memory_space<vmem>>[vector<16xi32>, vector<16xi32>], vector<16xf32>,
      %gather3A_930 = tpu.vector_load_idx %arg13[%broadcast_in_dim3A_208, %add3A_927] : memref<2x16384xf32, #tpu.memory_space<vmem>>[vector<16xi32>, vector<16xi32>], vector<16xf32>,
      %get3A_931 = arith.constant 14 : i32
      %get3A_932 = arith.index_cast %get3A_931 : i32 to index
      %get3A_933 = arith.constant 0 : index
      %get3A_934 = tpu.vector_load %arg16[%get3A_932, %get3A_933] {strides = array<i32>} : memref<16x32xf32, #tpu.memory_space<vmem>>, vector<16xf32>,
      %get3A_935 = arith.constant 14 : i32
      %get3A_936 = arith.index_cast %get3A_935 : i32 to index
      %get3A_937 = arith.constant 16 : index
      %get3A_938 = tpu.vector_load %arg16[%get3A_936, %get3A_937] {strides = array<i32>} : memref<16x32xf32, #tpu.memory_space<vmem>>, vector<16xf32>,
      %gt3A_939 = arith.constant 0 : i32
      %gt3A_940 = vector.broadcast %gt3A_939 : i32 to vector<16xi32>
      %gt3A_941 = arith.cmpi sgt, %gather3A_928, %gt3A_940 : vector<16xi32>
      %jit3A_942 = arith.constant -3.000000e+38 : f32
      %broadcast_in_dim3A_943 = vector.broadcast %jit3A_942 : f32 to vector<16xf32>
      %select_n3A_944 = arith.select %gt3A_941, %gather3A_929, %broadcast_in_dim3A_943 : vector<16xi1>, vector<16xf32>
      %max3A_945 = arith.maximumf %select_n3A_944, %get3A_934 : vector<16xf32>
      %jit3A_946 = arith.constant -3.000000e+38 : f32
      %broadcast_in_dim3A_947 = vector.broadcast %jit3A_946 : f32 to vector<16xf32>
      %select_n3A_948 = arith.select %gt3A_941, %gather3A_930, %broadcast_in_dim3A_947 : vector<16xi1>, vector<16xf32>
      %max3A_949 = arith.maximumf %select_n3A_948, %get3A_938 : vector<16xf32>
      tpu.vector_store_idx %arg13[%broadcast_in_dim3A_208, %add3A_924], %max3A_945 masked %lt3A_920 : memref<2x16384xf32, #tpu.memory_space<vmem>>[vector<16xi32>, vector<16xi32>], vector<16xf32>, vector<16xi1>
      tpu.vector_store_idx %arg13[%broadcast_in_dim3A_208, %add3A_927], %max3A_949 masked %lt3A_920 : memref<2x16384xf32, #tpu.memory_space<vmem>>[vector<16xi32>, vector<16xi32>], vector<16xf32>, vector<16xi1>
      tpu.vector_store_idx %arg14[%broadcast_in_dim3A_208, %min3A_916], %broadcast_in_dim3A_210 masked %lt3A_920 : memref<2x512xi32, #tpu.memory_space<vmem>>[vector<16xi32>, vector<16xi32>], vector<16xi32>, vector<16xi1>
      %add3A_950 = arith.constant 15 : i32
      %add3A_951 = arith.addi %mul3A_247, %add3A_950 : i32
      %broadcast_in_dim3A_952 = vector.broadcast %add3A_951 : i32 to vector<16xi32>
      %gather3A_953 = tpu.vector_load_idx %arg15[%broadcast_in_dim3A_208, %broadcast_in_dim3A_952] : memref<2x16384xi32, #tpu.memory_space<vmem>>[vector<16xi32>, vector<16xi32>], vector<16xi32>,
      %shift_right_arithmetic3A_954 = arith.constant 14 : i32
      %shift_right_arithmetic3A_955 = vector.broadcast %shift_right_arithmetic3A_954 : i32 to vector<16xi32>
      %shift_right_arithmetic3A_956 = arith.shrsi %gather3A_953, %shift_right_arithmetic3A_955 : vector<16xi32>
      %max3A_957 = arith.constant 0 : i32
      %max3A_958 = vector.broadcast %max3A_957 : i32 to vector<16xi32>
      %max3A_959 = arith.maxsi %shift_right_arithmetic3A_956, %max3A_958 : vector<16xi32>
      %min3A_960 = arith.constant 511 : i32
      %min3A_961 = vector.broadcast %min3A_960 : i32 to vector<16xi32>
      %min3A_962 = arith.minsi %max3A_959, %min3A_961 : vector<16xi32>
      %broadcast_in_dim3A_963 = arith.constant 15 : i32
      %broadcast_in_dim3A_964 = vector.broadcast %broadcast_in_dim3A_963 : i32 to vector<16xi32>
      %lt3A_965 = vector.broadcast %sub3A : i32 to vector<16xi32>
      %lt3A_966 = arith.cmpi slt, %broadcast_in_dim3A_964, %lt3A_965 : vector<16xi32>
      %mul3A_967 = arith.constant 32 : i32
      %mul3A_968 = vector.broadcast %mul3A_967 : i32 to vector<16xi32>
      %mul3A_969 = arith.muli %min3A_962, %mul3A_968 : vector<16xi32>
      %add3A_970 = arith.addi %mul3A_969, %iota3A : vector<16xi32>
      %add3A_971 = arith.constant 16 : i32
      %add3A_972 = vector.broadcast %add3A_971 : i32 to vector<16xi32>
      %add3A_973 = arith.addi %add3A_970, %add3A_972 : vector<16xi32>
      %gather3A_974 = tpu.vector_load_idx %arg14[%broadcast_in_dim3A_208, %min3A_962] : memref<2x512xi32, #tpu.memory_space<vmem>>[vector<16xi32>, vector<16xi32>], vector<16xi32>,
      %gather3A_975 = tpu.vector_load_idx %arg13[%broadcast_in_dim3A_208, %add3A_970] : memref<2x16384xf32, #tpu.memory_space<vmem>>[vector<16xi32>, vector<16xi32>], vector<16xf32>,
      %gather3A_976 = tpu.vector_load_idx %arg13[%broadcast_in_dim3A_208, %add3A_973] : memref<2x16384xf32, #tpu.memory_space<vmem>>[vector<16xi32>, vector<16xi32>], vector<16xf32>,
      %get3A_977 = arith.constant 15 : i32
      %get3A_978 = arith.index_cast %get3A_977 : i32 to index
      %get3A_979 = arith.constant 0 : index
      %get3A_980 = tpu.vector_load %arg16[%get3A_978, %get3A_979] {strides = array<i32>} : memref<16x32xf32, #tpu.memory_space<vmem>>, vector<16xf32>,
      %get3A_981 = arith.constant 15 : i32
      %get3A_982 = arith.index_cast %get3A_981 : i32 to index
      %get3A_983 = arith.constant 16 : index
      %get3A_984 = tpu.vector_load %arg16[%get3A_982, %get3A_983] {strides = array<i32>} : memref<16x32xf32, #tpu.memory_space<vmem>>, vector<16xf32>,
      %gt3A_985 = arith.constant 0 : i32
      %gt3A_986 = vector.broadcast %gt3A_985 : i32 to vector<16xi32>
      %gt3A_987 = arith.cmpi sgt, %gather3A_974, %gt3A_986 : vector<16xi32>
      %jit3A_988 = arith.constant -3.000000e+38 : f32
      %broadcast_in_dim3A_989 = vector.broadcast %jit3A_988 : f32 to vector<16xf32>
      %select_n3A_990 = arith.select %gt3A_987, %gather3A_975, %broadcast_in_dim3A_989 : vector<16xi1>, vector<16xf32>
      %max3A_991 = arith.maximumf %select_n3A_990, %get3A_980 : vector<16xf32>
      %jit3A_992 = arith.constant -3.000000e+38 : f32
      %broadcast_in_dim3A_993 = vector.broadcast %jit3A_992 : f32 to vector<16xf32>
      %select_n3A_994 = arith.select %gt3A_987, %gather3A_976, %broadcast_in_dim3A_993 : vector<16xi1>, vector<16xf32>
      %max3A_995 = arith.maximumf %select_n3A_994, %get3A_984 : vector<16xf32>
      tpu.vector_store_idx %arg13[%broadcast_in_dim3A_208, %add3A_970], %max3A_991 masked %lt3A_966 : memref<2x16384xf32, #tpu.memory_space<vmem>>[vector<16xi32>, vector<16xi32>], vector<16xf32>, vector<16xi1>
      tpu.vector_store_idx %arg13[%broadcast_in_dim3A_208, %add3A_973], %max3A_995 masked %lt3A_966 : memref<2x16384xf32, #tpu.memory_space<vmem>>[vector<16xi32>, vector<16xi32>], vector<16xf32>, vector<16xi1>
      tpu.vector_store_idx %arg14[%broadcast_in_dim3A_208, %min3A_962], %broadcast_in_dim3A_210 masked %lt3A_966 : memref<2x512xi32, #tpu.memory_space<vmem>>[vector<16xi32>, vector<16xi32>], vector<16xi32>, vector<16xi1>
    }
    %while3A_223 = arith.constant 1 : i32
    scf.for %while3A_245 = %while3A_221 to %while3A_217 step %while3A_223  : i32 {
      %mul3A_246 = arith.constant 16 : i32
      %mul3A_247 = arith.muli %while3A_245, %mul3A_246 : i32
      %get3A_248 = arith.constant 0 : i32
      %get3A_249 = arith.index_cast %get3A_248 : i32 to index
      %get3A_250 = arith.index_cast %mul3A_247 : i32 to index
      %get3A_251 = tpu.vector_load %arg15[%get3A_249, %get3A_250] {strides = array<i32>} : memref<2x16384xi32, #tpu.memory_space<vmem>>, vector<16xi32>,
      %sub3A = arith.subi %reduce_max3A_187, %mul3A_247 : i32
      %lt3A = vector.broadcast %sub3A : i32 to vector<16xi32>
      %lt3A_252 = arith.cmpi slt, %iota3A, %lt3A : vector<16xi32>
      %and3A = arith.constant 16383 : i32
      %and3A_253 = vector.broadcast %and3A : i32 to vector<16xi32>
      %and3A_254 = arith.andi %get3A_251, %and3A_253 : vector<16xi32>
      %jit3A = arith.constant 0 : i32
      %broadcast_in_dim3A_255 = vector.broadcast %jit3A : i32 to vector<16xi32>
      %select_n3A = arith.select %lt3A_252, %and3A_254, %broadcast_in_dim3A_255 : vector<16xi1>, vector<16xi32>
      %swap3A = arith.constant 0 : index
      %swap3A_256 = tpu.vector_load %arg17[%swap3A] {strides = array<i32>} : memref<16xi32, #tpu.memory_space<vmem>>, vector<16xi32>,
      tpu.vector_store %arg17[%swap3A], %select_n3A {strides = array<i32>} : memref<16xi32, #tpu.memory_space<vmem>>, vector<16xi32>,
      %dma_start3A_257 = arith.constant 0 : i32
      %dma_start3A_258 = arith.constant 0 : i32
      %dma_start3A_259 = tpu.memref_slice %arg7[%dma_start3A_257, %dma_start3A_258] : memref<16384x32xf32, #tpu.memory_space<hbm>> -> memref<16384x32xf32, #tpu.memory_space<hbm>>
      tpu.enqueue_indirect_dma source(%dma_start3A_259 : memref<16384x32xf32, #tpu.memory_space<hbm>>) target(%arg16 : memref<16x32xf32, #tpu.memory_space<vmem>>) offsets(%arg17 : memref<16xi32, #tpu.memory_space<vmem>>) semaphore(%arg18 : memref<!tpu.dma_semaphore, #tpu.memory_space<semaphore_mem>>)
      %dma_wait3A_260 = arith.constant 0 : i32
      %dma_wait3A_261 = arith.constant 0 : i32
      %dma_wait3A_262 = tpu.memref_slice %arg7[%dma_wait3A_260, %dma_wait3A_261] : memref<16384x32xf32, #tpu.memory_space<hbm>> -> memref<16384x32xf32, #tpu.memory_space<hbm>>
      tpu.wait_indirect_dma semaphore(%arg18 : memref<!tpu.dma_semaphore, #tpu.memory_space<semaphore_mem>>) src(%dma_wait3A_262 : memref<16384x32xf32, #tpu.memory_space<hbm>>) dst(%arg16 : memref<16x32xf32, #tpu.memory_space<vmem>>)
      %add3A_263 = arith.constant 0 : i32
      %add3A_264 = arith.addi %mul3A_247, %add3A_263 : i32
      %broadcast_in_dim3A_265 = vector.broadcast %add3A_264 : i32 to vector<16xi32>
      %gather3A_266 = tpu.vector_load_idx %arg15[%broadcast_in_dim3A_208, %broadcast_in_dim3A_265] : memref<2x16384xi32, #tpu.memory_space<vmem>>[vector<16xi32>, vector<16xi32>], vector<16xi32>,
      %shift_right_arithmetic3A_267 = arith.constant 14 : i32
      %shift_right_arithmetic3A_268 = vector.broadcast %shift_right_arithmetic3A_267 : i32 to vector<16xi32>
      %shift_right_arithmetic3A_269 = arith.shrsi %gather3A_266, %shift_right_arithmetic3A_268 : vector<16xi32>
      %max3A = arith.constant 0 : i32
      %max3A_270 = vector.broadcast %max3A : i32 to vector<16xi32>
      %max3A_271 = arith.maxsi %shift_right_arithmetic3A_269, %max3A_270 : vector<16xi32>
      %min3A = arith.constant 511 : i32
      %min3A_272 = vector.broadcast %min3A : i32 to vector<16xi32>
      %min3A_273 = arith.minsi %max3A_271, %min3A_272 : vector<16xi32>
      %broadcast_in_dim3A_274 = arith.constant 0 : i32
      %broadcast_in_dim3A_275 = vector.broadcast %broadcast_in_dim3A_274 : i32 to vector<16xi32>
      %lt3A_276 = vector.broadcast %sub3A : i32 to vector<16xi32>
      %lt3A_277 = arith.cmpi slt, %broadcast_in_dim3A_275, %lt3A_276 : vector<16xi32>
      %mul3A_278 = arith.constant 32 : i32
      %mul3A_279 = vector.broadcast %mul3A_278 : i32 to vector<16xi32>
      %mul3A_280 = arith.muli %min3A_273, %mul3A_279 : vector<16xi32>
      %add3A_281 = arith.addi %mul3A_280, %iota3A : vector<16xi32>
      %add3A_282 = arith.constant 16 : i32
      %add3A_283 = vector.broadcast %add3A_282 : i32 to vector<16xi32>
      %add3A_284 = arith.addi %add3A_281, %add3A_283 : vector<16xi32>
      %gather3A_285 = tpu.vector_load_idx %arg14[%broadcast_in_dim3A_208, %min3A_273] : memref<2x512xi32, #tpu.memory_space<vmem>>[vector<16xi32>, vector<16xi32>], vector<16xi32>,
      %gather3A_286 = tpu.vector_load_idx %arg13[%broadcast_in_dim3A_208, %add3A_281] : memref<2x16384xf32, #tpu.memory_space<vmem>>[vector<16xi32>, vector<16xi32>], vector<16xf32>,
      %gather3A_287 = tpu.vector_load_idx %arg13[%broadcast_in_dim3A_208, %add3A_284] : memref<2x16384xf32, #tpu.memory_space<vmem>>[vector<16xi32>, vector<16xi32>], vector<16xf32>,
      %get3A_288 = arith.constant 0 : i32
      %get3A_289 = arith.index_cast %get3A_288 : i32 to index
      %get3A_290 = arith.constant 0 : index
      %get3A_291 = tpu.vector_load %arg16[%get3A_289, %get3A_290] {strides = array<i32>} : memref<16x32xf32, #tpu.memory_space<vmem>>, vector<16xf32>,
      %get3A_292 = arith.constant 0 : i32
      %get3A_293 = arith.index_cast %get3A_292 : i32 to index
      %get3A_294 = arith.constant 16 : index
      %get3A_295 = tpu.vector_load %arg16[%get3A_293, %get3A_294] {strides = array<i32>} : memref<16x32xf32, #tpu.memory_space<vmem>>, vector<16xf32>,
      %gt3A = arith.constant 0 : i32
      %gt3A_296 = vector.broadcast %gt3A : i32 to vector<16xi32>
      %gt3A_297 = arith.cmpi sgt, %gather3A_285, %gt3A_296 : vector<16xi32>
      %jit3A_298 = arith.constant -3.000000e+38 : f32
      %broadcast_in_dim3A_299 = vector.broadcast %jit3A_298 : f32 to vector<16xf32>
      %select_n3A_300 = arith.select %gt3A_297, %gather3A_286, %broadcast_in_dim3A_299 : vector<16xi1>, vector<16xf32>
      %max3A_301 = arith.maximumf %select_n3A_300, %get3A_291 : vector<16xf32>
      %jit3A_302 = arith.constant -3.000000e+38 : f32
      %broadcast_in_dim3A_303 = vector.broadcast %jit3A_302 : f32 to vector<16xf32>
      %select_n3A_304 = arith.select %gt3A_297, %gather3A_287, %broadcast_in_dim3A_303 : vector<16xi1>, vector<16xf32>
      %max3A_305 = arith.maximumf %select_n3A_304, %get3A_295 : vector<16xf32>
      tpu.vector_store_idx %arg13[%broadcast_in_dim3A_208, %add3A_281], %max3A_301 masked %lt3A_277 : memref<2x16384xf32, #tpu.memory_space<vmem>>[vector<16xi32>, vector<16xi32>], vector<16xf32>, vector<16xi1>
      tpu.vector_store_idx %arg13[%broadcast_in_dim3A_208, %add3A_284], %max3A_305 masked %lt3A_277 : memref<2x16384xf32, #tpu.memory_space<vmem>>[vector<16xi32>, vector<16xi32>], vector<16xf32>, vector<16xi1>
      tpu.vector_store_idx %arg14[%broadcast_in_dim3A_208, %min3A_273], %broadcast_in_dim3A_210 masked %lt3A_277 : memref<2x512xi32, #tpu.memory_space<vmem>>[vector<16xi32>, vector<16xi32>], vector<16xi32>, vector<16xi1>
      %add3A_306 = arith.constant 1 : i32
      %add3A_307 = arith.addi %mul3A_247, %add3A_306 : i32
      %broadcast_in_dim3A_308 = vector.broadcast %add3A_307 : i32 to vector<16xi32>
      %gather3A_309 = tpu.vector_load_idx %arg15[%broadcast_in_dim3A_208, %broadcast_in_dim3A_308] : memref<2x16384xi32, #tpu.memory_space<vmem>>[vector<16xi32>, vector<16xi32>], vector<16xi32>,
      %shift_right_arithmetic3A_310 = arith.constant 14 : i32
      %shift_right_arithmetic3A_311 = vector.broadcast %shift_right_arithmetic3A_310 : i32 to vector<16xi32>
      %shift_right_arithmetic3A_312 = arith.shrsi %gather3A_309, %shift_right_arithmetic3A_311 : vector<16xi32>
      %max3A_313 = arith.constant 0 : i32
      %max3A_314 = vector.broadcast %max3A_313 : i32 to vector<16xi32>
      %max3A_315 = arith.maxsi %shift_right_arithmetic3A_312, %max3A_314 : vector<16xi32>
      %min3A_316 = arith.constant 511 : i32
      %min3A_317 = vector.broadcast %min3A_316 : i32 to vector<16xi32>
      %min3A_318 = arith.minsi %max3A_315, %min3A_317 : vector<16xi32>
      %broadcast_in_dim3A_319 = arith.constant 1 : i32
      %broadcast_in_dim3A_320 = vector.broadcast %broadcast_in_dim3A_319 : i32 to vector<16xi32>
      %lt3A_321 = vector.broadcast %sub3A : i32 to vector<16xi32>
      %lt3A_322 = arith.cmpi slt, %broadcast_in_dim3A_320, %lt3A_321 : vector<16xi32>
      %mul3A_323 = arith.constant 32 : i32
      %mul3A_324 = vector.broadcast %mul3A_323 : i32 to vector<16xi32>
      %mul3A_325 = arith.muli %min3A_318, %mul3A_324 : vector<16xi32>
      %add3A_326 = arith.addi %mul3A_325, %iota3A : vector<16xi32>
      %add3A_327 = arith.constant 16 : i32
      %add3A_328 = vector.broadcast %add3A_327 : i32 to vector<16xi32>
      %add3A_329 = arith.addi %add3A_326, %add3A_328 : vector<16xi32>
      %gather3A_330 = tpu.vector_load_idx %arg14[%broadcast_in_dim3A_208, %min3A_318] : memref<2x512xi32, #tpu.memory_space<vmem>>[vector<16xi32>, vector<16xi32>], vector<16xi32>,
      %gather3A_331 = tpu.vector_load_idx %arg13[%broadcast_in_dim3A_208, %add3A_326] : memref<2x16384xf32, #tpu.memory_space<vmem>>[vector<16xi32>, vector<16xi32>], vector<16xf32>,
      %gather3A_332 = tpu.vector_load_idx %arg13[%broadcast_in_dim3A_208, %add3A_329] : memref<2x16384xf32, #tpu.memory_space<vmem>>[vector<16xi32>, vector<16xi32>], vector<16xf32>,
      %get3A_333 = arith.constant 1 : i32
      %get3A_334 = arith.index_cast %get3A_333 : i32 to index
      %get3A_335 = arith.constant 0 : index
      %get3A_336 = tpu.vector_load %arg16[%get3A_334, %get3A_335] {strides = array<i32>} : memref<16x32xf32, #tpu.memory_space<vmem>>, vector<16xf32>,
      %get3A_337 = arith.constant 1 : i32
      %get3A_338 = arith.index_cast %get3A_337 : i32 to index
      %get3A_339 = arith.constant 16 : index
      %get3A_340 = tpu.vector_load %arg16[%get3A_338, %get3A_339] {strides = array<i32>} : memref<16x32xf32, #tpu.memory_space<vmem>>, vector<16xf32>,
      %gt3A_341 = arith.constant 0 : i32
      %gt3A_342 = vector.broadcast %gt3A_341 : i32 to vector<16xi32>
      %gt3A_343 = arith.cmpi sgt, %gather3A_330, %gt3A_342 : vector<16xi32>
      %jit3A_344 = arith.constant -3.000000e+38 : f32
      %broadcast_in_dim3A_345 = vector.broadcast %jit3A_344 : f32 to vector<16xf32>
      %select_n3A_346 = arith.select %gt3A_343, %gather3A_331, %broadcast_in_dim3A_345 : vector<16xi1>, vector<16xf32>
      %max3A_347 = arith.maximumf %select_n3A_346, %get3A_336 : vector<16xf32>
      %jit3A_348 = arith.constant -3.000000e+38 : f32
      %broadcast_in_dim3A_349 = vector.broadcast %jit3A_348 : f32 to vector<16xf32>
      %select_n3A_350 = arith.select %gt3A_343, %gather3A_332, %broadcast_in_dim3A_349 : vector<16xi1>, vector<16xf32>
      %max3A_351 = arith.maximumf %select_n3A_350, %get3A_340 : vector<16xf32>
      tpu.vector_store_idx %arg13[%broadcast_in_dim3A_208, %add3A_326], %max3A_347 masked %lt3A_322 : memref<2x16384xf32, #tpu.memory_space<vmem>>[vector<16xi32>, vector<16xi32>], vector<16xf32>, vector<16xi1>
      tpu.vector_store_idx %arg13[%broadcast_in_dim3A_208, %add3A_329], %max3A_351 masked %lt3A_322 : memref<2x16384xf32, #tpu.memory_space<vmem>>[vector<16xi32>, vector<16xi32>], vector<16xf32>, vector<16xi1>
      tpu.vector_store_idx %arg14[%broadcast_in_dim3A_208, %min3A_318], %broadcast_in_dim3A_210 masked %lt3A_322 : memref<2x512xi32, #tpu.memory_space<vmem>>[vector<16xi32>, vector<16xi32>], vector<16xi32>, vector<16xi1>
      %add3A_352 = arith.constant 2 : i32
      %add3A_353 = arith.addi %mul3A_247, %add3A_352 : i32
      %broadcast_in_dim3A_354 = vector.broadcast %add3A_353 : i32 to vector<16xi32>
      %gather3A_355 = tpu.vector_load_idx %arg15[%broadcast_in_dim3A_208, %broadcast_in_dim3A_354] : memref<2x16384xi32, #tpu.memory_space<vmem>>[vector<16xi32>, vector<16xi32>], vector<16xi32>,
      %shift_right_arithmetic3A_356 = arith.constant 14 : i32
      %shift_right_arithmetic3A_357 = vector.broadcast %shift_right_arithmetic3A_356 : i32 to vector<16xi32>
      %shift_right_arithmetic3A_358 = arith.shrsi %gather3A_355, %shift_right_arithmetic3A_357 : vector<16xi32>
      %max3A_359 = arith.constant 0 : i32
      %max3A_360 = vector.broadcast %max3A_359 : i32 to vector<16xi32>
      %max3A_361 = arith.maxsi %shift_right_arithmetic3A_358, %max3A_360 : vector<16xi32>
      %min3A_362 = arith.constant 511 : i32
      %min3A_363 = vector.broadcast %min3A_362 : i32 to vector<16xi32>
      %min3A_364 = arith.minsi %max3A_361, %min3A_363 : vector<16xi32>
      %broadcast_in_dim3A_365 = arith.constant 2 : i32
      %broadcast_in_dim3A_366 = vector.broadcast %broadcast_in_dim3A_365 : i32 to vector<16xi32>
      %lt3A_367 = vector.broadcast %sub3A : i32 to vector<16xi32>
      %lt3A_368 = arith.cmpi slt, %broadcast_in_dim3A_366, %lt3A_367 : vector<16xi32>
      %mul3A_369 = arith.constant 32 : i32
      %mul3A_370 = vector.broadcast %mul3A_369 : i32 to vector<16xi32>
      %mul3A_371 = arith.muli %min3A_364, %mul3A_370 : vector<16xi32>
      %add3A_372 = arith.addi %mul3A_371, %iota3A : vector<16xi32>
      %add3A_373 = arith.constant 16 : i32
      %add3A_374 = vector.broadcast %add3A_373 : i32 to vector<16xi32>
      %add3A_375 = arith.addi %add3A_372, %add3A_374 : vector<16xi32>
      %gather3A_376 = tpu.vector_load_idx %arg14[%broadcast_in_dim3A_208, %min3A_364] : memref<2x512xi32, #tpu.memory_space<vmem>>[vector<16xi32>, vector<16xi32>], vector<16xi32>,
      %gather3A_377 = tpu.vector_load_idx %arg13[%broadcast_in_dim3A_208, %add3A_372] : memref<2x16384xf32, #tpu.memory_space<vmem>>[vector<16xi32>, vector<16xi32>], vector<16xf32>,
      %gather3A_378 = tpu.vector_load_idx %arg13[%broadcast_in_dim3A_208, %add3A_375] : memref<2x16384xf32, #tpu.memory_space<vmem>>[vector<16xi32>, vector<16xi32>], vector<16xf32>,
      %get3A_379 = arith.constant 2 : i32
      %get3A_380 = arith.index_cast %get3A_379 : i32 to index
      %get3A_381 = arith.constant 0 : index
      %get3A_382 = tpu.vector_load %arg16[%get3A_380, %get3A_381] {strides = array<i32>} : memref<16x32xf32, #tpu.memory_space<vmem>>, vector<16xf32>,
      %get3A_383 = arith.constant 2 : i32
      %get3A_384 = arith.index_cast %get3A_383 : i32 to index
      %get3A_385 = arith.constant 16 : index
      %get3A_386 = tpu.vector_load %arg16[%get3A_384, %get3A_385] {strides = array<i32>} : memref<16x32xf32, #tpu.memory_space<vmem>>, vector<16xf32>,
      %gt3A_387 = arith.constant 0 : i32
      %gt3A_388 = vector.broadcast %gt3A_387 : i32 to vector<16xi32>
      %gt3A_389 = arith.cmpi sgt, %gather3A_376, %gt3A_388 : vector<16xi32>
      %jit3A_390 = arith.constant -3.000000e+38 : f32
      %broadcast_in_dim3A_391 = vector.broadcast %jit3A_390 : f32 to vector<16xf32>
      %select_n3A_392 = arith.select %gt3A_389, %gather3A_377, %broadcast_in_dim3A_391 : vector<16xi1>, vector<16xf32>
      %max3A_393 = arith.maximumf %select_n3A_392, %get3A_382 : vector<16xf32>
      %jit3A_394 = arith.constant -3.000000e+38 : f32
      %broadcast_in_dim3A_395 = vector.broadcast %jit3A_394 : f32 to vector<16xf32>
      %select_n3A_396 = arith.select %gt3A_389, %gather3A_378, %broadcast_in_dim3A_395 : vector<16xi1>, vector<16xf32>
      %max3A_397 = arith.maximumf %select_n3A_396, %get3A_386 : vector<16xf32>
      tpu.vector_store_idx %arg13[%broadcast_in_dim3A_208, %add3A_372], %max3A_393 masked %lt3A_368 : memref<2x16384xf32, #tpu.memory_space<vmem>>[vector<16xi32>, vector<16xi32>], vector<16xf32>, vector<16xi1>
      tpu.vector_store_idx %arg13[%broadcast_in_dim3A_208, %add3A_375], %max3A_397 masked %lt3A_368 : memref<2x16384xf32, #tpu.memory_space<vmem>>[vector<16xi32>, vector<16xi32>], vector<16xf32>, vector<16xi1>
      tpu.vector_store_idx %arg14[%broadcast_in_dim3A_208, %min3A_364], %broadcast_in_dim3A_210 masked %lt3A_368 : memref<2x512xi32, #tpu.memory_space<vmem>>[vector<16xi32>, vector<16xi32>], vector<16xi32>, vector<16xi1>
      %add3A_398 = arith.constant 3 : i32
      %add3A_399 = arith.addi %mul3A_247, %add3A_398 : i32
      %broadcast_in_dim3A_400 = vector.broadcast %add3A_399 : i32 to vector<16xi32>
      %gather3A_401 = tpu.vector_load_idx %arg15[%broadcast_in_dim3A_208, %broadcast_in_dim3A_400] : memref<2x16384xi32, #tpu.memory_space<vmem>>[vector<16xi32>, vector<16xi32>], vector<16xi32>,
      %shift_right_arithmetic3A_402 = arith.constant 14 : i32
      %shift_right_arithmetic3A_403 = vector.broadcast %shift_right_arithmetic3A_402 : i32 to vector<16xi32>
      %shift_right_arithmetic3A_404 = arith.shrsi %gather3A_401, %shift_right_arithmetic3A_403 : vector<16xi32>
      %max3A_405 = arith.constant 0 : i32
      %max3A_406 = vector.broadcast %max3A_405 : i32 to vector<16xi32>
      %max3A_407 = arith.maxsi %shift_right_arithmetic3A_404, %max3A_406 : vector<16xi32>
      %min3A_408 = arith.constant 511 : i32
      %min3A_409 = vector.broadcast %min3A_408 : i32 to vector<16xi32>
      %min3A_410 = arith.minsi %max3A_407, %min3A_409 : vector<16xi32>
      %broadcast_in_dim3A_411 = arith.constant 3 : i32
      %broadcast_in_dim3A_412 = vector.broadcast %broadcast_in_dim3A_411 : i32 to vector<16xi32>
      %lt3A_413 = vector.broadcast %sub3A : i32 to vector<16xi32>
      %lt3A_414 = arith.cmpi slt, %broadcast_in_dim3A_412, %lt3A_413 : vector<16xi32>
      %mul3A_415 = arith.constant 32 : i32
      %mul3A_416 = vector.broadcast %mul3A_415 : i32 to vector<16xi32>
      %mul3A_417 = arith.muli %min3A_410, %mul3A_416 : vector<16xi32>
      %add3A_418 = arith.addi %mul3A_417, %iota3A : vector<16xi32>
      %add3A_419 = arith.constant 16 : i32
      %add3A_420 = vector.broadcast %add3A_419 : i32 to vector<16xi32>
      %add3A_421 = arith.addi %add3A_418, %add3A_420 : vector<16xi32>
      %gather3A_422 = tpu.vector_load_idx %arg14[%broadcast_in_dim3A_208, %min3A_410] : memref<2x512xi32, #tpu.memory_space<vmem>>[vector<16xi32>, vector<16xi32>], vector<16xi32>,
      %gather3A_423 = tpu.vector_load_idx %arg13[%broadcast_in_dim3A_208, %add3A_418] : memref<2x16384xf32, #tpu.memory_space<vmem>>[vector<16xi32>, vector<16xi32>], vector<16xf32>,
      %gather3A_424 = tpu.vector_load_idx %arg13[%broadcast_in_dim3A_208, %add3A_421] : memref<2x16384xf32, #tpu.memory_space<vmem>>[vector<16xi32>, vector<16xi32>], vector<16xf32>,
      %get3A_425 = arith.constant 3 : i32
      %get3A_426 = arith.index_cast %get3A_425 : i32 to index
      %get3A_427 = arith.constant 0 : index
      %get3A_428 = tpu.vector_load %arg16[%get3A_426, %get3A_427] {strides = array<i32>} : memref<16x32xf32, #tpu.memory_space<vmem>>, vector<16xf32>,
      %get3A_429 = arith.constant 3 : i32
      %get3A_430 = arith.index_cast %get3A_429 : i32 to index
      %get3A_431 = arith.constant 16 : index
      %get3A_432 = tpu.vector_load %arg16[%get3A_430, %get3A_431] {strides = array<i32>} : memref<16x32xf32, #tpu.memory_space<vmem>>, vector<16xf32>,
      %gt3A_433 = arith.constant 0 : i32
      %gt3A_434 = vector.broadcast %gt3A_433 : i32 to vector<16xi32>
      %gt3A_435 = arith.cmpi sgt, %gather3A_422, %gt3A_434 : vector<16xi32>
      %jit3A_436 = arith.constant -3.000000e+38 : f32
      %broadcast_in_dim3A_437 = vector.broadcast %jit3A_436 : f32 to vector<16xf32>
      %select_n3A_438 = arith.select %gt3A_435, %gather3A_423, %broadcast_in_dim3A_437 : vector<16xi1>, vector<16xf32>
      %max3A_439 = arith.maximumf %select_n3A_438, %get3A_428 : vector<16xf32>
      %jit3A_440 = arith.constant -3.000000e+38 : f32
      %broadcast_in_dim3A_441 = vector.broadcast %jit3A_440 : f32 to vector<16xf32>
      %select_n3A_442 = arith.select %gt3A_435, %gather3A_424, %broadcast_in_dim3A_441 : vector<16xi1>, vector<16xf32>
      %max3A_443 = arith.maximumf %select_n3A_442, %get3A_432 : vector<16xf32>
      tpu.vector_store_idx %arg13[%broadcast_in_dim3A_208, %add3A_418], %max3A_439 masked %lt3A_414 : memref<2x16384xf32, #tpu.memory_space<vmem>>[vector<16xi32>, vector<16xi32>], vector<16xf32>, vector<16xi1>
      tpu.vector_store_idx %arg13[%broadcast_in_dim3A_208, %add3A_421], %max3A_443 masked %lt3A_414 : memref<2x16384xf32, #tpu.memory_space<vmem>>[vector<16xi32>, vector<16xi32>], vector<16xf32>, vector<16xi1>
      tpu.vector_store_idx %arg14[%broadcast_in_dim3A_208, %min3A_410], %broadcast_in_dim3A_210 masked %lt3A_414 : memref<2x512xi32, #tpu.memory_space<vmem>>[vector<16xi32>, vector<16xi32>], vector<16xi32>, vector<16xi1>
      %add3A_444 = arith.constant 4 : i32
      %add3A_445 = arith.addi %mul3A_247, %add3A_444 : i32
      %broadcast_in_dim3A_446 = vector.broadcast %add3A_445 : i32 to vector<16xi32>
      %gather3A_447 = tpu.vector_load_idx %arg15[%broadcast_in_dim3A_208, %broadcast_in_dim3A_446] : memref<2x16384xi32, #tpu.memory_space<vmem>>[vector<16xi32>, vector<16xi32>], vector<16xi32>,
      %shift_right_arithmetic3A_448 = arith.constant 14 : i32
      %shift_right_arithmetic3A_449 = vector.broadcast %shift_right_arithmetic3A_448 : i32 to vector<16xi32>
      %shift_right_arithmetic3A_450 = arith.shrsi %gather3A_447, %shift_right_arithmetic3A_449 : vector<16xi32>
      %max3A_451 = arith.constant 0 : i32
      %max3A_452 = vector.broadcast %max3A_451 : i32 to vector<16xi32>
      %max3A_453 = arith.maxsi %shift_right_arithmetic3A_450, %max3A_452 : vector<16xi32>
      %min3A_454 = arith.constant 511 : i32
      %min3A_455 = vector.broadcast %min3A_454 : i32 to vector<16xi32>
      %min3A_456 = arith.minsi %max3A_453, %min3A_455 : vector<16xi32>
      %broadcast_in_dim3A_457 = arith.constant 4 : i32
      %broadcast_in_dim3A_458 = vector.broadcast %broadcast_in_dim3A_457 : i32 to vector<16xi32>
      %lt3A_459 = vector.broadcast %sub3A : i32 to vector<16xi32>
      %lt3A_460 = arith.cmpi slt, %broadcast_in_dim3A_458, %lt3A_459 : vector<16xi32>
      %mul3A_461 = arith.constant 32 : i32
      %mul3A_462 = vector.broadcast %mul3A_461 : i32 to vector<16xi32>
      %mul3A_463 = arith.muli %min3A_456, %mul3A_462 : vector<16xi32>
      %add3A_464 = arith.addi %mul3A_463, %iota3A : vector<16xi32>
      %add3A_465 = arith.constant 16 : i32
      %add3A_466 = vector.broadcast %add3A_465 : i32 to vector<16xi32>
      %add3A_467 = arith.addi %add3A_464, %add3A_466 : vector<16xi32>
      %gather3A_468 = tpu.vector_load_idx %arg14[%broadcast_in_dim3A_208, %min3A_456] : memref<2x512xi32, #tpu.memory_space<vmem>>[vector<16xi32>, vector<16xi32>], vector<16xi32>,
      %gather3A_469 = tpu.vector_load_idx %arg13[%broadcast_in_dim3A_208, %add3A_464] : memref<2x16384xf32, #tpu.memory_space<vmem>>[vector<16xi32>, vector<16xi32>], vector<16xf32>,
      %gather3A_470 = tpu.vector_load_idx %arg13[%broadcast_in_dim3A_208, %add3A_467] : memref<2x16384xf32, #tpu.memory_space<vmem>>[vector<16xi32>, vector<16xi32>], vector<16xf32>,
      %get3A_471 = arith.constant 4 : i32
      %get3A_472 = arith.index_cast %get3A_471 : i32 to index
      %get3A_473 = arith.constant 0 : index
      %get3A_474 = tpu.vector_load %arg16[%get3A_472, %get3A_473] {strides = array<i32>} : memref<16x32xf32, #tpu.memory_space<vmem>>, vector<16xf32>,
      %get3A_475 = arith.constant 4 : i32
      %get3A_476 = arith.index_cast %get3A_475 : i32 to index
      %get3A_477 = arith.constant 16 : index
      %get3A_478 = tpu.vector_load %arg16[%get3A_476, %get3A_477] {strides = array<i32>} : memref<16x32xf32, #tpu.memory_space<vmem>>, vector<16xf32>,
      %gt3A_479 = arith.constant 0 : i32
      %gt3A_480 = vector.broadcast %gt3A_479 : i32 to vector<16xi32>
      %gt3A_481 = arith.cmpi sgt, %gather3A_468, %gt3A_480 : vector<16xi32>
      %jit3A_482 = arith.constant -3.000000e+38 : f32
      %broadcast_in_dim3A_483 = vector.broadcast %jit3A_482 : f32 to vector<16xf32>
      %select_n3A_484 = arith.select %gt3A_481, %gather3A_469, %broadcast_in_dim3A_483 : vector<16xi1>, vector<16xf32>
      %max3A_485 = arith.maximumf %select_n3A_484, %get3A_474 : vector<16xf32>
      %jit3A_486 = arith.constant -3.000000e+38 : f32
      %broadcast_in_dim3A_487 = vector.broadcast %jit3A_486 : f32 to vector<16xf32>
      %select_n3A_488 = arith.select %gt3A_481, %gather3A_470, %broadcast_in_dim3A_487 : vector<16xi1>, vector<16xf32>
      %max3A_489 = arith.maximumf %select_n3A_488, %get3A_478 : vector<16xf32>
      tpu.vector_store_idx %arg13[%broadcast_in_dim3A_208, %add3A_464], %max3A_485 masked %lt3A_460 : memref<2x16384xf32, #tpu.memory_space<vmem>>[vector<16xi32>, vector<16xi32>], vector<16xf32>, vector<16xi1>
      tpu.vector_store_idx %arg13[%broadcast_in_dim3A_208, %add3A_467], %max3A_489 masked %lt3A_460 : memref<2x16384xf32, #tpu.memory_space<vmem>>[vector<16xi32>, vector<16xi32>], vector<16xf32>, vector<16xi1>
      tpu.vector_store_idx %arg14[%broadcast_in_dim3A_208, %min3A_456], %broadcast_in_dim3A_210 masked %lt3A_460 : memref<2x512xi32, #tpu.memory_space<vmem>>[vector<16xi32>, vector<16xi32>], vector<16xi32>, vector<16xi1>
      %add3A_490 = arith.constant 5 : i32
      %add3A_491 = arith.addi %mul3A_247, %add3A_490 : i32
      %broadcast_in_dim3A_492 = vector.broadcast %add3A_491 : i32 to vector<16xi32>
      %gather3A_493 = tpu.vector_load_idx %arg15[%broadcast_in_dim3A_208, %broadcast_in_dim3A_492] : memref<2x16384xi32, #tpu.memory_space<vmem>>[vector<16xi32>, vector<16xi32>], vector<16xi32>,
      %shift_right_arithmetic3A_494 = arith.constant 14 : i32
      %shift_right_arithmetic3A_495 = vector.broadcast %shift_right_arithmetic3A_494 : i32 to vector<16xi32>
      %shift_right_arithmetic3A_496 = arith.shrsi %gather3A_493, %shift_right_arithmetic3A_495 : vector<16xi32>
      %max3A_497 = arith.constant 0 : i32
      %max3A_498 = vector.broadcast %max3A_497 : i32 to vector<16xi32>
      %max3A_499 = arith.maxsi %shift_right_arithmetic3A_496, %max3A_498 : vector<16xi32>
      %min3A_500 = arith.constant 511 : i32
      %min3A_501 = vector.broadcast %min3A_500 : i32 to vector<16xi32>
      %min3A_502 = arith.minsi %max3A_499, %min3A_501 : vector<16xi32>
      %broadcast_in_dim3A_503 = arith.constant 5 : i32
      %broadcast_in_dim3A_504 = vector.broadcast %broadcast_in_dim3A_503 : i32 to vector<16xi32>
      %lt3A_505 = vector.broadcast %sub3A : i32 to vector<16xi32>
      %lt3A_506 = arith.cmpi slt, %broadcast_in_dim3A_504, %lt3A_505 : vector<16xi32>
      %mul3A_507 = arith.constant 32 : i32
      %mul3A_508 = vector.broadcast %mul3A_507 : i32 to vector<16xi32>
      %mul3A_509 = arith.muli %min3A_502, %mul3A_508 : vector<16xi32>
      %add3A_510 = arith.addi %mul3A_509, %iota3A : vector<16xi32>
      %add3A_511 = arith.constant 16 : i32
      %add3A_512 = vector.broadcast %add3A_511 : i32 to vector<16xi32>
      %add3A_513 = arith.addi %add3A_510, %add3A_512 : vector<16xi32>
      %gather3A_514 = tpu.vector_load_idx %arg14[%broadcast_in_dim3A_208, %min3A_502] : memref<2x512xi32, #tpu.memory_space<vmem>>[vector<16xi32>, vector<16xi32>], vector<16xi32>,
      %gather3A_515 = tpu.vector_load_idx %arg13[%broadcast_in_dim3A_208, %add3A_510] : memref<2x16384xf32, #tpu.memory_space<vmem>>[vector<16xi32>, vector<16xi32>], vector<16xf32>,
      %gather3A_516 = tpu.vector_load_idx %arg13[%broadcast_in_dim3A_208, %add3A_513] : memref<2x16384xf32, #tpu.memory_space<vmem>>[vector<16xi32>, vector<16xi32>], vector<16xf32>,
      %get3A_517 = arith.constant 5 : i32
      %get3A_518 = arith.index_cast %get3A_517 : i32 to index
      %get3A_519 = arith.constant 0 : index
      %get3A_520 = tpu.vector_load %arg16[%get3A_518, %get3A_519] {strides = array<i32>} : memref<16x32xf32, #tpu.memory_space<vmem>>, vector<16xf32>,
      %get3A_521 = arith.constant 5 : i32
      %get3A_522 = arith.index_cast %get3A_521 : i32 to index
      %get3A_523 = arith.constant 16 : index
      %get3A_524 = tpu.vector_load %arg16[%get3A_522, %get3A_523] {strides = array<i32>} : memref<16x32xf32, #tpu.memory_space<vmem>>, vector<16xf32>,
      %gt3A_525 = arith.constant 0 : i32
      %gt3A_526 = vector.broadcast %gt3A_525 : i32 to vector<16xi32>
      %gt3A_527 = arith.cmpi sgt, %gather3A_514, %gt3A_526 : vector<16xi32>
      %jit3A_528 = arith.constant -3.000000e+38 : f32
      %broadcast_in_dim3A_529 = vector.broadcast %jit3A_528 : f32 to vector<16xf32>
      %select_n3A_530 = arith.select %gt3A_527, %gather3A_515, %broadcast_in_dim3A_529 : vector<16xi1>, vector<16xf32>
      %max3A_531 = arith.maximumf %select_n3A_530, %get3A_520 : vector<16xf32>
      %jit3A_532 = arith.constant -3.000000e+38 : f32
      %broadcast_in_dim3A_533 = vector.broadcast %jit3A_532 : f32 to vector<16xf32>
      %select_n3A_534 = arith.select %gt3A_527, %gather3A_516, %broadcast_in_dim3A_533 : vector<16xi1>, vector<16xf32>
      %max3A_535 = arith.maximumf %select_n3A_534, %get3A_524 : vector<16xf32>
      tpu.vector_store_idx %arg13[%broadcast_in_dim3A_208, %add3A_510], %max3A_531 masked %lt3A_506 : memref<2x16384xf32, #tpu.memory_space<vmem>>[vector<16xi32>, vector<16xi32>], vector<16xf32>, vector<16xi1>
      tpu.vector_store_idx %arg13[%broadcast_in_dim3A_208, %add3A_513], %max3A_535 masked %lt3A_506 : memref<2x16384xf32, #tpu.memory_space<vmem>>[vector<16xi32>, vector<16xi32>], vector<16xf32>, vector<16xi1>
      tpu.vector_store_idx %arg14[%broadcast_in_dim3A_208, %min3A_502], %broadcast_in_dim3A_210 masked %lt3A_506 : memref<2x512xi32, #tpu.memory_space<vmem>>[vector<16xi32>, vector<16xi32>], vector<16xi32>, vector<16xi1>
      %add3A_536 = arith.constant 6 : i32
      %add3A_537 = arith.addi %mul3A_247, %add3A_536 : i32
      %broadcast_in_dim3A_538 = vector.broadcast %add3A_537 : i32 to vector<16xi32>
      %gather3A_539 = tpu.vector_load_idx %arg15[%broadcast_in_dim3A_208, %broadcast_in_dim3A_538] : memref<2x16384xi32, #tpu.memory_space<vmem>>[vector<16xi32>, vector<16xi32>], vector<16xi32>,
      %shift_right_arithmetic3A_540 = arith.constant 14 : i32
      %shift_right_arithmetic3A_541 = vector.broadcast %shift_right_arithmetic3A_540 : i32 to vector<16xi32>
      %shift_right_arithmetic3A_542 = arith.shrsi %gather3A_539, %shift_right_arithmetic3A_541 : vector<16xi32>
      %max3A_543 = arith.constant 0 : i32
      %max3A_544 = vector.broadcast %max3A_543 : i32 to vector<16xi32>
      %max3A_545 = arith.maxsi %shift_right_arithmetic3A_542, %max3A_544 : vector<16xi32>
      %min3A_546 = arith.constant 511 : i32
      %min3A_547 = vector.broadcast %min3A_546 : i32 to vector<16xi32>
      %min3A_548 = arith.minsi %max3A_545, %min3A_547 : vector<16xi32>
      %broadcast_in_dim3A_549 = arith.constant 6 : i32
      %broadcast_in_dim3A_550 = vector.broadcast %broadcast_in_dim3A_549 : i32 to vector<16xi32>
      %lt3A_551 = vector.broadcast %sub3A : i32 to vector<16xi32>
      %lt3A_552 = arith.cmpi slt, %broadcast_in_dim3A_550, %lt3A_551 : vector<16xi32>
      %mul3A_553 = arith.constant 32 : i32
      %mul3A_554 = vector.broadcast %mul3A_553 : i32 to vector<16xi32>
      %mul3A_555 = arith.muli %min3A_548, %mul3A_554 : vector<16xi32>
      %add3A_556 = arith.addi %mul3A_555, %iota3A : vector<16xi32>
      %add3A_557 = arith.constant 16 : i32
      %add3A_558 = vector.broadcast %add3A_557 : i32 to vector<16xi32>
      %add3A_559 = arith.addi %add3A_556, %add3A_558 : vector<16xi32>
      %gather3A_560 = tpu.vector_load_idx %arg14[%broadcast_in_dim3A_208, %min3A_548] : memref<2x512xi32, #tpu.memory_space<vmem>>[vector<16xi32>, vector<16xi32>], vector<16xi32>,
      %gather3A_561 = tpu.vector_load_idx %arg13[%broadcast_in_dim3A_208, %add3A_556] : memref<2x16384xf32, #tpu.memory_space<vmem>>[vector<16xi32>, vector<16xi32>], vector<16xf32>,
      %gather3A_562 = tpu.vector_load_idx %arg13[%broadcast_in_dim3A_208, %add3A_559] : memref<2x16384xf32, #tpu.memory_space<vmem>>[vector<16xi32>, vector<16xi32>], vector<16xf32>,
      %get3A_563 = arith.constant 6 : i32
      %get3A_564 = arith.index_cast %get3A_563 : i32 to index
      %get3A_565 = arith.constant 0 : index
      %get3A_566 = tpu.vector_load %arg16[%get3A_564, %get3A_565] {strides = array<i32>} : memref<16x32xf32, #tpu.memory_space<vmem>>, vector<16xf32>,
      %get3A_567 = arith.constant 6 : i32
      %get3A_568 = arith.index_cast %get3A_567 : i32 to index
      %get3A_569 = arith.constant 16 : index
      %get3A_570 = tpu.vector_load %arg16[%get3A_568, %get3A_569] {strides = array<i32>} : memref<16x32xf32, #tpu.memory_space<vmem>>, vector<16xf32>,
      %gt3A_571 = arith.constant 0 : i32
      %gt3A_572 = vector.broadcast %gt3A_571 : i32 to vector<16xi32>
      %gt3A_573 = arith.cmpi sgt, %gather3A_560, %gt3A_572 : vector<16xi32>
      %jit3A_574 = arith.constant -3.000000e+38 : f32
      %broadcast_in_dim3A_575 = vector.broadcast %jit3A_574 : f32 to vector<16xf32>
      %select_n3A_576 = arith.select %gt3A_573, %gather3A_561, %broadcast_in_dim3A_575 : vector<16xi1>, vector<16xf32>
      %max3A_577 = arith.maximumf %select_n3A_576, %get3A_566 : vector<16xf32>
      %jit3A_578 = arith.constant -3.000000e+38 : f32
      %broadcast_in_dim3A_579 = vector.broadcast %jit3A_578 : f32 to vector<16xf32>
      %select_n3A_580 = arith.select %gt3A_573, %gather3A_562, %broadcast_in_dim3A_579 : vector<16xi1>, vector<16xf32>
      %max3A_581 = arith.maximumf %select_n3A_580, %get3A_570 : vector<16xf32>
      tpu.vector_store_idx %arg13[%broadcast_in_dim3A_208, %add3A_556], %max3A_577 masked %lt3A_552 : memref<2x16384xf32, #tpu.memory_space<vmem>>[vector<16xi32>, vector<16xi32>], vector<16xf32>, vector<16xi1>
      tpu.vector_store_idx %arg13[%broadcast_in_dim3A_208, %add3A_559], %max3A_581 masked %lt3A_552 : memref<2x16384xf32, #tpu.memory_space<vmem>>[vector<16xi32>, vector<16xi32>], vector<16xf32>, vector<16xi1>
      tpu.vector_store_idx %arg14[%broadcast_in_dim3A_208, %min3A_548], %broadcast_in_dim3A_210 masked %lt3A_552 : memref<2x512xi32, #tpu.memory_space<vmem>>[vector<16xi32>, vector<16xi32>], vector<16xi32>, vector<16xi1>
      %add3A_582 = arith.constant 7 : i32
      %add3A_583 = arith.addi %mul3A_247, %add3A_582 : i32
      %broadcast_in_dim3A_584 = vector.broadcast %add3A_583 : i32 to vector<16xi32>
      %gather3A_585 = tpu.vector_load_idx %arg15[%broadcast_in_dim3A_208, %broadcast_in_dim3A_584] : memref<2x16384xi32, #tpu.memory_space<vmem>>[vector<16xi32>, vector<16xi32>], vector<16xi32>,
      %shift_right_arithmetic3A_586 = arith.constant 14 : i32
      %shift_right_arithmetic3A_587 = vector.broadcast %shift_right_arithmetic3A_586 : i32 to vector<16xi32>
      %shift_right_arithmetic3A_588 = arith.shrsi %gather3A_585, %shift_right_arithmetic3A_587 : vector<16xi32>
      %max3A_589 = arith.constant 0 : i32
      %max3A_590 = vector.broadcast %max3A_589 : i32 to vector<16xi32>
      %max3A_591 = arith.maxsi %shift_right_arithmetic3A_588, %max3A_590 : vector<16xi32>
      %min3A_592 = arith.constant 511 : i32
      %min3A_593 = vector.broadcast %min3A_592 : i32 to vector<16xi32>
      %min3A_594 = arith.minsi %max3A_591, %min3A_593 : vector<16xi32>
      %broadcast_in_dim3A_595 = arith.constant 7 : i32
      %broadcast_in_dim3A_596 = vector.broadcast %broadcast_in_dim3A_595 : i32 to vector<16xi32>
      %lt3A_597 = vector.broadcast %sub3A : i32 to vector<16xi32>
      %lt3A_598 = arith.cmpi slt, %broadcast_in_dim3A_596, %lt3A_597 : vector<16xi32>
      %mul3A_599 = arith.constant 32 : i32
      %mul3A_600 = vector.broadcast %mul3A_599 : i32 to vector<16xi32>
      %mul3A_601 = arith.muli %min3A_594, %mul3A_600 : vector<16xi32>
      %add3A_602 = arith.addi %mul3A_601, %iota3A : vector<16xi32>
      %add3A_603 = arith.constant 16 : i32
      %add3A_604 = vector.broadcast %add3A_603 : i32 to vector<16xi32>
      %add3A_605 = arith.addi %add3A_602, %add3A_604 : vector<16xi32>
      %gather3A_606 = tpu.vector_load_idx %arg14[%broadcast_in_dim3A_208, %min3A_594] : memref<2x512xi32, #tpu.memory_space<vmem>>[vector<16xi32>, vector<16xi32>], vector<16xi32>,
      %gather3A_607 = tpu.vector_load_idx %arg13[%broadcast_in_dim3A_208, %add3A_602] : memref<2x16384xf32, #tpu.memory_space<vmem>>[vector<16xi32>, vector<16xi32>], vector<16xf32>,
      %gather3A_608 = tpu.vector_load_idx %arg13[%broadcast_in_dim3A_208, %add3A_605] : memref<2x16384xf32, #tpu.memory_space<vmem>>[vector<16xi32>, vector<16xi32>], vector<16xf32>,
      %get3A_609 = arith.constant 7 : i32
      %get3A_610 = arith.index_cast %get3A_609 : i32 to index
      %get3A_611 = arith.constant 0 : index
      %get3A_612 = tpu.vector_load %arg16[%get3A_610, %get3A_611] {strides = array<i32>} : memref<16x32xf32, #tpu.memory_space<vmem>>, vector<16xf32>,
      %get3A_613 = arith.constant 7 : i32
      %get3A_614 = arith.index_cast %get3A_613 : i32 to index
      %get3A_615 = arith.constant 16 : index
      %get3A_616 = tpu.vector_load %arg16[%get3A_614, %get3A_615] {strides = array<i32>} : memref<16x32xf32, #tpu.memory_space<vmem>>, vector<16xf32>,
      %gt3A_617 = arith.constant 0 : i32
      %gt3A_618 = vector.broadcast %gt3A_617 : i32 to vector<16xi32>
      %gt3A_619 = arith.cmpi sgt, %gather3A_606, %gt3A_618 : vector<16xi32>
      %jit3A_620 = arith.constant -3.000000e+38 : f32
      %broadcast_in_dim3A_621 = vector.broadcast %jit3A_620 : f32 to vector<16xf32>
      %select_n3A_622 = arith.select %gt3A_619, %gather3A_607, %broadcast_in_dim3A_621 : vector<16xi1>, vector<16xf32>
      %max3A_623 = arith.maximumf %select_n3A_622, %get3A_612 : vector<16xf32>
      %jit3A_624 = arith.constant -3.000000e+38 : f32
      %broadcast_in_dim3A_625 = vector.broadcast %jit3A_624 : f32 to vector<16xf32>
      %select_n3A_626 = arith.select %gt3A_619, %gather3A_608, %broadcast_in_dim3A_625 : vector<16xi1>, vector<16xf32>
      %max3A_627 = arith.maximumf %select_n3A_626, %get3A_616 : vector<16xf32>
      tpu.vector_store_idx %arg13[%broadcast_in_dim3A_208, %add3A_602], %max3A_623 masked %lt3A_598 : memref<2x16384xf32, #tpu.memory_space<vmem>>[vector<16xi32>, vector<16xi32>], vector<16xf32>, vector<16xi1>
      tpu.vector_store_idx %arg13[%broadcast_in_dim3A_208, %add3A_605], %max3A_627 masked %lt3A_598 : memref<2x16384xf32, #tpu.memory_space<vmem>>[vector<16xi32>, vector<16xi32>], vector<16xf32>, vector<16xi1>
      tpu.vector_store_idx %arg14[%broadcast_in_dim3A_208, %min3A_594], %broadcast_in_dim3A_210 masked %lt3A_598 : memref<2x512xi32, #tpu.memory_space<vmem>>[vector<16xi32>, vector<16xi32>], vector<16xi32>, vector<16xi1>
      %add3A_628 = arith.constant 8 : i32
      %add3A_629 = arith.addi %mul3A_247, %add3A_628 : i32
      %broadcast_in_dim3A_630 = vector.broadcast %add3A_629 : i32 to vector<16xi32>
      %gather3A_631 = tpu.vector_load_idx %arg15[%broadcast_in_dim3A_208, %broadcast_in_dim3A_630] : memref<2x16384xi32, #tpu.memory_space<vmem>>[vector<16xi32>, vector<16xi32>], vector<16xi32>,
      %shift_right_arithmetic3A_632 = arith.constant 14 : i32
      %shift_right_arithmetic3A_633 = vector.broadcast %shift_right_arithmetic3A_632 : i32 to vector<16xi32>
      %shift_right_arithmetic3A_634 = arith.shrsi %gather3A_631, %shift_right_arithmetic3A_633 : vector<16xi32>
      %max3A_635 = arith.constant 0 : i32
      %max3A_636 = vector.broadcast %max3A_635 : i32 to vector<16xi32>
      %max3A_637 = arith.maxsi %shift_right_arithmetic3A_634, %max3A_636 : vector<16xi32>
      %min3A_638 = arith.constant 511 : i32
      %min3A_639 = vector.broadcast %min3A_638 : i32 to vector<16xi32>
      %min3A_640 = arith.minsi %max3A_637, %min3A_639 : vector<16xi32>
      %broadcast_in_dim3A_641 = arith.constant 8 : i32
      %broadcast_in_dim3A_642 = vector.broadcast %broadcast_in_dim3A_641 : i32 to vector<16xi32>
      %lt3A_643 = vector.broadcast %sub3A : i32 to vector<16xi32>
      %lt3A_644 = arith.cmpi slt, %broadcast_in_dim3A_642, %lt3A_643 : vector<16xi32>
      %mul3A_645 = arith.constant 32 : i32
      %mul3A_646 = vector.broadcast %mul3A_645 : i32 to vector<16xi32>
      %mul3A_647 = arith.muli %min3A_640, %mul3A_646 : vector<16xi32>
      %add3A_648 = arith.addi %mul3A_647, %iota3A : vector<16xi32>
      %add3A_649 = arith.constant 16 : i32
      %add3A_650 = vector.broadcast %add3A_649 : i32 to vector<16xi32>
      %add3A_651 = arith.addi %add3A_648, %add3A_650 : vector<16xi32>
      %gather3A_652 = tpu.vector_load_idx %arg14[%broadcast_in_dim3A_208, %min3A_640] : memref<2x512xi32, #tpu.memory_space<vmem>>[vector<16xi32>, vector<16xi32>], vector<16xi32>,
      %gather3A_653 = tpu.vector_load_idx %arg13[%broadcast_in_dim3A_208, %add3A_648] : memref<2x16384xf32, #tpu.memory_space<vmem>>[vector<16xi32>, vector<16xi32>], vector<16xf32>,
      %gather3A_654 = tpu.vector_load_idx %arg13[%broadcast_in_dim3A_208, %add3A_651] : memref<2x16384xf32, #tpu.memory_space<vmem>>[vector<16xi32>, vector<16xi32>], vector<16xf32>,
      %get3A_655 = arith.constant 8 : i32
      %get3A_656 = arith.index_cast %get3A_655 : i32 to index
      %get3A_657 = arith.constant 0 : index
      %get3A_658 = tpu.vector_load %arg16[%get3A_656, %get3A_657] {strides = array<i32>} : memref<16x32xf32, #tpu.memory_space<vmem>>, vector<16xf32>,
      %get3A_659 = arith.constant 8 : i32
      %get3A_660 = arith.index_cast %get3A_659 : i32 to index
      %get3A_661 = arith.constant 16 : index
      %get3A_662 = tpu.vector_load %arg16[%get3A_660, %get3A_661] {strides = array<i32>} : memref<16x32xf32, #tpu.memory_space<vmem>>, vector<16xf32>,
      %gt3A_663 = arith.constant 0 : i32
      %gt3A_664 = vector.broadcast %gt3A_663 : i32 to vector<16xi32>
      %gt3A_665 = arith.cmpi sgt, %gather3A_652, %gt3A_664 : vector<16xi32>
      %jit3A_666 = arith.constant -3.000000e+38 : f32
      %broadcast_in_dim3A_667 = vector.broadcast %jit3A_666 : f32 to vector<16xf32>
      %select_n3A_668 = arith.select %gt3A_665, %gather3A_653, %broadcast_in_dim3A_667 : vector<16xi1>, vector<16xf32>
      %max3A_669 = arith.maximumf %select_n3A_668, %get3A_658 : vector<16xf32>
      %jit3A_670 = arith.constant -3.000000e+38 : f32
      %broadcast_in_dim3A_671 = vector.broadcast %jit3A_670 : f32 to vector<16xf32>
      %select_n3A_672 = arith.select %gt3A_665, %gather3A_654, %broadcast_in_dim3A_671 : vector<16xi1>, vector<16xf32>
      %max3A_673 = arith.maximumf %select_n3A_672, %get3A_662 : vector<16xf32>
      tpu.vector_store_idx %arg13[%broadcast_in_dim3A_208, %add3A_648], %max3A_669 masked %lt3A_644 : memref<2x16384xf32, #tpu.memory_space<vmem>>[vector<16xi32>, vector<16xi32>], vector<16xf32>, vector<16xi1>
      tpu.vector_store_idx %arg13[%broadcast_in_dim3A_208, %add3A_651], %max3A_673 masked %lt3A_644 : memref<2x16384xf32, #tpu.memory_space<vmem>>[vector<16xi32>, vector<16xi32>], vector<16xf32>, vector<16xi1>
      tpu.vector_store_idx %arg14[%broadcast_in_dim3A_208, %min3A_640], %broadcast_in_dim3A_210 masked %lt3A_644 : memref<2x512xi32, #tpu.memory_space<vmem>>[vector<16xi32>, vector<16xi32>], vector<16xi32>, vector<16xi1>
      %add3A_674 = arith.constant 9 : i32
      %add3A_675 = arith.addi %mul3A_247, %add3A_674 : i32
      %broadcast_in_dim3A_676 = vector.broadcast %add3A_675 : i32 to vector<16xi32>
      %gather3A_677 = tpu.vector_load_idx %arg15[%broadcast_in_dim3A_208, %broadcast_in_dim3A_676] : memref<2x16384xi32, #tpu.memory_space<vmem>>[vector<16xi32>, vector<16xi32>], vector<16xi32>,
      %shift_right_arithmetic3A_678 = arith.constant 14 : i32
      %shift_right_arithmetic3A_679 = vector.broadcast %shift_right_arithmetic3A_678 : i32 to vector<16xi32>
      %shift_right_arithmetic3A_680 = arith.shrsi %gather3A_677, %shift_right_arithmetic3A_679 : vector<16xi32>
      %max3A_681 = arith.constant 0 : i32
      %max3A_682 = vector.broadcast %max3A_681 : i32 to vector<16xi32>
      %max3A_683 = arith.maxsi %shift_right_arithmetic3A_680, %max3A_682 : vector<16xi32>
      %min3A_684 = arith.constant 511 : i32
      %min3A_685 = vector.broadcast %min3A_684 : i32 to vector<16xi32>
      %min3A_686 = arith.minsi %max3A_683, %min3A_685 : vector<16xi32>
      %broadcast_in_dim3A_687 = arith.constant 9 : i32
      %broadcast_in_dim3A_688 = vector.broadcast %broadcast_in_dim3A_687 : i32 to vector<16xi32>
      %lt3A_689 = vector.broadcast %sub3A : i32 to vector<16xi32>
      %lt3A_690 = arith.cmpi slt, %broadcast_in_dim3A_688, %lt3A_689 : vector<16xi32>
      %mul3A_691 = arith.constant 32 : i32
      %mul3A_692 = vector.broadcast %mul3A_691 : i32 to vector<16xi32>
      %mul3A_693 = arith.muli %min3A_686, %mul3A_692 : vector<16xi32>
      %add3A_694 = arith.addi %mul3A_693, %iota3A : vector<16xi32>
      %add3A_695 = arith.constant 16 : i32
      %add3A_696 = vector.broadcast %add3A_695 : i32 to vector<16xi32>
      %add3A_697 = arith.addi %add3A_694, %add3A_696 : vector<16xi32>
      %gather3A_698 = tpu.vector_load_idx %arg14[%broadcast_in_dim3A_208, %min3A_686] : memref<2x512xi32, #tpu.memory_space<vmem>>[vector<16xi32>, vector<16xi32>], vector<16xi32>,
      %gather3A_699 = tpu.vector_load_idx %arg13[%broadcast_in_dim3A_208, %add3A_694] : memref<2x16384xf32, #tpu.memory_space<vmem>>[vector<16xi32>, vector<16xi32>], vector<16xf32>,
      %gather3A_700 = tpu.vector_load_idx %arg13[%broadcast_in_dim3A_208, %add3A_697] : memref<2x16384xf32, #tpu.memory_space<vmem>>[vector<16xi32>, vector<16xi32>], vector<16xf32>,
      %get3A_701 = arith.constant 9 : i32
      %get3A_702 = arith.index_cast %get3A_701 : i32 to index
      %get3A_703 = arith.constant 0 : index
      %get3A_704 = tpu.vector_load %arg16[%get3A_702, %get3A_703] {strides = array<i32>} : memref<16x32xf32, #tpu.memory_space<vmem>>, vector<16xf32>,
      %get3A_705 = arith.constant 9 : i32
      %get3A_706 = arith.index_cast %get3A_705 : i32 to index
      %get3A_707 = arith.constant 16 : index
      %get3A_708 = tpu.vector_load %arg16[%get3A_706, %get3A_707] {strides = array<i32>} : memref<16x32xf32, #tpu.memory_space<vmem>>, vector<16xf32>,
      %gt3A_709 = arith.constant 0 : i32
      %gt3A_710 = vector.broadcast %gt3A_709 : i32 to vector<16xi32>
      %gt3A_711 = arith.cmpi sgt, %gather3A_698, %gt3A_710 : vector<16xi32>
      %jit3A_712 = arith.constant -3.000000e+38 : f32
      %broadcast_in_dim3A_713 = vector.broadcast %jit3A_712 : f32 to vector<16xf32>
      %select_n3A_714 = arith.select %gt3A_711, %gather3A_699, %broadcast_in_dim3A_713 : vector<16xi1>, vector<16xf32>
      %max3A_715 = arith.maximumf %select_n3A_714, %get3A_704 : vector<16xf32>
      %jit3A_716 = arith.constant -3.000000e+38 : f32
      %broadcast_in_dim3A_717 = vector.broadcast %jit3A_716 : f32 to vector<16xf32>
      %select_n3A_718 = arith.select %gt3A_711, %gather3A_700, %broadcast_in_dim3A_717 : vector<16xi1>, vector<16xf32>
      %max3A_719 = arith.maximumf %select_n3A_718, %get3A_708 : vector<16xf32>
      tpu.vector_store_idx %arg13[%broadcast_in_dim3A_208, %add3A_694], %max3A_715 masked %lt3A_690 : memref<2x16384xf32, #tpu.memory_space<vmem>>[vector<16xi32>, vector<16xi32>], vector<16xf32>, vector<16xi1>
      tpu.vector_store_idx %arg13[%broadcast_in_dim3A_208, %add3A_697], %max3A_719 masked %lt3A_690 : memref<2x16384xf32, #tpu.memory_space<vmem>>[vector<16xi32>, vector<16xi32>], vector<16xf32>, vector<16xi1>
      tpu.vector_store_idx %arg14[%broadcast_in_dim3A_208, %min3A_686], %broadcast_in_dim3A_210 masked %lt3A_690 : memref<2x512xi32, #tpu.memory_space<vmem>>[vector<16xi32>, vector<16xi32>], vector<16xi32>, vector<16xi1>
      %add3A_720 = arith.constant 10 : i32
      %add3A_721 = arith.addi %mul3A_247, %add3A_720 : i32
      %broadcast_in_dim3A_722 = vector.broadcast %add3A_721 : i32 to vector<16xi32>
      %gather3A_723 = tpu.vector_load_idx %arg15[%broadcast_in_dim3A_208, %broadcast_in_dim3A_722] : memref<2x16384xi32, #tpu.memory_space<vmem>>[vector<16xi32>, vector<16xi32>], vector<16xi32>,
      %shift_right_arithmetic3A_724 = arith.constant 14 : i32
      %shift_right_arithmetic3A_725 = vector.broadcast %shift_right_arithmetic3A_724 : i32 to vector<16xi32>
      %shift_right_arithmetic3A_726 = arith.shrsi %gather3A_723, %shift_right_arithmetic3A_725 : vector<16xi32>
      %max3A_727 = arith.constant 0 : i32
      %max3A_728 = vector.broadcast %max3A_727 : i32 to vector<16xi32>
      %max3A_729 = arith.maxsi %shift_right_arithmetic3A_726, %max3A_728 : vector<16xi32>
      %min3A_730 = arith.constant 511 : i32
      %min3A_731 = vector.broadcast %min3A_730 : i32 to vector<16xi32>
      %min3A_732 = arith.minsi %max3A_729, %min3A_731 : vector<16xi32>
      %broadcast_in_dim3A_733 = arith.constant 10 : i32
      %broadcast_in_dim3A_734 = vector.broadcast %broadcast_in_dim3A_733 : i32 to vector<16xi32>
      %lt3A_735 = vector.broadcast %sub3A : i32 to vector<16xi32>
      %lt3A_736 = arith.cmpi slt, %broadcast_in_dim3A_734, %lt3A_735 : vector<16xi32>
      %mul3A_737 = arith.constant 32 : i32
      %mul3A_738 = vector.broadcast %mul3A_737 : i32 to vector<16xi32>
      %mul3A_739 = arith.muli %min3A_732, %mul3A_738 : vector<16xi32>
      %add3A_740 = arith.addi %mul3A_739, %iota3A : vector<16xi32>
      %add3A_741 = arith.constant 16 : i32
      %add3A_742 = vector.broadcast %add3A_741 : i32 to vector<16xi32>
      %add3A_743 = arith.addi %add3A_740, %add3A_742 : vector<16xi32>
      %gather3A_744 = tpu.vector_load_idx %arg14[%broadcast_in_dim3A_208, %min3A_732] : memref<2x512xi32, #tpu.memory_space<vmem>>[vector<16xi32>, vector<16xi32>], vector<16xi32>,
      %gather3A_745 = tpu.vector_load_idx %arg13[%broadcast_in_dim3A_208, %add3A_740] : memref<2x16384xf32, #tpu.memory_space<vmem>>[vector<16xi32>, vector<16xi32>], vector<16xf32>,
      %gather3A_746 = tpu.vector_load_idx %arg13[%broadcast_in_dim3A_208, %add3A_743] : memref<2x16384xf32, #tpu.memory_space<vmem>>[vector<16xi32>, vector<16xi32>], vector<16xf32>,
      %get3A_747 = arith.constant 10 : i32
      %get3A_748 = arith.index_cast %get3A_747 : i32 to index
      %get3A_749 = arith.constant 0 : index
      %get3A_750 = tpu.vector_load %arg16[%get3A_748, %get3A_749] {strides = array<i32>} : memref<16x32xf32, #tpu.memory_space<vmem>>, vector<16xf32>,
      %get3A_751 = arith.constant 10 : i32
      %get3A_752 = arith.index_cast %get3A_751 : i32 to index
      %get3A_753 = arith.constant 16 : index
      %get3A_754 = tpu.vector_load %arg16[%get3A_752, %get3A_753] {strides = array<i32>} : memref<16x32xf32, #tpu.memory_space<vmem>>, vector<16xf32>,
      %gt3A_755 = arith.constant 0 : i32
      %gt3A_756 = vector.broadcast %gt3A_755 : i32 to vector<16xi32>
      %gt3A_757 = arith.cmpi sgt, %gather3A_744, %gt3A_756 : vector<16xi32>
      %jit3A_758 = arith.constant -3.000000e+38 : f32
      %broadcast_in_dim3A_759 = vector.broadcast %jit3A_758 : f32 to vector<16xf32>
      %select_n3A_760 = arith.select %gt3A_757, %gather3A_745, %broadcast_in_dim3A_759 : vector<16xi1>, vector<16xf32>
      %max3A_761 = arith.maximumf %select_n3A_760, %get3A_750 : vector<16xf32>
      %jit3A_762 = arith.constant -3.000000e+38 : f32
      %broadcast_in_dim3A_763 = vector.broadcast %jit3A_762 : f32 to vector<16xf32>
      %select_n3A_764 = arith.select %gt3A_757, %gather3A_746, %broadcast_in_dim3A_763 : vector<16xi1>, vector<16xf32>
      %max3A_765 = arith.maximumf %select_n3A_764, %get3A_754 : vector<16xf32>
      tpu.vector_store_idx %arg13[%broadcast_in_dim3A_208, %add3A_740], %max3A_761 masked %lt3A_736 : memref<2x16384xf32, #tpu.memory_space<vmem>>[vector<16xi32>, vector<16xi32>], vector<16xf32>, vector<16xi1>
      tpu.vector_store_idx %arg13[%broadcast_in_dim3A_208, %add3A_743], %max3A_765 masked %lt3A_736 : memref<2x16384xf32, #tpu.memory_space<vmem>>[vector<16xi32>, vector<16xi32>], vector<16xf32>, vector<16xi1>
      tpu.vector_store_idx %arg14[%broadcast_in_dim3A_208, %min3A_732], %broadcast_in_dim3A_210 masked %lt3A_736 : memref<2x512xi32, #tpu.memory_space<vmem>>[vector<16xi32>, vector<16xi32>], vector<16xi32>, vector<16xi1>
      %add3A_766 = arith.constant 11 : i32
      %add3A_767 = arith.addi %mul3A_247, %add3A_766 : i32
      %broadcast_in_dim3A_768 = vector.broadcast %add3A_767 : i32 to vector<16xi32>
      %gather3A_769 = tpu.vector_load_idx %arg15[%broadcast_in_dim3A_208, %broadcast_in_dim3A_768] : memref<2x16384xi32, #tpu.memory_space<vmem>>[vector<16xi32>, vector<16xi32>], vector<16xi32>,
      %shift_right_arithmetic3A_770 = arith.constant 14 : i32
      %shift_right_arithmetic3A_771 = vector.broadcast %shift_right_arithmetic3A_770 : i32 to vector<16xi32>
      %shift_right_arithmetic3A_772 = arith.shrsi %gather3A_769, %shift_right_arithmetic3A_771 : vector<16xi32>
      %max3A_773 = arith.constant 0 : i32
      %max3A_774 = vector.broadcast %max3A_773 : i32 to vector<16xi32>
      %max3A_775 = arith.maxsi %shift_right_arithmetic3A_772, %max3A_774 : vector<16xi32>
      %min3A_776 = arith.constant 511 : i32
      %min3A_777 = vector.broadcast %min3A_776 : i32 to vector<16xi32>
      %min3A_778 = arith.minsi %max3A_775, %min3A_777 : vector<16xi32>
      %broadcast_in_dim3A_779 = arith.constant 11 : i32
      %broadcast_in_dim3A_780 = vector.broadcast %broadcast_in_dim3A_779 : i32 to vector<16xi32>
      %lt3A_781 = vector.broadcast %sub3A : i32 to vector<16xi32>
      %lt3A_782 = arith.cmpi slt, %broadcast_in_dim3A_780, %lt3A_781 : vector<16xi32>
      %mul3A_783 = arith.constant 32 : i32
      %mul3A_784 = vector.broadcast %mul3A_783 : i32 to vector<16xi32>
      %mul3A_785 = arith.muli %min3A_778, %mul3A_784 : vector<16xi32>
      %add3A_786 = arith.addi %mul3A_785, %iota3A : vector<16xi32>
      %add3A_787 = arith.constant 16 : i32
      %add3A_788 = vector.broadcast %add3A_787 : i32 to vector<16xi32>
      %add3A_789 = arith.addi %add3A_786, %add3A_788 : vector<16xi32>
      %gather3A_790 = tpu.vector_load_idx %arg14[%broadcast_in_dim3A_208, %min3A_778] : memref<2x512xi32, #tpu.memory_space<vmem>>[vector<16xi32>, vector<16xi32>], vector<16xi32>,
      %gather3A_791 = tpu.vector_load_idx %arg13[%broadcast_in_dim3A_208, %add3A_786] : memref<2x16384xf32, #tpu.memory_space<vmem>>[vector<16xi32>, vector<16xi32>], vector<16xf32>,
      %gather3A_792 = tpu.vector_load_idx %arg13[%broadcast_in_dim3A_208, %add3A_789] : memref<2x16384xf32, #tpu.memory_space<vmem>>[vector<16xi32>, vector<16xi32>], vector<16xf32>,
      %get3A_793 = arith.constant 11 : i32
      %get3A_794 = arith.index_cast %get3A_793 : i32 to index
      %get3A_795 = arith.constant 0 : index
      %get3A_796 = tpu.vector_load %arg16[%get3A_794, %get3A_795] {strides = array<i32>} : memref<16x32xf32, #tpu.memory_space<vmem>>, vector<16xf32>,
      %get3A_797 = arith.constant 11 : i32
      %get3A_798 = arith.index_cast %get3A_797 : i32 to index
      %get3A_799 = arith.constant 16 : index
      %get3A_800 = tpu.vector_load %arg16[%get3A_798, %get3A_799] {strides = array<i32>} : memref<16x32xf32, #tpu.memory_space<vmem>>, vector<16xf32>,
      %gt3A_801 = arith.constant 0 : i32
      %gt3A_802 = vector.broadcast %gt3A_801 : i32 to vector<16xi32>
      %gt3A_803 = arith.cmpi sgt, %gather3A_790, %gt3A_802 : vector<16xi32>
      %jit3A_804 = arith.constant -3.000000e+38 : f32
      %broadcast_in_dim3A_805 = vector.broadcast %jit3A_804 : f32 to vector<16xf32>
      %select_n3A_806 = arith.select %gt3A_803, %gather3A_791, %broadcast_in_dim3A_805 : vector<16xi1>, vector<16xf32>
      %max3A_807 = arith.maximumf %select_n3A_806, %get3A_796 : vector<16xf32>
      %jit3A_808 = arith.constant -3.000000e+38 : f32
      %broadcast_in_dim3A_809 = vector.broadcast %jit3A_808 : f32 to vector<16xf32>
      %select_n3A_810 = arith.select %gt3A_803, %gather3A_792, %broadcast_in_dim3A_809 : vector<16xi1>, vector<16xf32>
      %max3A_811 = arith.maximumf %select_n3A_810, %get3A_800 : vector<16xf32>
      tpu.vector_store_idx %arg13[%broadcast_in_dim3A_208, %add3A_786], %max3A_807 masked %lt3A_782 : memref<2x16384xf32, #tpu.memory_space<vmem>>[vector<16xi32>, vector<16xi32>], vector<16xf32>, vector<16xi1>
      tpu.vector_store_idx %arg13[%broadcast_in_dim3A_208, %add3A_789], %max3A_811 masked %lt3A_782 : memref<2x16384xf32, #tpu.memory_space<vmem>>[vector<16xi32>, vector<16xi32>], vector<16xf32>, vector<16xi1>
      tpu.vector_store_idx %arg14[%broadcast_in_dim3A_208, %min3A_778], %broadcast_in_dim3A_210 masked %lt3A_782 : memref<2x512xi32, #tpu.memory_space<vmem>>[vector<16xi32>, vector<16xi32>], vector<16xi32>, vector<16xi1>
      %add3A_812 = arith.constant 12 : i32
      %add3A_813 = arith.addi %mul3A_247, %add3A_812 : i32
      %broadcast_in_dim3A_814 = vector.broadcast %add3A_813 : i32 to vector<16xi32>
      %gather3A_815 = tpu.vector_load_idx %arg15[%broadcast_in_dim3A_208, %broadcast_in_dim3A_814] : memref<2x16384xi32, #tpu.memory_space<vmem>>[vector<16xi32>, vector<16xi32>], vector<16xi32>,
      %shift_right_arithmetic3A_816 = arith.constant 14 : i32
      %shift_right_arithmetic3A_817 = vector.broadcast %shift_right_arithmetic3A_816 : i32 to vector<16xi32>
      %shift_right_arithmetic3A_818 = arith.shrsi %gather3A_815, %shift_right_arithmetic3A_817 : vector<16xi32>
      %max3A_819 = arith.constant 0 : i32
      %max3A_820 = vector.broadcast %max3A_819 : i32 to vector<16xi32>
      %max3A_821 = arith.maxsi %shift_right_arithmetic3A_818, %max3A_820 : vector<16xi32>
      %min3A_822 = arith.constant 511 : i32
      %min3A_823 = vector.broadcast %min3A_822 : i32 to vector<16xi32>
      %min3A_824 = arith.minsi %max3A_821, %min3A_823 : vector<16xi32>
      %broadcast_in_dim3A_825 = arith.constant 12 : i32
      %broadcast_in_dim3A_826 = vector.broadcast %broadcast_in_dim3A_825 : i32 to vector<16xi32>
      %lt3A_827 = vector.broadcast %sub3A : i32 to vector<16xi32>
      %lt3A_828 = arith.cmpi slt, %broadcast_in_dim3A_826, %lt3A_827 : vector<16xi32>
      %mul3A_829 = arith.constant 32 : i32
      %mul3A_830 = vector.broadcast %mul3A_829 : i32 to vector<16xi32>
      %mul3A_831 = arith.muli %min3A_824, %mul3A_830 : vector<16xi32>
      %add3A_832 = arith.addi %mul3A_831, %iota3A : vector<16xi32>
      %add3A_833 = arith.constant 16 : i32
      %add3A_834 = vector.broadcast %add3A_833 : i32 to vector<16xi32>
      %add3A_835 = arith.addi %add3A_832, %add3A_834 : vector<16xi32>
      %gather3A_836 = tpu.vector_load_idx %arg14[%broadcast_in_dim3A_208, %min3A_824] : memref<2x512xi32, #tpu.memory_space<vmem>>[vector<16xi32>, vector<16xi32>], vector<16xi32>,
      %gather3A_837 = tpu.vector_load_idx %arg13[%broadcast_in_dim3A_208, %add3A_832] : memref<2x16384xf32, #tpu.memory_space<vmem>>[vector<16xi32>, vector<16xi32>], vector<16xf32>,
      %gather3A_838 = tpu.vector_load_idx %arg13[%broadcast_in_dim3A_208, %add3A_835] : memref<2x16384xf32, #tpu.memory_space<vmem>>[vector<16xi32>, vector<16xi32>], vector<16xf32>,
      %get3A_839 = arith.constant 12 : i32
      %get3A_840 = arith.index_cast %get3A_839 : i32 to index
      %get3A_841 = arith.constant 0 : index
      %get3A_842 = tpu.vector_load %arg16[%get3A_840, %get3A_841] {strides = array<i32>} : memref<16x32xf32, #tpu.memory_space<vmem>>, vector<16xf32>,
      %get3A_843 = arith.constant 12 : i32
      %get3A_844 = arith.index_cast %get3A_843 : i32 to index
      %get3A_845 = arith.constant 16 : index
      %get3A_846 = tpu.vector_load %arg16[%get3A_844, %get3A_845] {strides = array<i32>} : memref<16x32xf32, #tpu.memory_space<vmem>>, vector<16xf32>,
      %gt3A_847 = arith.constant 0 : i32
      %gt3A_848 = vector.broadcast %gt3A_847 : i32 to vector<16xi32>
      %gt3A_849 = arith.cmpi sgt, %gather3A_836, %gt3A_848 : vector<16xi32>
      %jit3A_850 = arith.constant -3.000000e+38 : f32
      %broadcast_in_dim3A_851 = vector.broadcast %jit3A_850 : f32 to vector<16xf32>
      %select_n3A_852 = arith.select %gt3A_849, %gather3A_837, %broadcast_in_dim3A_851 : vector<16xi1>, vector<16xf32>
      %max3A_853 = arith.maximumf %select_n3A_852, %get3A_842 : vector<16xf32>
      %jit3A_854 = arith.constant -3.000000e+38 : f32
      %broadcast_in_dim3A_855 = vector.broadcast %jit3A_854 : f32 to vector<16xf32>
      %select_n3A_856 = arith.select %gt3A_849, %gather3A_838, %broadcast_in_dim3A_855 : vector<16xi1>, vector<16xf32>
      %max3A_857 = arith.maximumf %select_n3A_856, %get3A_846 : vector<16xf32>
      tpu.vector_store_idx %arg13[%broadcast_in_dim3A_208, %add3A_832], %max3A_853 masked %lt3A_828 : memref<2x16384xf32, #tpu.memory_space<vmem>>[vector<16xi32>, vector<16xi32>], vector<16xf32>, vector<16xi1>
      tpu.vector_store_idx %arg13[%broadcast_in_dim3A_208, %add3A_835], %max3A_857 masked %lt3A_828 : memref<2x16384xf32, #tpu.memory_space<vmem>>[vector<16xi32>, vector<16xi32>], vector<16xf32>, vector<16xi1>
      tpu.vector_store_idx %arg14[%broadcast_in_dim3A_208, %min3A_824], %broadcast_in_dim3A_210 masked %lt3A_828 : memref<2x512xi32, #tpu.memory_space<vmem>>[vector<16xi32>, vector<16xi32>], vector<16xi32>, vector<16xi1>
      %add3A_858 = arith.constant 13 : i32
      %add3A_859 = arith.addi %mul3A_247, %add3A_858 : i32
      %broadcast_in_dim3A_860 = vector.broadcast %add3A_859 : i32 to vector<16xi32>
      %gather3A_861 = tpu.vector_load_idx %arg15[%broadcast_in_dim3A_208, %broadcast_in_dim3A_860] : memref<2x16384xi32, #tpu.memory_space<vmem>>[vector<16xi32>, vector<16xi32>], vector<16xi32>,
      %shift_right_arithmetic3A_862 = arith.constant 14 : i32
      %shift_right_arithmetic3A_863 = vector.broadcast %shift_right_arithmetic3A_862 : i32 to vector<16xi32>
      %shift_right_arithmetic3A_864 = arith.shrsi %gather3A_861, %shift_right_arithmetic3A_863 : vector<16xi32>
      %max3A_865 = arith.constant 0 : i32
      %max3A_866 = vector.broadcast %max3A_865 : i32 to vector<16xi32>
      %max3A_867 = arith.maxsi %shift_right_arithmetic3A_864, %max3A_866 : vector<16xi32>
      %min3A_868 = arith.constant 511 : i32
      %min3A_869 = vector.broadcast %min3A_868 : i32 to vector<16xi32>
      %min3A_870 = arith.minsi %max3A_867, %min3A_869 : vector<16xi32>
      %broadcast_in_dim3A_871 = arith.constant 13 : i32
      %broadcast_in_dim3A_872 = vector.broadcast %broadcast_in_dim3A_871 : i32 to vector<16xi32>
      %lt3A_873 = vector.broadcast %sub3A : i32 to vector<16xi32>
      %lt3A_874 = arith.cmpi slt, %broadcast_in_dim3A_872, %lt3A_873 : vector<16xi32>
      %mul3A_875 = arith.constant 32 : i32
      %mul3A_876 = vector.broadcast %mul3A_875 : i32 to vector<16xi32>
      %mul3A_877 = arith.muli %min3A_870, %mul3A_876 : vector<16xi32>
      %add3A_878 = arith.addi %mul3A_877, %iota3A : vector<16xi32>
      %add3A_879 = arith.constant 16 : i32
      %add3A_880 = vector.broadcast %add3A_879 : i32 to vector<16xi32>
      %add3A_881 = arith.addi %add3A_878, %add3A_880 : vector<16xi32>
      %gather3A_882 = tpu.vector_load_idx %arg14[%broadcast_in_dim3A_208, %min3A_870] : memref<2x512xi32, #tpu.memory_space<vmem>>[vector<16xi32>, vector<16xi32>], vector<16xi32>,
      %gather3A_883 = tpu.vector_load_idx %arg13[%broadcast_in_dim3A_208, %add3A_878] : memref<2x16384xf32, #tpu.memory_space<vmem>>[vector<16xi32>, vector<16xi32>], vector<16xf32>,
      %gather3A_884 = tpu.vector_load_idx %arg13[%broadcast_in_dim3A_208, %add3A_881] : memref<2x16384xf32, #tpu.memory_space<vmem>>[vector<16xi32>, vector<16xi32>], vector<16xf32>,
      %get3A_885 = arith.constant 13 : i32
      %get3A_886 = arith.index_cast %get3A_885 : i32 to index
      %get3A_887 = arith.constant 0 : index
      %get3A_888 = tpu.vector_load %arg16[%get3A_886, %get3A_887] {strides = array<i32>} : memref<16x32xf32, #tpu.memory_space<vmem>>, vector<16xf32>,
      %get3A_889 = arith.constant 13 : i32
      %get3A_890 = arith.index_cast %get3A_889 : i32 to index
      %get3A_891 = arith.constant 16 : index
      %get3A_892 = tpu.vector_load %arg16[%get3A_890, %get3A_891] {strides = array<i32>} : memref<16x32xf32, #tpu.memory_space<vmem>>, vector<16xf32>,
      %gt3A_893 = arith.constant 0 : i32
      %gt3A_894 = vector.broadcast %gt3A_893 : i32 to vector<16xi32>
      %gt3A_895 = arith.cmpi sgt, %gather3A_882, %gt3A_894 : vector<16xi32>
      %jit3A_896 = arith.constant -3.000000e+38 : f32
      %broadcast_in_dim3A_897 = vector.broadcast %jit3A_896 : f32 to vector<16xf32>
      %select_n3A_898 = arith.select %gt3A_895, %gather3A_883, %broadcast_in_dim3A_897 : vector<16xi1>, vector<16xf32>
      %max3A_899 = arith.maximumf %select_n3A_898, %get3A_888 : vector<16xf32>
      %jit3A_900 = arith.constant -3.000000e+38 : f32
      %broadcast_in_dim3A_901 = vector.broadcast %jit3A_900 : f32 to vector<16xf32>
      %select_n3A_902 = arith.select %gt3A_895, %gather3A_884, %broadcast_in_dim3A_901 : vector<16xi1>, vector<16xf32>
      %max3A_903 = arith.maximumf %select_n3A_902, %get3A_892 : vector<16xf32>
      tpu.vector_store_idx %arg13[%broadcast_in_dim3A_208, %add3A_878], %max3A_899 masked %lt3A_874 : memref<2x16384xf32, #tpu.memory_space<vmem>>[vector<16xi32>, vector<16xi32>], vector<16xf32>, vector<16xi1>
      tpu.vector_store_idx %arg13[%broadcast_in_dim3A_208, %add3A_881], %max3A_903 masked %lt3A_874 : memref<2x16384xf32, #tpu.memory_space<vmem>>[vector<16xi32>, vector<16xi32>], vector<16xf32>, vector<16xi1>
      tpu.vector_store_idx %arg14[%broadcast_in_dim3A_208, %min3A_870], %broadcast_in_dim3A_210 masked %lt3A_874 : memref<2x512xi32, #tpu.memory_space<vmem>>[vector<16xi32>, vector<16xi32>], vector<16xi32>, vector<16xi1>
      %add3A_904 = arith.constant 14 : i32
      %add3A_905 = arith.addi %mul3A_247, %add3A_904 : i32
      %broadcast_in_dim3A_906 = vector.broadcast %add3A_905 : i32 to vector<16xi32>
      %gather3A_907 = tpu.vector_load_idx %arg15[%broadcast_in_dim3A_208, %broadcast_in_dim3A_906] : memref<2x16384xi32, #tpu.memory_space<vmem>>[vector<16xi32>, vector<16xi32>], vector<16xi32>,
      %shift_right_arithmetic3A_908 = arith.constant 14 : i32
      %shift_right_arithmetic3A_909 = vector.broadcast %shift_right_arithmetic3A_908 : i32 to vector<16xi32>
      %shift_right_arithmetic3A_910 = arith.shrsi %gather3A_907, %shift_right_arithmetic3A_909 : vector<16xi32>
      %max3A_911 = arith.constant 0 : i32
      %max3A_912 = vector.broadcast %max3A_911 : i32 to vector<16xi32>
      %max3A_913 = arith.maxsi %shift_right_arithmetic3A_910, %max3A_912 : vector<16xi32>
      %min3A_914 = arith.constant 511 : i32
      %min3A_915 = vector.broadcast %min3A_914 : i32 to vector<16xi32>
      %min3A_916 = arith.minsi %max3A_913, %min3A_915 : vector<16xi32>
      %broadcast_in_dim3A_917 = arith.constant 14 : i32
      %broadcast_in_dim3A_918 = vector.broadcast %broadcast_in_dim3A_917 : i32 to vector<16xi32>
      %lt3A_919 = vector.broadcast %sub3A : i32 to vector<16xi32>
      %lt3A_920 = arith.cmpi slt, %broadcast_in_dim3A_918, %lt3A_919 : vector<16xi32>
      %mul3A_921 = arith.constant 32 : i32
      %mul3A_922 = vector.broadcast %mul3A_921 : i32 to vector<16xi32>
      %mul3A_923 = arith.muli %min3A_916, %mul3A_922 : vector<16xi32>
      %add3A_924 = arith.addi %mul3A_923, %iota3A : vector<16xi32>
      %add3A_925 = arith.constant 16 : i32
      %add3A_926 = vector.broadcast %add3A_925 : i32 to vector<16xi32>
      %add3A_927 = arith.addi %add3A_924, %add3A_926 : vector<16xi32>
      %gather3A_928 = tpu.vector_load_idx %arg14[%broadcast_in_dim3A_208, %min3A_916] : memref<2x512xi32, #tpu.memory_space<vmem>>[vector<16xi32>, vector<16xi32>], vector<16xi32>,
      %gather3A_929 = tpu.vector_load_idx %arg13[%broadcast_in_dim3A_208, %add3A_924] : memref<2x16384xf32, #tpu.memory_space<vmem>>[vector<16xi32>, vector<16xi32>], vector<16xf32>,
      %gather3A_930 = tpu.vector_load_idx %arg13[%broadcast_in_dim3A_208, %add3A_927] : memref<2x16384xf32, #tpu.memory_space<vmem>>[vector<16xi32>, vector<16xi32>], vector<16xf32>,
      %get3A_931 = arith.constant 14 : i32
      %get3A_932 = arith.index_cast %get3A_931 : i32 to index
      %get3A_933 = arith.constant 0 : index
      %get3A_934 = tpu.vector_load %arg16[%get3A_932, %get3A_933] {strides = array<i32>} : memref<16x32xf32, #tpu.memory_space<vmem>>, vector<16xf32>,
      %get3A_935 = arith.constant 14 : i32
      %get3A_936 = arith.index_cast %get3A_935 : i32 to index
      %get3A_937 = arith.constant 16 : index
      %get3A_938 = tpu.vector_load %arg16[%get3A_936, %get3A_937] {strides = array<i32>} : memref<16x32xf32, #tpu.memory_space<vmem>>, vector<16xf32>,
      %gt3A_939 = arith.constant 0 : i32
      %gt3A_940 = vector.broadcast %gt3A_939 : i32 to vector<16xi32>
      %gt3A_941 = arith.cmpi sgt, %gather3A_928, %gt3A_940 : vector<16xi32>
      %jit3A_942 = arith.constant -3.000000e+38 : f32
      %broadcast_in_dim3A_943 = vector.broadcast %jit3A_942 : f32 to vector<16xf32>
      %select_n3A_944 = arith.select %gt3A_941, %gather3A_929, %broadcast_in_dim3A_943 : vector<16xi1>, vector<16xf32>
      %max3A_945 = arith.maximumf %select_n3A_944, %get3A_934 : vector<16xf32>
      %jit3A_946 = arith.constant -3.000000e+38 : f32
      %broadcast_in_dim3A_947 = vector.broadcast %jit3A_946 : f32 to vector<16xf32>
      %select_n3A_948 = arith.select %gt3A_941, %gather3A_930, %broadcast_in_dim3A_947 : vector<16xi1>, vector<16xf32>
      %max3A_949 = arith.maximumf %select_n3A_948, %get3A_938 : vector<16xf32>
      tpu.vector_store_idx %arg13[%broadcast_in_dim3A_208, %add3A_924], %max3A_945 masked %lt3A_920 : memref<2x16384xf32, #tpu.memory_space<vmem>>[vector<16xi32>, vector<16xi32>], vector<16xf32>, vector<16xi1>
      tpu.vector_store_idx %arg13[%broadcast_in_dim3A_208, %add3A_927], %max3A_949 masked %lt3A_920 : memref<2x16384xf32, #tpu.memory_space<vmem>>[vector<16xi32>, vector<16xi32>], vector<16xf32>, vector<16xi1>
      tpu.vector_store_idx %arg14[%broadcast_in_dim3A_208, %min3A_916], %broadcast_in_dim3A_210 masked %lt3A_920 : memref<2x512xi32, #tpu.memory_space<vmem>>[vector<16xi32>, vector<16xi32>], vector<16xi32>, vector<16xi1>
      %add3A_950 = arith.constant 15 : i32
      %add3A_951 = arith.addi %mul3A_247, %add3A_950 : i32
      %broadcast_in_dim3A_952 = vector.broadcast %add3A_951 : i32 to vector<16xi32>
      %gather3A_953 = tpu.vector_load_idx %arg15[%broadcast_in_dim3A_208, %broadcast_in_dim3A_952] : memref<2x16384xi32, #tpu.memory_space<vmem>>[vector<16xi32>, vector<16xi32>], vector<16xi32>,
      %shift_right_arithmetic3A_954 = arith.constant 14 : i32
      %shift_right_arithmetic3A_955 = vector.broadcast %shift_right_arithmetic3A_954 : i32 to vector<16xi32>
      %shift_right_arithmetic3A_956 = arith.shrsi %gather3A_953, %shift_right_arithmetic3A_955 : vector<16xi32>
      %max3A_957 = arith.constant 0 : i32
      %max3A_958 = vector.broadcast %max3A_957 : i32 to vector<16xi32>
      %max3A_959 = arith.maxsi %shift_right_arithmetic3A_956, %max3A_958 : vector<16xi32>
      %min3A_960 = arith.constant 511 : i32
      %min3A_961 = vector.broadcast %min3A_960 : i32 to vector<16xi32>
      %min3A_962 = arith.minsi %max3A_959, %min3A_961 : vector<16xi32>
      %broadcast_in_dim3A_963 = arith.constant 15 : i32
      %broadcast_in_dim3A_964 = vector.broadcast %broadcast_in_dim3A_963 : i32 to vector<16xi32>
      %lt3A_965 = vector.broadcast %sub3A : i32 to vector<16xi32>
      %lt3A_966 = arith.cmpi slt, %broadcast_in_dim3A_964, %lt3A_965 : vector<16xi32>
      %mul3A_967 = arith.constant 32 : i32
      %mul3A_968 = vector.broadcast %mul3A_967 : i32 to vector<16xi32>
      %mul3A_969 = arith.muli %min3A_962, %mul3A_968 : vector<16xi32>
      %add3A_970 = arith.addi %mul3A_969, %iota3A : vector<16xi32>
      %add3A_971 = arith.constant 16 : i32
      %add3A_972 = vector.broadcast %add3A_971 : i32 to vector<16xi32>
      %add3A_973 = arith.addi %add3A_970, %add3A_972 : vector<16xi32>
      %gather3A_974 = tpu.vector_load_idx %arg14[%broadcast_in_dim3A_208, %min3A_962] : memref<2x512xi32, #tpu.memory_space<vmem>>[vector<16xi32>, vector<16xi32>], vector<16xi32>,
      %gather3A_975 = tpu.vector_load_idx %arg13[%broadcast_in_dim3A_208, %add3A_970] : memref<2x16384xf32, #tpu.memory_space<vmem>>[vector<16xi32>, vector<16xi32>], vector<16xf32>,
      %gather3A_976 = tpu.vector_load_idx %arg13[%broadcast_in_dim3A_208, %add3A_973] : memref<2x16384xf32, #tpu.memory_space<vmem>>[vector<16xi32>, vector<16xi32>], vector<16xf32>,
      %get3A_977 = arith.constant 15 : i32
      %get3A_978 = arith.index_cast %get3A_977 : i32 to index
      %get3A_979 = arith.constant 0 : index
      %get3A_980 = tpu.vector_load %arg16[%get3A_978, %get3A_979] {strides = array<i32>} : memref<16x32xf32, #tpu.memory_space<vmem>>, vector<16xf32>,
      %get3A_981 = arith.constant 15 : i32
      %get3A_982 = arith.index_cast %get3A_981 : i32 to index
      %get3A_983 = arith.constant 16 : index
      %get3A_984 = tpu.vector_load %arg16[%get3A_982, %get3A_983] {strides = array<i32>} : memref<16x32xf32, #tpu.memory_space<vmem>>, vector<16xf32>,
      %gt3A_985 = arith.constant 0 : i32
      %gt3A_986 = vector.broadcast %gt3A_985 : i32 to vector<16xi32>
      %gt3A_987 = arith.cmpi sgt, %gather3A_974, %gt3A_986 : vector<16xi32>
      %jit3A_988 = arith.constant -3.000000e+38 : f32
      %broadcast_in_dim3A_989 = vector.broadcast %jit3A_988 : f32 to vector<16xf32>
      %select_n3A_990 = arith.select %gt3A_987, %gather3A_975, %broadcast_in_dim3A_989 : vector<16xi1>, vector<16xf32>
      %max3A_991 = arith.maximumf %select_n3A_990, %get3A_980 : vector<16xf32>
      %jit3A_992 = arith.constant -3.000000e+38 : f32
      %broadcast_in_dim3A_993 = vector.broadcast %jit3A_992 : f32 to vector<16xf32>
      %select_n3A_994 = arith.select %gt3A_987, %gather3A_976, %broadcast_in_dim3A_993 : vector<16xi1>, vector<16xf32>
      %max3A_995 = arith.maximumf %select_n3A_994, %get3A_984 : vector<16xf32>
      tpu.vector_store_idx %arg13[%broadcast_in_dim3A_208, %add3A_970], %max3A_991 masked %lt3A_966 : memref<2x16384xf32, #tpu.memory_space<vmem>>[vector<16xi32>, vector<16xi32>], vector<16xf32>, vector<16xi1>
      tpu.vector_store_idx %arg13[%broadcast_in_dim3A_208, %add3A_973], %max3A_995 masked %lt3A_966 : memref<2x16384xf32, #tpu.memory_space<vmem>>[vector<16xi32>, vector<16xi32>], vector<16xf32>, vector<16xi1>
      tpu.vector_store_idx %arg14[%broadcast_in_dim3A_208, %min3A_962], %broadcast_in_dim3A_210 masked %lt3A_966 : memref<2x512xi32, #tpu.memory_space<vmem>>[vector<16xi32>, vector<16xi32>], vector<16xi32>, vector<16xi1>
    }
    %broadcast_in_dim3A_224 = arith.constant 1 : i32
    %broadcast_in_dim3A_225 = vector.broadcast %broadcast_in_dim3A_224 : i32 to vector<16xi32>
    %broadcast_in_dim3A_226 = arith.constant 1 : i32
    %broadcast_in_dim3A_227 = vector.broadcast %broadcast_in_dim3A_226 : i32 to vector<16xi32>
    %add3A_228 = arith.constant 15 : i32
    %add3A_229 = arith.addi %reduce_max3A_206, %add3A_228 : i32
    %shift_right_arithmetic3A_230 = arith.constant 4 : i32
    %shift_right_arithmetic3A_231 = arith.shrsi %add3A_229, %shift_right_arithmetic3A_230 : i32
    %while3A_232 = arith.constant 0 : i32
    %while3A_233 = arith.constant 0 : i32
    %while3A_234 = arith.subi %shift_right_arithmetic3A_231, %while3A_233 : i32
    %while3A_235 = arith.addi %while3A_233, %while3A_234 : i32
    %while3A_236 = arith.constant 1 : i32
    %while3A_237 = arith.divsi %while3A_234, %while3A_236 : i32
    %while3A_238 = arith.muli %while3A_237, %while3A_236 : i32
    %while3A_239 = arith.addi %while3A_233, %while3A_238 : i32
    %while3A_240 = arith.constant 1 : i32
    scf.for %while3A_245 = %while3A_233 to %while3A_239 step %while3A_240  : i32 {
      %mul3A_246 = arith.constant 16 : i32
      %mul3A_247 = arith.muli %while3A_245, %mul3A_246 : i32
      %get3A_248 = arith.constant 1 : i32
      %get3A_249 = arith.index_cast %get3A_248 : i32 to index
      %get3A_250 = arith.index_cast %mul3A_247 : i32 to index
      %get3A_251 = tpu.vector_load %arg15[%get3A_249, %get3A_250] {strides = array<i32>} : memref<2x16384xi32, #tpu.memory_space<vmem>>, vector<16xi32>,
      %sub3A = arith.subi %reduce_max3A_206, %mul3A_247 : i32
      %lt3A = vector.broadcast %sub3A : i32 to vector<16xi32>
      %lt3A_252 = arith.cmpi slt, %iota3A, %lt3A : vector<16xi32>
      %and3A = arith.constant 16383 : i32
      %and3A_253 = vector.broadcast %and3A : i32 to vector<16xi32>
      %and3A_254 = arith.andi %get3A_251, %and3A_253 : vector<16xi32>
      %jit3A = arith.constant 0 : i32
      %broadcast_in_dim3A_255 = vector.broadcast %jit3A : i32 to vector<16xi32>
      %select_n3A = arith.select %lt3A_252, %and3A_254, %broadcast_in_dim3A_255 : vector<16xi1>, vector<16xi32>
      %swap3A = arith.constant 0 : index
      %swap3A_256 = tpu.vector_load %arg17[%swap3A] {strides = array<i32>} : memref<16xi32, #tpu.memory_space<vmem>>, vector<16xi32>,
      tpu.vector_store %arg17[%swap3A], %select_n3A {strides = array<i32>} : memref<16xi32, #tpu.memory_space<vmem>>, vector<16xi32>,
      %dma_start3A_257 = arith.constant 0 : i32
      %dma_start3A_258 = arith.constant 0 : i32
      %dma_start3A_259 = tpu.memref_slice %arg7[%dma_start3A_257, %dma_start3A_258] : memref<16384x32xf32, #tpu.memory_space<hbm>> -> memref<16384x32xf32, #tpu.memory_space<hbm>>
      tpu.enqueue_indirect_dma source(%dma_start3A_259 : memref<16384x32xf32, #tpu.memory_space<hbm>>) target(%arg16 : memref<16x32xf32, #tpu.memory_space<vmem>>) offsets(%arg17 : memref<16xi32, #tpu.memory_space<vmem>>) semaphore(%arg18 : memref<!tpu.dma_semaphore, #tpu.memory_space<semaphore_mem>>)
      %dma_wait3A_260 = arith.constant 0 : i32
      %dma_wait3A_261 = arith.constant 0 : i32
      %dma_wait3A_262 = tpu.memref_slice %arg7[%dma_wait3A_260, %dma_wait3A_261] : memref<16384x32xf32, #tpu.memory_space<hbm>> -> memref<16384x32xf32, #tpu.memory_space<hbm>>
      tpu.wait_indirect_dma semaphore(%arg18 : memref<!tpu.dma_semaphore, #tpu.memory_space<semaphore_mem>>) src(%dma_wait3A_262 : memref<16384x32xf32, #tpu.memory_space<hbm>>) dst(%arg16 : memref<16x32xf32, #tpu.memory_space<vmem>>)
      %add3A_263 = arith.constant 0 : i32
      %add3A_264 = arith.addi %mul3A_247, %add3A_263 : i32
      %broadcast_in_dim3A_265 = vector.broadcast %add3A_264 : i32 to vector<16xi32>
      %gather3A_266 = tpu.vector_load_idx %arg15[%broadcast_in_dim3A_225, %broadcast_in_dim3A_265] : memref<2x16384xi32, #tpu.memory_space<vmem>>[vector<16xi32>, vector<16xi32>], vector<16xi32>,
      %shift_right_arithmetic3A_267 = arith.constant 14 : i32
      %shift_right_arithmetic3A_268 = vector.broadcast %shift_right_arithmetic3A_267 : i32 to vector<16xi32>
      %shift_right_arithmetic3A_269 = arith.shrsi %gather3A_266, %shift_right_arithmetic3A_268 : vector<16xi32>
      %max3A = arith.constant 0 : i32
      %max3A_270 = vector.broadcast %max3A : i32 to vector<16xi32>
      %max3A_271 = arith.maxsi %shift_right_arithmetic3A_269, %max3A_270 : vector<16xi32>
      %min3A = arith.constant 511 : i32
      %min3A_272 = vector.broadcast %min3A : i32 to vector<16xi32>
      %min3A_273 = arith.minsi %max3A_271, %min3A_272 : vector<16xi32>
      %broadcast_in_dim3A_274 = arith.constant 0 : i32
      %broadcast_in_dim3A_275 = vector.broadcast %broadcast_in_dim3A_274 : i32 to vector<16xi32>
      %lt3A_276 = vector.broadcast %sub3A : i32 to vector<16xi32>
      %lt3A_277 = arith.cmpi slt, %broadcast_in_dim3A_275, %lt3A_276 : vector<16xi32>
      %mul3A_278 = arith.constant 32 : i32
      %mul3A_279 = vector.broadcast %mul3A_278 : i32 to vector<16xi32>
      %mul3A_280 = arith.muli %min3A_273, %mul3A_279 : vector<16xi32>
      %add3A_281 = arith.addi %mul3A_280, %iota3A : vector<16xi32>
      %add3A_282 = arith.constant 16 : i32
      %add3A_283 = vector.broadcast %add3A_282 : i32 to vector<16xi32>
      %add3A_284 = arith.addi %add3A_281, %add3A_283 : vector<16xi32>
      %gather3A_285 = tpu.vector_load_idx %arg14[%broadcast_in_dim3A_225, %min3A_273] : memref<2x512xi32, #tpu.memory_space<vmem>>[vector<16xi32>, vector<16xi32>], vector<16xi32>,
      %gather3A_286 = tpu.vector_load_idx %arg13[%broadcast_in_dim3A_225, %add3A_281] : memref<2x16384xf32, #tpu.memory_space<vmem>>[vector<16xi32>, vector<16xi32>], vector<16xf32>,
      %gather3A_287 = tpu.vector_load_idx %arg13[%broadcast_in_dim3A_225, %add3A_284] : memref<2x16384xf32, #tpu.memory_space<vmem>>[vector<16xi32>, vector<16xi32>], vector<16xf32>,
      %get3A_288 = arith.constant 0 : i32
      %get3A_289 = arith.index_cast %get3A_288 : i32 to index
      %get3A_290 = arith.constant 0 : index
      %get3A_291 = tpu.vector_load %arg16[%get3A_289, %get3A_290] {strides = array<i32>} : memref<16x32xf32, #tpu.memory_space<vmem>>, vector<16xf32>,
      %get3A_292 = arith.constant 0 : i32
      %get3A_293 = arith.index_cast %get3A_292 : i32 to index
      %get3A_294 = arith.constant 16 : index
      %get3A_295 = tpu.vector_load %arg16[%get3A_293, %get3A_294] {strides = array<i32>} : memref<16x32xf32, #tpu.memory_space<vmem>>, vector<16xf32>,
      %gt3A = arith.constant 0 : i32
      %gt3A_296 = vector.broadcast %gt3A : i32 to vector<16xi32>
      %gt3A_297 = arith.cmpi sgt, %gather3A_285, %gt3A_296 : vector<16xi32>
      %jit3A_298 = arith.constant -3.000000e+38 : f32
      %broadcast_in_dim3A_299 = vector.broadcast %jit3A_298 : f32 to vector<16xf32>
      %select_n3A_300 = arith.select %gt3A_297, %gather3A_286, %broadcast_in_dim3A_299 : vector<16xi1>, vector<16xf32>
      %max3A_301 = arith.maximumf %select_n3A_300, %get3A_291 : vector<16xf32>
      %jit3A_302 = arith.constant -3.000000e+38 : f32
      %broadcast_in_dim3A_303 = vector.broadcast %jit3A_302 : f32 to vector<16xf32>
      %select_n3A_304 = arith.select %gt3A_297, %gather3A_287, %broadcast_in_dim3A_303 : vector<16xi1>, vector<16xf32>
      %max3A_305 = arith.maximumf %select_n3A_304, %get3A_295 : vector<16xf32>
      tpu.vector_store_idx %arg13[%broadcast_in_dim3A_225, %add3A_281], %max3A_301 masked %lt3A_277 : memref<2x16384xf32, #tpu.memory_space<vmem>>[vector<16xi32>, vector<16xi32>], vector<16xf32>, vector<16xi1>
      tpu.vector_store_idx %arg13[%broadcast_in_dim3A_225, %add3A_284], %max3A_305 masked %lt3A_277 : memref<2x16384xf32, #tpu.memory_space<vmem>>[vector<16xi32>, vector<16xi32>], vector<16xf32>, vector<16xi1>
      tpu.vector_store_idx %arg14[%broadcast_in_dim3A_225, %min3A_273], %broadcast_in_dim3A_227 masked %lt3A_277 : memref<2x512xi32, #tpu.memory_space<vmem>>[vector<16xi32>, vector<16xi32>], vector<16xi32>, vector<16xi1>
      %add3A_306 = arith.constant 1 : i32
      %add3A_307 = arith.addi %mul3A_247, %add3A_306 : i32
      %broadcast_in_dim3A_308 = vector.broadcast %add3A_307 : i32 to vector<16xi32>
      %gather3A_309 = tpu.vector_load_idx %arg15[%broadcast_in_dim3A_225, %broadcast_in_dim3A_308] : memref<2x16384xi32, #tpu.memory_space<vmem>>[vector<16xi32>, vector<16xi32>], vector<16xi32>,
      %shift_right_arithmetic3A_310 = arith.constant 14 : i32
      %shift_right_arithmetic3A_311 = vector.broadcast %shift_right_arithmetic3A_310 : i32 to vector<16xi32>
      %shift_right_arithmetic3A_312 = arith.shrsi %gather3A_309, %shift_right_arithmetic3A_311 : vector<16xi32>
      %max3A_313 = arith.constant 0 : i32
      %max3A_314 = vector.broadcast %max3A_313 : i32 to vector<16xi32>
      %max3A_315 = arith.maxsi %shift_right_arithmetic3A_312, %max3A_314 : vector<16xi32>
      %min3A_316 = arith.constant 511 : i32
      %min3A_317 = vector.broadcast %min3A_316 : i32 to vector<16xi32>
      %min3A_318 = arith.minsi %max3A_315, %min3A_317 : vector<16xi32>
      %broadcast_in_dim3A_319 = arith.constant 1 : i32
      %broadcast_in_dim3A_320 = vector.broadcast %broadcast_in_dim3A_319 : i32 to vector<16xi32>
      %lt3A_321 = vector.broadcast %sub3A : i32 to vector<16xi32>
      %lt3A_322 = arith.cmpi slt, %broadcast_in_dim3A_320, %lt3A_321 : vector<16xi32>
      %mul3A_323 = arith.constant 32 : i32
      %mul3A_324 = vector.broadcast %mul3A_323 : i32 to vector<16xi32>
      %mul3A_325 = arith.muli %min3A_318, %mul3A_324 : vector<16xi32>
      %add3A_326 = arith.addi %mul3A_325, %iota3A : vector<16xi32>
      %add3A_327 = arith.constant 16 : i32
      %add3A_328 = vector.broadcast %add3A_327 : i32 to vector<16xi32>
      %add3A_329 = arith.addi %add3A_326, %add3A_328 : vector<16xi32>
      %gather3A_330 = tpu.vector_load_idx %arg14[%broadcast_in_dim3A_225, %min3A_318] : memref<2x512xi32, #tpu.memory_space<vmem>>[vector<16xi32>, vector<16xi32>], vector<16xi32>,
      %gather3A_331 = tpu.vector_load_idx %arg13[%broadcast_in_dim3A_225, %add3A_326] : memref<2x16384xf32, #tpu.memory_space<vmem>>[vector<16xi32>, vector<16xi32>], vector<16xf32>,
      %gather3A_332 = tpu.vector_load_idx %arg13[%broadcast_in_dim3A_225, %add3A_329] : memref<2x16384xf32, #tpu.memory_space<vmem>>[vector<16xi32>, vector<16xi32>], vector<16xf32>,
      %get3A_333 = arith.constant 1 : i32
      %get3A_334 = arith.index_cast %get3A_333 : i32 to index
      %get3A_335 = arith.constant 0 : index
      %get3A_336 = tpu.vector_load %arg16[%get3A_334, %get3A_335] {strides = array<i32>} : memref<16x32xf32, #tpu.memory_space<vmem>>, vector<16xf32>,
      %get3A_337 = arith.constant 1 : i32
      %get3A_338 = arith.index_cast %get3A_337 : i32 to index
      %get3A_339 = arith.constant 16 : index
      %get3A_340 = tpu.vector_load %arg16[%get3A_338, %get3A_339] {strides = array<i32>} : memref<16x32xf32, #tpu.memory_space<vmem>>, vector<16xf32>,
      %gt3A_341 = arith.constant 0 : i32
      %gt3A_342 = vector.broadcast %gt3A_341 : i32 to vector<16xi32>
      %gt3A_343 = arith.cmpi sgt, %gather3A_330, %gt3A_342 : vector<16xi32>
      %jit3A_344 = arith.constant -3.000000e+38 : f32
      %broadcast_in_dim3A_345 = vector.broadcast %jit3A_344 : f32 to vector<16xf32>
      %select_n3A_346 = arith.select %gt3A_343, %gather3A_331, %broadcast_in_dim3A_345 : vector<16xi1>, vector<16xf32>
      %max3A_347 = arith.maximumf %select_n3A_346, %get3A_336 : vector<16xf32>
      %jit3A_348 = arith.constant -3.000000e+38 : f32
      %broadcast_in_dim3A_349 = vector.broadcast %jit3A_348 : f32 to vector<16xf32>
      %select_n3A_350 = arith.select %gt3A_343, %gather3A_332, %broadcast_in_dim3A_349 : vector<16xi1>, vector<16xf32>
      %max3A_351 = arith.maximumf %select_n3A_350, %get3A_340 : vector<16xf32>
      tpu.vector_store_idx %arg13[%broadcast_in_dim3A_225, %add3A_326], %max3A_347 masked %lt3A_322 : memref<2x16384xf32, #tpu.memory_space<vmem>>[vector<16xi32>, vector<16xi32>], vector<16xf32>, vector<16xi1>
      tpu.vector_store_idx %arg13[%broadcast_in_dim3A_225, %add3A_329], %max3A_351 masked %lt3A_322 : memref<2x16384xf32, #tpu.memory_space<vmem>>[vector<16xi32>, vector<16xi32>], vector<16xf32>, vector<16xi1>
      tpu.vector_store_idx %arg14[%broadcast_in_dim3A_225, %min3A_318], %broadcast_in_dim3A_227 masked %lt3A_322 : memref<2x512xi32, #tpu.memory_space<vmem>>[vector<16xi32>, vector<16xi32>], vector<16xi32>, vector<16xi1>
      %add3A_352 = arith.constant 2 : i32
      %add3A_353 = arith.addi %mul3A_247, %add3A_352 : i32
      %broadcast_in_dim3A_354 = vector.broadcast %add3A_353 : i32 to vector<16xi32>
      %gather3A_355 = tpu.vector_load_idx %arg15[%broadcast_in_dim3A_225, %broadcast_in_dim3A_354] : memref<2x16384xi32, #tpu.memory_space<vmem>>[vector<16xi32>, vector<16xi32>], vector<16xi32>,
      %shift_right_arithmetic3A_356 = arith.constant 14 : i32
      %shift_right_arithmetic3A_357 = vector.broadcast %shift_right_arithmetic3A_356 : i32 to vector<16xi32>
      %shift_right_arithmetic3A_358 = arith.shrsi %gather3A_355, %shift_right_arithmetic3A_357 : vector<16xi32>
      %max3A_359 = arith.constant 0 : i32
      %max3A_360 = vector.broadcast %max3A_359 : i32 to vector<16xi32>
      %max3A_361 = arith.maxsi %shift_right_arithmetic3A_358, %max3A_360 : vector<16xi32>
      %min3A_362 = arith.constant 511 : i32
      %min3A_363 = vector.broadcast %min3A_362 : i32 to vector<16xi32>
      %min3A_364 = arith.minsi %max3A_361, %min3A_363 : vector<16xi32>
      %broadcast_in_dim3A_365 = arith.constant 2 : i32
      %broadcast_in_dim3A_366 = vector.broadcast %broadcast_in_dim3A_365 : i32 to vector<16xi32>
      %lt3A_367 = vector.broadcast %sub3A : i32 to vector<16xi32>
      %lt3A_368 = arith.cmpi slt, %broadcast_in_dim3A_366, %lt3A_367 : vector<16xi32>
      %mul3A_369 = arith.constant 32 : i32
      %mul3A_370 = vector.broadcast %mul3A_369 : i32 to vector<16xi32>
      %mul3A_371 = arith.muli %min3A_364, %mul3A_370 : vector<16xi32>
      %add3A_372 = arith.addi %mul3A_371, %iota3A : vector<16xi32>
      %add3A_373 = arith.constant 16 : i32
      %add3A_374 = vector.broadcast %add3A_373 : i32 to vector<16xi32>
      %add3A_375 = arith.addi %add3A_372, %add3A_374 : vector<16xi32>
      %gather3A_376 = tpu.vector_load_idx %arg14[%broadcast_in_dim3A_225, %min3A_364] : memref<2x512xi32, #tpu.memory_space<vmem>>[vector<16xi32>, vector<16xi32>], vector<16xi32>,
      %gather3A_377 = tpu.vector_load_idx %arg13[%broadcast_in_dim3A_225, %add3A_372] : memref<2x16384xf32, #tpu.memory_space<vmem>>[vector<16xi32>, vector<16xi32>], vector<16xf32>,
      %gather3A_378 = tpu.vector_load_idx %arg13[%broadcast_in_dim3A_225, %add3A_375] : memref<2x16384xf32, #tpu.memory_space<vmem>>[vector<16xi32>, vector<16xi32>], vector<16xf32>,
      %get3A_379 = arith.constant 2 : i32
      %get3A_380 = arith.index_cast %get3A_379 : i32 to index
      %get3A_381 = arith.constant 0 : index
      %get3A_382 = tpu.vector_load %arg16[%get3A_380, %get3A_381] {strides = array<i32>} : memref<16x32xf32, #tpu.memory_space<vmem>>, vector<16xf32>,
      %get3A_383 = arith.constant 2 : i32
      %get3A_384 = arith.index_cast %get3A_383 : i32 to index
      %get3A_385 = arith.constant 16 : index
      %get3A_386 = tpu.vector_load %arg16[%get3A_384, %get3A_385] {strides = array<i32>} : memref<16x32xf32, #tpu.memory_space<vmem>>, vector<16xf32>,
      %gt3A_387 = arith.constant 0 : i32
      %gt3A_388 = vector.broadcast %gt3A_387 : i32 to vector<16xi32>
      %gt3A_389 = arith.cmpi sgt, %gather3A_376, %gt3A_388 : vector<16xi32>
      %jit3A_390 = arith.constant -3.000000e+38 : f32
      %broadcast_in_dim3A_391 = vector.broadcast %jit3A_390 : f32 to vector<16xf32>
      %select_n3A_392 = arith.select %gt3A_389, %gather3A_377, %broadcast_in_dim3A_391 : vector<16xi1>, vector<16xf32>
      %max3A_393 = arith.maximumf %select_n3A_392, %get3A_382 : vector<16xf32>
      %jit3A_394 = arith.constant -3.000000e+38 : f32
      %broadcast_in_dim3A_395 = vector.broadcast %jit3A_394 : f32 to vector<16xf32>
      %select_n3A_396 = arith.select %gt3A_389, %gather3A_378, %broadcast_in_dim3A_395 : vector<16xi1>, vector<16xf32>
      %max3A_397 = arith.maximumf %select_n3A_396, %get3A_386 : vector<16xf32>
      tpu.vector_store_idx %arg13[%broadcast_in_dim3A_225, %add3A_372], %max3A_393 masked %lt3A_368 : memref<2x16384xf32, #tpu.memory_space<vmem>>[vector<16xi32>, vector<16xi32>], vector<16xf32>, vector<16xi1>
      tpu.vector_store_idx %arg13[%broadcast_in_dim3A_225, %add3A_375], %max3A_397 masked %lt3A_368 : memref<2x16384xf32, #tpu.memory_space<vmem>>[vector<16xi32>, vector<16xi32>], vector<16xf32>, vector<16xi1>
      tpu.vector_store_idx %arg14[%broadcast_in_dim3A_225, %min3A_364], %broadcast_in_dim3A_227 masked %lt3A_368 : memref<2x512xi32, #tpu.memory_space<vmem>>[vector<16xi32>, vector<16xi32>], vector<16xi32>, vector<16xi1>
      %add3A_398 = arith.constant 3 : i32
      %add3A_399 = arith.addi %mul3A_247, %add3A_398 : i32
      %broadcast_in_dim3A_400 = vector.broadcast %add3A_399 : i32 to vector<16xi32>
      %gather3A_401 = tpu.vector_load_idx %arg15[%broadcast_in_dim3A_225, %broadcast_in_dim3A_400] : memref<2x16384xi32, #tpu.memory_space<vmem>>[vector<16xi32>, vector<16xi32>], vector<16xi32>,
      %shift_right_arithmetic3A_402 = arith.constant 14 : i32
      %shift_right_arithmetic3A_403 = vector.broadcast %shift_right_arithmetic3A_402 : i32 to vector<16xi32>
      %shift_right_arithmetic3A_404 = arith.shrsi %gather3A_401, %shift_right_arithmetic3A_403 : vector<16xi32>
      %max3A_405 = arith.constant 0 : i32
      %max3A_406 = vector.broadcast %max3A_405 : i32 to vector<16xi32>
      %max3A_407 = arith.maxsi %shift_right_arithmetic3A_404, %max3A_406 : vector<16xi32>
      %min3A_408 = arith.constant 511 : i32
      %min3A_409 = vector.broadcast %min3A_408 : i32 to vector<16xi32>
      %min3A_410 = arith.minsi %max3A_407, %min3A_409 : vector<16xi32>
      %broadcast_in_dim3A_411 = arith.constant 3 : i32
      %broadcast_in_dim3A_412 = vector.broadcast %broadcast_in_dim3A_411 : i32 to vector<16xi32>
      %lt3A_413 = vector.broadcast %sub3A : i32 to vector<16xi32>
      %lt3A_414 = arith.cmpi slt, %broadcast_in_dim3A_412, %lt3A_413 : vector<16xi32>
      %mul3A_415 = arith.constant 32 : i32
      %mul3A_416 = vector.broadcast %mul3A_415 : i32 to vector<16xi32>
      %mul3A_417 = arith.muli %min3A_410, %mul3A_416 : vector<16xi32>
      %add3A_418 = arith.addi %mul3A_417, %iota3A : vector<16xi32>
      %add3A_419 = arith.constant 16 : i32
      %add3A_420 = vector.broadcast %add3A_419 : i32 to vector<16xi32>
      %add3A_421 = arith.addi %add3A_418, %add3A_420 : vector<16xi32>
      %gather3A_422 = tpu.vector_load_idx %arg14[%broadcast_in_dim3A_225, %min3A_410] : memref<2x512xi32, #tpu.memory_space<vmem>>[vector<16xi32>, vector<16xi32>], vector<16xi32>,
      %gather3A_423 = tpu.vector_load_idx %arg13[%broadcast_in_dim3A_225, %add3A_418] : memref<2x16384xf32, #tpu.memory_space<vmem>>[vector<16xi32>, vector<16xi32>], vector<16xf32>,
      %gather3A_424 = tpu.vector_load_idx %arg13[%broadcast_in_dim3A_225, %add3A_421] : memref<2x16384xf32, #tpu.memory_space<vmem>>[vector<16xi32>, vector<16xi32>], vector<16xf32>,
      %get3A_425 = arith.constant 3 : i32
      %get3A_426 = arith.index_cast %get3A_425 : i32 to index
      %get3A_427 = arith.constant 0 : index
      %get3A_428 = tpu.vector_load %arg16[%get3A_426, %get3A_427] {strides = array<i32>} : memref<16x32xf32, #tpu.memory_space<vmem>>, vector<16xf32>,
      %get3A_429 = arith.constant 3 : i32
      %get3A_430 = arith.index_cast %get3A_429 : i32 to index
      %get3A_431 = arith.constant 16 : index
      %get3A_432 = tpu.vector_load %arg16[%get3A_430, %get3A_431] {strides = array<i32>} : memref<16x32xf32, #tpu.memory_space<vmem>>, vector<16xf32>,
      %gt3A_433 = arith.constant 0 : i32
      %gt3A_434 = vector.broadcast %gt3A_433 : i32 to vector<16xi32>
      %gt3A_435 = arith.cmpi sgt, %gather3A_422, %gt3A_434 : vector<16xi32>
      %jit3A_436 = arith.constant -3.000000e+38 : f32
      %broadcast_in_dim3A_437 = vector.broadcast %jit3A_436 : f32 to vector<16xf32>
      %select_n3A_438 = arith.select %gt3A_435, %gather3A_423, %broadcast_in_dim3A_437 : vector<16xi1>, vector<16xf32>
      %max3A_439 = arith.maximumf %select_n3A_438, %get3A_428 : vector<16xf32>
      %jit3A_440 = arith.constant -3.000000e+38 : f32
      %broadcast_in_dim3A_441 = vector.broadcast %jit3A_440 : f32 to vector<16xf32>
      %select_n3A_442 = arith.select %gt3A_435, %gather3A_424, %broadcast_in_dim3A_441 : vector<16xi1>, vector<16xf32>
      %max3A_443 = arith.maximumf %select_n3A_442, %get3A_432 : vector<16xf32>
      tpu.vector_store_idx %arg13[%broadcast_in_dim3A_225, %add3A_418], %max3A_439 masked %lt3A_414 : memref<2x16384xf32, #tpu.memory_space<vmem>>[vector<16xi32>, vector<16xi32>], vector<16xf32>, vector<16xi1>
      tpu.vector_store_idx %arg13[%broadcast_in_dim3A_225, %add3A_421], %max3A_443 masked %lt3A_414 : memref<2x16384xf32, #tpu.memory_space<vmem>>[vector<16xi32>, vector<16xi32>], vector<16xf32>, vector<16xi1>
      tpu.vector_store_idx %arg14[%broadcast_in_dim3A_225, %min3A_410], %broadcast_in_dim3A_227 masked %lt3A_414 : memref<2x512xi32, #tpu.memory_space<vmem>>[vector<16xi32>, vector<16xi32>], vector<16xi32>, vector<16xi1>
      %add3A_444 = arith.constant 4 : i32
      %add3A_445 = arith.addi %mul3A_247, %add3A_444 : i32
      %broadcast_in_dim3A_446 = vector.broadcast %add3A_445 : i32 to vector<16xi32>
      %gather3A_447 = tpu.vector_load_idx %arg15[%broadcast_in_dim3A_225, %broadcast_in_dim3A_446] : memref<2x16384xi32, #tpu.memory_space<vmem>>[vector<16xi32>, vector<16xi32>], vector<16xi32>,
      %shift_right_arithmetic3A_448 = arith.constant 14 : i32
      %shift_right_arithmetic3A_449 = vector.broadcast %shift_right_arithmetic3A_448 : i32 to vector<16xi32>
      %shift_right_arithmetic3A_450 = arith.shrsi %gather3A_447, %shift_right_arithmetic3A_449 : vector<16xi32>
      %max3A_451 = arith.constant 0 : i32
      %max3A_452 = vector.broadcast %max3A_451 : i32 to vector<16xi32>
      %max3A_453 = arith.maxsi %shift_right_arithmetic3A_450, %max3A_452 : vector<16xi32>
      %min3A_454 = arith.constant 511 : i32
      %min3A_455 = vector.broadcast %min3A_454 : i32 to vector<16xi32>
      %min3A_456 = arith.minsi %max3A_453, %min3A_455 : vector<16xi32>
      %broadcast_in_dim3A_457 = arith.constant 4 : i32
      %broadcast_in_dim3A_458 = vector.broadcast %broadcast_in_dim3A_457 : i32 to vector<16xi32>
      %lt3A_459 = vector.broadcast %sub3A : i32 to vector<16xi32>
      %lt3A_460 = arith.cmpi slt, %broadcast_in_dim3A_458, %lt3A_459 : vector<16xi32>
      %mul3A_461 = arith.constant 32 : i32
      %mul3A_462 = vector.broadcast %mul3A_461 : i32 to vector<16xi32>
      %mul3A_463 = arith.muli %min3A_456, %mul3A_462 : vector<16xi32>
      %add3A_464 = arith.addi %mul3A_463, %iota3A : vector<16xi32>
      %add3A_465 = arith.constant 16 : i32
      %add3A_466 = vector.broadcast %add3A_465 : i32 to vector<16xi32>
      %add3A_467 = arith.addi %add3A_464, %add3A_466 : vector<16xi32>
      %gather3A_468 = tpu.vector_load_idx %arg14[%broadcast_in_dim3A_225, %min3A_456] : memref<2x512xi32, #tpu.memory_space<vmem>>[vector<16xi32>, vector<16xi32>], vector<16xi32>,
      %gather3A_469 = tpu.vector_load_idx %arg13[%broadcast_in_dim3A_225, %add3A_464] : memref<2x16384xf32, #tpu.memory_space<vmem>>[vector<16xi32>, vector<16xi32>], vector<16xf32>,
      %gather3A_470 = tpu.vector_load_idx %arg13[%broadcast_in_dim3A_225, %add3A_467] : memref<2x16384xf32, #tpu.memory_space<vmem>>[vector<16xi32>, vector<16xi32>], vector<16xf32>,
      %get3A_471 = arith.constant 4 : i32
      %get3A_472 = arith.index_cast %get3A_471 : i32 to index
      %get3A_473 = arith.constant 0 : index
      %get3A_474 = tpu.vector_load %arg16[%get3A_472, %get3A_473] {strides = array<i32>} : memref<16x32xf32, #tpu.memory_space<vmem>>, vector<16xf32>,
      %get3A_475 = arith.constant 4 : i32
      %get3A_476 = arith.index_cast %get3A_475 : i32 to index
      %get3A_477 = arith.constant 16 : index
      %get3A_478 = tpu.vector_load %arg16[%get3A_476, %get3A_477] {strides = array<i32>} : memref<16x32xf32, #tpu.memory_space<vmem>>, vector<16xf32>,
      %gt3A_479 = arith.constant 0 : i32
      %gt3A_480 = vector.broadcast %gt3A_479 : i32 to vector<16xi32>
      %gt3A_481 = arith.cmpi sgt, %gather3A_468, %gt3A_480 : vector<16xi32>
      %jit3A_482 = arith.constant -3.000000e+38 : f32
      %broadcast_in_dim3A_483 = vector.broadcast %jit3A_482 : f32 to vector<16xf32>
      %select_n3A_484 = arith.select %gt3A_481, %gather3A_469, %broadcast_in_dim3A_483 : vector<16xi1>, vector<16xf32>
      %max3A_485 = arith.maximumf %select_n3A_484, %get3A_474 : vector<16xf32>
      %jit3A_486 = arith.constant -3.000000e+38 : f32
      %broadcast_in_dim3A_487 = vector.broadcast %jit3A_486 : f32 to vector<16xf32>
      %select_n3A_488 = arith.select %gt3A_481, %gather3A_470, %broadcast_in_dim3A_487 : vector<16xi1>, vector<16xf32>
      %max3A_489 = arith.maximumf %select_n3A_488, %get3A_478 : vector<16xf32>
      tpu.vector_store_idx %arg13[%broadcast_in_dim3A_225, %add3A_464], %max3A_485 masked %lt3A_460 : memref<2x16384xf32, #tpu.memory_space<vmem>>[vector<16xi32>, vector<16xi32>], vector<16xf32>, vector<16xi1>
      tpu.vector_store_idx %arg13[%broadcast_in_dim3A_225, %add3A_467], %max3A_489 masked %lt3A_460 : memref<2x16384xf32, #tpu.memory_space<vmem>>[vector<16xi32>, vector<16xi32>], vector<16xf32>, vector<16xi1>
      tpu.vector_store_idx %arg14[%broadcast_in_dim3A_225, %min3A_456], %broadcast_in_dim3A_227 masked %lt3A_460 : memref<2x512xi32, #tpu.memory_space<vmem>>[vector<16xi32>, vector<16xi32>], vector<16xi32>, vector<16xi1>
      %add3A_490 = arith.constant 5 : i32
      %add3A_491 = arith.addi %mul3A_247, %add3A_490 : i32
      %broadcast_in_dim3A_492 = vector.broadcast %add3A_491 : i32 to vector<16xi32>
      %gather3A_493 = tpu.vector_load_idx %arg15[%broadcast_in_dim3A_225, %broadcast_in_dim3A_492] : memref<2x16384xi32, #tpu.memory_space<vmem>>[vector<16xi32>, vector<16xi32>], vector<16xi32>,
      %shift_right_arithmetic3A_494 = arith.constant 14 : i32
      %shift_right_arithmetic3A_495 = vector.broadcast %shift_right_arithmetic3A_494 : i32 to vector<16xi32>
      %shift_right_arithmetic3A_496 = arith.shrsi %gather3A_493, %shift_right_arithmetic3A_495 : vector<16xi32>
      %max3A_497 = arith.constant 0 : i32
      %max3A_498 = vector.broadcast %max3A_497 : i32 to vector<16xi32>
      %max3A_499 = arith.maxsi %shift_right_arithmetic3A_496, %max3A_498 : vector<16xi32>
      %min3A_500 = arith.constant 511 : i32
      %min3A_501 = vector.broadcast %min3A_500 : i32 to vector<16xi32>
      %min3A_502 = arith.minsi %max3A_499, %min3A_501 : vector<16xi32>
      %broadcast_in_dim3A_503 = arith.constant 5 : i32
      %broadcast_in_dim3A_504 = vector.broadcast %broadcast_in_dim3A_503 : i32 to vector<16xi32>
      %lt3A_505 = vector.broadcast %sub3A : i32 to vector<16xi32>
      %lt3A_506 = arith.cmpi slt, %broadcast_in_dim3A_504, %lt3A_505 : vector<16xi32>
      %mul3A_507 = arith.constant 32 : i32
      %mul3A_508 = vector.broadcast %mul3A_507 : i32 to vector<16xi32>
      %mul3A_509 = arith.muli %min3A_502, %mul3A_508 : vector<16xi32>
      %add3A_510 = arith.addi %mul3A_509, %iota3A : vector<16xi32>
      %add3A_511 = arith.constant 16 : i32
      %add3A_512 = vector.broadcast %add3A_511 : i32 to vector<16xi32>
      %add3A_513 = arith.addi %add3A_510, %add3A_512 : vector<16xi32>
      %gather3A_514 = tpu.vector_load_idx %arg14[%broadcast_in_dim3A_225, %min3A_502] : memref<2x512xi32, #tpu.memory_space<vmem>>[vector<16xi32>, vector<16xi32>], vector<16xi32>,
      %gather3A_515 = tpu.vector_load_idx %arg13[%broadcast_in_dim3A_225, %add3A_510] : memref<2x16384xf32, #tpu.memory_space<vmem>>[vector<16xi32>, vector<16xi32>], vector<16xf32>,
      %gather3A_516 = tpu.vector_load_idx %arg13[%broadcast_in_dim3A_225, %add3A_513] : memref<2x16384xf32, #tpu.memory_space<vmem>>[vector<16xi32>, vector<16xi32>], vector<16xf32>,
      %get3A_517 = arith.constant 5 : i32
      %get3A_518 = arith.index_cast %get3A_517 : i32 to index
      %get3A_519 = arith.constant 0 : index
      %get3A_520 = tpu.vector_load %arg16[%get3A_518, %get3A_519] {strides = array<i32>} : memref<16x32xf32, #tpu.memory_space<vmem>>, vector<16xf32>,
      %get3A_521 = arith.constant 5 : i32
      %get3A_522 = arith.index_cast %get3A_521 : i32 to index
      %get3A_523 = arith.constant 16 : index
      %get3A_524 = tpu.vector_load %arg16[%get3A_522, %get3A_523] {strides = array<i32>} : memref<16x32xf32, #tpu.memory_space<vmem>>, vector<16xf32>,
      %gt3A_525 = arith.constant 0 : i32
      %gt3A_526 = vector.broadcast %gt3A_525 : i32 to vector<16xi32>
      %gt3A_527 = arith.cmpi sgt, %gather3A_514, %gt3A_526 : vector<16xi32>
      %jit3A_528 = arith.constant -3.000000e+38 : f32
      %broadcast_in_dim3A_529 = vector.broadcast %jit3A_528 : f32 to vector<16xf32>
      %select_n3A_530 = arith.select %gt3A_527, %gather3A_515, %broadcast_in_dim3A_529 : vector<16xi1>, vector<16xf32>
      %max3A_531 = arith.maximumf %select_n3A_530, %get3A_520 : vector<16xf32>
      %jit3A_532 = arith.constant -3.000000e+38 : f32
      %broadcast_in_dim3A_533 = vector.broadcast %jit3A_532 : f32 to vector<16xf32>
      %select_n3A_534 = arith.select %gt3A_527, %gather3A_516, %broadcast_in_dim3A_533 : vector<16xi1>, vector<16xf32>
      %max3A_535 = arith.maximumf %select_n3A_534, %get3A_524 : vector<16xf32>
      tpu.vector_store_idx %arg13[%broadcast_in_dim3A_225, %add3A_510], %max3A_531 masked %lt3A_506 : memref<2x16384xf32, #tpu.memory_space<vmem>>[vector<16xi32>, vector<16xi32>], vector<16xf32>, vector<16xi1>
      tpu.vector_store_idx %arg13[%broadcast_in_dim3A_225, %add3A_513], %max3A_535 masked %lt3A_506 : memref<2x16384xf32, #tpu.memory_space<vmem>>[vector<16xi32>, vector<16xi32>], vector<16xf32>, vector<16xi1>
      tpu.vector_store_idx %arg14[%broadcast_in_dim3A_225, %min3A_502], %broadcast_in_dim3A_227 masked %lt3A_506 : memref<2x512xi32, #tpu.memory_space<vmem>>[vector<16xi32>, vector<16xi32>], vector<16xi32>, vector<16xi1>
      %add3A_536 = arith.constant 6 : i32
      %add3A_537 = arith.addi %mul3A_247, %add3A_536 : i32
      %broadcast_in_dim3A_538 = vector.broadcast %add3A_537 : i32 to vector<16xi32>
      %gather3A_539 = tpu.vector_load_idx %arg15[%broadcast_in_dim3A_225, %broadcast_in_dim3A_538] : memref<2x16384xi32, #tpu.memory_space<vmem>>[vector<16xi32>, vector<16xi32>], vector<16xi32>,
      %shift_right_arithmetic3A_540 = arith.constant 14 : i32
      %shift_right_arithmetic3A_541 = vector.broadcast %shift_right_arithmetic3A_540 : i32 to vector<16xi32>
      %shift_right_arithmetic3A_542 = arith.shrsi %gather3A_539, %shift_right_arithmetic3A_541 : vector<16xi32>
      %max3A_543 = arith.constant 0 : i32
      %max3A_544 = vector.broadcast %max3A_543 : i32 to vector<16xi32>
      %max3A_545 = arith.maxsi %shift_right_arithmetic3A_542, %max3A_544 : vector<16xi32>
      %min3A_546 = arith.constant 511 : i32
      %min3A_547 = vector.broadcast %min3A_546 : i32 to vector<16xi32>
      %min3A_548 = arith.minsi %max3A_545, %min3A_547 : vector<16xi32>
      %broadcast_in_dim3A_549 = arith.constant 6 : i32
      %broadcast_in_dim3A_550 = vector.broadcast %broadcast_in_dim3A_549 : i32 to vector<16xi32>
      %lt3A_551 = vector.broadcast %sub3A : i32 to vector<16xi32>
      %lt3A_552 = arith.cmpi slt, %broadcast_in_dim3A_550, %lt3A_551 : vector<16xi32>
      %mul3A_553 = arith.constant 32 : i32
      %mul3A_554 = vector.broadcast %mul3A_553 : i32 to vector<16xi32>
      %mul3A_555 = arith.muli %min3A_548, %mul3A_554 : vector<16xi32>
      %add3A_556 = arith.addi %mul3A_555, %iota3A : vector<16xi32>
      %add3A_557 = arith.constant 16 : i32
      %add3A_558 = vector.broadcast %add3A_557 : i32 to vector<16xi32>
      %add3A_559 = arith.addi %add3A_556, %add3A_558 : vector<16xi32>
      %gather3A_560 = tpu.vector_load_idx %arg14[%broadcast_in_dim3A_225, %min3A_548] : memref<2x512xi32, #tpu.memory_space<vmem>>[vector<16xi32>, vector<16xi32>], vector<16xi32>,
      %gather3A_561 = tpu.vector_load_idx %arg13[%broadcast_in_dim3A_225, %add3A_556] : memref<2x16384xf32, #tpu.memory_space<vmem>>[vector<16xi32>, vector<16xi32>], vector<16xf32>,
      %gather3A_562 = tpu.vector_load_idx %arg13[%broadcast_in_dim3A_225, %add3A_559] : memref<2x16384xf32, #tpu.memory_space<vmem>>[vector<16xi32>, vector<16xi32>], vector<16xf32>,
      %get3A_563 = arith.constant 6 : i32
      %get3A_564 = arith.index_cast %get3A_563 : i32 to index
      %get3A_565 = arith.constant 0 : index
      %get3A_566 = tpu.vector_load %arg16[%get3A_564, %get3A_565] {strides = array<i32>} : memref<16x32xf32, #tpu.memory_space<vmem>>, vector<16xf32>,
      %get3A_567 = arith.constant 6 : i32
      %get3A_568 = arith.index_cast %get3A_567 : i32 to index
      %get3A_569 = arith.constant 16 : index
      %get3A_570 = tpu.vector_load %arg16[%get3A_568, %get3A_569] {strides = array<i32>} : memref<16x32xf32, #tpu.memory_space<vmem>>, vector<16xf32>,
      %gt3A_571 = arith.constant 0 : i32
      %gt3A_572 = vector.broadcast %gt3A_571 : i32 to vector<16xi32>
      %gt3A_573 = arith.cmpi sgt, %gather3A_560, %gt3A_572 : vector<16xi32>
      %jit3A_574 = arith.constant -3.000000e+38 : f32
      %broadcast_in_dim3A_575 = vector.broadcast %jit3A_574 : f32 to vector<16xf32>
      %select_n3A_576 = arith.select %gt3A_573, %gather3A_561, %broadcast_in_dim3A_575 : vector<16xi1>, vector<16xf32>
      %max3A_577 = arith.maximumf %select_n3A_576, %get3A_566 : vector<16xf32>
      %jit3A_578 = arith.constant -3.000000e+38 : f32
      %broadcast_in_dim3A_579 = vector.broadcast %jit3A_578 : f32 to vector<16xf32>
      %select_n3A_580 = arith.select %gt3A_573, %gather3A_562, %broadcast_in_dim3A_579 : vector<16xi1>, vector<16xf32>
      %max3A_581 = arith.maximumf %select_n3A_580, %get3A_570 : vector<16xf32>
      tpu.vector_store_idx %arg13[%broadcast_in_dim3A_225, %add3A_556], %max3A_577 masked %lt3A_552 : memref<2x16384xf32, #tpu.memory_space<vmem>>[vector<16xi32>, vector<16xi32>], vector<16xf32>, vector<16xi1>
      tpu.vector_store_idx %arg13[%broadcast_in_dim3A_225, %add3A_559], %max3A_581 masked %lt3A_552 : memref<2x16384xf32, #tpu.memory_space<vmem>>[vector<16xi32>, vector<16xi32>], vector<16xf32>, vector<16xi1>
      tpu.vector_store_idx %arg14[%broadcast_in_dim3A_225, %min3A_548], %broadcast_in_dim3A_227 masked %lt3A_552 : memref<2x512xi32, #tpu.memory_space<vmem>>[vector<16xi32>, vector<16xi32>], vector<16xi32>, vector<16xi1>
      %add3A_582 = arith.constant 7 : i32
      %add3A_583 = arith.addi %mul3A_247, %add3A_582 : i32
      %broadcast_in_dim3A_584 = vector.broadcast %add3A_583 : i32 to vector<16xi32>
      %gather3A_585 = tpu.vector_load_idx %arg15[%broadcast_in_dim3A_225, %broadcast_in_dim3A_584] : memref<2x16384xi32, #tpu.memory_space<vmem>>[vector<16xi32>, vector<16xi32>], vector<16xi32>,
      %shift_right_arithmetic3A_586 = arith.constant 14 : i32
      %shift_right_arithmetic3A_587 = vector.broadcast %shift_right_arithmetic3A_586 : i32 to vector<16xi32>
      %shift_right_arithmetic3A_588 = arith.shrsi %gather3A_585, %shift_right_arithmetic3A_587 : vector<16xi32>
      %max3A_589 = arith.constant 0 : i32
      %max3A_590 = vector.broadcast %max3A_589 : i32 to vector<16xi32>
      %max3A_591 = arith.maxsi %shift_right_arithmetic3A_588, %max3A_590 : vector<16xi32>
      %min3A_592 = arith.constant 511 : i32
      %min3A_593 = vector.broadcast %min3A_592 : i32 to vector<16xi32>
      %min3A_594 = arith.minsi %max3A_591, %min3A_593 : vector<16xi32>
      %broadcast_in_dim3A_595 = arith.constant 7 : i32
      %broadcast_in_dim3A_596 = vector.broadcast %broadcast_in_dim3A_595 : i32 to vector<16xi32>
      %lt3A_597 = vector.broadcast %sub3A : i32 to vector<16xi32>
      %lt3A_598 = arith.cmpi slt, %broadcast_in_dim3A_596, %lt3A_597 : vector<16xi32>
      %mul3A_599 = arith.constant 32 : i32
      %mul3A_600 = vector.broadcast %mul3A_599 : i32 to vector<16xi32>
      %mul3A_601 = arith.muli %min3A_594, %mul3A_600 : vector<16xi32>
      %add3A_602 = arith.addi %mul3A_601, %iota3A : vector<16xi32>
      %add3A_603 = arith.constant 16 : i32
      %add3A_604 = vector.broadcast %add3A_603 : i32 to vector<16xi32>
      %add3A_605 = arith.addi %add3A_602, %add3A_604 : vector<16xi32>
      %gather3A_606 = tpu.vector_load_idx %arg14[%broadcast_in_dim3A_225, %min3A_594] : memref<2x512xi32, #tpu.memory_space<vmem>>[vector<16xi32>, vector<16xi32>], vector<16xi32>,
      %gather3A_607 = tpu.vector_load_idx %arg13[%broadcast_in_dim3A_225, %add3A_602] : memref<2x16384xf32, #tpu.memory_space<vmem>>[vector<16xi32>, vector<16xi32>], vector<16xf32>,
      %gather3A_608 = tpu.vector_load_idx %arg13[%broadcast_in_dim3A_225, %add3A_605] : memref<2x16384xf32, #tpu.memory_space<vmem>>[vector<16xi32>, vector<16xi32>], vector<16xf32>,
      %get3A_609 = arith.constant 7 : i32
      %get3A_610 = arith.index_cast %get3A_609 : i32 to index
      %get3A_611 = arith.constant 0 : index
      %get3A_612 = tpu.vector_load %arg16[%get3A_610, %get3A_611] {strides = array<i32>} : memref<16x32xf32, #tpu.memory_space<vmem>>, vector<16xf32>,
      %get3A_613 = arith.constant 7 : i32
      %get3A_614 = arith.index_cast %get3A_613 : i32 to index
      %get3A_615 = arith.constant 16 : index
      %get3A_616 = tpu.vector_load %arg16[%get3A_614, %get3A_615] {strides = array<i32>} : memref<16x32xf32, #tpu.memory_space<vmem>>, vector<16xf32>,
      %gt3A_617 = arith.constant 0 : i32
      %gt3A_618 = vector.broadcast %gt3A_617 : i32 to vector<16xi32>
      %gt3A_619 = arith.cmpi sgt, %gather3A_606, %gt3A_618 : vector<16xi32>
      %jit3A_620 = arith.constant -3.000000e+38 : f32
      %broadcast_in_dim3A_621 = vector.broadcast %jit3A_620 : f32 to vector<16xf32>
      %select_n3A_622 = arith.select %gt3A_619, %gather3A_607, %broadcast_in_dim3A_621 : vector<16xi1>, vector<16xf32>
      %max3A_623 = arith.maximumf %select_n3A_622, %get3A_612 : vector<16xf32>
      %jit3A_624 = arith.constant -3.000000e+38 : f32
      %broadcast_in_dim3A_625 = vector.broadcast %jit3A_624 : f32 to vector<16xf32>
      %select_n3A_626 = arith.select %gt3A_619, %gather3A_608, %broadcast_in_dim3A_625 : vector<16xi1>, vector<16xf32>
      %max3A_627 = arith.maximumf %select_n3A_626, %get3A_616 : vector<16xf32>
      tpu.vector_store_idx %arg13[%broadcast_in_dim3A_225, %add3A_602], %max3A_623 masked %lt3A_598 : memref<2x16384xf32, #tpu.memory_space<vmem>>[vector<16xi32>, vector<16xi32>], vector<16xf32>, vector<16xi1>
      tpu.vector_store_idx %arg13[%broadcast_in_dim3A_225, %add3A_605], %max3A_627 masked %lt3A_598 : memref<2x16384xf32, #tpu.memory_space<vmem>>[vector<16xi32>, vector<16xi32>], vector<16xf32>, vector<16xi1>
      tpu.vector_store_idx %arg14[%broadcast_in_dim3A_225, %min3A_594], %broadcast_in_dim3A_227 masked %lt3A_598 : memref<2x512xi32, #tpu.memory_space<vmem>>[vector<16xi32>, vector<16xi32>], vector<16xi32>, vector<16xi1>
      %add3A_628 = arith.constant 8 : i32
      %add3A_629 = arith.addi %mul3A_247, %add3A_628 : i32
      %broadcast_in_dim3A_630 = vector.broadcast %add3A_629 : i32 to vector<16xi32>
      %gather3A_631 = tpu.vector_load_idx %arg15[%broadcast_in_dim3A_225, %broadcast_in_dim3A_630] : memref<2x16384xi32, #tpu.memory_space<vmem>>[vector<16xi32>, vector<16xi32>], vector<16xi32>,
      %shift_right_arithmetic3A_632 = arith.constant 14 : i32
      %shift_right_arithmetic3A_633 = vector.broadcast %shift_right_arithmetic3A_632 : i32 to vector<16xi32>
      %shift_right_arithmetic3A_634 = arith.shrsi %gather3A_631, %shift_right_arithmetic3A_633 : vector<16xi32>
      %max3A_635 = arith.constant 0 : i32
      %max3A_636 = vector.broadcast %max3A_635 : i32 to vector<16xi32>
      %max3A_637 = arith.maxsi %shift_right_arithmetic3A_634, %max3A_636 : vector<16xi32>
      %min3A_638 = arith.constant 511 : i32
      %min3A_639 = vector.broadcast %min3A_638 : i32 to vector<16xi32>
      %min3A_640 = arith.minsi %max3A_637, %min3A_639 : vector<16xi32>
      %broadcast_in_dim3A_641 = arith.constant 8 : i32
      %broadcast_in_dim3A_642 = vector.broadcast %broadcast_in_dim3A_641 : i32 to vector<16xi32>
      %lt3A_643 = vector.broadcast %sub3A : i32 to vector<16xi32>
      %lt3A_644 = arith.cmpi slt, %broadcast_in_dim3A_642, %lt3A_643 : vector<16xi32>
      %mul3A_645 = arith.constant 32 : i32
      %mul3A_646 = vector.broadcast %mul3A_645 : i32 to vector<16xi32>
      %mul3A_647 = arith.muli %min3A_640, %mul3A_646 : vector<16xi32>
      %add3A_648 = arith.addi %mul3A_647, %iota3A : vector<16xi32>
      %add3A_649 = arith.constant 16 : i32
      %add3A_650 = vector.broadcast %add3A_649 : i32 to vector<16xi32>
      %add3A_651 = arith.addi %add3A_648, %add3A_650 : vector<16xi32>
      %gather3A_652 = tpu.vector_load_idx %arg14[%broadcast_in_dim3A_225, %min3A_640] : memref<2x512xi32, #tpu.memory_space<vmem>>[vector<16xi32>, vector<16xi32>], vector<16xi32>,
      %gather3A_653 = tpu.vector_load_idx %arg13[%broadcast_in_dim3A_225, %add3A_648] : memref<2x16384xf32, #tpu.memory_space<vmem>>[vector<16xi32>, vector<16xi32>], vector<16xf32>,
      %gather3A_654 = tpu.vector_load_idx %arg13[%broadcast_in_dim3A_225, %add3A_651] : memref<2x16384xf32, #tpu.memory_space<vmem>>[vector<16xi32>, vector<16xi32>], vector<16xf32>,
      %get3A_655 = arith.constant 8 : i32
      %get3A_656 = arith.index_cast %get3A_655 : i32 to index
      %get3A_657 = arith.constant 0 : index
      %get3A_658 = tpu.vector_load %arg16[%get3A_656, %get3A_657] {strides = array<i32>} : memref<16x32xf32, #tpu.memory_space<vmem>>, vector<16xf32>,
      %get3A_659 = arith.constant 8 : i32
      %get3A_660 = arith.index_cast %get3A_659 : i32 to index
      %get3A_661 = arith.constant 16 : index
      %get3A_662 = tpu.vector_load %arg16[%get3A_660, %get3A_661] {strides = array<i32>} : memref<16x32xf32, #tpu.memory_space<vmem>>, vector<16xf32>,
      %gt3A_663 = arith.constant 0 : i32
      %gt3A_664 = vector.broadcast %gt3A_663 : i32 to vector<16xi32>
      %gt3A_665 = arith.cmpi sgt, %gather3A_652, %gt3A_664 : vector<16xi32>
      %jit3A_666 = arith.constant -3.000000e+38 : f32
      %broadcast_in_dim3A_667 = vector.broadcast %jit3A_666 : f32 to vector<16xf32>
      %select_n3A_668 = arith.select %gt3A_665, %gather3A_653, %broadcast_in_dim3A_667 : vector<16xi1>, vector<16xf32>
      %max3A_669 = arith.maximumf %select_n3A_668, %get3A_658 : vector<16xf32>
      %jit3A_670 = arith.constant -3.000000e+38 : f32
      %broadcast_in_dim3A_671 = vector.broadcast %jit3A_670 : f32 to vector<16xf32>
      %select_n3A_672 = arith.select %gt3A_665, %gather3A_654, %broadcast_in_dim3A_671 : vector<16xi1>, vector<16xf32>
      %max3A_673 = arith.maximumf %select_n3A_672, %get3A_662 : vector<16xf32>
      tpu.vector_store_idx %arg13[%broadcast_in_dim3A_225, %add3A_648], %max3A_669 masked %lt3A_644 : memref<2x16384xf32, #tpu.memory_space<vmem>>[vector<16xi32>, vector<16xi32>], vector<16xf32>, vector<16xi1>
      tpu.vector_store_idx %arg13[%broadcast_in_dim3A_225, %add3A_651], %max3A_673 masked %lt3A_644 : memref<2x16384xf32, #tpu.memory_space<vmem>>[vector<16xi32>, vector<16xi32>], vector<16xf32>, vector<16xi1>
      tpu.vector_store_idx %arg14[%broadcast_in_dim3A_225, %min3A_640], %broadcast_in_dim3A_227 masked %lt3A_644 : memref<2x512xi32, #tpu.memory_space<vmem>>[vector<16xi32>, vector<16xi32>], vector<16xi32>, vector<16xi1>
      %add3A_674 = arith.constant 9 : i32
      %add3A_675 = arith.addi %mul3A_247, %add3A_674 : i32
      %broadcast_in_dim3A_676 = vector.broadcast %add3A_675 : i32 to vector<16xi32>
      %gather3A_677 = tpu.vector_load_idx %arg15[%broadcast_in_dim3A_225, %broadcast_in_dim3A_676] : memref<2x16384xi32, #tpu.memory_space<vmem>>[vector<16xi32>, vector<16xi32>], vector<16xi32>,
      %shift_right_arithmetic3A_678 = arith.constant 14 : i32
      %shift_right_arithmetic3A_679 = vector.broadcast %shift_right_arithmetic3A_678 : i32 to vector<16xi32>
      %shift_right_arithmetic3A_680 = arith.shrsi %gather3A_677, %shift_right_arithmetic3A_679 : vector<16xi32>
      %max3A_681 = arith.constant 0 : i32
      %max3A_682 = vector.broadcast %max3A_681 : i32 to vector<16xi32>
      %max3A_683 = arith.maxsi %shift_right_arithmetic3A_680, %max3A_682 : vector<16xi32>
      %min3A_684 = arith.constant 511 : i32
      %min3A_685 = vector.broadcast %min3A_684 : i32 to vector<16xi32>
      %min3A_686 = arith.minsi %max3A_683, %min3A_685 : vector<16xi32>
      %broadcast_in_dim3A_687 = arith.constant 9 : i32
      %broadcast_in_dim3A_688 = vector.broadcast %broadcast_in_dim3A_687 : i32 to vector<16xi32>
      %lt3A_689 = vector.broadcast %sub3A : i32 to vector<16xi32>
      %lt3A_690 = arith.cmpi slt, %broadcast_in_dim3A_688, %lt3A_689 : vector<16xi32>
      %mul3A_691 = arith.constant 32 : i32
      %mul3A_692 = vector.broadcast %mul3A_691 : i32 to vector<16xi32>
      %mul3A_693 = arith.muli %min3A_686, %mul3A_692 : vector<16xi32>
      %add3A_694 = arith.addi %mul3A_693, %iota3A : vector<16xi32>
      %add3A_695 = arith.constant 16 : i32
      %add3A_696 = vector.broadcast %add3A_695 : i32 to vector<16xi32>
      %add3A_697 = arith.addi %add3A_694, %add3A_696 : vector<16xi32>
      %gather3A_698 = tpu.vector_load_idx %arg14[%broadcast_in_dim3A_225, %min3A_686] : memref<2x512xi32, #tpu.memory_space<vmem>>[vector<16xi32>, vector<16xi32>], vector<16xi32>,
      %gather3A_699 = tpu.vector_load_idx %arg13[%broadcast_in_dim3A_225, %add3A_694] : memref<2x16384xf32, #tpu.memory_space<vmem>>[vector<16xi32>, vector<16xi32>], vector<16xf32>,
      %gather3A_700 = tpu.vector_load_idx %arg13[%broadcast_in_dim3A_225, %add3A_697] : memref<2x16384xf32, #tpu.memory_space<vmem>>[vector<16xi32>, vector<16xi32>], vector<16xf32>,
      %get3A_701 = arith.constant 9 : i32
      %get3A_702 = arith.index_cast %get3A_701 : i32 to index
      %get3A_703 = arith.constant 0 : index
      %get3A_704 = tpu.vector_load %arg16[%get3A_702, %get3A_703] {strides = array<i32>} : memref<16x32xf32, #tpu.memory_space<vmem>>, vector<16xf32>,
      %get3A_705 = arith.constant 9 : i32
      %get3A_706 = arith.index_cast %get3A_705 : i32 to index
      %get3A_707 = arith.constant 16 : index
      %get3A_708 = tpu.vector_load %arg16[%get3A_706, %get3A_707] {strides = array<i32>} : memref<16x32xf32, #tpu.memory_space<vmem>>, vector<16xf32>,
      %gt3A_709 = arith.constant 0 : i32
      %gt3A_710 = vector.broadcast %gt3A_709 : i32 to vector<16xi32>
      %gt3A_711 = arith.cmpi sgt, %gather3A_698, %gt3A_710 : vector<16xi32>
      %jit3A_712 = arith.constant -3.000000e+38 : f32
      %broadcast_in_dim3A_713 = vector.broadcast %jit3A_712 : f32 to vector<16xf32>
      %select_n3A_714 = arith.select %gt3A_711, %gather3A_699, %broadcast_in_dim3A_713 : vector<16xi1>, vector<16xf32>
      %max3A_715 = arith.maximumf %select_n3A_714, %get3A_704 : vector<16xf32>
      %jit3A_716 = arith.constant -3.000000e+38 : f32
      %broadcast_in_dim3A_717 = vector.broadcast %jit3A_716 : f32 to vector<16xf32>
      %select_n3A_718 = arith.select %gt3A_711, %gather3A_700, %broadcast_in_dim3A_717 : vector<16xi1>, vector<16xf32>
      %max3A_719 = arith.maximumf %select_n3A_718, %get3A_708 : vector<16xf32>
      tpu.vector_store_idx %arg13[%broadcast_in_dim3A_225, %add3A_694], %max3A_715 masked %lt3A_690 : memref<2x16384xf32, #tpu.memory_space<vmem>>[vector<16xi32>, vector<16xi32>], vector<16xf32>, vector<16xi1>
      tpu.vector_store_idx %arg13[%broadcast_in_dim3A_225, %add3A_697], %max3A_719 masked %lt3A_690 : memref<2x16384xf32, #tpu.memory_space<vmem>>[vector<16xi32>, vector<16xi32>], vector<16xf32>, vector<16xi1>
      tpu.vector_store_idx %arg14[%broadcast_in_dim3A_225, %min3A_686], %broadcast_in_dim3A_227 masked %lt3A_690 : memref<2x512xi32, #tpu.memory_space<vmem>>[vector<16xi32>, vector<16xi32>], vector<16xi32>, vector<16xi1>
      %add3A_720 = arith.constant 10 : i32
      %add3A_721 = arith.addi %mul3A_247, %add3A_720 : i32
      %broadcast_in_dim3A_722 = vector.broadcast %add3A_721 : i32 to vector<16xi32>
      %gather3A_723 = tpu.vector_load_idx %arg15[%broadcast_in_dim3A_225, %broadcast_in_dim3A_722] : memref<2x16384xi32, #tpu.memory_space<vmem>>[vector<16xi32>, vector<16xi32>], vector<16xi32>,
      %shift_right_arithmetic3A_724 = arith.constant 14 : i32
      %shift_right_arithmetic3A_725 = vector.broadcast %shift_right_arithmetic3A_724 : i32 to vector<16xi32>
      %shift_right_arithmetic3A_726 = arith.shrsi %gather3A_723, %shift_right_arithmetic3A_725 : vector<16xi32>
      %max3A_727 = arith.constant 0 : i32
      %max3A_728 = vector.broadcast %max3A_727 : i32 to vector<16xi32>
      %max3A_729 = arith.maxsi %shift_right_arithmetic3A_726, %max3A_728 : vector<16xi32>
      %min3A_730 = arith.constant 511 : i32
      %min3A_731 = vector.broadcast %min3A_730 : i32 to vector<16xi32>
      %min3A_732 = arith.minsi %max3A_729, %min3A_731 : vector<16xi32>
      %broadcast_in_dim3A_733 = arith.constant 10 : i32
      %broadcast_in_dim3A_734 = vector.broadcast %broadcast_in_dim3A_733 : i32 to vector<16xi32>
      %lt3A_735 = vector.broadcast %sub3A : i32 to vector<16xi32>
      %lt3A_736 = arith.cmpi slt, %broadcast_in_dim3A_734, %lt3A_735 : vector<16xi32>
      %mul3A_737 = arith.constant 32 : i32
      %mul3A_738 = vector.broadcast %mul3A_737 : i32 to vector<16xi32>
      %mul3A_739 = arith.muli %min3A_732, %mul3A_738 : vector<16xi32>
      %add3A_740 = arith.addi %mul3A_739, %iota3A : vector<16xi32>
      %add3A_741 = arith.constant 16 : i32
      %add3A_742 = vector.broadcast %add3A_741 : i32 to vector<16xi32>
      %add3A_743 = arith.addi %add3A_740, %add3A_742 : vector<16xi32>
      %gather3A_744 = tpu.vector_load_idx %arg14[%broadcast_in_dim3A_225, %min3A_732] : memref<2x512xi32, #tpu.memory_space<vmem>>[vector<16xi32>, vector<16xi32>], vector<16xi32>,
      %gather3A_745 = tpu.vector_load_idx %arg13[%broadcast_in_dim3A_225, %add3A_740] : memref<2x16384xf32, #tpu.memory_space<vmem>>[vector<16xi32>, vector<16xi32>], vector<16xf32>,
      %gather3A_746 = tpu.vector_load_idx %arg13[%broadcast_in_dim3A_225, %add3A_743] : memref<2x16384xf32, #tpu.memory_space<vmem>>[vector<16xi32>, vector<16xi32>], vector<16xf32>,
      %get3A_747 = arith.constant 10 : i32
      %get3A_748 = arith.index_cast %get3A_747 : i32 to index
      %get3A_749 = arith.constant 0 : index
      %get3A_750 = tpu.vector_load %arg16[%get3A_748, %get3A_749] {strides = array<i32>} : memref<16x32xf32, #tpu.memory_space<vmem>>, vector<16xf32>,
      %get3A_751 = arith.constant 10 : i32
      %get3A_752 = arith.index_cast %get3A_751 : i32 to index
      %get3A_753 = arith.constant 16 : index
      %get3A_754 = tpu.vector_load %arg16[%get3A_752, %get3A_753] {strides = array<i32>} : memref<16x32xf32, #tpu.memory_space<vmem>>, vector<16xf32>,
      %gt3A_755 = arith.constant 0 : i32
      %gt3A_756 = vector.broadcast %gt3A_755 : i32 to vector<16xi32>
      %gt3A_757 = arith.cmpi sgt, %gather3A_744, %gt3A_756 : vector<16xi32>
      %jit3A_758 = arith.constant -3.000000e+38 : f32
      %broadcast_in_dim3A_759 = vector.broadcast %jit3A_758 : f32 to vector<16xf32>
      %select_n3A_760 = arith.select %gt3A_757, %gather3A_745, %broadcast_in_dim3A_759 : vector<16xi1>, vector<16xf32>
      %max3A_761 = arith.maximumf %select_n3A_760, %get3A_750 : vector<16xf32>
      %jit3A_762 = arith.constant -3.000000e+38 : f32
      %broadcast_in_dim3A_763 = vector.broadcast %jit3A_762 : f32 to vector<16xf32>
      %select_n3A_764 = arith.select %gt3A_757, %gather3A_746, %broadcast_in_dim3A_763 : vector<16xi1>, vector<16xf32>
      %max3A_765 = arith.maximumf %select_n3A_764, %get3A_754 : vector<16xf32>
      tpu.vector_store_idx %arg13[%broadcast_in_dim3A_225, %add3A_740], %max3A_761 masked %lt3A_736 : memref<2x16384xf32, #tpu.memory_space<vmem>>[vector<16xi32>, vector<16xi32>], vector<16xf32>, vector<16xi1>
      tpu.vector_store_idx %arg13[%broadcast_in_dim3A_225, %add3A_743], %max3A_765 masked %lt3A_736 : memref<2x16384xf32, #tpu.memory_space<vmem>>[vector<16xi32>, vector<16xi32>], vector<16xf32>, vector<16xi1>
      tpu.vector_store_idx %arg14[%broadcast_in_dim3A_225, %min3A_732], %broadcast_in_dim3A_227 masked %lt3A_736 : memref<2x512xi32, #tpu.memory_space<vmem>>[vector<16xi32>, vector<16xi32>], vector<16xi32>, vector<16xi1>
      %add3A_766 = arith.constant 11 : i32
      %add3A_767 = arith.addi %mul3A_247, %add3A_766 : i32
      %broadcast_in_dim3A_768 = vector.broadcast %add3A_767 : i32 to vector<16xi32>
      %gather3A_769 = tpu.vector_load_idx %arg15[%broadcast_in_dim3A_225, %broadcast_in_dim3A_768] : memref<2x16384xi32, #tpu.memory_space<vmem>>[vector<16xi32>, vector<16xi32>], vector<16xi32>,
      %shift_right_arithmetic3A_770 = arith.constant 14 : i32
      %shift_right_arithmetic3A_771 = vector.broadcast %shift_right_arithmetic3A_770 : i32 to vector<16xi32>
      %shift_right_arithmetic3A_772 = arith.shrsi %gather3A_769, %shift_right_arithmetic3A_771 : vector<16xi32>
      %max3A_773 = arith.constant 0 : i32
      %max3A_774 = vector.broadcast %max3A_773 : i32 to vector<16xi32>
      %max3A_775 = arith.maxsi %shift_right_arithmetic3A_772, %max3A_774 : vector<16xi32>
      %min3A_776 = arith.constant 511 : i32
      %min3A_777 = vector.broadcast %min3A_776 : i32 to vector<16xi32>
      %min3A_778 = arith.minsi %max3A_775, %min3A_777 : vector<16xi32>
      %broadcast_in_dim3A_779 = arith.constant 11 : i32
      %broadcast_in_dim3A_780 = vector.broadcast %broadcast_in_dim3A_779 : i32 to vector<16xi32>
      %lt3A_781 = vector.broadcast %sub3A : i32 to vector<16xi32>
      %lt3A_782 = arith.cmpi slt, %broadcast_in_dim3A_780, %lt3A_781 : vector<16xi32>
      %mul3A_783 = arith.constant 32 : i32
      %mul3A_784 = vector.broadcast %mul3A_783 : i32 to vector<16xi32>
      %mul3A_785 = arith.muli %min3A_778, %mul3A_784 : vector<16xi32>
      %add3A_786 = arith.addi %mul3A_785, %iota3A : vector<16xi32>
      %add3A_787 = arith.constant 16 : i32
      %add3A_788 = vector.broadcast %add3A_787 : i32 to vector<16xi32>
      %add3A_789 = arith.addi %add3A_786, %add3A_788 : vector<16xi32>
      %gather3A_790 = tpu.vector_load_idx %arg14[%broadcast_in_dim3A_225, %min3A_778] : memref<2x512xi32, #tpu.memory_space<vmem>>[vector<16xi32>, vector<16xi32>], vector<16xi32>,
      %gather3A_791 = tpu.vector_load_idx %arg13[%broadcast_in_dim3A_225, %add3A_786] : memref<2x16384xf32, #tpu.memory_space<vmem>>[vector<16xi32>, vector<16xi32>], vector<16xf32>,
      %gather3A_792 = tpu.vector_load_idx %arg13[%broadcast_in_dim3A_225, %add3A_789] : memref<2x16384xf32, #tpu.memory_space<vmem>>[vector<16xi32>, vector<16xi32>], vector<16xf32>,
      %get3A_793 = arith.constant 11 : i32
      %get3A_794 = arith.index_cast %get3A_793 : i32 to index
      %get3A_795 = arith.constant 0 : index
      %get3A_796 = tpu.vector_load %arg16[%get3A_794, %get3A_795] {strides = array<i32>} : memref<16x32xf32, #tpu.memory_space<vmem>>, vector<16xf32>,
      %get3A_797 = arith.constant 11 : i32
      %get3A_798 = arith.index_cast %get3A_797 : i32 to index
      %get3A_799 = arith.constant 16 : index
      %get3A_800 = tpu.vector_load %arg16[%get3A_798, %get3A_799] {strides = array<i32>} : memref<16x32xf32, #tpu.memory_space<vmem>>, vector<16xf32>,
      %gt3A_801 = arith.constant 0 : i32
      %gt3A_802 = vector.broadcast %gt3A_801 : i32 to vector<16xi32>
      %gt3A_803 = arith.cmpi sgt, %gather3A_790, %gt3A_802 : vector<16xi32>
      %jit3A_804 = arith.constant -3.000000e+38 : f32
      %broadcast_in_dim3A_805 = vector.broadcast %jit3A_804 : f32 to vector<16xf32>
      %select_n3A_806 = arith.select %gt3A_803, %gather3A_791, %broadcast_in_dim3A_805 : vector<16xi1>, vector<16xf32>
      %max3A_807 = arith.maximumf %select_n3A_806, %get3A_796 : vector<16xf32>
      %jit3A_808 = arith.constant -3.000000e+38 : f32
      %broadcast_in_dim3A_809 = vector.broadcast %jit3A_808 : f32 to vector<16xf32>
      %select_n3A_810 = arith.select %gt3A_803, %gather3A_792, %broadcast_in_dim3A_809 : vector<16xi1>, vector<16xf32>
      %max3A_811 = arith.maximumf %select_n3A_810, %get3A_800 : vector<16xf32>
      tpu.vector_store_idx %arg13[%broadcast_in_dim3A_225, %add3A_786], %max3A_807 masked %lt3A_782 : memref<2x16384xf32, #tpu.memory_space<vmem>>[vector<16xi32>, vector<16xi32>], vector<16xf32>, vector<16xi1>
      tpu.vector_store_idx %arg13[%broadcast_in_dim3A_225, %add3A_789], %max3A_811 masked %lt3A_782 : memref<2x16384xf32, #tpu.memory_space<vmem>>[vector<16xi32>, vector<16xi32>], vector<16xf32>, vector<16xi1>
      tpu.vector_store_idx %arg14[%broadcast_in_dim3A_225, %min3A_778], %broadcast_in_dim3A_227 masked %lt3A_782 : memref<2x512xi32, #tpu.memory_space<vmem>>[vector<16xi32>, vector<16xi32>], vector<16xi32>, vector<16xi1>
      %add3A_812 = arith.constant 12 : i32
      %add3A_813 = arith.addi %mul3A_247, %add3A_812 : i32
      %broadcast_in_dim3A_814 = vector.broadcast %add3A_813 : i32 to vector<16xi32>
      %gather3A_815 = tpu.vector_load_idx %arg15[%broadcast_in_dim3A_225, %broadcast_in_dim3A_814] : memref<2x16384xi32, #tpu.memory_space<vmem>>[vector<16xi32>, vector<16xi32>], vector<16xi32>,
      %shift_right_arithmetic3A_816 = arith.constant 14 : i32
      %shift_right_arithmetic3A_817 = vector.broadcast %shift_right_arithmetic3A_816 : i32 to vector<16xi32>
      %shift_right_arithmetic3A_818 = arith.shrsi %gather3A_815, %shift_right_arithmetic3A_817 : vector<16xi32>
      %max3A_819 = arith.constant 0 : i32
      %max3A_820 = vector.broadcast %max3A_819 : i32 to vector<16xi32>
      %max3A_821 = arith.maxsi %shift_right_arithmetic3A_818, %max3A_820 : vector<16xi32>
      %min3A_822 = arith.constant 511 : i32
      %min3A_823 = vector.broadcast %min3A_822 : i32 to vector<16xi32>
      %min3A_824 = arith.minsi %max3A_821, %min3A_823 : vector<16xi32>
      %broadcast_in_dim3A_825 = arith.constant 12 : i32
      %broadcast_in_dim3A_826 = vector.broadcast %broadcast_in_dim3A_825 : i32 to vector<16xi32>
      %lt3A_827 = vector.broadcast %sub3A : i32 to vector<16xi32>
      %lt3A_828 = arith.cmpi slt, %broadcast_in_dim3A_826, %lt3A_827 : vector<16xi32>
      %mul3A_829 = arith.constant 32 : i32
      %mul3A_830 = vector.broadcast %mul3A_829 : i32 to vector<16xi32>
      %mul3A_831 = arith.muli %min3A_824, %mul3A_830 : vector<16xi32>
      %add3A_832 = arith.addi %mul3A_831, %iota3A : vector<16xi32>
      %add3A_833 = arith.constant 16 : i32
      %add3A_834 = vector.broadcast %add3A_833 : i32 to vector<16xi32>
      %add3A_835 = arith.addi %add3A_832, %add3A_834 : vector<16xi32>
      %gather3A_836 = tpu.vector_load_idx %arg14[%broadcast_in_dim3A_225, %min3A_824] : memref<2x512xi32, #tpu.memory_space<vmem>>[vector<16xi32>, vector<16xi32>], vector<16xi32>,
      %gather3A_837 = tpu.vector_load_idx %arg13[%broadcast_in_dim3A_225, %add3A_832] : memref<2x16384xf32, #tpu.memory_space<vmem>>[vector<16xi32>, vector<16xi32>], vector<16xf32>,
      %gather3A_838 = tpu.vector_load_idx %arg13[%broadcast_in_dim3A_225, %add3A_835] : memref<2x16384xf32, #tpu.memory_space<vmem>>[vector<16xi32>, vector<16xi32>], vector<16xf32>,
      %get3A_839 = arith.constant 12 : i32
      %get3A_840 = arith.index_cast %get3A_839 : i32 to index
      %get3A_841 = arith.constant 0 : index
      %get3A_842 = tpu.vector_load %arg16[%get3A_840, %get3A_841] {strides = array<i32>} : memref<16x32xf32, #tpu.memory_space<vmem>>, vector<16xf32>,
      %get3A_843 = arith.constant 12 : i32
      %get3A_844 = arith.index_cast %get3A_843 : i32 to index
      %get3A_845 = arith.constant 16 : index
      %get3A_846 = tpu.vector_load %arg16[%get3A_844, %get3A_845] {strides = array<i32>} : memref<16x32xf32, #tpu.memory_space<vmem>>, vector<16xf32>,
      %gt3A_847 = arith.constant 0 : i32
      %gt3A_848 = vector.broadcast %gt3A_847 : i32 to vector<16xi32>
      %gt3A_849 = arith.cmpi sgt, %gather3A_836, %gt3A_848 : vector<16xi32>
      %jit3A_850 = arith.constant -3.000000e+38 : f32
      %broadcast_in_dim3A_851 = vector.broadcast %jit3A_850 : f32 to vector<16xf32>
      %select_n3A_852 = arith.select %gt3A_849, %gather3A_837, %broadcast_in_dim3A_851 : vector<16xi1>, vector<16xf32>
      %max3A_853 = arith.maximumf %select_n3A_852, %get3A_842 : vector<16xf32>
      %jit3A_854 = arith.constant -3.000000e+38 : f32
      %broadcast_in_dim3A_855 = vector.broadcast %jit3A_854 : f32 to vector<16xf32>
      %select_n3A_856 = arith.select %gt3A_849, %gather3A_838, %broadcast_in_dim3A_855 : vector<16xi1>, vector<16xf32>
      %max3A_857 = arith.maximumf %select_n3A_856, %get3A_846 : vector<16xf32>
      tpu.vector_store_idx %arg13[%broadcast_in_dim3A_225, %add3A_832], %max3A_853 masked %lt3A_828 : memref<2x16384xf32, #tpu.memory_space<vmem>>[vector<16xi32>, vector<16xi32>], vector<16xf32>, vector<16xi1>
      tpu.vector_store_idx %arg13[%broadcast_in_dim3A_225, %add3A_835], %max3A_857 masked %lt3A_828 : memref<2x16384xf32, #tpu.memory_space<vmem>>[vector<16xi32>, vector<16xi32>], vector<16xf32>, vector<16xi1>
      tpu.vector_store_idx %arg14[%broadcast_in_dim3A_225, %min3A_824], %broadcast_in_dim3A_227 masked %lt3A_828 : memref<2x512xi32, #tpu.memory_space<vmem>>[vector<16xi32>, vector<16xi32>], vector<16xi32>, vector<16xi1>
      %add3A_858 = arith.constant 13 : i32
      %add3A_859 = arith.addi %mul3A_247, %add3A_858 : i32
      %broadcast_in_dim3A_860 = vector.broadcast %add3A_859 : i32 to vector<16xi32>
      %gather3A_861 = tpu.vector_load_idx %arg15[%broadcast_in_dim3A_225, %broadcast_in_dim3A_860] : memref<2x16384xi32, #tpu.memory_space<vmem>>[vector<16xi32>, vector<16xi32>], vector<16xi32>,
      %shift_right_arithmetic3A_862 = arith.constant 14 : i32
      %shift_right_arithmetic3A_863 = vector.broadcast %shift_right_arithmetic3A_862 : i32 to vector<16xi32>
      %shift_right_arithmetic3A_864 = arith.shrsi %gather3A_861, %shift_right_arithmetic3A_863 : vector<16xi32>
      %max3A_865 = arith.constant 0 : i32
      %max3A_866 = vector.broadcast %max3A_865 : i32 to vector<16xi32>
      %max3A_867 = arith.maxsi %shift_right_arithmetic3A_864, %max3A_866 : vector<16xi32>
      %min3A_868 = arith.constant 511 : i32
      %min3A_869 = vector.broadcast %min3A_868 : i32 to vector<16xi32>
      %min3A_870 = arith.minsi %max3A_867, %min3A_869 : vector<16xi32>
      %broadcast_in_dim3A_871 = arith.constant 13 : i32
      %broadcast_in_dim3A_872 = vector.broadcast %broadcast_in_dim3A_871 : i32 to vector<16xi32>
      %lt3A_873 = vector.broadcast %sub3A : i32 to vector<16xi32>
      %lt3A_874 = arith.cmpi slt, %broadcast_in_dim3A_872, %lt3A_873 : vector<16xi32>
      %mul3A_875 = arith.constant 32 : i32
      %mul3A_876 = vector.broadcast %mul3A_875 : i32 to vector<16xi32>
      %mul3A_877 = arith.muli %min3A_870, %mul3A_876 : vector<16xi32>
      %add3A_878 = arith.addi %mul3A_877, %iota3A : vector<16xi32>
      %add3A_879 = arith.constant 16 : i32
      %add3A_880 = vector.broadcast %add3A_879 : i32 to vector<16xi32>
      %add3A_881 = arith.addi %add3A_878, %add3A_880 : vector<16xi32>
      %gather3A_882 = tpu.vector_load_idx %arg14[%broadcast_in_dim3A_225, %min3A_870] : memref<2x512xi32, #tpu.memory_space<vmem>>[vector<16xi32>, vector<16xi32>], vector<16xi32>,
      %gather3A_883 = tpu.vector_load_idx %arg13[%broadcast_in_dim3A_225, %add3A_878] : memref<2x16384xf32, #tpu.memory_space<vmem>>[vector<16xi32>, vector<16xi32>], vector<16xf32>,
      %gather3A_884 = tpu.vector_load_idx %arg13[%broadcast_in_dim3A_225, %add3A_881] : memref<2x16384xf32, #tpu.memory_space<vmem>>[vector<16xi32>, vector<16xi32>], vector<16xf32>,
      %get3A_885 = arith.constant 13 : i32
      %get3A_886 = arith.index_cast %get3A_885 : i32 to index
      %get3A_887 = arith.constant 0 : index
      %get3A_888 = tpu.vector_load %arg16[%get3A_886, %get3A_887] {strides = array<i32>} : memref<16x32xf32, #tpu.memory_space<vmem>>, vector<16xf32>,
      %get3A_889 = arith.constant 13 : i32
      %get3A_890 = arith.index_cast %get3A_889 : i32 to index
      %get3A_891 = arith.constant 16 : index
      %get3A_892 = tpu.vector_load %arg16[%get3A_890, %get3A_891] {strides = array<i32>} : memref<16x32xf32, #tpu.memory_space<vmem>>, vector<16xf32>,
      %gt3A_893 = arith.constant 0 : i32
      %gt3A_894 = vector.broadcast %gt3A_893 : i32 to vector<16xi32>
      %gt3A_895 = arith.cmpi sgt, %gather3A_882, %gt3A_894 : vector<16xi32>
      %jit3A_896 = arith.constant -3.000000e+38 : f32
      %broadcast_in_dim3A_897 = vector.broadcast %jit3A_896 : f32 to vector<16xf32>
      %select_n3A_898 = arith.select %gt3A_895, %gather3A_883, %broadcast_in_dim3A_897 : vector<16xi1>, vector<16xf32>
      %max3A_899 = arith.maximumf %select_n3A_898, %get3A_888 : vector<16xf32>
      %jit3A_900 = arith.constant -3.000000e+38 : f32
      %broadcast_in_dim3A_901 = vector.broadcast %jit3A_900 : f32 to vector<16xf32>
      %select_n3A_902 = arith.select %gt3A_895, %gather3A_884, %broadcast_in_dim3A_901 : vector<16xi1>, vector<16xf32>
      %max3A_903 = arith.maximumf %select_n3A_902, %get3A_892 : vector<16xf32>
      tpu.vector_store_idx %arg13[%broadcast_in_dim3A_225, %add3A_878], %max3A_899 masked %lt3A_874 : memref<2x16384xf32, #tpu.memory_space<vmem>>[vector<16xi32>, vector<16xi32>], vector<16xf32>, vector<16xi1>
      tpu.vector_store_idx %arg13[%broadcast_in_dim3A_225, %add3A_881], %max3A_903 masked %lt3A_874 : memref<2x16384xf32, #tpu.memory_space<vmem>>[vector<16xi32>, vector<16xi32>], vector<16xf32>, vector<16xi1>
      tpu.vector_store_idx %arg14[%broadcast_in_dim3A_225, %min3A_870], %broadcast_in_dim3A_227 masked %lt3A_874 : memref<2x512xi32, #tpu.memory_space<vmem>>[vector<16xi32>, vector<16xi32>], vector<16xi32>, vector<16xi1>
      %add3A_904 = arith.constant 14 : i32
      %add3A_905 = arith.addi %mul3A_247, %add3A_904 : i32
      %broadcast_in_dim3A_906 = vector.broadcast %add3A_905 : i32 to vector<16xi32>
      %gather3A_907 = tpu.vector_load_idx %arg15[%broadcast_in_dim3A_225, %broadcast_in_dim3A_906] : memref<2x16384xi32, #tpu.memory_space<vmem>>[vector<16xi32>, vector<16xi32>], vector<16xi32>,
      %shift_right_arithmetic3A_908 = arith.constant 14 : i32
      %shift_right_arithmetic3A_909 = vector.broadcast %shift_right_arithmetic3A_908 : i32 to vector<16xi32>
      %shift_right_arithmetic3A_910 = arith.shrsi %gather3A_907, %shift_right_arithmetic3A_909 : vector<16xi32>
      %max3A_911 = arith.constant 0 : i32
      %max3A_912 = vector.broadcast %max3A_911 : i32 to vector<16xi32>
      %max3A_913 = arith.maxsi %shift_right_arithmetic3A_910, %max3A_912 : vector<16xi32>
      %min3A_914 = arith.constant 511 : i32
      %min3A_915 = vector.broadcast %min3A_914 : i32 to vector<16xi32>
      %min3A_916 = arith.minsi %max3A_913, %min3A_915 : vector<16xi32>
      %broadcast_in_dim3A_917 = arith.constant 14 : i32
      %broadcast_in_dim3A_918 = vector.broadcast %broadcast_in_dim3A_917 : i32 to vector<16xi32>
      %lt3A_919 = vector.broadcast %sub3A : i32 to vector<16xi32>
      %lt3A_920 = arith.cmpi slt, %broadcast_in_dim3A_918, %lt3A_919 : vector<16xi32>
      %mul3A_921 = arith.constant 32 : i32
      %mul3A_922 = vector.broadcast %mul3A_921 : i32 to vector<16xi32>
      %mul3A_923 = arith.muli %min3A_916, %mul3A_922 : vector<16xi32>
      %add3A_924 = arith.addi %mul3A_923, %iota3A : vector<16xi32>
      %add3A_925 = arith.constant 16 : i32
      %add3A_926 = vector.broadcast %add3A_925 : i32 to vector<16xi32>
      %add3A_927 = arith.addi %add3A_924, %add3A_926 : vector<16xi32>
      %gather3A_928 = tpu.vector_load_idx %arg14[%broadcast_in_dim3A_225, %min3A_916] : memref<2x512xi32, #tpu.memory_space<vmem>>[vector<16xi32>, vector<16xi32>], vector<16xi32>,
      %gather3A_929 = tpu.vector_load_idx %arg13[%broadcast_in_dim3A_225, %add3A_924] : memref<2x16384xf32, #tpu.memory_space<vmem>>[vector<16xi32>, vector<16xi32>], vector<16xf32>,
      %gather3A_930 = tpu.vector_load_idx %arg13[%broadcast_in_dim3A_225, %add3A_927] : memref<2x16384xf32, #tpu.memory_space<vmem>>[vector<16xi32>, vector<16xi32>], vector<16xf32>,
      %get3A_931 = arith.constant 14 : i32
      %get3A_932 = arith.index_cast %get3A_931 : i32 to index
      %get3A_933 = arith.constant 0 : index
      %get3A_934 = tpu.vector_load %arg16[%get3A_932, %get3A_933] {strides = array<i32>} : memref<16x32xf32, #tpu.memory_space<vmem>>, vector<16xf32>,
      %get3A_935 = arith.constant 14 : i32
      %get3A_936 = arith.index_cast %get3A_935 : i32 to index
      %get3A_937 = arith.constant 16 : index
      %get3A_938 = tpu.vector_load %arg16[%get3A_936, %get3A_937] {strides = array<i32>} : memref<16x32xf32, #tpu.memory_space<vmem>>, vector<16xf32>,
      %gt3A_939 = arith.constant 0 : i32
      %gt3A_940 = vector.broadcast %gt3A_939 : i32 to vector<16xi32>
      %gt3A_941 = arith.cmpi sgt, %gather3A_928, %gt3A_940 : vector<16xi32>
      %jit3A_942 = arith.constant -3.000000e+38 : f32
      %broadcast_in_dim3A_943 = vector.broadcast %jit3A_942 : f32 to vector<16xf32>
      %select_n3A_944 = arith.select %gt3A_941, %gather3A_929, %broadcast_in_dim3A_943 : vector<16xi1>, vector<16xf32>
      %max3A_945 = arith.maximumf %select_n3A_944, %get3A_934 : vector<16xf32>
      %jit3A_946 = arith.constant -3.000000e+38 : f32
      %broadcast_in_dim3A_947 = vector.broadcast %jit3A_946 : f32 to vector<16xf32>
      %select_n3A_948 = arith.select %gt3A_941, %gather3A_930, %broadcast_in_dim3A_947 : vector<16xi1>, vector<16xf32>
      %max3A_949 = arith.maximumf %select_n3A_948, %get3A_938 : vector<16xf32>
      tpu.vector_store_idx %arg13[%broadcast_in_dim3A_225, %add3A_924], %max3A_945 masked %lt3A_920 : memref<2x16384xf32, #tpu.memory_space<vmem>>[vector<16xi32>, vector<16xi32>], vector<16xf32>, vector<16xi1>
      tpu.vector_store_idx %arg13[%broadcast_in_dim3A_225, %add3A_927], %max3A_949 masked %lt3A_920 : memref<2x16384xf32, #tpu.memory_space<vmem>>[vector<16xi32>, vector<16xi32>], vector<16xf32>, vector<16xi1>
      tpu.vector_store_idx %arg14[%broadcast_in_dim3A_225, %min3A_916], %broadcast_in_dim3A_227 masked %lt3A_920 : memref<2x512xi32, #tpu.memory_space<vmem>>[vector<16xi32>, vector<16xi32>], vector<16xi32>, vector<16xi1>
      %add3A_950 = arith.constant 15 : i32
      %add3A_951 = arith.addi %mul3A_247, %add3A_950 : i32
      %broadcast_in_dim3A_952 = vector.broadcast %add3A_951 : i32 to vector<16xi32>
      %gather3A_953 = tpu.vector_load_idx %arg15[%broadcast_in_dim3A_225, %broadcast_in_dim3A_952] : memref<2x16384xi32, #tpu.memory_space<vmem>>[vector<16xi32>, vector<16xi32>], vector<16xi32>,
      %shift_right_arithmetic3A_954 = arith.constant 14 : i32
      %shift_right_arithmetic3A_955 = vector.broadcast %shift_right_arithmetic3A_954 : i32 to vector<16xi32>
      %shift_right_arithmetic3A_956 = arith.shrsi %gather3A_953, %shift_right_arithmetic3A_955 : vector<16xi32>
      %max3A_957 = arith.constant 0 : i32
      %max3A_958 = vector.broadcast %max3A_957 : i32 to vector<16xi32>
      %max3A_959 = arith.maxsi %shift_right_arithmetic3A_956, %max3A_958 : vector<16xi32>
      %min3A_960 = arith.constant 511 : i32
      %min3A_961 = vector.broadcast %min3A_960 : i32 to vector<16xi32>
      %min3A_962 = arith.minsi %max3A_959, %min3A_961 : vector<16xi32>
      %broadcast_in_dim3A_963 = arith.constant 15 : i32
      %broadcast_in_dim3A_964 = vector.broadcast %broadcast_in_dim3A_963 : i32 to vector<16xi32>
      %lt3A_965 = vector.broadcast %sub3A : i32 to vector<16xi32>
      %lt3A_966 = arith.cmpi slt, %broadcast_in_dim3A_964, %lt3A_965 : vector<16xi32>
      %mul3A_967 = arith.constant 32 : i32
      %mul3A_968 = vector.broadcast %mul3A_967 : i32 to vector<16xi32>
      %mul3A_969 = arith.muli %min3A_962, %mul3A_968 : vector<16xi32>
      %add3A_970 = arith.addi %mul3A_969, %iota3A : vector<16xi32>
      %add3A_971 = arith.constant 16 : i32
      %add3A_972 = vector.broadcast %add3A_971 : i32 to vector<16xi32>
      %add3A_973 = arith.addi %add3A_970, %add3A_972 : vector<16xi32>
      %gather3A_974 = tpu.vector_load_idx %arg14[%broadcast_in_dim3A_225, %min3A_962] : memref<2x512xi32, #tpu.memory_space<vmem>>[vector<16xi32>, vector<16xi32>], vector<16xi32>,
      %gather3A_975 = tpu.vector_load_idx %arg13[%broadcast_in_dim3A_225, %add3A_970] : memref<2x16384xf32, #tpu.memory_space<vmem>>[vector<16xi32>, vector<16xi32>], vector<16xf32>,
      %gather3A_976 = tpu.vector_load_idx %arg13[%broadcast_in_dim3A_225, %add3A_973] : memref<2x16384xf32, #tpu.memory_space<vmem>>[vector<16xi32>, vector<16xi32>], vector<16xf32>,
      %get3A_977 = arith.constant 15 : i32
      %get3A_978 = arith.index_cast %get3A_977 : i32 to index
      %get3A_979 = arith.constant 0 : index
      %get3A_980 = tpu.vector_load %arg16[%get3A_978, %get3A_979] {strides = array<i32>} : memref<16x32xf32, #tpu.memory_space<vmem>>, vector<16xf32>,
      %get3A_981 = arith.constant 15 : i32
      %get3A_982 = arith.index_cast %get3A_981 : i32 to index
      %get3A_983 = arith.constant 16 : index
      %get3A_984 = tpu.vector_load %arg16[%get3A_982, %get3A_983] {strides = array<i32>} : memref<16x32xf32, #tpu.memory_space<vmem>>, vector<16xf32>,
      %gt3A_985 = arith.constant 0 : i32
      %gt3A_986 = vector.broadcast %gt3A_985 : i32 to vector<16xi32>
      %gt3A_987 = arith.cmpi sgt, %gather3A_974, %gt3A_986 : vector<16xi32>
      %jit3A_988 = arith.constant -3.000000e+38 : f32
      %broadcast_in_dim3A_989 = vector.broadcast %jit3A_988 : f32 to vector<16xf32>
      %select_n3A_990 = arith.select %gt3A_987, %gather3A_975, %broadcast_in_dim3A_989 : vector<16xi1>, vector<16xf32>
      %max3A_991 = arith.maximumf %select_n3A_990, %get3A_980 : vector<16xf32>
      %jit3A_992 = arith.constant -3.000000e+38 : f32
      %broadcast_in_dim3A_993 = vector.broadcast %jit3A_992 : f32 to vector<16xf32>
      %select_n3A_994 = arith.select %gt3A_987, %gather3A_976, %broadcast_in_dim3A_993 : vector<16xi1>, vector<16xf32>
      %max3A_995 = arith.maximumf %select_n3A_994, %get3A_984 : vector<16xf32>
      tpu.vector_store_idx %arg13[%broadcast_in_dim3A_225, %add3A_970], %max3A_991 masked %lt3A_966 : memref<2x16384xf32, #tpu.memory_space<vmem>>[vector<16xi32>, vector<16xi32>], vector<16xf32>, vector<16xi1>
      tpu.vector_store_idx %arg13[%broadcast_in_dim3A_225, %add3A_973], %max3A_995 masked %lt3A_966 : memref<2x16384xf32, #tpu.memory_space<vmem>>[vector<16xi32>, vector<16xi32>], vector<16xf32>, vector<16xi1>
      tpu.vector_store_idx %arg14[%broadcast_in_dim3A_225, %min3A_962], %broadcast_in_dim3A_227 masked %lt3A_966 : memref<2x512xi32, #tpu.memory_space<vmem>>[vector<16xi32>, vector<16xi32>], vector<16xi32>, vector<16xi1>
    }
    %while3A_241 = arith.constant 1 : i32
    scf.for %while3A_245 = %while3A_239 to %while3A_235 step %while3A_241  : i32 {
      %mul3A_246 = arith.constant 16 : i32
      %mul3A_247 = arith.muli %while3A_245, %mul3A_246 : i32
      %get3A_248 = arith.constant 1 : i32
      %get3A_249 = arith.index_cast %get3A_248 : i32 to index
      %get3A_250 = arith.index_cast %mul3A_247 : i32 to index
      %get3A_251 = tpu.vector_load %arg15[%get3A_249, %get3A_250] {strides = array<i32>} : memref<2x16384xi32, #tpu.memory_space<vmem>>, vector<16xi32>,
      %sub3A = arith.subi %reduce_max3A_206, %mul3A_247 : i32
      %lt3A = vector.broadcast %sub3A : i32 to vector<16xi32>
      %lt3A_252 = arith.cmpi slt, %iota3A, %lt3A : vector<16xi32>
      %and3A = arith.constant 16383 : i32
      %and3A_253 = vector.broadcast %and3A : i32 to vector<16xi32>
      %and3A_254 = arith.andi %get3A_251, %and3A_253 : vector<16xi32>
      %jit3A = arith.constant 0 : i32
      %broadcast_in_dim3A_255 = vector.broadcast %jit3A : i32 to vector<16xi32>
      %select_n3A = arith.select %lt3A_252, %and3A_254, %broadcast_in_dim3A_255 : vector<16xi1>, vector<16xi32>
      %swap3A = arith.constant 0 : index
      %swap3A_256 = tpu.vector_load %arg17[%swap3A] {strides = array<i32>} : memref<16xi32, #tpu.memory_space<vmem>>, vector<16xi32>,
      tpu.vector_store %arg17[%swap3A], %select_n3A {strides = array<i32>} : memref<16xi32, #tpu.memory_space<vmem>>, vector<16xi32>,
      %dma_start3A_257 = arith.constant 0 : i32
      %dma_start3A_258 = arith.constant 0 : i32
      %dma_start3A_259 = tpu.memref_slice %arg7[%dma_start3A_257, %dma_start3A_258] : memref<16384x32xf32, #tpu.memory_space<hbm>> -> memref<16384x32xf32, #tpu.memory_space<hbm>>
      tpu.enqueue_indirect_dma source(%dma_start3A_259 : memref<16384x32xf32, #tpu.memory_space<hbm>>) target(%arg16 : memref<16x32xf32, #tpu.memory_space<vmem>>) offsets(%arg17 : memref<16xi32, #tpu.memory_space<vmem>>) semaphore(%arg18 : memref<!tpu.dma_semaphore, #tpu.memory_space<semaphore_mem>>)
      %dma_wait3A_260 = arith.constant 0 : i32
      %dma_wait3A_261 = arith.constant 0 : i32
      %dma_wait3A_262 = tpu.memref_slice %arg7[%dma_wait3A_260, %dma_wait3A_261] : memref<16384x32xf32, #tpu.memory_space<hbm>> -> memref<16384x32xf32, #tpu.memory_space<hbm>>
      tpu.wait_indirect_dma semaphore(%arg18 : memref<!tpu.dma_semaphore, #tpu.memory_space<semaphore_mem>>) src(%dma_wait3A_262 : memref<16384x32xf32, #tpu.memory_space<hbm>>) dst(%arg16 : memref<16x32xf32, #tpu.memory_space<vmem>>)
      %add3A_263 = arith.constant 0 : i32
      %add3A_264 = arith.addi %mul3A_247, %add3A_263 : i32
      %broadcast_in_dim3A_265 = vector.broadcast %add3A_264 : i32 to vector<16xi32>
      %gather3A_266 = tpu.vector_load_idx %arg15[%broadcast_in_dim3A_225, %broadcast_in_dim3A_265] : memref<2x16384xi32, #tpu.memory_space<vmem>>[vector<16xi32>, vector<16xi32>], vector<16xi32>,
      %shift_right_arithmetic3A_267 = arith.constant 14 : i32
      %shift_right_arithmetic3A_268 = vector.broadcast %shift_right_arithmetic3A_267 : i32 to vector<16xi32>
      %shift_right_arithmetic3A_269 = arith.shrsi %gather3A_266, %shift_right_arithmetic3A_268 : vector<16xi32>
      %max3A = arith.constant 0 : i32
      %max3A_270 = vector.broadcast %max3A : i32 to vector<16xi32>
      %max3A_271 = arith.maxsi %shift_right_arithmetic3A_269, %max3A_270 : vector<16xi32>
      %min3A = arith.constant 511 : i32
      %min3A_272 = vector.broadcast %min3A : i32 to vector<16xi32>
      %min3A_273 = arith.minsi %max3A_271, %min3A_272 : vector<16xi32>
      %broadcast_in_dim3A_274 = arith.constant 0 : i32
      %broadcast_in_dim3A_275 = vector.broadcast %broadcast_in_dim3A_274 : i32 to vector<16xi32>
      %lt3A_276 = vector.broadcast %sub3A : i32 to vector<16xi32>
      %lt3A_277 = arith.cmpi slt, %broadcast_in_dim3A_275, %lt3A_276 : vector<16xi32>
      %mul3A_278 = arith.constant 32 : i32
      %mul3A_279 = vector.broadcast %mul3A_278 : i32 to vector<16xi32>
      %mul3A_280 = arith.muli %min3A_273, %mul3A_279 : vector<16xi32>
      %add3A_281 = arith.addi %mul3A_280, %iota3A : vector<16xi32>
      %add3A_282 = arith.constant 16 : i32
      %add3A_283 = vector.broadcast %add3A_282 : i32 to vector<16xi32>
      %add3A_284 = arith.addi %add3A_281, %add3A_283 : vector<16xi32>
      %gather3A_285 = tpu.vector_load_idx %arg14[%broadcast_in_dim3A_225, %min3A_273] : memref<2x512xi32, #tpu.memory_space<vmem>>[vector<16xi32>, vector<16xi32>], vector<16xi32>,
      %gather3A_286 = tpu.vector_load_idx %arg13[%broadcast_in_dim3A_225, %add3A_281] : memref<2x16384xf32, #tpu.memory_space<vmem>>[vector<16xi32>, vector<16xi32>], vector<16xf32>,
      %gather3A_287 = tpu.vector_load_idx %arg13[%broadcast_in_dim3A_225, %add3A_284] : memref<2x16384xf32, #tpu.memory_space<vmem>>[vector<16xi32>, vector<16xi32>], vector<16xf32>,
      %get3A_288 = arith.constant 0 : i32
      %get3A_289 = arith.index_cast %get3A_288 : i32 to index
      %get3A_290 = arith.constant 0 : index
      %get3A_291 = tpu.vector_load %arg16[%get3A_289, %get3A_290] {strides = array<i32>} : memref<16x32xf32, #tpu.memory_space<vmem>>, vector<16xf32>,
      %get3A_292 = arith.constant 0 : i32
      %get3A_293 = arith.index_cast %get3A_292 : i32 to index
      %get3A_294 = arith.constant 16 : index
      %get3A_295 = tpu.vector_load %arg16[%get3A_293, %get3A_294] {strides = array<i32>} : memref<16x32xf32, #tpu.memory_space<vmem>>, vector<16xf32>,
      %gt3A = arith.constant 0 : i32
      %gt3A_296 = vector.broadcast %gt3A : i32 to vector<16xi32>
      %gt3A_297 = arith.cmpi sgt, %gather3A_285, %gt3A_296 : vector<16xi32>
      %jit3A_298 = arith.constant -3.000000e+38 : f32
      %broadcast_in_dim3A_299 = vector.broadcast %jit3A_298 : f32 to vector<16xf32>
      %select_n3A_300 = arith.select %gt3A_297, %gather3A_286, %broadcast_in_dim3A_299 : vector<16xi1>, vector<16xf32>
      %max3A_301 = arith.maximumf %select_n3A_300, %get3A_291 : vector<16xf32>
      %jit3A_302 = arith.constant -3.000000e+38 : f32
      %broadcast_in_dim3A_303 = vector.broadcast %jit3A_302 : f32 to vector<16xf32>
      %select_n3A_304 = arith.select %gt3A_297, %gather3A_287, %broadcast_in_dim3A_303 : vector<16xi1>, vector<16xf32>
      %max3A_305 = arith.maximumf %select_n3A_304, %get3A_295 : vector<16xf32>
      tpu.vector_store_idx %arg13[%broadcast_in_dim3A_225, %add3A_281], %max3A_301 masked %lt3A_277 : memref<2x16384xf32, #tpu.memory_space<vmem>>[vector<16xi32>, vector<16xi32>], vector<16xf32>, vector<16xi1>
      tpu.vector_store_idx %arg13[%broadcast_in_dim3A_225, %add3A_284], %max3A_305 masked %lt3A_277 : memref<2x16384xf32, #tpu.memory_space<vmem>>[vector<16xi32>, vector<16xi32>], vector<16xf32>, vector<16xi1>
      tpu.vector_store_idx %arg14[%broadcast_in_dim3A_225, %min3A_273], %broadcast_in_dim3A_227 masked %lt3A_277 : memref<2x512xi32, #tpu.memory_space<vmem>>[vector<16xi32>, vector<16xi32>], vector<16xi32>, vector<16xi1>
      %add3A_306 = arith.constant 1 : i32
      %add3A_307 = arith.addi %mul3A_247, %add3A_306 : i32
      %broadcast_in_dim3A_308 = vector.broadcast %add3A_307 : i32 to vector<16xi32>
      %gather3A_309 = tpu.vector_load_idx %arg15[%broadcast_in_dim3A_225, %broadcast_in_dim3A_308] : memref<2x16384xi32, #tpu.memory_space<vmem>>[vector<16xi32>, vector<16xi32>], vector<16xi32>,
      %shift_right_arithmetic3A_310 = arith.constant 14 : i32
      %shift_right_arithmetic3A_311 = vector.broadcast %shift_right_arithmetic3A_310 : i32 to vector<16xi32>
      %shift_right_arithmetic3A_312 = arith.shrsi %gather3A_309, %shift_right_arithmetic3A_311 : vector<16xi32>
      %max3A_313 = arith.constant 0 : i32
      %max3A_314 = vector.broadcast %max3A_313 : i32 to vector<16xi32>
      %max3A_315 = arith.maxsi %shift_right_arithmetic3A_312, %max3A_314 : vector<16xi32>
      %min3A_316 = arith.constant 511 : i32
      %min3A_317 = vector.broadcast %min3A_316 : i32 to vector<16xi32>
      %min3A_318 = arith.minsi %max3A_315, %min3A_317 : vector<16xi32>
      %broadcast_in_dim3A_319 = arith.constant 1 : i32
      %broadcast_in_dim3A_320 = vector.broadcast %broadcast_in_dim3A_319 : i32 to vector<16xi32>
      %lt3A_321 = vector.broadcast %sub3A : i32 to vector<16xi32>
      %lt3A_322 = arith.cmpi slt, %broadcast_in_dim3A_320, %lt3A_321 : vector<16xi32>
      %mul3A_323 = arith.constant 32 : i32
      %mul3A_324 = vector.broadcast %mul3A_323 : i32 to vector<16xi32>
      %mul3A_325 = arith.muli %min3A_318, %mul3A_324 : vector<16xi32>
      %add3A_326 = arith.addi %mul3A_325, %iota3A : vector<16xi32>
      %add3A_327 = arith.constant 16 : i32
      %add3A_328 = vector.broadcast %add3A_327 : i32 to vector<16xi32>
      %add3A_329 = arith.addi %add3A_326, %add3A_328 : vector<16xi32>
      %gather3A_330 = tpu.vector_load_idx %arg14[%broadcast_in_dim3A_225, %min3A_318] : memref<2x512xi32, #tpu.memory_space<vmem>>[vector<16xi32>, vector<16xi32>], vector<16xi32>,
      %gather3A_331 = tpu.vector_load_idx %arg13[%broadcast_in_dim3A_225, %add3A_326] : memref<2x16384xf32, #tpu.memory_space<vmem>>[vector<16xi32>, vector<16xi32>], vector<16xf32>,
      %gather3A_332 = tpu.vector_load_idx %arg13[%broadcast_in_dim3A_225, %add3A_329] : memref<2x16384xf32, #tpu.memory_space<vmem>>[vector<16xi32>, vector<16xi32>], vector<16xf32>,
      %get3A_333 = arith.constant 1 : i32
      %get3A_334 = arith.index_cast %get3A_333 : i32 to index
      %get3A_335 = arith.constant 0 : index
      %get3A_336 = tpu.vector_load %arg16[%get3A_334, %get3A_335] {strides = array<i32>} : memref<16x32xf32, #tpu.memory_space<vmem>>, vector<16xf32>,
      %get3A_337 = arith.constant 1 : i32
      %get3A_338 = arith.index_cast %get3A_337 : i32 to index
      %get3A_339 = arith.constant 16 : index
      %get3A_340 = tpu.vector_load %arg16[%get3A_338, %get3A_339] {strides = array<i32>} : memref<16x32xf32, #tpu.memory_space<vmem>>, vector<16xf32>,
      %gt3A_341 = arith.constant 0 : i32
      %gt3A_342 = vector.broadcast %gt3A_341 : i32 to vector<16xi32>
      %gt3A_343 = arith.cmpi sgt, %gather3A_330, %gt3A_342 : vector<16xi32>
      %jit3A_344 = arith.constant -3.000000e+38 : f32
      %broadcast_in_dim3A_345 = vector.broadcast %jit3A_344 : f32 to vector<16xf32>
      %select_n3A_346 = arith.select %gt3A_343, %gather3A_331, %broadcast_in_dim3A_345 : vector<16xi1>, vector<16xf32>
      %max3A_347 = arith.maximumf %select_n3A_346, %get3A_336 : vector<16xf32>
      %jit3A_348 = arith.constant -3.000000e+38 : f32
      %broadcast_in_dim3A_349 = vector.broadcast %jit3A_348 : f32 to vector<16xf32>
      %select_n3A_350 = arith.select %gt3A_343, %gather3A_332, %broadcast_in_dim3A_349 : vector<16xi1>, vector<16xf32>
      %max3A_351 = arith.maximumf %select_n3A_350, %get3A_340 : vector<16xf32>
      tpu.vector_store_idx %arg13[%broadcast_in_dim3A_225, %add3A_326], %max3A_347 masked %lt3A_322 : memref<2x16384xf32, #tpu.memory_space<vmem>>[vector<16xi32>, vector<16xi32>], vector<16xf32>, vector<16xi1>
      tpu.vector_store_idx %arg13[%broadcast_in_dim3A_225, %add3A_329], %max3A_351 masked %lt3A_322 : memref<2x16384xf32, #tpu.memory_space<vmem>>[vector<16xi32>, vector<16xi32>], vector<16xf32>, vector<16xi1>
      tpu.vector_store_idx %arg14[%broadcast_in_dim3A_225, %min3A_318], %broadcast_in_dim3A_227 masked %lt3A_322 : memref<2x512xi32, #tpu.memory_space<vmem>>[vector<16xi32>, vector<16xi32>], vector<16xi32>, vector<16xi1>
      %add3A_352 = arith.constant 2 : i32
      %add3A_353 = arith.addi %mul3A_247, %add3A_352 : i32
      %broadcast_in_dim3A_354 = vector.broadcast %add3A_353 : i32 to vector<16xi32>
      %gather3A_355 = tpu.vector_load_idx %arg15[%broadcast_in_dim3A_225, %broadcast_in_dim3A_354] : memref<2x16384xi32, #tpu.memory_space<vmem>>[vector<16xi32>, vector<16xi32>], vector<16xi32>,
      %shift_right_arithmetic3A_356 = arith.constant 14 : i32
      %shift_right_arithmetic3A_357 = vector.broadcast %shift_right_arithmetic3A_356 : i32 to vector<16xi32>
      %shift_right_arithmetic3A_358 = arith.shrsi %gather3A_355, %shift_right_arithmetic3A_357 : vector<16xi32>
      %max3A_359 = arith.constant 0 : i32
      %max3A_360 = vector.broadcast %max3A_359 : i32 to vector<16xi32>
      %max3A_361 = arith.maxsi %shift_right_arithmetic3A_358, %max3A_360 : vector<16xi32>
      %min3A_362 = arith.constant 511 : i32
      %min3A_363 = vector.broadcast %min3A_362 : i32 to vector<16xi32>
      %min3A_364 = arith.minsi %max3A_361, %min3A_363 : vector<16xi32>
      %broadcast_in_dim3A_365 = arith.constant 2 : i32
      %broadcast_in_dim3A_366 = vector.broadcast %broadcast_in_dim3A_365 : i32 to vector<16xi32>
      %lt3A_367 = vector.broadcast %sub3A : i32 to vector<16xi32>
      %lt3A_368 = arith.cmpi slt, %broadcast_in_dim3A_366, %lt3A_367 : vector<16xi32>
      %mul3A_369 = arith.constant 32 : i32
      %mul3A_370 = vector.broadcast %mul3A_369 : i32 to vector<16xi32>
      %mul3A_371 = arith.muli %min3A_364, %mul3A_370 : vector<16xi32>
      %add3A_372 = arith.addi %mul3A_371, %iota3A : vector<16xi32>
      %add3A_373 = arith.constant 16 : i32
      %add3A_374 = vector.broadcast %add3A_373 : i32 to vector<16xi32>
      %add3A_375 = arith.addi %add3A_372, %add3A_374 : vector<16xi32>
      %gather3A_376 = tpu.vector_load_idx %arg14[%broadcast_in_dim3A_225, %min3A_364] : memref<2x512xi32, #tpu.memory_space<vmem>>[vector<16xi32>, vector<16xi32>], vector<16xi32>,
      %gather3A_377 = tpu.vector_load_idx %arg13[%broadcast_in_dim3A_225, %add3A_372] : memref<2x16384xf32, #tpu.memory_space<vmem>>[vector<16xi32>, vector<16xi32>], vector<16xf32>,
      %gather3A_378 = tpu.vector_load_idx %arg13[%broadcast_in_dim3A_225, %add3A_375] : memref<2x16384xf32, #tpu.memory_space<vmem>>[vector<16xi32>, vector<16xi32>], vector<16xf32>,
      %get3A_379 = arith.constant 2 : i32
      %get3A_380 = arith.index_cast %get3A_379 : i32 to index
      %get3A_381 = arith.constant 0 : index
      %get3A_382 = tpu.vector_load %arg16[%get3A_380, %get3A_381] {strides = array<i32>} : memref<16x32xf32, #tpu.memory_space<vmem>>, vector<16xf32>,
      %get3A_383 = arith.constant 2 : i32
      %get3A_384 = arith.index_cast %get3A_383 : i32 to index
      %get3A_385 = arith.constant 16 : index
      %get3A_386 = tpu.vector_load %arg16[%get3A_384, %get3A_385] {strides = array<i32>} : memref<16x32xf32, #tpu.memory_space<vmem>>, vector<16xf32>,
      %gt3A_387 = arith.constant 0 : i32
      %gt3A_388 = vector.broadcast %gt3A_387 : i32 to vector<16xi32>
      %gt3A_389 = arith.cmpi sgt, %gather3A_376, %gt3A_388 : vector<16xi32>
      %jit3A_390 = arith.constant -3.000000e+38 : f32
      %broadcast_in_dim3A_391 = vector.broadcast %jit3A_390 : f32 to vector<16xf32>
      %select_n3A_392 = arith.select %gt3A_389, %gather3A_377, %broadcast_in_dim3A_391 : vector<16xi1>, vector<16xf32>
      %max3A_393 = arith.maximumf %select_n3A_392, %get3A_382 : vector<16xf32>
      %jit3A_394 = arith.constant -3.000000e+38 : f32
      %broadcast_in_dim3A_395 = vector.broadcast %jit3A_394 : f32 to vector<16xf32>
      %select_n3A_396 = arith.select %gt3A_389, %gather3A_378, %broadcast_in_dim3A_395 : vector<16xi1>, vector<16xf32>
      %max3A_397 = arith.maximumf %select_n3A_396, %get3A_386 : vector<16xf32>
      tpu.vector_store_idx %arg13[%broadcast_in_dim3A_225, %add3A_372], %max3A_393 masked %lt3A_368 : memref<2x16384xf32, #tpu.memory_space<vmem>>[vector<16xi32>, vector<16xi32>], vector<16xf32>, vector<16xi1>
      tpu.vector_store_idx %arg13[%broadcast_in_dim3A_225, %add3A_375], %max3A_397 masked %lt3A_368 : memref<2x16384xf32, #tpu.memory_space<vmem>>[vector<16xi32>, vector<16xi32>], vector<16xf32>, vector<16xi1>
      tpu.vector_store_idx %arg14[%broadcast_in_dim3A_225, %min3A_364], %broadcast_in_dim3A_227 masked %lt3A_368 : memref<2x512xi32, #tpu.memory_space<vmem>>[vector<16xi32>, vector<16xi32>], vector<16xi32>, vector<16xi1>
      %add3A_398 = arith.constant 3 : i32
      %add3A_399 = arith.addi %mul3A_247, %add3A_398 : i32
      %broadcast_in_dim3A_400 = vector.broadcast %add3A_399 : i32 to vector<16xi32>
      %gather3A_401 = tpu.vector_load_idx %arg15[%broadcast_in_dim3A_225, %broadcast_in_dim3A_400] : memref<2x16384xi32, #tpu.memory_space<vmem>>[vector<16xi32>, vector<16xi32>], vector<16xi32>,
      %shift_right_arithmetic3A_402 = arith.constant 14 : i32
      %shift_right_arithmetic3A_403 = vector.broadcast %shift_right_arithmetic3A_402 : i32 to vector<16xi32>
      %shift_right_arithmetic3A_404 = arith.shrsi %gather3A_401, %shift_right_arithmetic3A_403 : vector<16xi32>
      %max3A_405 = arith.constant 0 : i32
      %max3A_406 = vector.broadcast %max3A_405 : i32 to vector<16xi32>
      %max3A_407 = arith.maxsi %shift_right_arithmetic3A_404, %max3A_406 : vector<16xi32>
      %min3A_408 = arith.constant 511 : i32
      %min3A_409 = vector.broadcast %min3A_408 : i32 to vector<16xi32>
      %min3A_410 = arith.minsi %max3A_407, %min3A_409 : vector<16xi32>
      %broadcast_in_dim3A_411 = arith.constant 3 : i32
      %broadcast_in_dim3A_412 = vector.broadcast %broadcast_in_dim3A_411 : i32 to vector<16xi32>
      %lt3A_413 = vector.broadcast %sub3A : i32 to vector<16xi32>
      %lt3A_414 = arith.cmpi slt, %broadcast_in_dim3A_412, %lt3A_413 : vector<16xi32>
      %mul3A_415 = arith.constant 32 : i32
      %mul3A_416 = vector.broadcast %mul3A_415 : i32 to vector<16xi32>
      %mul3A_417 = arith.muli %min3A_410, %mul3A_416 : vector<16xi32>
      %add3A_418 = arith.addi %mul3A_417, %iota3A : vector<16xi32>
      %add3A_419 = arith.constant 16 : i32
      %add3A_420 = vector.broadcast %add3A_419 : i32 to vector<16xi32>
      %add3A_421 = arith.addi %add3A_418, %add3A_420 : vector<16xi32>
      %gather3A_422 = tpu.vector_load_idx %arg14[%broadcast_in_dim3A_225, %min3A_410] : memref<2x512xi32, #tpu.memory_space<vmem>>[vector<16xi32>, vector<16xi32>], vector<16xi32>,
      %gather3A_423 = tpu.vector_load_idx %arg13[%broadcast_in_dim3A_225, %add3A_418] : memref<2x16384xf32, #tpu.memory_space<vmem>>[vector<16xi32>, vector<16xi32>], vector<16xf32>,
      %gather3A_424 = tpu.vector_load_idx %arg13[%broadcast_in_dim3A_225, %add3A_421] : memref<2x16384xf32, #tpu.memory_space<vmem>>[vector<16xi32>, vector<16xi32>], vector<16xf32>,
      %get3A_425 = arith.constant 3 : i32
      %get3A_426 = arith.index_cast %get3A_425 : i32 to index
      %get3A_427 = arith.constant 0 : index
      %get3A_428 = tpu.vector_load %arg16[%get3A_426, %get3A_427] {strides = array<i32>} : memref<16x32xf32, #tpu.memory_space<vmem>>, vector<16xf32>,
      %get3A_429 = arith.constant 3 : i32
      %get3A_430 = arith.index_cast %get3A_429 : i32 to index
      %get3A_431 = arith.constant 16 : index
      %get3A_432 = tpu.vector_load %arg16[%get3A_430, %get3A_431] {strides = array<i32>} : memref<16x32xf32, #tpu.memory_space<vmem>>, vector<16xf32>,
      %gt3A_433 = arith.constant 0 : i32
      %gt3A_434 = vector.broadcast %gt3A_433 : i32 to vector<16xi32>
      %gt3A_435 = arith.cmpi sgt, %gather3A_422, %gt3A_434 : vector<16xi32>
      %jit3A_436 = arith.constant -3.000000e+38 : f32
      %broadcast_in_dim3A_437 = vector.broadcast %jit3A_436 : f32 to vector<16xf32>
      %select_n3A_438 = arith.select %gt3A_435, %gather3A_423, %broadcast_in_dim3A_437 : vector<16xi1>, vector<16xf32>
      %max3A_439 = arith.maximumf %select_n3A_438, %get3A_428 : vector<16xf32>
      %jit3A_440 = arith.constant -3.000000e+38 : f32
      %broadcast_in_dim3A_441 = vector.broadcast %jit3A_440 : f32 to vector<16xf32>
      %select_n3A_442 = arith.select %gt3A_435, %gather3A_424, %broadcast_in_dim3A_441 : vector<16xi1>, vector<16xf32>
      %max3A_443 = arith.maximumf %select_n3A_442, %get3A_432 : vector<16xf32>
      tpu.vector_store_idx %arg13[%broadcast_in_dim3A_225, %add3A_418], %max3A_439 masked %lt3A_414 : memref<2x16384xf32, #tpu.memory_space<vmem>>[vector<16xi32>, vector<16xi32>], vector<16xf32>, vector<16xi1>
      tpu.vector_store_idx %arg13[%broadcast_in_dim3A_225, %add3A_421], %max3A_443 masked %lt3A_414 : memref<2x16384xf32, #tpu.memory_space<vmem>>[vector<16xi32>, vector<16xi32>], vector<16xf32>, vector<16xi1>
      tpu.vector_store_idx %arg14[%broadcast_in_dim3A_225, %min3A_410], %broadcast_in_dim3A_227 masked %lt3A_414 : memref<2x512xi32, #tpu.memory_space<vmem>>[vector<16xi32>, vector<16xi32>], vector<16xi32>, vector<16xi1>
      %add3A_444 = arith.constant 4 : i32
      %add3A_445 = arith.addi %mul3A_247, %add3A_444 : i32
      %broadcast_in_dim3A_446 = vector.broadcast %add3A_445 : i32 to vector<16xi32>
      %gather3A_447 = tpu.vector_load_idx %arg15[%broadcast_in_dim3A_225, %broadcast_in_dim3A_446] : memref<2x16384xi32, #tpu.memory_space<vmem>>[vector<16xi32>, vector<16xi32>], vector<16xi32>,
      %shift_right_arithmetic3A_448 = arith.constant 14 : i32
      %shift_right_arithmetic3A_449 = vector.broadcast %shift_right_arithmetic3A_448 : i32 to vector<16xi32>
      %shift_right_arithmetic3A_450 = arith.shrsi %gather3A_447, %shift_right_arithmetic3A_449 : vector<16xi32>
      %max3A_451 = arith.constant 0 : i32
      %max3A_452 = vector.broadcast %max3A_451 : i32 to vector<16xi32>
      %max3A_453 = arith.maxsi %shift_right_arithmetic3A_450, %max3A_452 : vector<16xi32>
      %min3A_454 = arith.constant 511 : i32
      %min3A_455 = vector.broadcast %min3A_454 : i32 to vector<16xi32>
      %min3A_456 = arith.minsi %max3A_453, %min3A_455 : vector<16xi32>
      %broadcast_in_dim3A_457 = arith.constant 4 : i32
      %broadcast_in_dim3A_458 = vector.broadcast %broadcast_in_dim3A_457 : i32 to vector<16xi32>
      %lt3A_459 = vector.broadcast %sub3A : i32 to vector<16xi32>
      %lt3A_460 = arith.cmpi slt, %broadcast_in_dim3A_458, %lt3A_459 : vector<16xi32>
      %mul3A_461 = arith.constant 32 : i32
      %mul3A_462 = vector.broadcast %mul3A_461 : i32 to vector<16xi32>
      %mul3A_463 = arith.muli %min3A_456, %mul3A_462 : vector<16xi32>
      %add3A_464 = arith.addi %mul3A_463, %iota3A : vector<16xi32>
      %add3A_465 = arith.constant 16 : i32
      %add3A_466 = vector.broadcast %add3A_465 : i32 to vector<16xi32>
      %add3A_467 = arith.addi %add3A_464, %add3A_466 : vector<16xi32>
      %gather3A_468 = tpu.vector_load_idx %arg14[%broadcast_in_dim3A_225, %min3A_456] : memref<2x512xi32, #tpu.memory_space<vmem>>[vector<16xi32>, vector<16xi32>], vector<16xi32>,
      %gather3A_469 = tpu.vector_load_idx %arg13[%broadcast_in_dim3A_225, %add3A_464] : memref<2x16384xf32, #tpu.memory_space<vmem>>[vector<16xi32>, vector<16xi32>], vector<16xf32>,
      %gather3A_470 = tpu.vector_load_idx %arg13[%broadcast_in_dim3A_225, %add3A_467] : memref<2x16384xf32, #tpu.memory_space<vmem>>[vector<16xi32>, vector<16xi32>], vector<16xf32>,
      %get3A_471 = arith.constant 4 : i32
      %get3A_472 = arith.index_cast %get3A_471 : i32 to index
      %get3A_473 = arith.constant 0 : index
      %get3A_474 = tpu.vector_load %arg16[%get3A_472, %get3A_473] {strides = array<i32>} : memref<16x32xf32, #tpu.memory_space<vmem>>, vector<16xf32>,
      %get3A_475 = arith.constant 4 : i32
      %get3A_476 = arith.index_cast %get3A_475 : i32 to index
      %get3A_477 = arith.constant 16 : index
      %get3A_478 = tpu.vector_load %arg16[%get3A_476, %get3A_477] {strides = array<i32>} : memref<16x32xf32, #tpu.memory_space<vmem>>, vector<16xf32>,
      %gt3A_479 = arith.constant 0 : i32
      %gt3A_480 = vector.broadcast %gt3A_479 : i32 to vector<16xi32>
      %gt3A_481 = arith.cmpi sgt, %gather3A_468, %gt3A_480 : vector<16xi32>
      %jit3A_482 = arith.constant -3.000000e+38 : f32
      %broadcast_in_dim3A_483 = vector.broadcast %jit3A_482 : f32 to vector<16xf32>
      %select_n3A_484 = arith.select %gt3A_481, %gather3A_469, %broadcast_in_dim3A_483 : vector<16xi1>, vector<16xf32>
      %max3A_485 = arith.maximumf %select_n3A_484, %get3A_474 : vector<16xf32>
      %jit3A_486 = arith.constant -3.000000e+38 : f32
      %broadcast_in_dim3A_487 = vector.broadcast %jit3A_486 : f32 to vector<16xf32>
      %select_n3A_488 = arith.select %gt3A_481, %gather3A_470, %broadcast_in_dim3A_487 : vector<16xi1>, vector<16xf32>
      %max3A_489 = arith.maximumf %select_n3A_488, %get3A_478 : vector<16xf32>
      tpu.vector_store_idx %arg13[%broadcast_in_dim3A_225, %add3A_464], %max3A_485 masked %lt3A_460 : memref<2x16384xf32, #tpu.memory_space<vmem>>[vector<16xi32>, vector<16xi32>], vector<16xf32>, vector<16xi1>
      tpu.vector_store_idx %arg13[%broadcast_in_dim3A_225, %add3A_467], %max3A_489 masked %lt3A_460 : memref<2x16384xf32, #tpu.memory_space<vmem>>[vector<16xi32>, vector<16xi32>], vector<16xf32>, vector<16xi1>
      tpu.vector_store_idx %arg14[%broadcast_in_dim3A_225, %min3A_456], %broadcast_in_dim3A_227 masked %lt3A_460 : memref<2x512xi32, #tpu.memory_space<vmem>>[vector<16xi32>, vector<16xi32>], vector<16xi32>, vector<16xi1>
      %add3A_490 = arith.constant 5 : i32
      %add3A_491 = arith.addi %mul3A_247, %add3A_490 : i32
      %broadcast_in_dim3A_492 = vector.broadcast %add3A_491 : i32 to vector<16xi32>
      %gather3A_493 = tpu.vector_load_idx %arg15[%broadcast_in_dim3A_225, %broadcast_in_dim3A_492] : memref<2x16384xi32, #tpu.memory_space<vmem>>[vector<16xi32>, vector<16xi32>], vector<16xi32>,
      %shift_right_arithmetic3A_494 = arith.constant 14 : i32
      %shift_right_arithmetic3A_495 = vector.broadcast %shift_right_arithmetic3A_494 : i32 to vector<16xi32>
      %shift_right_arithmetic3A_496 = arith.shrsi %gather3A_493, %shift_right_arithmetic3A_495 : vector<16xi32>
      %max3A_497 = arith.constant 0 : i32
      %max3A_498 = vector.broadcast %max3A_497 : i32 to vector<16xi32>
      %max3A_499 = arith.maxsi %shift_right_arithmetic3A_496, %max3A_498 : vector<16xi32>
      %min3A_500 = arith.constant 511 : i32
      %min3A_501 = vector.broadcast %min3A_500 : i32 to vector<16xi32>
      %min3A_502 = arith.minsi %max3A_499, %min3A_501 : vector<16xi32>
      %broadcast_in_dim3A_503 = arith.constant 5 : i32
      %broadcast_in_dim3A_504 = vector.broadcast %broadcast_in_dim3A_503 : i32 to vector<16xi32>
      %lt3A_505 = vector.broadcast %sub3A : i32 to vector<16xi32>
      %lt3A_506 = arith.cmpi slt, %broadcast_in_dim3A_504, %lt3A_505 : vector<16xi32>
      %mul3A_507 = arith.constant 32 : i32
      %mul3A_508 = vector.broadcast %mul3A_507 : i32 to vector<16xi32>
      %mul3A_509 = arith.muli %min3A_502, %mul3A_508 : vector<16xi32>
      %add3A_510 = arith.addi %mul3A_509, %iota3A : vector<16xi32>
      %add3A_511 = arith.constant 16 : i32
      %add3A_512 = vector.broadcast %add3A_511 : i32 to vector<16xi32>
      %add3A_513 = arith.addi %add3A_510, %add3A_512 : vector<16xi32>
      %gather3A_514 = tpu.vector_load_idx %arg14[%broadcast_in_dim3A_225, %min3A_502] : memref<2x512xi32, #tpu.memory_space<vmem>>[vector<16xi32>, vector<16xi32>], vector<16xi32>,
      %gather3A_515 = tpu.vector_load_idx %arg13[%broadcast_in_dim3A_225, %add3A_510] : memref<2x16384xf32, #tpu.memory_space<vmem>>[vector<16xi32>, vector<16xi32>], vector<16xf32>,
      %gather3A_516 = tpu.vector_load_idx %arg13[%broadcast_in_dim3A_225, %add3A_513] : memref<2x16384xf32, #tpu.memory_space<vmem>>[vector<16xi32>, vector<16xi32>], vector<16xf32>,
      %get3A_517 = arith.constant 5 : i32
      %get3A_518 = arith.index_cast %get3A_517 : i32 to index
      %get3A_519 = arith.constant 0 : index
      %get3A_520 = tpu.vector_load %arg16[%get3A_518, %get3A_519] {strides = array<i32>} : memref<16x32xf32, #tpu.memory_space<vmem>>, vector<16xf32>,
      %get3A_521 = arith.constant 5 : i32
      %get3A_522 = arith.index_cast %get3A_521 : i32 to index
      %get3A_523 = arith.constant 16 : index
      %get3A_524 = tpu.vector_load %arg16[%get3A_522, %get3A_523] {strides = array<i32>} : memref<16x32xf32, #tpu.memory_space<vmem>>, vector<16xf32>,
      %gt3A_525 = arith.constant 0 : i32
      %gt3A_526 = vector.broadcast %gt3A_525 : i32 to vector<16xi32>
      %gt3A_527 = arith.cmpi sgt, %gather3A_514, %gt3A_526 : vector<16xi32>
      %jit3A_528 = arith.constant -3.000000e+38 : f32
      %broadcast_in_dim3A_529 = vector.broadcast %jit3A_528 : f32 to vector<16xf32>
      %select_n3A_530 = arith.select %gt3A_527, %gather3A_515, %broadcast_in_dim3A_529 : vector<16xi1>, vector<16xf32>
      %max3A_531 = arith.maximumf %select_n3A_530, %get3A_520 : vector<16xf32>
      %jit3A_532 = arith.constant -3.000000e+38 : f32
      %broadcast_in_dim3A_533 = vector.broadcast %jit3A_532 : f32 to vector<16xf32>
      %select_n3A_534 = arith.select %gt3A_527, %gather3A_516, %broadcast_in_dim3A_533 : vector<16xi1>, vector<16xf32>
      %max3A_535 = arith.maximumf %select_n3A_534, %get3A_524 : vector<16xf32>
      tpu.vector_store_idx %arg13[%broadcast_in_dim3A_225, %add3A_510], %max3A_531 masked %lt3A_506 : memref<2x16384xf32, #tpu.memory_space<vmem>>[vector<16xi32>, vector<16xi32>], vector<16xf32>, vector<16xi1>
      tpu.vector_store_idx %arg13[%broadcast_in_dim3A_225, %add3A_513], %max3A_535 masked %lt3A_506 : memref<2x16384xf32, #tpu.memory_space<vmem>>[vector<16xi32>, vector<16xi32>], vector<16xf32>, vector<16xi1>
      tpu.vector_store_idx %arg14[%broadcast_in_dim3A_225, %min3A_502], %broadcast_in_dim3A_227 masked %lt3A_506 : memref<2x512xi32, #tpu.memory_space<vmem>>[vector<16xi32>, vector<16xi32>], vector<16xi32>, vector<16xi1>
      %add3A_536 = arith.constant 6 : i32
      %add3A_537 = arith.addi %mul3A_247, %add3A_536 : i32
      %broadcast_in_dim3A_538 = vector.broadcast %add3A_537 : i32 to vector<16xi32>
      %gather3A_539 = tpu.vector_load_idx %arg15[%broadcast_in_dim3A_225, %broadcast_in_dim3A_538] : memref<2x16384xi32, #tpu.memory_space<vmem>>[vector<16xi32>, vector<16xi32>], vector<16xi32>,
      %shift_right_arithmetic3A_540 = arith.constant 14 : i32
      %shift_right_arithmetic3A_541 = vector.broadcast %shift_right_arithmetic3A_540 : i32 to vector<16xi32>
      %shift_right_arithmetic3A_542 = arith.shrsi %gather3A_539, %shift_right_arithmetic3A_541 : vector<16xi32>
      %max3A_543 = arith.constant 0 : i32
      %max3A_544 = vector.broadcast %max3A_543 : i32 to vector<16xi32>
      %max3A_545 = arith.maxsi %shift_right_arithmetic3A_542, %max3A_544 : vector<16xi32>
      %min3A_546 = arith.constant 511 : i32
      %min3A_547 = vector.broadcast %min3A_546 : i32 to vector<16xi32>
      %min3A_548 = arith.minsi %max3A_545, %min3A_547 : vector<16xi32>
      %broadcast_in_dim3A_549 = arith.constant 6 : i32
      %broadcast_in_dim3A_550 = vector.broadcast %broadcast_in_dim3A_549 : i32 to vector<16xi32>
      %lt3A_551 = vector.broadcast %sub3A : i32 to vector<16xi32>
      %lt3A_552 = arith.cmpi slt, %broadcast_in_dim3A_550, %lt3A_551 : vector<16xi32>
      %mul3A_553 = arith.constant 32 : i32
      %mul3A_554 = vector.broadcast %mul3A_553 : i32 to vector<16xi32>
      %mul3A_555 = arith.muli %min3A_548, %mul3A_554 : vector<16xi32>
      %add3A_556 = arith.addi %mul3A_555, %iota3A : vector<16xi32>
      %add3A_557 = arith.constant 16 : i32
      %add3A_558 = vector.broadcast %add3A_557 : i32 to vector<16xi32>
      %add3A_559 = arith.addi %add3A_556, %add3A_558 : vector<16xi32>
      %gather3A_560 = tpu.vector_load_idx %arg14[%broadcast_in_dim3A_225, %min3A_548] : memref<2x512xi32, #tpu.memory_space<vmem>>[vector<16xi32>, vector<16xi32>], vector<16xi32>,
      %gather3A_561 = tpu.vector_load_idx %arg13[%broadcast_in_dim3A_225, %add3A_556] : memref<2x16384xf32, #tpu.memory_space<vmem>>[vector<16xi32>, vector<16xi32>], vector<16xf32>,
      %gather3A_562 = tpu.vector_load_idx %arg13[%broadcast_in_dim3A_225, %add3A_559] : memref<2x16384xf32, #tpu.memory_space<vmem>>[vector<16xi32>, vector<16xi32>], vector<16xf32>,
      %get3A_563 = arith.constant 6 : i32
      %get3A_564 = arith.index_cast %get3A_563 : i32 to index
      %get3A_565 = arith.constant 0 : index
      %get3A_566 = tpu.vector_load %arg16[%get3A_564, %get3A_565] {strides = array<i32>} : memref<16x32xf32, #tpu.memory_space<vmem>>, vector<16xf32>,
      %get3A_567 = arith.constant 6 : i32
      %get3A_568 = arith.index_cast %get3A_567 : i32 to index
      %get3A_569 = arith.constant 16 : index
      %get3A_570 = tpu.vector_load %arg16[%get3A_568, %get3A_569] {strides = array<i32>} : memref<16x32xf32, #tpu.memory_space<vmem>>, vector<16xf32>,
      %gt3A_571 = arith.constant 0 : i32
      %gt3A_572 = vector.broadcast %gt3A_571 : i32 to vector<16xi32>
      %gt3A_573 = arith.cmpi sgt, %gather3A_560, %gt3A_572 : vector<16xi32>
      %jit3A_574 = arith.constant -3.000000e+38 : f32
      %broadcast_in_dim3A_575 = vector.broadcast %jit3A_574 : f32 to vector<16xf32>
      %select_n3A_576 = arith.select %gt3A_573, %gather3A_561, %broadcast_in_dim3A_575 : vector<16xi1>, vector<16xf32>
      %max3A_577 = arith.maximumf %select_n3A_576, %get3A_566 : vector<16xf32>
      %jit3A_578 = arith.constant -3.000000e+38 : f32
      %broadcast_in_dim3A_579 = vector.broadcast %jit3A_578 : f32 to vector<16xf32>
      %select_n3A_580 = arith.select %gt3A_573, %gather3A_562, %broadcast_in_dim3A_579 : vector<16xi1>, vector<16xf32>
      %max3A_581 = arith.maximumf %select_n3A_580, %get3A_570 : vector<16xf32>
      tpu.vector_store_idx %arg13[%broadcast_in_dim3A_225, %add3A_556], %max3A_577 masked %lt3A_552 : memref<2x16384xf32, #tpu.memory_space<vmem>>[vector<16xi32>, vector<16xi32>], vector<16xf32>, vector<16xi1>
      tpu.vector_store_idx %arg13[%broadcast_in_dim3A_225, %add3A_559], %max3A_581 masked %lt3A_552 : memref<2x16384xf32, #tpu.memory_space<vmem>>[vector<16xi32>, vector<16xi32>], vector<16xf32>, vector<16xi1>
      tpu.vector_store_idx %arg14[%broadcast_in_dim3A_225, %min3A_548], %broadcast_in_dim3A_227 masked %lt3A_552 : memref<2x512xi32, #tpu.memory_space<vmem>>[vector<16xi32>, vector<16xi32>], vector<16xi32>, vector<16xi1>
      %add3A_582 = arith.constant 7 : i32
      %add3A_583 = arith.addi %mul3A_247, %add3A_582 : i32
      %broadcast_in_dim3A_584 = vector.broadcast %add3A_583 : i32 to vector<16xi32>
      %gather3A_585 = tpu.vector_load_idx %arg15[%broadcast_in_dim3A_225, %broadcast_in_dim3A_584] : memref<2x16384xi32, #tpu.memory_space<vmem>>[vector<16xi32>, vector<16xi32>], vector<16xi32>,
      %shift_right_arithmetic3A_586 = arith.constant 14 : i32
      %shift_right_arithmetic3A_587 = vector.broadcast %shift_right_arithmetic3A_586 : i32 to vector<16xi32>
      %shift_right_arithmetic3A_588 = arith.shrsi %gather3A_585, %shift_right_arithmetic3A_587 : vector<16xi32>
      %max3A_589 = arith.constant 0 : i32
      %max3A_590 = vector.broadcast %max3A_589 : i32 to vector<16xi32>
      %max3A_591 = arith.maxsi %shift_right_arithmetic3A_588, %max3A_590 : vector<16xi32>
      %min3A_592 = arith.constant 511 : i32
      %min3A_593 = vector.broadcast %min3A_592 : i32 to vector<16xi32>
      %min3A_594 = arith.minsi %max3A_591, %min3A_593 : vector<16xi32>
      %broadcast_in_dim3A_595 = arith.constant 7 : i32
      %broadcast_in_dim3A_596 = vector.broadcast %broadcast_in_dim3A_595 : i32 to vector<16xi32>
      %lt3A_597 = vector.broadcast %sub3A : i32 to vector<16xi32>
      %lt3A_598 = arith.cmpi slt, %broadcast_in_dim3A_596, %lt3A_597 : vector<16xi32>
      %mul3A_599 = arith.constant 32 : i32
      %mul3A_600 = vector.broadcast %mul3A_599 : i32 to vector<16xi32>
      %mul3A_601 = arith.muli %min3A_594, %mul3A_600 : vector<16xi32>
      %add3A_602 = arith.addi %mul3A_601, %iota3A : vector<16xi32>
      %add3A_603 = arith.constant 16 : i32
      %add3A_604 = vector.broadcast %add3A_603 : i32 to vector<16xi32>
      %add3A_605 = arith.addi %add3A_602, %add3A_604 : vector<16xi32>
      %gather3A_606 = tpu.vector_load_idx %arg14[%broadcast_in_dim3A_225, %min3A_594] : memref<2x512xi32, #tpu.memory_space<vmem>>[vector<16xi32>, vector<16xi32>], vector<16xi32>,
      %gather3A_607 = tpu.vector_load_idx %arg13[%broadcast_in_dim3A_225, %add3A_602] : memref<2x16384xf32, #tpu.memory_space<vmem>>[vector<16xi32>, vector<16xi32>], vector<16xf32>,
      %gather3A_608 = tpu.vector_load_idx %arg13[%broadcast_in_dim3A_225, %add3A_605] : memref<2x16384xf32, #tpu.memory_space<vmem>>[vector<16xi32>, vector<16xi32>], vector<16xf32>,
      %get3A_609 = arith.constant 7 : i32
      %get3A_610 = arith.index_cast %get3A_609 : i32 to index
      %get3A_611 = arith.constant 0 : index
      %get3A_612 = tpu.vector_load %arg16[%get3A_610, %get3A_611] {strides = array<i32>} : memref<16x32xf32, #tpu.memory_space<vmem>>, vector<16xf32>,
      %get3A_613 = arith.constant 7 : i32
      %get3A_614 = arith.index_cast %get3A_613 : i32 to index
      %get3A_615 = arith.constant 16 : index
      %get3A_616 = tpu.vector_load %arg16[%get3A_614, %get3A_615] {strides = array<i32>} : memref<16x32xf32, #tpu.memory_space<vmem>>, vector<16xf32>,
      %gt3A_617 = arith.constant 0 : i32
      %gt3A_618 = vector.broadcast %gt3A_617 : i32 to vector<16xi32>
      %gt3A_619 = arith.cmpi sgt, %gather3A_606, %gt3A_618 : vector<16xi32>
      %jit3A_620 = arith.constant -3.000000e+38 : f32
      %broadcast_in_dim3A_621 = vector.broadcast %jit3A_620 : f32 to vector<16xf32>
      %select_n3A_622 = arith.select %gt3A_619, %gather3A_607, %broadcast_in_dim3A_621 : vector<16xi1>, vector<16xf32>
      %max3A_623 = arith.maximumf %select_n3A_622, %get3A_612 : vector<16xf32>
      %jit3A_624 = arith.constant -3.000000e+38 : f32
      %broadcast_in_dim3A_625 = vector.broadcast %jit3A_624 : f32 to vector<16xf32>
      %select_n3A_626 = arith.select %gt3A_619, %gather3A_608, %broadcast_in_dim3A_625 : vector<16xi1>, vector<16xf32>
      %max3A_627 = arith.maximumf %select_n3A_626, %get3A_616 : vector<16xf32>
      tpu.vector_store_idx %arg13[%broadcast_in_dim3A_225, %add3A_602], %max3A_623 masked %lt3A_598 : memref<2x16384xf32, #tpu.memory_space<vmem>>[vector<16xi32>, vector<16xi32>], vector<16xf32>, vector<16xi1>
      tpu.vector_store_idx %arg13[%broadcast_in_dim3A_225, %add3A_605], %max3A_627 masked %lt3A_598 : memref<2x16384xf32, #tpu.memory_space<vmem>>[vector<16xi32>, vector<16xi32>], vector<16xf32>, vector<16xi1>
      tpu.vector_store_idx %arg14[%broadcast_in_dim3A_225, %min3A_594], %broadcast_in_dim3A_227 masked %lt3A_598 : memref<2x512xi32, #tpu.memory_space<vmem>>[vector<16xi32>, vector<16xi32>], vector<16xi32>, vector<16xi1>
      %add3A_628 = arith.constant 8 : i32
      %add3A_629 = arith.addi %mul3A_247, %add3A_628 : i32
      %broadcast_in_dim3A_630 = vector.broadcast %add3A_629 : i32 to vector<16xi32>
      %gather3A_631 = tpu.vector_load_idx %arg15[%broadcast_in_dim3A_225, %broadcast_in_dim3A_630] : memref<2x16384xi32, #tpu.memory_space<vmem>>[vector<16xi32>, vector<16xi32>], vector<16xi32>,
      %shift_right_arithmetic3A_632 = arith.constant 14 : i32
      %shift_right_arithmetic3A_633 = vector.broadcast %shift_right_arithmetic3A_632 : i32 to vector<16xi32>
      %shift_right_arithmetic3A_634 = arith.shrsi %gather3A_631, %shift_right_arithmetic3A_633 : vector<16xi32>
      %max3A_635 = arith.constant 0 : i32
      %max3A_636 = vector.broadcast %max3A_635 : i32 to vector<16xi32>
      %max3A_637 = arith.maxsi %shift_right_arithmetic3A_634, %max3A_636 : vector<16xi32>
      %min3A_638 = arith.constant 511 : i32
      %min3A_639 = vector.broadcast %min3A_638 : i32 to vector<16xi32>
      %min3A_640 = arith.minsi %max3A_637, %min3A_639 : vector<16xi32>
      %broadcast_in_dim3A_641 = arith.constant 8 : i32
      %broadcast_in_dim3A_642 = vector.broadcast %broadcast_in_dim3A_641 : i32 to vector<16xi32>
      %lt3A_643 = vector.broadcast %sub3A : i32 to vector<16xi32>
      %lt3A_644 = arith.cmpi slt, %broadcast_in_dim3A_642, %lt3A_643 : vector<16xi32>
      %mul3A_645 = arith.constant 32 : i32
      %mul3A_646 = vector.broadcast %mul3A_645 : i32 to vector<16xi32>
      %mul3A_647 = arith.muli %min3A_640, %mul3A_646 : vector<16xi32>
      %add3A_648 = arith.addi %mul3A_647, %iota3A : vector<16xi32>
      %add3A_649 = arith.constant 16 : i32
      %add3A_650 = vector.broadcast %add3A_649 : i32 to vector<16xi32>
      %add3A_651 = arith.addi %add3A_648, %add3A_650 : vector<16xi32>
      %gather3A_652 = tpu.vector_load_idx %arg14[%broadcast_in_dim3A_225, %min3A_640] : memref<2x512xi32, #tpu.memory_space<vmem>>[vector<16xi32>, vector<16xi32>], vector<16xi32>,
      %gather3A_653 = tpu.vector_load_idx %arg13[%broadcast_in_dim3A_225, %add3A_648] : memref<2x16384xf32, #tpu.memory_space<vmem>>[vector<16xi32>, vector<16xi32>], vector<16xf32>,
      %gather3A_654 = tpu.vector_load_idx %arg13[%broadcast_in_dim3A_225, %add3A_651] : memref<2x16384xf32, #tpu.memory_space<vmem>>[vector<16xi32>, vector<16xi32>], vector<16xf32>,
      %get3A_655 = arith.constant 8 : i32
      %get3A_656 = arith.index_cast %get3A_655 : i32 to index
      %get3A_657 = arith.constant 0 : index
      %get3A_658 = tpu.vector_load %arg16[%get3A_656, %get3A_657] {strides = array<i32>} : memref<16x32xf32, #tpu.memory_space<vmem>>, vector<16xf32>,
      %get3A_659 = arith.constant 8 : i32
      %get3A_660 = arith.index_cast %get3A_659 : i32 to index
      %get3A_661 = arith.constant 16 : index
      %get3A_662 = tpu.vector_load %arg16[%get3A_660, %get3A_661] {strides = array<i32>} : memref<16x32xf32, #tpu.memory_space<vmem>>, vector<16xf32>,
      %gt3A_663 = arith.constant 0 : i32
      %gt3A_664 = vector.broadcast %gt3A_663 : i32 to vector<16xi32>
      %gt3A_665 = arith.cmpi sgt, %gather3A_652, %gt3A_664 : vector<16xi32>
      %jit3A_666 = arith.constant -3.000000e+38 : f32
      %broadcast_in_dim3A_667 = vector.broadcast %jit3A_666 : f32 to vector<16xf32>
      %select_n3A_668 = arith.select %gt3A_665, %gather3A_653, %broadcast_in_dim3A_667 : vector<16xi1>, vector<16xf32>
      %max3A_669 = arith.maximumf %select_n3A_668, %get3A_658 : vector<16xf32>
      %jit3A_670 = arith.constant -3.000000e+38 : f32
      %broadcast_in_dim3A_671 = vector.broadcast %jit3A_670 : f32 to vector<16xf32>
      %select_n3A_672 = arith.select %gt3A_665, %gather3A_654, %broadcast_in_dim3A_671 : vector<16xi1>, vector<16xf32>
      %max3A_673 = arith.maximumf %select_n3A_672, %get3A_662 : vector<16xf32>
      tpu.vector_store_idx %arg13[%broadcast_in_dim3A_225, %add3A_648], %max3A_669 masked %lt3A_644 : memref<2x16384xf32, #tpu.memory_space<vmem>>[vector<16xi32>, vector<16xi32>], vector<16xf32>, vector<16xi1>
      tpu.vector_store_idx %arg13[%broadcast_in_dim3A_225, %add3A_651], %max3A_673 masked %lt3A_644 : memref<2x16384xf32, #tpu.memory_space<vmem>>[vector<16xi32>, vector<16xi32>], vector<16xf32>, vector<16xi1>
      tpu.vector_store_idx %arg14[%broadcast_in_dim3A_225, %min3A_640], %broadcast_in_dim3A_227 masked %lt3A_644 : memref<2x512xi32, #tpu.memory_space<vmem>>[vector<16xi32>, vector<16xi32>], vector<16xi32>, vector<16xi1>
      %add3A_674 = arith.constant 9 : i32
      %add3A_675 = arith.addi %mul3A_247, %add3A_674 : i32
      %broadcast_in_dim3A_676 = vector.broadcast %add3A_675 : i32 to vector<16xi32>
      %gather3A_677 = tpu.vector_load_idx %arg15[%broadcast_in_dim3A_225, %broadcast_in_dim3A_676] : memref<2x16384xi32, #tpu.memory_space<vmem>>[vector<16xi32>, vector<16xi32>], vector<16xi32>,
      %shift_right_arithmetic3A_678 = arith.constant 14 : i32
      %shift_right_arithmetic3A_679 = vector.broadcast %shift_right_arithmetic3A_678 : i32 to vector<16xi32>
      %shift_right_arithmetic3A_680 = arith.shrsi %gather3A_677, %shift_right_arithmetic3A_679 : vector<16xi32>
      %max3A_681 = arith.constant 0 : i32
      %max3A_682 = vector.broadcast %max3A_681 : i32 to vector<16xi32>
      %max3A_683 = arith.maxsi %shift_right_arithmetic3A_680, %max3A_682 : vector<16xi32>
      %min3A_684 = arith.constant 511 : i32
      %min3A_685 = vector.broadcast %min3A_684 : i32 to vector<16xi32>
      %min3A_686 = arith.minsi %max3A_683, %min3A_685 : vector<16xi32>
      %broadcast_in_dim3A_687 = arith.constant 9 : i32
      %broadcast_in_dim3A_688 = vector.broadcast %broadcast_in_dim3A_687 : i32 to vector<16xi32>
      %lt3A_689 = vector.broadcast %sub3A : i32 to vector<16xi32>
      %lt3A_690 = arith.cmpi slt, %broadcast_in_dim3A_688, %lt3A_689 : vector<16xi32>
      %mul3A_691 = arith.constant 32 : i32
      %mul3A_692 = vector.broadcast %mul3A_691 : i32 to vector<16xi32>
      %mul3A_693 = arith.muli %min3A_686, %mul3A_692 : vector<16xi32>
      %add3A_694 = arith.addi %mul3A_693, %iota3A : vector<16xi32>
      %add3A_695 = arith.constant 16 : i32
      %add3A_696 = vector.broadcast %add3A_695 : i32 to vector<16xi32>
      %add3A_697 = arith.addi %add3A_694, %add3A_696 : vector<16xi32>
      %gather3A_698 = tpu.vector_load_idx %arg14[%broadcast_in_dim3A_225, %min3A_686] : memref<2x512xi32, #tpu.memory_space<vmem>>[vector<16xi32>, vector<16xi32>], vector<16xi32>,
      %gather3A_699 = tpu.vector_load_idx %arg13[%broadcast_in_dim3A_225, %add3A_694] : memref<2x16384xf32, #tpu.memory_space<vmem>>[vector<16xi32>, vector<16xi32>], vector<16xf32>,
      %gather3A_700 = tpu.vector_load_idx %arg13[%broadcast_in_dim3A_225, %add3A_697] : memref<2x16384xf32, #tpu.memory_space<vmem>>[vector<16xi32>, vector<16xi32>], vector<16xf32>,
      %get3A_701 = arith.constant 9 : i32
      %get3A_702 = arith.index_cast %get3A_701 : i32 to index
      %get3A_703 = arith.constant 0 : index
      %get3A_704 = tpu.vector_load %arg16[%get3A_702, %get3A_703] {strides = array<i32>} : memref<16x32xf32, #tpu.memory_space<vmem>>, vector<16xf32>,
      %get3A_705 = arith.constant 9 : i32
      %get3A_706 = arith.index_cast %get3A_705 : i32 to index
      %get3A_707 = arith.constant 16 : index
      %get3A_708 = tpu.vector_load %arg16[%get3A_706, %get3A_707] {strides = array<i32>} : memref<16x32xf32, #tpu.memory_space<vmem>>, vector<16xf32>,
      %gt3A_709 = arith.constant 0 : i32
      %gt3A_710 = vector.broadcast %gt3A_709 : i32 to vector<16xi32>
      %gt3A_711 = arith.cmpi sgt, %gather3A_698, %gt3A_710 : vector<16xi32>
      %jit3A_712 = arith.constant -3.000000e+38 : f32
      %broadcast_in_dim3A_713 = vector.broadcast %jit3A_712 : f32 to vector<16xf32>
      %select_n3A_714 = arith.select %gt3A_711, %gather3A_699, %broadcast_in_dim3A_713 : vector<16xi1>, vector<16xf32>
      %max3A_715 = arith.maximumf %select_n3A_714, %get3A_704 : vector<16xf32>
      %jit3A_716 = arith.constant -3.000000e+38 : f32
      %broadcast_in_dim3A_717 = vector.broadcast %jit3A_716 : f32 to vector<16xf32>
      %select_n3A_718 = arith.select %gt3A_711, %gather3A_700, %broadcast_in_dim3A_717 : vector<16xi1>, vector<16xf32>
      %max3A_719 = arith.maximumf %select_n3A_718, %get3A_708 : vector<16xf32>
      tpu.vector_store_idx %arg13[%broadcast_in_dim3A_225, %add3A_694], %max3A_715 masked %lt3A_690 : memref<2x16384xf32, #tpu.memory_space<vmem>>[vector<16xi32>, vector<16xi32>], vector<16xf32>, vector<16xi1>
      tpu.vector_store_idx %arg13[%broadcast_in_dim3A_225, %add3A_697], %max3A_719 masked %lt3A_690 : memref<2x16384xf32, #tpu.memory_space<vmem>>[vector<16xi32>, vector<16xi32>], vector<16xf32>, vector<16xi1>
      tpu.vector_store_idx %arg14[%broadcast_in_dim3A_225, %min3A_686], %broadcast_in_dim3A_227 masked %lt3A_690 : memref<2x512xi32, #tpu.memory_space<vmem>>[vector<16xi32>, vector<16xi32>], vector<16xi32>, vector<16xi1>
      %add3A_720 = arith.constant 10 : i32
      %add3A_721 = arith.addi %mul3A_247, %add3A_720 : i32
      %broadcast_in_dim3A_722 = vector.broadcast %add3A_721 : i32 to vector<16xi32>
      %gather3A_723 = tpu.vector_load_idx %arg15[%broadcast_in_dim3A_225, %broadcast_in_dim3A_722] : memref<2x16384xi32, #tpu.memory_space<vmem>>[vector<16xi32>, vector<16xi32>], vector<16xi32>,
      %shift_right_arithmetic3A_724 = arith.constant 14 : i32
      %shift_right_arithmetic3A_725 = vector.broadcast %shift_right_arithmetic3A_724 : i32 to vector<16xi32>
      %shift_right_arithmetic3A_726 = arith.shrsi %gather3A_723, %shift_right_arithmetic3A_725 : vector<16xi32>
      %max3A_727 = arith.constant 0 : i32
      %max3A_728 = vector.broadcast %max3A_727 : i32 to vector<16xi32>
      %max3A_729 = arith.maxsi %shift_right_arithmetic3A_726, %max3A_728 : vector<16xi32>
      %min3A_730 = arith.constant 511 : i32
      %min3A_731 = vector.broadcast %min3A_730 : i32 to vector<16xi32>
      %min3A_732 = arith.minsi %max3A_729, %min3A_731 : vector<16xi32>
      %broadcast_in_dim3A_733 = arith.constant 10 : i32
      %broadcast_in_dim3A_734 = vector.broadcast %broadcast_in_dim3A_733 : i32 to vector<16xi32>
      %lt3A_735 = vector.broadcast %sub3A : i32 to vector<16xi32>
      %lt3A_736 = arith.cmpi slt, %broadcast_in_dim3A_734, %lt3A_735 : vector<16xi32>
      %mul3A_737 = arith.constant 32 : i32
      %mul3A_738 = vector.broadcast %mul3A_737 : i32 to vector<16xi32>
      %mul3A_739 = arith.muli %min3A_732, %mul3A_738 : vector<16xi32>
      %add3A_740 = arith.addi %mul3A_739, %iota3A : vector<16xi32>
      %add3A_741 = arith.constant 16 : i32
      %add3A_742 = vector.broadcast %add3A_741 : i32 to vector<16xi32>
      %add3A_743 = arith.addi %add3A_740, %add3A_742 : vector<16xi32>
      %gather3A_744 = tpu.vector_load_idx %arg14[%broadcast_in_dim3A_225, %min3A_732] : memref<2x512xi32, #tpu.memory_space<vmem>>[vector<16xi32>, vector<16xi32>], vector<16xi32>,
      %gather3A_745 = tpu.vector_load_idx %arg13[%broadcast_in_dim3A_225, %add3A_740] : memref<2x16384xf32, #tpu.memory_space<vmem>>[vector<16xi32>, vector<16xi32>], vector<16xf32>,
      %gather3A_746 = tpu.vector_load_idx %arg13[%broadcast_in_dim3A_225, %add3A_743] : memref<2x16384xf32, #tpu.memory_space<vmem>>[vector<16xi32>, vector<16xi32>], vector<16xf32>,
      %get3A_747 = arith.constant 10 : i32
      %get3A_748 = arith.index_cast %get3A_747 : i32 to index
      %get3A_749 = arith.constant 0 : index
      %get3A_750 = tpu.vector_load %arg16[%get3A_748, %get3A_749] {strides = array<i32>} : memref<16x32xf32, #tpu.memory_space<vmem>>, vector<16xf32>,
      %get3A_751 = arith.constant 10 : i32
      %get3A_752 = arith.index_cast %get3A_751 : i32 to index
      %get3A_753 = arith.constant 16 : index
      %get3A_754 = tpu.vector_load %arg16[%get3A_752, %get3A_753] {strides = array<i32>} : memref<16x32xf32, #tpu.memory_space<vmem>>, vector<16xf32>,
      %gt3A_755 = arith.constant 0 : i32
      %gt3A_756 = vector.broadcast %gt3A_755 : i32 to vector<16xi32>
      %gt3A_757 = arith.cmpi sgt, %gather3A_744, %gt3A_756 : vector<16xi32>
      %jit3A_758 = arith.constant -3.000000e+38 : f32
      %broadcast_in_dim3A_759 = vector.broadcast %jit3A_758 : f32 to vector<16xf32>
      %select_n3A_760 = arith.select %gt3A_757, %gather3A_745, %broadcast_in_dim3A_759 : vector<16xi1>, vector<16xf32>
      %max3A_761 = arith.maximumf %select_n3A_760, %get3A_750 : vector<16xf32>
      %jit3A_762 = arith.constant -3.000000e+38 : f32
      %broadcast_in_dim3A_763 = vector.broadcast %jit3A_762 : f32 to vector<16xf32>
      %select_n3A_764 = arith.select %gt3A_757, %gather3A_746, %broadcast_in_dim3A_763 : vector<16xi1>, vector<16xf32>
      %max3A_765 = arith.maximumf %select_n3A_764, %get3A_754 : vector<16xf32>
      tpu.vector_store_idx %arg13[%broadcast_in_dim3A_225, %add3A_740], %max3A_761 masked %lt3A_736 : memref<2x16384xf32, #tpu.memory_space<vmem>>[vector<16xi32>, vector<16xi32>], vector<16xf32>, vector<16xi1>
      tpu.vector_store_idx %arg13[%broadcast_in_dim3A_225, %add3A_743], %max3A_765 masked %lt3A_736 : memref<2x16384xf32, #tpu.memory_space<vmem>>[vector<16xi32>, vector<16xi32>], vector<16xf32>, vector<16xi1>
      tpu.vector_store_idx %arg14[%broadcast_in_dim3A_225, %min3A_732], %broadcast_in_dim3A_227 masked %lt3A_736 : memref<2x512xi32, #tpu.memory_space<vmem>>[vector<16xi32>, vector<16xi32>], vector<16xi32>, vector<16xi1>
      %add3A_766 = arith.constant 11 : i32
      %add3A_767 = arith.addi %mul3A_247, %add3A_766 : i32
      %broadcast_in_dim3A_768 = vector.broadcast %add3A_767 : i32 to vector<16xi32>
      %gather3A_769 = tpu.vector_load_idx %arg15[%broadcast_in_dim3A_225, %broadcast_in_dim3A_768] : memref<2x16384xi32, #tpu.memory_space<vmem>>[vector<16xi32>, vector<16xi32>], vector<16xi32>,
      %shift_right_arithmetic3A_770 = arith.constant 14 : i32
      %shift_right_arithmetic3A_771 = vector.broadcast %shift_right_arithmetic3A_770 : i32 to vector<16xi32>
      %shift_right_arithmetic3A_772 = arith.shrsi %gather3A_769, %shift_right_arithmetic3A_771 : vector<16xi32>
      %max3A_773 = arith.constant 0 : i32
      %max3A_774 = vector.broadcast %max3A_773 : i32 to vector<16xi32>
      %max3A_775 = arith.maxsi %shift_right_arithmetic3A_772, %max3A_774 : vector<16xi32>
      %min3A_776 = arith.constant 511 : i32
      %min3A_777 = vector.broadcast %min3A_776 : i32 to vector<16xi32>
      %min3A_778 = arith.minsi %max3A_775, %min3A_777 : vector<16xi32>
      %broadcast_in_dim3A_779 = arith.constant 11 : i32
      %broadcast_in_dim3A_780 = vector.broadcast %broadcast_in_dim3A_779 : i32 to vector<16xi32>
      %lt3A_781 = vector.broadcast %sub3A : i32 to vector<16xi32>
      %lt3A_782 = arith.cmpi slt, %broadcast_in_dim3A_780, %lt3A_781 : vector<16xi32>
      %mul3A_783 = arith.constant 32 : i32
      %mul3A_784 = vector.broadcast %mul3A_783 : i32 to vector<16xi32>
      %mul3A_785 = arith.muli %min3A_778, %mul3A_784 : vector<16xi32>
      %add3A_786 = arith.addi %mul3A_785, %iota3A : vector<16xi32>
      %add3A_787 = arith.constant 16 : i32
      %add3A_788 = vector.broadcast %add3A_787 : i32 to vector<16xi32>
      %add3A_789 = arith.addi %add3A_786, %add3A_788 : vector<16xi32>
      %gather3A_790 = tpu.vector_load_idx %arg14[%broadcast_in_dim3A_225, %min3A_778] : memref<2x512xi32, #tpu.memory_space<vmem>>[vector<16xi32>, vector<16xi32>], vector<16xi32>,
      %gather3A_791 = tpu.vector_load_idx %arg13[%broadcast_in_dim3A_225, %add3A_786] : memref<2x16384xf32, #tpu.memory_space<vmem>>[vector<16xi32>, vector<16xi32>], vector<16xf32>,
      %gather3A_792 = tpu.vector_load_idx %arg13[%broadcast_in_dim3A_225, %add3A_789] : memref<2x16384xf32, #tpu.memory_space<vmem>>[vector<16xi32>, vector<16xi32>], vector<16xf32>,
      %get3A_793 = arith.constant 11 : i32
      %get3A_794 = arith.index_cast %get3A_793 : i32 to index
      %get3A_795 = arith.constant 0 : index
      %get3A_796 = tpu.vector_load %arg16[%get3A_794, %get3A_795] {strides = array<i32>} : memref<16x32xf32, #tpu.memory_space<vmem>>, vector<16xf32>,
      %get3A_797 = arith.constant 11 : i32
      %get3A_798 = arith.index_cast %get3A_797 : i32 to index
      %get3A_799 = arith.constant 16 : index
      %get3A_800 = tpu.vector_load %arg16[%get3A_798, %get3A_799] {strides = array<i32>} : memref<16x32xf32, #tpu.memory_space<vmem>>, vector<16xf32>,
      %gt3A_801 = arith.constant 0 : i32
      %gt3A_802 = vector.broadcast %gt3A_801 : i32 to vector<16xi32>
      %gt3A_803 = arith.cmpi sgt, %gather3A_790, %gt3A_802 : vector<16xi32>
      %jit3A_804 = arith.constant -3.000000e+38 : f32
      %broadcast_in_dim3A_805 = vector.broadcast %jit3A_804 : f32 to vector<16xf32>
      %select_n3A_806 = arith.select %gt3A_803, %gather3A_791, %broadcast_in_dim3A_805 : vector<16xi1>, vector<16xf32>
      %max3A_807 = arith.maximumf %select_n3A_806, %get3A_796 : vector<16xf32>
      %jit3A_808 = arith.constant -3.000000e+38 : f32
      %broadcast_in_dim3A_809 = vector.broadcast %jit3A_808 : f32 to vector<16xf32>
      %select_n3A_810 = arith.select %gt3A_803, %gather3A_792, %broadcast_in_dim3A_809 : vector<16xi1>, vector<16xf32>
      %max3A_811 = arith.maximumf %select_n3A_810, %get3A_800 : vector<16xf32>
      tpu.vector_store_idx %arg13[%broadcast_in_dim3A_225, %add3A_786], %max3A_807 masked %lt3A_782 : memref<2x16384xf32, #tpu.memory_space<vmem>>[vector<16xi32>, vector<16xi32>], vector<16xf32>, vector<16xi1>
      tpu.vector_store_idx %arg13[%broadcast_in_dim3A_225, %add3A_789], %max3A_811 masked %lt3A_782 : memref<2x16384xf32, #tpu.memory_space<vmem>>[vector<16xi32>, vector<16xi32>], vector<16xf32>, vector<16xi1>
      tpu.vector_store_idx %arg14[%broadcast_in_dim3A_225, %min3A_778], %broadcast_in_dim3A_227 masked %lt3A_782 : memref<2x512xi32, #tpu.memory_space<vmem>>[vector<16xi32>, vector<16xi32>], vector<16xi32>, vector<16xi1>
      %add3A_812 = arith.constant 12 : i32
      %add3A_813 = arith.addi %mul3A_247, %add3A_812 : i32
      %broadcast_in_dim3A_814 = vector.broadcast %add3A_813 : i32 to vector<16xi32>
      %gather3A_815 = tpu.vector_load_idx %arg15[%broadcast_in_dim3A_225, %broadcast_in_dim3A_814] : memref<2x16384xi32, #tpu.memory_space<vmem>>[vector<16xi32>, vector<16xi32>], vector<16xi32>,
      %shift_right_arithmetic3A_816 = arith.constant 14 : i32
      %shift_right_arithmetic3A_817 = vector.broadcast %shift_right_arithmetic3A_816 : i32 to vector<16xi32>
      %shift_right_arithmetic3A_818 = arith.shrsi %gather3A_815, %shift_right_arithmetic3A_817 : vector<16xi32>
      %max3A_819 = arith.constant 0 : i32
      %max3A_820 = vector.broadcast %max3A_819 : i32 to vector<16xi32>
      %max3A_821 = arith.maxsi %shift_right_arithmetic3A_818, %max3A_820 : vector<16xi32>
      %min3A_822 = arith.constant 511 : i32
      %min3A_823 = vector.broadcast %min3A_822 : i32 to vector<16xi32>
      %min3A_824 = arith.minsi %max3A_821, %min3A_823 : vector<16xi32>
      %broadcast_in_dim3A_825 = arith.constant 12 : i32
      %broadcast_in_dim3A_826 = vector.broadcast %broadcast_in_dim3A_825 : i32 to vector<16xi32>
      %lt3A_827 = vector.broadcast %sub3A : i32 to vector<16xi32>
      %lt3A_828 = arith.cmpi slt, %broadcast_in_dim3A_826, %lt3A_827 : vector<16xi32>
      %mul3A_829 = arith.constant 32 : i32
      %mul3A_830 = vector.broadcast %mul3A_829 : i32 to vector<16xi32>
      %mul3A_831 = arith.muli %min3A_824, %mul3A_830 : vector<16xi32>
      %add3A_832 = arith.addi %mul3A_831, %iota3A : vector<16xi32>
      %add3A_833 = arith.constant 16 : i32
      %add3A_834 = vector.broadcast %add3A_833 : i32 to vector<16xi32>
      %add3A_835 = arith.addi %add3A_832, %add3A_834 : vector<16xi32>
      %gather3A_836 = tpu.vector_load_idx %arg14[%broadcast_in_dim3A_225, %min3A_824] : memref<2x512xi32, #tpu.memory_space<vmem>>[vector<16xi32>, vector<16xi32>], vector<16xi32>,
      %gather3A_837 = tpu.vector_load_idx %arg13[%broadcast_in_dim3A_225, %add3A_832] : memref<2x16384xf32, #tpu.memory_space<vmem>>[vector<16xi32>, vector<16xi32>], vector<16xf32>,
      %gather3A_838 = tpu.vector_load_idx %arg13[%broadcast_in_dim3A_225, %add3A_835] : memref<2x16384xf32, #tpu.memory_space<vmem>>[vector<16xi32>, vector<16xi32>], vector<16xf32>,
      %get3A_839 = arith.constant 12 : i32
      %get3A_840 = arith.index_cast %get3A_839 : i32 to index
      %get3A_841 = arith.constant 0 : index
      %get3A_842 = tpu.vector_load %arg16[%get3A_840, %get3A_841] {strides = array<i32>} : memref<16x32xf32, #tpu.memory_space<vmem>>, vector<16xf32>,
      %get3A_843 = arith.constant 12 : i32
      %get3A_844 = arith.index_cast %get3A_843 : i32 to index
      %get3A_845 = arith.constant 16 : index
      %get3A_846 = tpu.vector_load %arg16[%get3A_844, %get3A_845] {strides = array<i32>} : memref<16x32xf32, #tpu.memory_space<vmem>>, vector<16xf32>,
      %gt3A_847 = arith.constant 0 : i32
      %gt3A_848 = vector.broadcast %gt3A_847 : i32 to vector<16xi32>
      %gt3A_849 = arith.cmpi sgt, %gather3A_836, %gt3A_848 : vector<16xi32>
      %jit3A_850 = arith.constant -3.000000e+38 : f32
      %broadcast_in_dim3A_851 = vector.broadcast %jit3A_850 : f32 to vector<16xf32>
      %select_n3A_852 = arith.select %gt3A_849, %gather3A_837, %broadcast_in_dim3A_851 : vector<16xi1>, vector<16xf32>
      %max3A_853 = arith.maximumf %select_n3A_852, %get3A_842 : vector<16xf32>
      %jit3A_854 = arith.constant -3.000000e+38 : f32
      %broadcast_in_dim3A_855 = vector.broadcast %jit3A_854 : f32 to vector<16xf32>
      %select_n3A_856 = arith.select %gt3A_849, %gather3A_838, %broadcast_in_dim3A_855 : vector<16xi1>, vector<16xf32>
      %max3A_857 = arith.maximumf %select_n3A_856, %get3A_846 : vector<16xf32>
      tpu.vector_store_idx %arg13[%broadcast_in_dim3A_225, %add3A_832], %max3A_853 masked %lt3A_828 : memref<2x16384xf32, #tpu.memory_space<vmem>>[vector<16xi32>, vector<16xi32>], vector<16xf32>, vector<16xi1>
      tpu.vector_store_idx %arg13[%broadcast_in_dim3A_225, %add3A_835], %max3A_857 masked %lt3A_828 : memref<2x16384xf32, #tpu.memory_space<vmem>>[vector<16xi32>, vector<16xi32>], vector<16xf32>, vector<16xi1>
      tpu.vector_store_idx %arg14[%broadcast_in_dim3A_225, %min3A_824], %broadcast_in_dim3A_227 masked %lt3A_828 : memref<2x512xi32, #tpu.memory_space<vmem>>[vector<16xi32>, vector<16xi32>], vector<16xi32>, vector<16xi1>
      %add3A_858 = arith.constant 13 : i32
      %add3A_859 = arith.addi %mul3A_247, %add3A_858 : i32
      %broadcast_in_dim3A_860 = vector.broadcast %add3A_859 : i32 to vector<16xi32>
      %gather3A_861 = tpu.vector_load_idx %arg15[%broadcast_in_dim3A_225, %broadcast_in_dim3A_860] : memref<2x16384xi32, #tpu.memory_space<vmem>>[vector<16xi32>, vector<16xi32>], vector<16xi32>,
      %shift_right_arithmetic3A_862 = arith.constant 14 : i32
      %shift_right_arithmetic3A_863 = vector.broadcast %shift_right_arithmetic3A_862 : i32 to vector<16xi32>
      %shift_right_arithmetic3A_864 = arith.shrsi %gather3A_861, %shift_right_arithmetic3A_863 : vector<16xi32>
      %max3A_865 = arith.constant 0 : i32
      %max3A_866 = vector.broadcast %max3A_865 : i32 to vector<16xi32>
      %max3A_867 = arith.maxsi %shift_right_arithmetic3A_864, %max3A_866 : vector<16xi32>
      %min3A_868 = arith.constant 511 : i32
      %min3A_869 = vector.broadcast %min3A_868 : i32 to vector<16xi32>
      %min3A_870 = arith.minsi %max3A_867, %min3A_869 : vector<16xi32>
      %broadcast_in_dim3A_871 = arith.constant 13 : i32
      %broadcast_in_dim3A_872 = vector.broadcast %broadcast_in_dim3A_871 : i32 to vector<16xi32>
      %lt3A_873 = vector.broadcast %sub3A : i32 to vector<16xi32>
      %lt3A_874 = arith.cmpi slt, %broadcast_in_dim3A_872, %lt3A_873 : vector<16xi32>
      %mul3A_875 = arith.constant 32 : i32
      %mul3A_876 = vector.broadcast %mul3A_875 : i32 to vector<16xi32>
      %mul3A_877 = arith.muli %min3A_870, %mul3A_876 : vector<16xi32>
      %add3A_878 = arith.addi %mul3A_877, %iota3A : vector<16xi32>
      %add3A_879 = arith.constant 16 : i32
      %add3A_880 = vector.broadcast %add3A_879 : i32 to vector<16xi32>
      %add3A_881 = arith.addi %add3A_878, %add3A_880 : vector<16xi32>
      %gather3A_882 = tpu.vector_load_idx %arg14[%broadcast_in_dim3A_225, %min3A_870] : memref<2x512xi32, #tpu.memory_space<vmem>>[vector<16xi32>, vector<16xi32>], vector<16xi32>,
      %gather3A_883 = tpu.vector_load_idx %arg13[%broadcast_in_dim3A_225, %add3A_878] : memref<2x16384xf32, #tpu.memory_space<vmem>>[vector<16xi32>, vector<16xi32>], vector<16xf32>,
      %gather3A_884 = tpu.vector_load_idx %arg13[%broadcast_in_dim3A_225, %add3A_881] : memref<2x16384xf32, #tpu.memory_space<vmem>>[vector<16xi32>, vector<16xi32>], vector<16xf32>,
      %get3A_885 = arith.constant 13 : i32
      %get3A_886 = arith.index_cast %get3A_885 : i32 to index
      %get3A_887 = arith.constant 0 : index
      %get3A_888 = tpu.vector_load %arg16[%get3A_886, %get3A_887] {strides = array<i32>} : memref<16x32xf32, #tpu.memory_space<vmem>>, vector<16xf32>,
      %get3A_889 = arith.constant 13 : i32
      %get3A_890 = arith.index_cast %get3A_889 : i32 to index
      %get3A_891 = arith.constant 16 : index
      %get3A_892 = tpu.vector_load %arg16[%get3A_890, %get3A_891] {strides = array<i32>} : memref<16x32xf32, #tpu.memory_space<vmem>>, vector<16xf32>,
      %gt3A_893 = arith.constant 0 : i32
      %gt3A_894 = vector.broadcast %gt3A_893 : i32 to vector<16xi32>
      %gt3A_895 = arith.cmpi sgt, %gather3A_882, %gt3A_894 : vector<16xi32>
      %jit3A_896 = arith.constant -3.000000e+38 : f32
      %broadcast_in_dim3A_897 = vector.broadcast %jit3A_896 : f32 to vector<16xf32>
      %select_n3A_898 = arith.select %gt3A_895, %gather3A_883, %broadcast_in_dim3A_897 : vector<16xi1>, vector<16xf32>
      %max3A_899 = arith.maximumf %select_n3A_898, %get3A_888 : vector<16xf32>
      %jit3A_900 = arith.constant -3.000000e+38 : f32
      %broadcast_in_dim3A_901 = vector.broadcast %jit3A_900 : f32 to vector<16xf32>
      %select_n3A_902 = arith.select %gt3A_895, %gather3A_884, %broadcast_in_dim3A_901 : vector<16xi1>, vector<16xf32>
      %max3A_903 = arith.maximumf %select_n3A_902, %get3A_892 : vector<16xf32>
      tpu.vector_store_idx %arg13[%broadcast_in_dim3A_225, %add3A_878], %max3A_899 masked %lt3A_874 : memref<2x16384xf32, #tpu.memory_space<vmem>>[vector<16xi32>, vector<16xi32>], vector<16xf32>, vector<16xi1>
      tpu.vector_store_idx %arg13[%broadcast_in_dim3A_225, %add3A_881], %max3A_903 masked %lt3A_874 : memref<2x16384xf32, #tpu.memory_space<vmem>>[vector<16xi32>, vector<16xi32>], vector<16xf32>, vector<16xi1>
      tpu.vector_store_idx %arg14[%broadcast_in_dim3A_225, %min3A_870], %broadcast_in_dim3A_227 masked %lt3A_874 : memref<2x512xi32, #tpu.memory_space<vmem>>[vector<16xi32>, vector<16xi32>], vector<16xi32>, vector<16xi1>
      %add3A_904 = arith.constant 14 : i32
      %add3A_905 = arith.addi %mul3A_247, %add3A_904 : i32
      %broadcast_in_dim3A_906 = vector.broadcast %add3A_905 : i32 to vector<16xi32>
      %gather3A_907 = tpu.vector_load_idx %arg15[%broadcast_in_dim3A_225, %broadcast_in_dim3A_906] : memref<2x16384xi32, #tpu.memory_space<vmem>>[vector<16xi32>, vector<16xi32>], vector<16xi32>,
      %shift_right_arithmetic3A_908 = arith.constant 14 : i32
      %shift_right_arithmetic3A_909 = vector.broadcast %shift_right_arithmetic3A_908 : i32 to vector<16xi32>
      %shift_right_arithmetic3A_910 = arith.shrsi %gather3A_907, %shift_right_arithmetic3A_909 : vector<16xi32>
      %max3A_911 = arith.constant 0 : i32
      %max3A_912 = vector.broadcast %max3A_911 : i32 to vector<16xi32>
      %max3A_913 = arith.maxsi %shift_right_arithmetic3A_910, %max3A_912 : vector<16xi32>
      %min3A_914 = arith.constant 511 : i32
      %min3A_915 = vector.broadcast %min3A_914 : i32 to vector<16xi32>
      %min3A_916 = arith.minsi %max3A_913, %min3A_915 : vector<16xi32>
      %broadcast_in_dim3A_917 = arith.constant 14 : i32
      %broadcast_in_dim3A_918 = vector.broadcast %broadcast_in_dim3A_917 : i32 to vector<16xi32>
      %lt3A_919 = vector.broadcast %sub3A : i32 to vector<16xi32>
      %lt3A_920 = arith.cmpi slt, %broadcast_in_dim3A_918, %lt3A_919 : vector<16xi32>
      %mul3A_921 = arith.constant 32 : i32
      %mul3A_922 = vector.broadcast %mul3A_921 : i32 to vector<16xi32>
      %mul3A_923 = arith.muli %min3A_916, %mul3A_922 : vector<16xi32>
      %add3A_924 = arith.addi %mul3A_923, %iota3A : vector<16xi32>
      %add3A_925 = arith.constant 16 : i32
      %add3A_926 = vector.broadcast %add3A_925 : i32 to vector<16xi32>
      %add3A_927 = arith.addi %add3A_924, %add3A_926 : vector<16xi32>
      %gather3A_928 = tpu.vector_load_idx %arg14[%broadcast_in_dim3A_225, %min3A_916] : memref<2x512xi32, #tpu.memory_space<vmem>>[vector<16xi32>, vector<16xi32>], vector<16xi32>,
      %gather3A_929 = tpu.vector_load_idx %arg13[%broadcast_in_dim3A_225, %add3A_924] : memref<2x16384xf32, #tpu.memory_space<vmem>>[vector<16xi32>, vector<16xi32>], vector<16xf32>,
      %gather3A_930 = tpu.vector_load_idx %arg13[%broadcast_in_dim3A_225, %add3A_927] : memref<2x16384xf32, #tpu.memory_space<vmem>>[vector<16xi32>, vector<16xi32>], vector<16xf32>,
      %get3A_931 = arith.constant 14 : i32
      %get3A_932 = arith.index_cast %get3A_931 : i32 to index
      %get3A_933 = arith.constant 0 : index
      %get3A_934 = tpu.vector_load %arg16[%get3A_932, %get3A_933] {strides = array<i32>} : memref<16x32xf32, #tpu.memory_space<vmem>>, vector<16xf32>,
      %get3A_935 = arith.constant 14 : i32
      %get3A_936 = arith.index_cast %get3A_935 : i32 to index
      %get3A_937 = arith.constant 16 : index
      %get3A_938 = tpu.vector_load %arg16[%get3A_936, %get3A_937] {strides = array<i32>} : memref<16x32xf32, #tpu.memory_space<vmem>>, vector<16xf32>,
      %gt3A_939 = arith.constant 0 : i32
      %gt3A_940 = vector.broadcast %gt3A_939 : i32 to vector<16xi32>
      %gt3A_941 = arith.cmpi sgt, %gather3A_928, %gt3A_940 : vector<16xi32>
      %jit3A_942 = arith.constant -3.000000e+38 : f32
      %broadcast_in_dim3A_943 = vector.broadcast %jit3A_942 : f32 to vector<16xf32>
      %select_n3A_944 = arith.select %gt3A_941, %gather3A_929, %broadcast_in_dim3A_943 : vector<16xi1>, vector<16xf32>
      %max3A_945 = arith.maximumf %select_n3A_944, %get3A_934 : vector<16xf32>
      %jit3A_946 = arith.constant -3.000000e+38 : f32
      %broadcast_in_dim3A_947 = vector.broadcast %jit3A_946 : f32 to vector<16xf32>
      %select_n3A_948 = arith.select %gt3A_941, %gather3A_930, %broadcast_in_dim3A_947 : vector<16xi1>, vector<16xf32>
      %max3A_949 = arith.maximumf %select_n3A_948, %get3A_938 : vector<16xf32>
      tpu.vector_store_idx %arg13[%broadcast_in_dim3A_225, %add3A_924], %max3A_945 masked %lt3A_920 : memref<2x16384xf32, #tpu.memory_space<vmem>>[vector<16xi32>, vector<16xi32>], vector<16xf32>, vector<16xi1>
      tpu.vector_store_idx %arg13[%broadcast_in_dim3A_225, %add3A_927], %max3A_949 masked %lt3A_920 : memref<2x16384xf32, #tpu.memory_space<vmem>>[vector<16xi32>, vector<16xi32>], vector<16xf32>, vector<16xi1>
      tpu.vector_store_idx %arg14[%broadcast_in_dim3A_225, %min3A_916], %broadcast_in_dim3A_227 masked %lt3A_920 : memref<2x512xi32, #tpu.memory_space<vmem>>[vector<16xi32>, vector<16xi32>], vector<16xi32>, vector<16xi1>
      %add3A_950 = arith.constant 15 : i32
      %add3A_951 = arith.addi %mul3A_247, %add3A_950 : i32
      %broadcast_in_dim3A_952 = vector.broadcast %add3A_951 : i32 to vector<16xi32>
      %gather3A_953 = tpu.vector_load_idx %arg15[%broadcast_in_dim3A_225, %broadcast_in_dim3A_952] : memref<2x16384xi32, #tpu.memory_space<vmem>>[vector<16xi32>, vector<16xi32>], vector<16xi32>,
      %shift_right_arithmetic3A_954 = arith.constant 14 : i32
      %shift_right_arithmetic3A_955 = vector.broadcast %shift_right_arithmetic3A_954 : i32 to vector<16xi32>
      %shift_right_arithmetic3A_956 = arith.shrsi %gather3A_953, %shift_right_arithmetic3A_955 : vector<16xi32>
      %max3A_957 = arith.constant 0 : i32
      %max3A_958 = vector.broadcast %max3A_957 : i32 to vector<16xi32>
      %max3A_959 = arith.maxsi %shift_right_arithmetic3A_956, %max3A_958 : vector<16xi32>
      %min3A_960 = arith.constant 511 : i32
      %min3A_961 = vector.broadcast %min3A_960 : i32 to vector<16xi32>
      %min3A_962 = arith.minsi %max3A_959, %min3A_961 : vector<16xi32>
      %broadcast_in_dim3A_963 = arith.constant 15 : i32
      %broadcast_in_dim3A_964 = vector.broadcast %broadcast_in_dim3A_963 : i32 to vector<16xi32>
      %lt3A_965 = vector.broadcast %sub3A : i32 to vector<16xi32>
      %lt3A_966 = arith.cmpi slt, %broadcast_in_dim3A_964, %lt3A_965 : vector<16xi32>
      %mul3A_967 = arith.constant 32 : i32
      %mul3A_968 = vector.broadcast %mul3A_967 : i32 to vector<16xi32>
      %mul3A_969 = arith.muli %min3A_962, %mul3A_968 : vector<16xi32>
      %add3A_970 = arith.addi %mul3A_969, %iota3A : vector<16xi32>
      %add3A_971 = arith.constant 16 : i32
      %add3A_972 = vector.broadcast %add3A_971 : i32 to vector<16xi32>
      %add3A_973 = arith.addi %add3A_970, %add3A_972 : vector<16xi32>
      %gather3A_974 = tpu.vector_load_idx %arg14[%broadcast_in_dim3A_225, %min3A_962] : memref<2x512xi32, #tpu.memory_space<vmem>>[vector<16xi32>, vector<16xi32>], vector<16xi32>,
      %gather3A_975 = tpu.vector_load_idx %arg13[%broadcast_in_dim3A_225, %add3A_970] : memref<2x16384xf32, #tpu.memory_space<vmem>>[vector<16xi32>, vector<16xi32>], vector<16xf32>,
      %gather3A_976 = tpu.vector_load_idx %arg13[%broadcast_in_dim3A_225, %add3A_973] : memref<2x16384xf32, #tpu.memory_space<vmem>>[vector<16xi32>, vector<16xi32>], vector<16xf32>,
      %get3A_977 = arith.constant 15 : i32
      %get3A_978 = arith.index_cast %get3A_977 : i32 to index
      %get3A_979 = arith.constant 0 : index
      %get3A_980 = tpu.vector_load %arg16[%get3A_978, %get3A_979] {strides = array<i32>} : memref<16x32xf32, #tpu.memory_space<vmem>>, vector<16xf32>,
      %get3A_981 = arith.constant 15 : i32
      %get3A_982 = arith.index_cast %get3A_981 : i32 to index
      %get3A_983 = arith.constant 16 : index
      %get3A_984 = tpu.vector_load %arg16[%get3A_982, %get3A_983] {strides = array<i32>} : memref<16x32xf32, #tpu.memory_space<vmem>>, vector<16xf32>,
      %gt3A_985 = arith.constant 0 : i32
      %gt3A_986 = vector.broadcast %gt3A_985 : i32 to vector<16xi32>
      %gt3A_987 = arith.cmpi sgt, %gather3A_974, %gt3A_986 : vector<16xi32>
      %jit3A_988 = arith.constant -3.000000e+38 : f32
      %broadcast_in_dim3A_989 = vector.broadcast %jit3A_988 : f32 to vector<16xf32>
      %select_n3A_990 = arith.select %gt3A_987, %gather3A_975, %broadcast_in_dim3A_989 : vector<16xi1>, vector<16xf32>
      %max3A_991 = arith.maximumf %select_n3A_990, %get3A_980 : vector<16xf32>
      %jit3A_992 = arith.constant -3.000000e+38 : f32
      %broadcast_in_dim3A_993 = vector.broadcast %jit3A_992 : f32 to vector<16xf32>
      %select_n3A_994 = arith.select %gt3A_987, %gather3A_976, %broadcast_in_dim3A_993 : vector<16xi1>, vector<16xf32>
      %max3A_995 = arith.maximumf %select_n3A_994, %get3A_984 : vector<16xf32>
      tpu.vector_store_idx %arg13[%broadcast_in_dim3A_225, %add3A_970], %max3A_991 masked %lt3A_966 : memref<2x16384xf32, #tpu.memory_space<vmem>>[vector<16xi32>, vector<16xi32>], vector<16xf32>, vector<16xi1>
      tpu.vector_store_idx %arg13[%broadcast_in_dim3A_225, %add3A_973], %max3A_995 masked %lt3A_966 : memref<2x16384xf32, #tpu.memory_space<vmem>>[vector<16xi32>, vector<16xi32>], vector<16xf32>, vector<16xi1>
      tpu.vector_store_idx %arg14[%broadcast_in_dim3A_225, %min3A_962], %broadcast_in_dim3A_227 masked %lt3A_966 : memref<2x512xi32, #tpu.memory_space<vmem>>[vector<16xi32>, vector<16xi32>], vector<16xi32>, vector<16xi1>
    }
    %run_scoped3A = arith.constant 0 : i32
    "tpu.trace_stop"() : () -> ()
    "tpu.trace_start"() <{level = 10 : i32, message = "wout"}> : () -> ()
    "tpu.region"() ({
      %run_scoped3A_245 = tpu.sem_alloc : memref<!tpu.dma_semaphore, #tpu.memory_space<semaphore_mem>>
      %dma_start3A_246 = arith.constant 0 : i32
      %dma_start3A_247 = tpu.memref_slice %arg13[%run_scoped3A, %dma_start3A_246] : memref<2x16384xf32, #tpu.memory_space<vmem>> -> memref<1x16384xf32, #tpu.memory_space<vmem>>
      %dma_start3A_248 = tpu.memref_squeeze %dma_start3A_247 : memref<1x16384xf32, #tpu.memory_space<vmem>> -> memref<16384xf32, #tpu.memory_space<vmem>>
      %dma_start3A_249 = arith.constant 0 : i32
      %dma_start3A_250 = tpu.memref_slice %arg8[%mul3A_2, %dma_start3A_249] : memref<64x16384xf32, #tpu.memory_space<hbm>> -> memref<1x16384xf32, #tpu.memory_space<hbm>>
      %dma_start3A_251 = tpu.memref_squeeze %dma_start3A_250 : memref<1x16384xf32, #tpu.memory_space<hbm>> -> memref<16384xf32, #tpu.memory_space<hbm>>
      %dma_start3A_252 = arith.constant 0 : i32
      %dma_start3A_253 = tpu.memref_slice %arg8[%mul3A_2, %dma_start3A_252] : memref<64x16384xf32, #tpu.memory_space<hbm>> -> memref<1x16384xf32, #tpu.memory_space<hbm>>
      %dma_start3A_254 = tpu.memref_squeeze %dma_start3A_253 : memref<1x16384xf32, #tpu.memory_space<hbm>> -> memref<16384xf32, #tpu.memory_space<hbm>>
      %dma_start3A_255 = arith.constant 0 : i32
      %dma_start3A_256 = tpu.memref_slice %arg13[%run_scoped3A, %dma_start3A_255] : memref<2x16384xf32, #tpu.memory_space<vmem>> -> memref<1x16384xf32, #tpu.memory_space<vmem>>
      %dma_start3A_257 = tpu.memref_squeeze %dma_start3A_256 : memref<1x16384xf32, #tpu.memory_space<vmem>> -> memref<16384xf32, #tpu.memory_space<vmem>>
      tpu.enqueue_dma source(%dma_start3A_257 : memref<16384xf32, #tpu.memory_space<vmem>>) target(%dma_start3A_254 : memref<16384xf32, #tpu.memory_space<hbm>>) target_semaphore(%run_scoped3A_245 : memref<!tpu.dma_semaphore, #tpu.memory_space<semaphore_mem>>)
      %dma_wait3A_258 = arith.constant 0 : i32
      %dma_wait3A_259 = tpu.memref_slice %arg13[%run_scoped3A, %dma_wait3A_258] : memref<2x16384xf32, #tpu.memory_space<vmem>> -> memref<1x16384xf32, #tpu.memory_space<vmem>>
      %dma_wait3A_260 = tpu.memref_squeeze %dma_wait3A_259 : memref<1x16384xf32, #tpu.memory_space<vmem>> -> memref<16384xf32, #tpu.memory_space<vmem>>
      %dma_wait3A_261 = arith.constant 0 : i32
      %dma_wait3A_262 = tpu.memref_slice %arg8[%mul3A_2, %dma_wait3A_261] : memref<64x16384xf32, #tpu.memory_space<hbm>> -> memref<1x16384xf32, #tpu.memory_space<hbm>>
      %dma_wait3A_263 = tpu.memref_squeeze %dma_wait3A_262 : memref<1x16384xf32, #tpu.memory_space<hbm>> -> memref<16384xf32, #tpu.memory_space<hbm>>
      %dma_wait3A_264 = arith.constant 0 : i32
      %dma_wait3A_265 = tpu.memref_slice %arg8[%mul3A_2, %dma_wait3A_264] : memref<64x16384xf32, #tpu.memory_space<hbm>> -> memref<1x16384xf32, #tpu.memory_space<hbm>>
      %dma_wait3A_266 = tpu.memref_squeeze %dma_wait3A_265 : memref<1x16384xf32, #tpu.memory_space<hbm>> -> memref<16384xf32, #tpu.memory_space<hbm>>
      %dma_wait3A_267 = arith.constant 0 : i32
      %dma_wait3A_268 = tpu.memref_slice %arg13[%run_scoped3A, %dma_wait3A_267] : memref<2x16384xf32, #tpu.memory_space<vmem>> -> memref<1x16384xf32, #tpu.memory_space<vmem>>
      %dma_wait3A_269 = tpu.memref_squeeze %dma_wait3A_268 : memref<1x16384xf32, #tpu.memory_space<vmem>> -> memref<16384xf32, #tpu.memory_space<vmem>>
      tpu.wait_dma2 semaphore(%run_scoped3A_245 : memref<!tpu.dma_semaphore, #tpu.memory_space<semaphore_mem>>) src(%dma_wait3A_269 : memref<16384xf32, #tpu.memory_space<vmem>>) dst(%dma_wait3A_266 : memref<16384xf32, #tpu.memory_space<hbm>>)
      tpu.yield
    }) : () -> ()
    %add3A_242 = arith.constant 1 : i32
    %add3A_243 = arith.addi %mul3A_2, %add3A_242 : i32
    %run_scoped3A_244 = arith.constant 1 : i32
    "tpu.region"() ({
      %run_scoped3A_245 = tpu.sem_alloc : memref<!tpu.dma_semaphore, #tpu.memory_space<semaphore_mem>>
      %dma_start3A_246 = arith.constant 0 : i32
      %dma_start3A_247 = tpu.memref_slice %arg13[%run_scoped3A_244, %dma_start3A_246] : memref<2x16384xf32, #tpu.memory_space<vmem>> -> memref<1x16384xf32, #tpu.memory_space<vmem>>
      %dma_start3A_248 = tpu.memref_squeeze %dma_start3A_247 : memref<1x16384xf32, #tpu.memory_space<vmem>> -> memref<16384xf32, #tpu.memory_space<vmem>>
      %dma_start3A_249 = arith.constant 0 : i32
      %dma_start3A_250 = tpu.memref_slice %arg8[%add3A_243, %dma_start3A_249] : memref<64x16384xf32, #tpu.memory_space<hbm>> -> memref<1x16384xf32, #tpu.memory_space<hbm>>
      %dma_start3A_251 = tpu.memref_squeeze %dma_start3A_250 : memref<1x16384xf32, #tpu.memory_space<hbm>> -> memref<16384xf32, #tpu.memory_space<hbm>>
      %dma_start3A_252 = arith.constant 0 : i32
      %dma_start3A_253 = tpu.memref_slice %arg8[%add3A_243, %dma_start3A_252] : memref<64x16384xf32, #tpu.memory_space<hbm>> -> memref<1x16384xf32, #tpu.memory_space<hbm>>
      %dma_start3A_254 = tpu.memref_squeeze %dma_start3A_253 : memref<1x16384xf32, #tpu.memory_space<hbm>> -> memref<16384xf32, #tpu.memory_space<hbm>>
      %dma_start3A_255 = arith.constant 0 : i32
      %dma_start3A_256 = tpu.memref_slice %arg13[%run_scoped3A_244, %dma_start3A_255] : memref<2x16384xf32, #tpu.memory_space<vmem>> -> memref<1x16384xf32, #tpu.memory_space<vmem>>
      %dma_start3A_257 = tpu.memref_squeeze %dma_start3A_256 : memref<1x16384xf32, #tpu.memory_space<vmem>> -> memref<16384xf32, #tpu.memory_space<vmem>>
      tpu.enqueue_dma source(%dma_start3A_257 : memref<16384xf32, #tpu.memory_space<vmem>>) target(%dma_start3A_254 : memref<16384xf32, #tpu.memory_space<hbm>>) target_semaphore(%run_scoped3A_245 : memref<!tpu.dma_semaphore, #tpu.memory_space<semaphore_mem>>)
      %dma_wait3A_258 = arith.constant 0 : i32
      %dma_wait3A_259 = tpu.memref_slice %arg13[%run_scoped3A_244, %dma_wait3A_258] : memref<2x16384xf32, #tpu.memory_space<vmem>> -> memref<1x16384xf32, #tpu.memory_space<vmem>>
      %dma_wait3A_260 = tpu.memref_squeeze %dma_wait3A_259 : memref<1x16384xf32, #tpu.memory_space<vmem>> -> memref<16384xf32, #tpu.memory_space<vmem>>
      %dma_wait3A_261 = arith.constant 0 : i32
      %dma_wait3A_262 = tpu.memref_slice %arg8[%add3A_243, %dma_wait3A_261] : memref<64x16384xf32, #tpu.memory_space<hbm>> -> memref<1x16384xf32, #tpu.memory_space<hbm>>
      %dma_wait3A_263 = tpu.memref_squeeze %dma_wait3A_262 : memref<1x16384xf32, #tpu.memory_space<hbm>> -> memref<16384xf32, #tpu.memory_space<hbm>>
      %dma_wait3A_264 = arith.constant 0 : i32
      %dma_wait3A_265 = tpu.memref_slice %arg8[%add3A_243, %dma_wait3A_264] : memref<64x16384xf32, #tpu.memory_space<hbm>> -> memref<1x16384xf32, #tpu.memory_space<hbm>>
      %dma_wait3A_266 = tpu.memref_squeeze %dma_wait3A_265 : memref<1x16384xf32, #tpu.memory_space<hbm>> -> memref<16384xf32, #tpu.memory_space<hbm>>
      %dma_wait3A_267 = arith.constant 0 : i32
      %dma_wait3A_268 = tpu.memref_slice %arg13[%run_scoped3A_244, %dma_wait3A_267] : memref<2x16384xf32, #tpu.memory_space<vmem>> -> memref<1x16384xf32, #tpu.memory_space<vmem>>
      %dma_wait3A_269 = tpu.memref_squeeze %dma_wait3A_268 : memref<1x16384xf32, #tpu.memory_space<vmem>> -> memref<16384xf32, #tpu.memory_space<vmem>>
      tpu.wait_dma2 semaphore(%run_scoped3A_245 : memref<!tpu.dma_semaphore, #tpu.memory_space<semaphore_mem>>) src(%dma_wait3A_269 : memref<16384xf32, #tpu.memory_space<vmem>>) dst(%dma_wait3A_266 : memref<16384xf32, #tpu.memory_space<hbm>>)
      tpu.yield
    }) : () -> ()
    "tpu.trace_stop"() : () -> ()
    return
  }
}

module attributes {stable_mosaic.version = 14 : i64} {
  func.func @body(%arg0: i32, %arg1: memref<64x16xf32, #tpu.memory_space<vmem>>, %arg2: memref<1x1x2048xf32, #tpu.memory_space<vmem>>, %arg3: memref<1x1x2048xf32, #tpu.memory_space<vmem>>, %arg4: memref<1x1x2048xf32, #tpu.memory_space<vmem>>, %arg5: memref<64x128xi32, #tpu.memory_space<vmem>>) attributes {dimension_semantics = [#tpu.dimension_semantics<arbitrary>], iteration_bounds = array<i64: 8>, scalar_prefetch = 0 : i64, scratch_operands = 0 : i64, tpu.core_type = #tpu.core_type<tc>, window_params = [{pipeline_mode = #tpu.pipeline_mode<synchronous>, transform_indices = @transform_0, window_bounds = array<i64: 64, 16>}, {transform_indices = @transform_1, window_bounds = array<i64: 1, 1, 2048>}, {transform_indices = @transform_2, window_bounds = array<i64: 1, 1, 2048>}, {transform_indices = @transform_3, window_bounds = array<i64: 1, 1, 2048>}, {transform_indices = @transform_4, window_bounds = array<i64: 64, 128>}]} {
    %get3A = arith.constant 0 : index
    %get3A_0 = arith.constant 0 : index
    %get3A_1 = arith.constant 0 : index
    %get3A_2 = vector.load %arg2[%get3A, %get3A_0, %get3A_1] : memref<1x1x2048xf32, #tpu.memory_space<vmem>>, vector<1x1x2048xf32>
    %get3A_3 = vector.shape_cast %get3A_2 : vector<1x1x2048xf32> to vector<1x2048xf32>
    %get3A_4 = arith.constant 0 : index
    %get3A_5 = arith.constant 0 : index
    %get3A_6 = arith.constant 0 : index
    %get3A_7 = vector.load %arg3[%get3A_4, %get3A_5, %get3A_6] : memref<1x1x2048xf32, #tpu.memory_space<vmem>>, vector<1x1x2048xf32>
    %get3A_8 = vector.shape_cast %get3A_7 : vector<1x1x2048xf32> to vector<1x2048xf32>
    %get3A_9 = arith.constant 0 : index
    %get3A_10 = arith.constant 0 : index
    %get3A_11 = arith.constant 0 : index
    %get3A_12 = vector.load %arg4[%get3A_9, %get3A_10, %get3A_11] : memref<1x1x2048xf32, #tpu.memory_space<vmem>>, vector<1x1x2048xf32>
    %get3A_13 = vector.shape_cast %get3A_12 : vector<1x1x2048xf32> to vector<1x2048xf32>
    %get3A_14 = arith.constant 0 : index
    %get3A_15 = arith.constant 0 : index
    %get3A_16 = vector.load %arg1[%get3A_14, %get3A_15] : memref<64x16xf32, #tpu.memory_space<vmem>>, vector<64x1xf32>
    %get3A_17 = arith.constant 0 : index
    %get3A_18 = arith.constant 1 : index
    %get3A_19 = vector.load %arg1[%get3A_17, %get3A_18] : memref<64x16xf32, #tpu.memory_space<vmem>>, vector<64x1xf32>
    %get3A_20 = arith.constant 0 : index
    %get3A_21 = arith.constant 2 : index
    %get3A_22 = vector.load %arg1[%get3A_20, %get3A_21] : memref<64x16xf32, #tpu.memory_space<vmem>>, vector<64x1xf32>
    %get3A_23 = arith.constant 0 : index
    %get3A_24 = arith.constant 3 : index
    %get3A_25 = vector.load %arg1[%get3A_23, %get3A_24] : memref<64x16xf32, #tpu.memory_space<vmem>>, vector<64x1xf32>
    %get3A_26 = arith.constant 0 : index
    %get3A_27 = arith.constant 4 : index
    %get3A_28 = vector.load %arg1[%get3A_26, %get3A_27] : memref<64x16xf32, #tpu.memory_space<vmem>>, vector<64x1xf32>
    %get3A_29 = arith.constant 0 : index
    %get3A_30 = arith.constant 5 : index
    %get3A_31 = vector.load %arg1[%get3A_29, %get3A_30] : memref<64x16xf32, #tpu.memory_space<vmem>>, vector<64x1xf32>
    %get3A_32 = arith.constant 0 : index
    %get3A_33 = arith.constant 6 : index
    %get3A_34 = vector.load %arg1[%get3A_32, %get3A_33] : memref<64x16xf32, #tpu.memory_space<vmem>>, vector<64x1xf32>
    %get3A_35 = arith.constant 0 : index
    %get3A_36 = arith.constant 7 : index
    %get3A_37 = vector.load %arg1[%get3A_35, %get3A_36] : memref<64x16xf32, #tpu.memory_space<vmem>>, vector<64x1xf32>
    %sub3A = vector.broadcast %get3A_3 : vector<1x2048xf32> to vector<64x2048xf32>
    %sub3A_38 = vector.broadcast %get3A_16 : vector<64x1xf32> to vector<64x2048xf32>
    %sub3A_39 = arith.subf %sub3A, %sub3A_38 : vector<64x2048xf32>
    %sub3A_40 = vector.broadcast %get3A_8 : vector<1x2048xf32> to vector<64x2048xf32>
    %sub3A_41 = vector.broadcast %get3A_19 : vector<64x1xf32> to vector<64x2048xf32>
    %sub3A_42 = arith.subf %sub3A_40, %sub3A_41 : vector<64x2048xf32>
    %sub3A_43 = vector.broadcast %get3A_13 : vector<1x2048xf32> to vector<64x2048xf32>
    %sub3A_44 = vector.broadcast %get3A_22 : vector<64x1xf32> to vector<64x2048xf32>
    %sub3A_45 = arith.subf %sub3A_43, %sub3A_44 : vector<64x2048xf32>
    %mul3A = vector.broadcast %get3A_25 : vector<64x1xf32> to vector<64x2048xf32>
    %mul3A_46 = arith.mulf %sub3A_39, %mul3A : vector<64x2048xf32>
    %mul3A_47 = vector.broadcast %get3A_28 : vector<64x1xf32> to vector<64x2048xf32>
    %mul3A_48 = arith.mulf %sub3A_42, %mul3A_47 : vector<64x2048xf32>
    %sub3A_49 = arith.subf %mul3A_46, %mul3A_48 : vector<64x2048xf32>
    %mul3A_50 = vector.broadcast %get3A_28 : vector<64x1xf32> to vector<64x2048xf32>
    %mul3A_51 = arith.mulf %sub3A_39, %mul3A_50 : vector<64x2048xf32>
    %mul3A_52 = vector.broadcast %get3A_25 : vector<64x1xf32> to vector<64x2048xf32>
    %mul3A_53 = arith.mulf %sub3A_42, %mul3A_52 : vector<64x2048xf32>
    %add3A = arith.addf %mul3A_51, %mul3A_53 : vector<64x2048xf32>
    %abs3A = math.absf %sub3A_49 : vector<64x2048xf32>
    %lt3A = vector.broadcast %get3A_31 : vector<64x1xf32> to vector<64x2048xf32>
    %lt3A_54 = arith.cmpf olt, %abs3A, %lt3A : vector<64x2048xf32>
    %abs3A_55 = math.absf %add3A : vector<64x2048xf32>
    %lt3A_56 = vector.broadcast %get3A_34 : vector<64x1xf32> to vector<64x2048xf32>
    %lt3A_57 = arith.cmpf olt, %abs3A_55, %lt3A_56 : vector<64x2048xf32>
    %and3A = arith.andi %lt3A_54, %lt3A_57 : vector<64x2048xi1>
    %gt3A = arith.constant 0.000000e+00 : f32
    %gt3A_58 = vector.broadcast %gt3A : f32 to vector<64x2048xf32>
    %gt3A_59 = arith.cmpf ogt, %sub3A_45, %gt3A_58 : vector<64x2048xf32>
    %and3A_60 = arith.andi %and3A, %gt3A_59 : vector<64x2048xi1>
    %lt3A_61 = vector.broadcast %get3A_37 : vector<64x1xf32> to vector<64x2048xf32>
    %lt3A_62 = arith.cmpf olt, %sub3A_45, %lt3A_61 : vector<64x2048xf32>
    %and3A_63 = arith.andi %and3A_60, %lt3A_62 : vector<64x2048xi1>
    %iota3A = tpu.iota {dimensions = array<i32: 1>} : vector<64x2048xi32>
    %and3A_64 = arith.constant 15 : i32
    %and3A_65 = vector.broadcast %and3A_64 : i32 to vector<64x2048xi32>
    %and3A_66 = arith.andi %iota3A, %and3A_65 : vector<64x2048xi32>
    %shift_left3A = arith.constant 1 : i32
    %shift_left3A_67 = vector.broadcast %shift_left3A : i32 to vector<64x2048xi32>
    %shift_left3A_68 = arith.shli %shift_left3A_67, %and3A_66 : vector<64x2048xi32>
    %convert_element_type3A = arith.sitofp %shift_left3A_68 : vector<64x2048xi32> to vector<64x2048xf32>
    %convert_element_type3A_69 = arith.extui %and3A_63 : vector<64x2048xi1> to vector<64x2048xi32>
    %convert_element_type3A_70 = arith.sitofp %convert_element_type3A_69 : vector<64x2048xi32> to vector<64x2048xf32>
    %mul3A_71 = arith.mulf %convert_element_type3A_70, %convert_element_type3A : vector<64x2048xf32>
    %iota3A_72 = tpu.iota {dimensions = array<i32: 0>} : vector<2048x128xi32>
    %jit3A = arith.constant 16 : i32
    %div3A = vector.broadcast %jit3A : i32 to vector<2048x128xi32>
    %div3A_73 = arith.divsi %iota3A_72, %div3A : vector<2048x128xi32>
    %sign3A = arith.constant 0 : i32
    %sign3A_74 = vector.broadcast %sign3A : i32 to vector<2048x128xi32>
    %sign3A_75 = arith.cmpi sgt, %iota3A_72, %sign3A_74 : vector<2048x128xi32>
    %sign3A_76 = arith.extui %sign3A_75 : vector<2048x128xi1> to vector<2048x128xi32>
    %sign3A_77 = arith.constant 0 : i32
    %sign3A_78 = vector.broadcast %sign3A_77 : i32 to vector<2048x128xi32>
    %sign3A_79 = arith.cmpi slt, %iota3A_72, %sign3A_78 : vector<2048x128xi32>
    %sign3A_80 = arith.extui %sign3A_79 : vector<2048x128xi1> to vector<2048x128xi32>
    %sign3A_81 = arith.subi %sign3A_76, %sign3A_80 : vector<2048x128xi32>
    %sign3A_82 = arith.constant 0 : i32
    %sign3A_83 = arith.cmpi sgt, %jit3A, %sign3A_82 : i32
    %sign3A_84 = arith.extui %sign3A_83 : i1 to i32
    %sign3A_85 = arith.constant 0 : i32
    %sign3A_86 = arith.cmpi slt, %jit3A, %sign3A_85 : i32
    %sign3A_87 = arith.extui %sign3A_86 : i1 to i32
    %sign3A_88 = arith.subi %sign3A_84, %sign3A_87 : i32
    %ne3A = vector.broadcast %sign3A_88 : i32 to vector<2048x128xi32>
    %ne3A_89 = arith.cmpi ne, %sign3A_81, %ne3A : vector<2048x128xi32>
    %rem3A = vector.broadcast %jit3A : i32 to vector<2048x128xi32>
    %rem3A_90 = arith.remsi %iota3A_72, %rem3A : vector<2048x128xi32>
    %ne3A_91 = arith.constant 0 : i32
    %ne3A_92 = vector.broadcast %ne3A_91 : i32 to vector<2048x128xi32>
    %ne3A_93 = arith.cmpi ne, %rem3A_90, %ne3A_92 : vector<2048x128xi32>
    %and3A_94 = arith.andi %ne3A_89, %ne3A_93 : vector<2048x128xi1>
    %sub3A_95 = arith.constant 1 : i32
    %sub3A_96 = vector.broadcast %sub3A_95 : i32 to vector<2048x128xi32>
    %sub3A_97 = arith.subi %div3A_73, %sub3A_96 : vector<2048x128xi32>
    %select_n3A = arith.select %and3A_94, %sub3A_97, %div3A_73 : vector<2048x128xi1>, vector<2048x128xi32>
    %iota3A_98 = tpu.iota {dimensions = array<i32: 1>} : vector<2048x128xi32>
    %eq3A = arith.cmpi eq, %select_n3A, %iota3A_98 : vector<2048x128xi32>
    %convert_element_type3A_99 = arith.extui %eq3A : vector<2048x128xi1> to vector<2048x128xi32>
    %convert_element_type3A_100 = arith.sitofp %convert_element_type3A_99 : vector<2048x128xi32> to vector<2048x128xf32>
    %dot_general3A = arith.constant dense<0.000000e+00> : vector<64x128xf32>
    %dot_general3A_101 = tpu.matmul %mul3A_71, %convert_element_type3A_100, %dot_general3A {dimension_numbers = #tpu.dot_dimension_numbers<[1], [0], [0], [1], [0, 0, 1, 1], [], []>, transpose_lhs_hint = false} : vector<64x2048xf32>, vector<2048x128xf32>, vector<64x128xf32> -> vector<64x128xf32>
    %convert_element_type3A_102 = arith.fptosi %dot_general3A_101 : vector<64x128xf32> to vector<64x128xi32>
    %swap3A = arith.constant 0 : index
    %swap3A_103 = arith.constant 0 : index
    %swap3A_104 = vector.load %arg5[%swap3A, %swap3A_103] : memref<64x128xi32, #tpu.memory_space<vmem>>, vector<64x128xi32>
    tpu.vector_store %arg5[%swap3A, %swap3A_103], %convert_element_type3A_102 {strides = array<i32>} : memref<64x128xi32, #tpu.memory_space<vmem>>, vector<64x128xi32>,
    return
  }
  func.func @transform_0(%arg0: i32) -> (i32, i32) {
    %c0_i32 = arith.constant 0 : i32
    %c0_i32_0 = arith.constant 0 : i32
    %c0_i32_1 = arith.constant 0 : i32
    return %c0_i32, %c0_i32_0 : i32, i32
  }
  func.func @transform_1(%arg0: i32) -> (i32, i32, i32) {
    %c0_i32 = arith.constant 0 : i32
    %c0_i32_0 = arith.constant 0 : i32
    %c0_i32_1 = arith.constant 0 : i32
    return %arg0, %c0_i32, %c0_i32_0 : i32, i32, i32
  }
  func.func @transform_2(%arg0: i32) -> (i32, i32, i32) {
    %c0_i32 = arith.constant 0 : i32
    %c0_i32_0 = arith.constant 0 : i32
    %c0_i32_1 = arith.constant 0 : i32
    return %arg0, %c0_i32, %c0_i32_0 : i32, i32, i32
  }
  func.func @transform_3(%arg0: i32) -> (i32, i32, i32) {
    %c0_i32 = arith.constant 0 : i32
    %c0_i32_0 = arith.constant 0 : i32
    %c0_i32_1 = arith.constant 0 : i32
    return %arg0, %c0_i32, %c0_i32_0 : i32, i32, i32
  }
  func.func @transform_4(%arg0: i32) -> (i32, i32) {
    %c0_i32 = arith.constant 0 : i32
    %c0_i32_0 = arith.constant 0 : i32
    return %c0_i32, %arg0 : i32, i32
  }
}

</mosaic_0001>

<sc_bundles>
// kernel: kernel.4.cloned.1.call-start
scs
__scs_entry_jumppad:
0x0: {  	(pc) =	sbr.rel $0x88, $3  }
0x1: {  	(tag) =	ssettag $0x0;
	lr =	simm.s32 $0x1  }
0x2: {  	[smem:$0x3F9E] =	sst lr;
	_ =	strace $0xD0000000  }
0x3: {  	_ = 	snop  }
0x4: {  	_ = 	snop  }
0x5: {  	_ = 	snop  }
0x6: {  	_ = 	snop  }
0x7: {  	_ = 	snop  }
__scs_overlays_trampoline_lowered:
0x8: {  	[smem:$0x3FAD] =	sst s0  }
0x9: {  	[smem:$0x3FAE] =	sst s1  }
0xa: {  	[smem:$0x3FAF] =	sst s2  }
0xb: {  	[smem:$0x3FB0] =	sst s3  }
0xc: {  	[smem:$0x3FB1] =	sst s4  }
0xd: {  	[smem:$0x3FB2] =	sst s5  }
0xe: {  	[smem:$0x3FB3] =	sst s6  }
0xf: {  	[smem:$0x3FB4] =	sst s7  }
0x10: {  	[smem:$0x3FB5] =	sst s8  }
0x11: {  	[smem:$0x3FB6] =	sst s9;
	s0 =	simm.s32 @!p0 $0x0  }
0x12: {  	s1 =	sld [smem:$0x3F9C];
	s0 =	simm.s32 @p0 $0x1  }
0x13: {  	[smem:$0x3FB7] =	sst s0;
	s0 =	simm.s32 @!p1 $0x0  }
0x14: {  	s2 =	sld [smem:$0x3F9B];
	s0 =	simm.s32 @p1 $0x1  }
0x15: {  	[smem:$0x3FB8] =	sst s0;
	s0 =	simm.s32 @!p2 $0x0  }
0x16: {  	s3 =	sld [smem:$0x3FDB];
	s0 =	simm.s32 @p2 $0x1  }
0x17: {  	s4 =	simm.s32 $0x1BF5;
	[smem:$0x3FBA] =	sst s0  }
0x18: {  	s0 =	sld [smem:$0x3F9D];
	_ =	swait.ge [sflag:s4], $0x0  }
0x19: {  	s7 =	sld [smem:$0x3F9E]  }
0x1a: {  	s8 =	sadd.s32 $0xFFFFE003, lr  }
0x1b: {  	s9 =	sadd.s32 $0xFFFFFEF7, lr;
	s5 =	simm.s32 $0xFFFFFFFF;
	p2 =	slt.u32 s8, $0xFFFFF086  }
0x1c: {  	p1 =	slt.u32 s9, $0xF7A;
	s5 =	simm.s32 @!p2 $0x0  }
0x1d: {  	s5 =	simm.s32 @p1 $0x1;
	p0 =	seq.s32 s7, s2  }
0x1e: {  	s7 =	smul.u32 @!p0 $0xF7A, s2;
	p2 =	seq.s32 @!p0 s5, $0x0  }
0x1f: {  	s9 =	smul.u32 $0xF7A, s1;
	s8 =	simm.s32 @!p0 $0x1BF5;
	p2 =	por !p2, p0  }
0x20: {  	[sflag:s8] =	ssyncset.s32 @!p0 $0xFFFFF086;
	s6 =	sadd.s32 @!p0 s3, s7;
	s7 =	simm.s32 @!p0 $0x108  }
0x21: {  	s3 =	sadd.s32 s3, s9;
	s6 =	sadd.s32 @!p0 $0x88, s6;
	s7 =	simm.s32 @p2 $0x1082  }
0x22: {  	[simem:s7], [sflag:s8] =	dma.local @!p0 [hbm:s6], $0xF7A  }
0x23: {  	s9 =	sor.u32 $0xD0000000, s2;
	s6 =	simm.s32 $0x108;
	_ =	swait.ge @!p0 [sflag:s8], $0x0  }
0x24: {  	s3 =	sadd.s32 $0x88, s3;
	s6 =	simm.s32 @!p1 $0x1082;
	[sflag:s4] =	ssyncset.s32 $0xFFFFF086  }
0x25: {  	[simem:s6], [sflag:s4] =	dma.local [hbm:s3], $0xF7A  }
0x26: {  	[smem:$0x3F9E] =	sst s1;
	(tag) =	ssettag s2;
	_ =	strace s9  }
0x27: {  	s1 =	sld [smem:$0x3FAE]  }
0x28: {  	s2 =	sld [smem:$0x3FAF]  }
0x29: {  	s4 =	sld [smem:$0x3FB1]  }
0x2a: {  	p0 =	seq.s32 s5, $0x0;
	s5 =	sld [smem:$0x3FB2]  }
0x2b: {  	s6 =	sld [smem:$0x3FB3]  }
0x2c: {  	s7 =	sld [smem:$0x3FB4]  }
0x2d: {  	s3 =	simm.s32 $0x108;
	s8 =	sld [smem:$0x3FB5]  }
0x2e: {  	s3 =	simm.s32 @!p0 $0x1082;
	s9 =	sld [smem:$0x3FB6]  }
0x2f: {  	lr =	sadd.s32 s0, s3;
	s0 =	sld [smem:$0x3FAD]  }
0x30: {  	s3 =	sld [smem:$0x3FB0]  }
0x31: {  	[smem:$0x3FB9] =	sst s10  }
0x32: {  	s10 =	sld [smem:$0x3FB7];
	_ =	sdelay $0x3  }
0x33: {  	p0 =	seq.s32 s10, $0x1;
	s10 =	sld [smem:$0x3FB9];
	_ =	sdelay $0x3  }
0x34: {  	[smem:$0x3FB9] =	sst s10  }
0x35: {  	s10 =	sld [smem:$0x3FB8];
	_ =	sdelay $0x3  }
0x36: {  	p1 =	seq.s32 s10, $0x1;
	s10 =	sld [smem:$0x3FB9];
	_ =	sdelay $0x3  }
0x37: {  	[smem:$0x3FB9] =	sst s10  }
0x38: {  	s10 =	sld [smem:$0x3FBA]  }
0x39: {  	_ = 	snop;
	(pc) =	sbr.ind lr, $3  }
0x3a: {  	_ = 	snop  }
0x3b: {  	_ = 	snop  }
0x3c: {  	p2 =	seq.s32 s10, $0x1;
	s10 =	sld [smem:$0x3FB9]  }
0x3d: {  	_ =	shalt  }
0x3e: {  	_ =	shalt  }
0x3f: {  	_ =	shalt  }
0x40: {  	_ =	shalt  }
0x41: {  	_ =	shalt  }
0x42: {  	_ =	shalt  }
0x43: {  	_ =	shalt  }
0x44: {  	_ =	shalt  }
0x45: {  	_ =	shalt  }
0x46: {  	_ =	shalt  }
0x47: {  	_ =	shalt  }
0x48: {  	_ =	shalt  }
0x49: {  	_ =	shalt  }
0x4a: {  	_ =	shalt  }
0x4b: {  	_ =	shalt  }
0x4c: {  	_ =	shalt  }
0x4d: {  	_ =	shalt  }
0x4e: {  	_ =	shalt  }
0x4f: {  	_ =	shalt  }
0x50: {  	_ =	shalt  }
0x51: {  	_ =	shalt  }
0x52: {  	_ =	shalt  }
0x53: {  	_ =	shalt  }
0x54: {  	_ =	shalt  }
0x55: {  	_ =	shalt  }
0x56: {  	_ =	shalt  }
0x57: {  	_ =	shalt  }
0x58: {  	_ =	shalt  }
0x59: {  	_ =	shalt  }
0x5a: {  	_ =	shalt  }
0x5b: {  	_ =	shalt  }
0x5c: {  	_ =	shalt  }
0x5d: {  	_ =	shalt  }
0x5e: {  	_ =	shalt  }
0x5f: {  	_ =	shalt  }
0x60: {  	_ =	shalt  }
0x61: {  	_ =	shalt  }
0x62: {  	_ =	shalt  }
0x63: {  	_ =	shalt  }
0x64: {  	_ =	shalt  }
0x65: {  	_ =	shalt  }
0x66: {  	_ =	shalt  }
0x67: {  	_ =	shalt  }
0x68: {  	_ =	shalt  }
0x69: {  	_ =	shalt  }
0x6a: {  	_ =	shalt  }
0x6b: {  	_ =	shalt  }
0x6c: {  	_ =	shalt  }
0x6d: {  	_ =	shalt  }
0x6e: {  	_ =	shalt  }
0x6f: {  	_ =	shalt  }
0x70: {  	_ =	shalt  }
0x71: {  	_ =	shalt  }
0x72: {  	_ =	shalt  }
0x73: {  	_ =	shalt  }
0x74: {  	_ =	shalt  }
0x75: {  	_ =	shalt  }
0x76: {  	_ =	shalt  }
0x77: {  	_ =	shalt  }
0x78: {  	_ =	shalt  }
0x79: {  	_ =	shalt  }
0x7a: {  	_ =	shalt  }
0x7b: {  	_ =	shalt  }
0x7c: {  	_ =	shalt  }
0x7d: {  	_ =	shalt  }
0x7e: {  	_ =	shalt  }
0x7f: {  	_ =	shalt  }
0x80: {  	_ =	shalt  }
0x81: {  	_ =	shalt  }
0x82: {  	_ =	shalt  }
0x83: {  	_ =	shalt  }
0x84: {  	_ =	shalt  }
0x85: {  	_ =	shalt  }
0x86: {  	_ =	shalt  }
0x87: {  	_ =	shalt  }
.Lfunc_end0:
.L_simem_size_0:
called_computation_lowered:
.L_overlay_start_0:
0x88: {  	s2 =	sld [smem:$0x3FD9]  }
0x89: {  	s3 =	sld [smem:$0x3FFE];
	_ =	sdelay $0x1  }
0x8a: {  	s1 =	srdreg.scid  }
0x8b: {  	s0 =	sand.u32 $0x1, s1  }
0x8c: {  	s17 =	sshll.u32 s0, $0xA;
	s2 =	sadd.s32 s3, s2  }
0x8d: {  	s2 =	sadd.s32 s2, s17  }
0x8e: {  	[smem:$0x3FC5] =	sst s2  }
0x8f: {  	_ = 	snop  }
0x90: {  	s2 =	sld [smem:$0x3FD0];
	(tm) =	ssettm $0x1  }
0x91: {  	s18 =	sld [smem:$0x3FFB];
	_ =	sdelay $0x3  }
0x92: {  	_ =	strace s18  }
0x93: {  	s3 =	sld [smem:$0x3FFC];
	_ =	sdelay $0x3  }
0x94: {  	_ =	strace s3  }
0x95: {  	s3 =	sld [smem:$0x3FFD];
	_ =	sdelay $0x3  }
0x96: {  	_ =	strace s3  }
0x97: {  	_ =	strace $0x8FFFFFFF  }
0x98: {  	s19 =	sld [smem:$0x3FDB];
	_ =	sdelay $0x1  }
0x99: {  	s4 =	simm.s32 $_scs_section_size  }
0x9a: {  	s5 =	simm.s32 $_size__tile_overlayer_lowered;
	s6 =	simm.s32 $_tile_overlayer_lowered  }
0x9b: {  	s22 =	simm.s32 $0x1BFF;
	s21 =	sshll.u32 s6, $0x1;
	s3 =	sadd.s32 s4, s19  }
0x9c: {  	s7 =	simm.s32 $0x0;
	s20 =	sshll.u32 s5, $0x1;
	s5 =	sadd.s32 s21, s3  }
0x9d: {  	[timem:s7], [sflag:s22] =	dma.local [hbm:s5], s20  }
0x9e: {  	_ =	swait.ge [sflag:s22], s20  }
0x9f: {  	s4 =	ssub.s32 $0x0, s20;
	[sflag:s22] =	ssyncset.done $0x0  }
0xa0: {  	[sflag:s22] =	ssyncadd.s32 s4;
	_ =	sdelay $0x1  }
0xa1: {  	s23 =	simm.s32 $0x1B8B  }
0xa2: {  	_ =	swait.ge [sflag:s23], $0x1  }
0xa3: {  	[sflag:s23] =	ssyncset.done $0x0  }
0xa4: {  	s25 =	simm.s32 $0x1B8E;
	s24 =	sld [smem:$0x3FFE];
	[sflag:s23] =	ssyncadd.s32 $0xFFFFFFFF  }
0xa5: {  	s26 =	simm.s32 $execute0_lowered;
	[smem:$0x3FD2] =	sst s25  }
0xa6: {  	s5 =	sshll.u32 s26, $0x1;
	_ =	strace $0x80000046;
	[dreg:$0x1] =	wrdreg $0xFFFFFFFF  }
0xa7: {  	s28 =	simm.s32 $_size_execute0_lowered;
	s3 =	sadd.s32 s3, s5;
	[dreg:$0x0] =	wrdreg $0x0  }
0xa8: {  	s5 =	sshll.u32 s28, $0x1;
	[dreg:$0x2] =	wrdreg s3  }
0xa9: {  	[dreg:$0x3] =	wrdreg s5  }
0xaa: {  	[dreg:$0x4] =	wrdreg $0xC0  }
0xab: {  	_ =	task [dreg:s7], $0x5FFFF  }
0xac: {  	[dreg:$0x1] =	wrdreg $0xFFFFFFFF  }
0xad: {  	[dreg:$0x0] =	wrdreg $0x60  }
0xae: {  	[dreg:$0x2] =	wrdreg s24  }
0xaf: {  	[dreg:$0x3] =	wrdreg s2  }
0xb0: {  	[dreg:$0x4] =	wrdreg $0x9  }
0xb1: {  	_ =	task.clear_ibuf [dreg:s7], $0x5FFFF;
	_ =	strace $0x90000046  }
0xb2: {  	s29 =	simm.s32 $0x9;
	_ =	strace $0x8000004E  }
0xb3: {  	_ =	swait.ge [sflag:s29], $0x1  }
0xb4: {  	[sflag:s29] =	ssyncadd.s32 $0xFFFFFFFF  }
0xb5: {  	_ =	strace $0x9000004E  }
0xb6: {  	_ =	sfence  }
0xb7: {  	s30 =	sld [smem:$0x0];
	_ =	sdelay $0x2  }
0xb8: {  	s31 =	sshll.u32 s1, $0xD;
	s1 =	sshrl.u32 s1, $0x2  }
0xb9: {  	s3 =	sand.u32 $0x4000, s31;
	s1 =	sadd.s32 s1, s30  }
0xba: {  	s0 =	sor.u32 s3, s0;
	s1 =	sshll.u32 s1, $0x11  }
0xbb: {  	s0 =	sor.u32 s1, s0  }
0xbc: {  	s0 =	sadd.s32 $0x8F2B, s0  }
0xbd: {  	[sflag:s0] =	ssyncadd.remote.s32 $0x1  }
0xbe: {  	_ =	sfence.sel $0xFFFF  }
0xbf: {  	[dreg:$0x0] =	wrdreg $0xFFFFFFFF;
	(pc) =	sbr.abs _section_cstart, $3  }
0xc0: {  	[dreg:$0x1] =	wrdreg $0xFFFFFFFF  }
0xc1: {  	_ =	task.clear_ibuf [dreg:s7], $0x2FFFF;
	_ =	strace $0x9FFFFFFF  }
0xc2: {  	(tm) =	ssettm $0x7FFFFFFF  }
0xc3: {  	_ =	shalt  }
tec
execute0_lowered:
.L_overlay_start_1:
0x0: {  	(tag) =	ssettag $0x1  }
0x1: {  	s0 =	rddreg [dreg:$0x0]  }
0x2: {  	s8 =	rddreg [dreg:$0x1]  }
0x3: {  	s3 =	srdreg.scid;
	s1 =	stileid.u32  }
0x4: {  	s2 =	simm.s32 $0x0;
	v1 =	vimm.s32 $0x8040201;
	v2 =	vimm.s32 $0x80402010;
	s13 =	simm.s32 $0x4020;
	s14 =	simm.s32 $0x8020  }
0x5: {  	v0 =	vimm.f32 $0.0e+00;
	vm0 =	vcmask $0xF00;
	vm7 =	vcmask $0x1F10;
	s15 =	simm.s32 $0x2;
	s16 =	simm.s32 $0xC020;
	s17 =	simm.s32 $0xC820  }
0x6: {  	vm8 =	vcmask $0x2320;
	s18 =	simm.s32 $0x1;
	s19 =	simm.s32 $0x15C20;
	s20 =	simm.s32 $0x10;
	v3 =	vunpack.c.0.s8.s32 v1;
	v4 =	vunpack.c.0.s8.s32 v2  }
0x7: {  	vm9 =	vcmask $0x2724;
	vm10 =	vcmask $0x2B28;
	vm11 =	vcmask $0x2F2C;
	s21 =	simm.s32 $0x1DE20;
	s22 =	simm.s32 $0x1DC20;
	s23 =	simm.s32 $0x15820  }
0x8: {  	vm12 =	vcmask $0x3330;
	s24 =	simm.s32 $0xD820;
	s25 =	simm.s32 $0x11820;
	s26 =	simm.s32 $0x0;
	v5 =	vnsel vm0, $0x8000, v3;
	v4 =	vand.u32 $0xFF, v4  }
0x9: {  	vm13 =	vcmask $0x3734;
	vm14 =	vcmask $0x3B38;
	s6 =	sand.u32 $0x1, s3;
	s30 =	sshll.u32 s1, $0x1;
	[smem:$0x7FF] =	sst s2;
	v5 =	vsel vm7, v4, v5  }
0xa: {  	vm15 =	vcmask $0x300;
	v12 =	vimm.s32 $0xA;
	s5 =	sadd.s32 $0x1000, s0;
	s7 =	sor.u32 s6, s30;
	_ =	strace $0x80000047;
	v6 =	vsel vm8, $0x100, v5  }
0xb: {  	v1 =	vimm.s32 $0x1;
	v2 =	vimm.s32 $0x2;
	s11 =	ssub.s32 $0x2, s6;
	s6 =	sadd.s32 $0x4800, s0;
	s3 =	sshll.u32 s7, $0x2;
	v7 =	vsel vm9, $0x200, v6  }
.Ltmp0:
0xc: {  	s4 =	sshll.u32 s7, $0x8;
	v3 =	vimm.s32 $0x3;
	s31 =	sshrl.u32 s11, $0x1;
	v4 =	vimm.s32 $0x4;
	v8 =	vsel vm10, $0x400, v7;
	(pc) =	sbr.rel .LBB2_1-.Ltmp0, $4  }
0xd: {  	s12 =	sshll.u32 s7, $0xC;
	s9 =	sadd.s32 s3, s0;
	s10 =	sadd.s32 s4, s0;
	v5 =	vimm.s32 $0x5;
	v6 =	vimm.s32 $0x6;
	v9 =	vsel vm11, $0x800, v8  }
0xe: {  	s3 =	sadd.s32 $0x2000, s0;
	s4 =	sadd.s32 $0x1800, s0;
	s0 =	ssub.s32 s11, s31;
	v7 =	vimm.s32 $0x8;
	v8 =	vimm.s32 $0x9;
	v10 =	vsel vm12, $0x1000, v9  }
0xf: {  	s8 =	sadd.s32 s8, s12;
	s12 =	simm.s32 $0x20;
	s7 =	sadd.s32 $0xE00, s9;
	v9 =	vimm.s32 $0x0;
	v11 =	vsel vm13, $0x2000, v10;
	v10 =	vlaneseq.u32  }
0x10: {  	s9 =	sadd.s32 $0x2800, s10;
	s10 =	sadd.s32 $0x800, s8;
	s11 =	smax.u32 s0, $0x1;
	v13 =	vsel vm15, $0x3, v9;
	v11 =	vsel vm14, $0x4000, v11;
	v14 =	vor.u32 $0x10, v10  }
.LBB2_25:
0x11: {  	_ =	strace $0x9000004C  }
0x12: {  	_ =	strace $0x8000004D  }
0x13: {  	[hbm4b:s8+s2] =	stream.linear.scatter [tilespmem:s24], [sflag:$0x2], $0x4000, $0x200038;
	[tilespmem:$0x1DE30] =	vst v63  }
0x14: {  	_ =	swait.ge [sflag:s15], $0x4000  }
0x15: {  	s26 =	sadd.s32 $0x1, s26;
	[sflag:s15] =	ssyncset.done $0x0  }
0x16: {  	p0 =	sne.s32 s26, s11;
	[sflag:s15] =	ssyncadd.s32 $0xFFFFC000  }
0x17: {  	[hbm4b:s10+s2] =	stream.linear.scatter [tilespmem:s25], [sflag:$0x2], $0x4000, $0x200038;
	[tilespmem:$0x1DE30] =	vst v63  }
.Ltmp1:
0x18: {  	_ = 	snop;
	(pc) =	sbr.rel @!p0 .LBB2_26-.Ltmp1, $4  }
0x19: {  	_ =	swait.ge [sflag:s15], $0x4000  }
0x1a: {  	[sflag:s15] =	ssyncset.done $0x0  }
0x1b: {  	[sflag:s15] =	ssyncadd.s32 $0xFFFFC000  }
0x1c: {  	_ =	strace $0x9000004D  }
.LBB2_1:
0x1d: {  	_ =	strace $0x80000048  }
0x1e: {  	[tilespmem:s12], [sflag:$0x1] =	stream.linear.gather [hbm4b:s3+s2], $0x4000, $0x200038;
	[tilespmem:$0x1DE30] =	vst v63  }
0x1f: {  	_ = 	snop  }
0x20: {  	[tilespmem:s13], [sflag:$0x1] =	stream.linear.gather [hbm4b:s4+s2], $0x4000, $0x200038;
	[tilespmem:$0x1DE30] =	vst v63  }
0x21: {  	_ = 	snop  }
0x22: {  	[tilespmem:s14], [sflag:$0x1] =	stream.linear.gather [hbm4b:s5+s2], $0x4000, $0x200038;
	[tilespmem:$0x1DE30] =	vst v63  }
0x23: {  	_ = 	snop  }
0x24: {  	[tilespmem:s2], [sflag:$0x2] =	stream.linear.gather [hbm4b:s7+s2], $0x20, $0x200038;
	[tilespmem:$0x1DE30] =	vst v63  }
0x25: {  	_ =	swait.ge [sflag:s15], $0x20  }
0x26: {  	[sflag:s15] =	ssyncset.done $0x0  }
0x27: {  	[sflag:s15] =	ssyncadd.s32 $0xFFFFFFE0  }
0x28: {  	[tilespmem:s16], [sflag:$0x2] =	stream.linear.gather [hbm4b:s9+s2], $0x800, $0x200038;
	[tilespmem:$0x1DE30] =	vst v63  }
0x29: {  	_ =	swait.ge [sflag:s15], $0x800  }
0x2a: {  	[sflag:s15] =	ssyncset.done $0x0  }
0x2b: {  	[sflag:s15] =	ssyncadd.s32 $0xFFFFF800  }
0x2c: {  	_ =	strace $0x90000048  }
0x2d: {  	s0 =	simm.s32 $0x0;
	s28 =	simm.s32 $0x100;
	_ =	strace $0x80000049  }
.LBB2_2:
0x2e: {  	p0 =	sne.s32 s28, $0xFF00;
	[tilespmem:s0+$0x11850] =	vst v0  }
0x2f: {  	[tilespmem:s0+$0xD820] =	vst v0  }
0x30: {  	[tilespmem:s0+$0xD830] =	vst v0  }
.Ltmp2:
0x31: {  	[tilespmem:s0+$0xD840] =	vst v0;
	(pc) =	sbr.rel @p0 .LBB2_2-.Ltmp2, $4  }
0x32: {  	[tilespmem:s0+$0xD850] =	vst v0  }
0x33: {  	[tilespmem:s0+$0x11820] =	vst v0  }
0x34: {  	[tilespmem:s0+$0x11830] =	vst v0  }
0x35: {  	[tilespmem:s0+$0x11840] =	vst v0;
	s0 =	sshra.s32 s28, $0x2;
	s28 =	sadd.s32 $0x100, s28  }
0x36: {  	[tilespmem:s0+$0x11850] =	vst v0  }
0x37: {  	[tilespmem:s0+$0xD820] =	vst v0  }
0x38: {  	[tilespmem:s0+$0xD830] =	vst v0  }
0x39: {  	[tilespmem:s0+$0xD840] =	vst v0  }
0x3a: {  	[tilespmem:s0+$0xD850] =	vst v0  }
0x3b: {  	[tilespmem:s0+$0x11820] =	vst v0  }
0x3c: {  	[tilespmem:s0+$0x11830] =	vst v0  }
0x3d: {  	[tilespmem:s0+$0x11840] =	vst v0;
	v32 =	vimm.s32 $0x0  }
0x3e: {  	[tilespmem:$0x15820] =	vst v32  }
0x3f: {  	[tilespmem:$0x15A20] =	vst v32  }
0x40: {  	[tilespmem:$0x15830] =	vst v32  }
0x41: {  	[tilespmem:$0x15A30] =	vst v32  }
0x42: {  	[tilespmem:$0x15840] =	vst v32  }
0x43: {  	[tilespmem:$0x15A40] =	vst v32  }
0x44: {  	[tilespmem:$0x15850] =	vst v32  }
0x45: {  	[tilespmem:$0x15A50] =	vst v32  }
0x46: {  	[tilespmem:$0x15860] =	vst v32  }
0x47: {  	[tilespmem:$0x15A60] =	vst v32  }
0x48: {  	[tilespmem:$0x15870] =	vst v32  }
0x49: {  	[tilespmem:$0x15A70] =	vst v32  }
0x4a: {  	[tilespmem:$0x15880] =	vst v32  }
0x4b: {  	[tilespmem:$0x15A80] =	vst v32  }
0x4c: {  	[tilespmem:$0x15890] =	vst v32  }
0x4d: {  	[tilespmem:$0x15A90] =	vst v32  }
0x4e: {  	[tilespmem:$0x158A0] =	vst v32  }
0x4f: {  	[tilespmem:$0x15AA0] =	vst v32  }
0x50: {  	[tilespmem:$0x158B0] =	vst v32  }
0x51: {  	[tilespmem:$0x15AB0] =	vst v32  }
0x52: {  	[tilespmem:$0x158C0] =	vst v32  }
0x53: {  	[tilespmem:$0x15AC0] =	vst v32  }
0x54: {  	[tilespmem:$0x158D0] =	vst v32  }
0x55: {  	[tilespmem:$0x15AD0] =	vst v32  }
0x56: {  	[tilespmem:$0x158E0] =	vst v32  }
0x57: {  	[tilespmem:$0x15AE0] =	vst v32  }
0x58: {  	[tilespmem:$0x158F0] =	vst v32  }
0x59: {  	[tilespmem:$0x15AF0] =	vst v32  }
0x5a: {  	[tilespmem:$0x15900] =	vst v32  }
0x5b: {  	[tilespmem:$0x15B00] =	vst v32  }
0x5c: {  	[tilespmem:$0x15910] =	vst v32  }
0x5d: {  	[tilespmem:$0x15B10] =	vst v32  }
0x5e: {  	[tilespmem:$0x15920] =	vst v32  }
0x5f: {  	[tilespmem:$0x15B20] =	vst v32  }
0x60: {  	[tilespmem:$0x15930] =	vst v32  }
0x61: {  	[tilespmem:$0x15B30] =	vst v32  }
0x62: {  	[tilespmem:$0x15940] =	vst v32  }
0x63: {  	[tilespmem:$0x15B40] =	vst v32  }
0x64: {  	[tilespmem:$0x15950] =	vst v32  }
0x65: {  	[tilespmem:$0x15B50] =	vst v32  }
0x66: {  	[tilespmem:$0x15960] =	vst v32  }
0x67: {  	[tilespmem:$0x15B60] =	vst v32  }
0x68: {  	[tilespmem:$0x15970] =	vst v32  }
0x69: {  	[tilespmem:$0x15B70] =	vst v32  }
0x6a: {  	[tilespmem:$0x15980] =	vst v32  }
0x6b: {  	[tilespmem:$0x15B80] =	vst v32  }
0x6c: {  	[tilespmem:$0x15990] =	vst v32  }
0x6d: {  	[tilespmem:$0x15B90] =	vst v32  }
0x6e: {  	[tilespmem:$0x159A0] =	vst v32  }
0x6f: {  	[tilespmem:$0x15BA0] =	vst v32  }
0x70: {  	[tilespmem:$0x159B0] =	vst v32  }
0x71: {  	[tilespmem:$0x15BB0] =	vst v32  }
0x72: {  	[tilespmem:$0x159C0] =	vst v32  }
0x73: {  	[tilespmem:$0x15BC0] =	vst v32  }
0x74: {  	[tilespmem:$0x159D0] =	vst v32  }
0x75: {  	[tilespmem:$0x15BD0] =	vst v32  }
0x76: {  	[tilespmem:$0x159E0] =	vst v32  }
0x77: {  	[tilespmem:$0x15BE0] =	vst v32  }
0x78: {  	[tilespmem:$0x159F0] =	vst v32  }
0x79: {  	[tilespmem:$0x15BF0] =	vst v32  }
0x7a: {  	[tilespmem:$0x15A00] =	vst v32  }
0x7b: {  	[tilespmem:$0x15C00] =	vst v32  }
0x7c: {  	[tilespmem:$0x15A10] =	vst v32  }
0x7d: {  	[tilespmem:$0x15C10] =	vst v32  }
0x7e: {  	_ =	strace $0x90000049  }
0x7f: {  	v15 =	vld [tilespmem:$0x0];
	_ =	sdelay $0x4  }
0x80: {  	v24 =	vld [tilespmem:$0x10];
	v30 =	vperm.xlane v15, v32;
	v31 =	vperm.xlane v15, v1  }
0x81: {  	v25 =	vperm.xlane v15, v2;
	v28 =	vperm.xlane v15, v3  }
0x82: {  	v29 =	vperm.xlane v15, v4;
	v26 =	vperm.xlane v15, v5  }
0x83: {  	v27 =	vperm.xlane v15, v6;
	v33 =	vperm.xlane v15, v7  }
0x84: {  	v34 =	vperm.xlane v15, v8;
	v35 =	vperm.xlane v15, v12  }
0x85: {  	v21 =	vperm.xlane v24, v32;
	v19 =	vperm.xlane v24, v1  }
0x86: {  	v17 =	vperm.xlane v24, v2;
	v18 =	vperm.xlane v24, v3  }
0x87: {  	v20 =	vperm.xlane v24, v4;
	v15 =	vperm.xlane v24, v5  }
0x88: {  	v16 =	vperm.xlane v24, v6;
	v22 =	vperm.xlane v24, v7  }
0x89: {  	s0 =	simm.s32 $0x0;
	s28 =	simm.s32 $0xC420;
	v36 =	vimm.s32 $0x0;
	_ =	strace $0x8000004A;
	v23 =	vperm.xlane v24, v8;
	v24 =	vperm.xlane v24, v12  }
.LBB2_4:
0x8a: {  	v37 =	vld [tilespmem:s28+$0xFFFFFC00];
	_ =	sdelay $0x4  }
0x8b: {  	vm0 =	vne.s32 v37, $0x0  }
0x8c: {  	v38 =	vsel vm0, $0x1, v9  }
0x8d: {  	(xrf0) =	vadd.scan.msk.s32 $0xffff, v38;
	_ =	sdelay $0x5  }
0x8e: {  	v39, _, _ =	vpop (xrf0)  }
0x8f: {  	v38 =	vsub.s32 v39, v38  }
0x90: {  	v38 =	vadd.s32 v36, v38  }
0x91: {  	v60 =	vadd.s32 $0x400, v38;
	_ =	sdelay $0x2  }
0x92: {  	v40 =	vor.u32 s0, v10  }
0x93: {  	[tilespmem:v38+s17+$0x0] =	vst.idx.msk vm0, v40  }
0x94: {  	[tilespmem:v60+s17+$0x0] =	vst.idx.msk vm0, v37  }
0x95: {  	v37 =	vld [tilespmem:s28+$0x0];
	_ =	sdelay $0x4  }
0x96: {  	vm1 =	vne.s32 v37, $0x0  }
0x97: {  	v61 =	vsel vm1, $0x1, v9  }
0x98: {  	(xrf0) =	vadd.scan.msk.s32 $0xffff, v61;
	_ =	sdelay $0x5  }
0x99: {  	v62, _, _ =	vpop (xrf0)  }
0x9a: {  	v38 =	vsub.s32 v62, v61  }
0x9b: {  	v38 =	vadd.s32 v32, v38  }
0x9c: {  	v63 =	vadd.s32 $0x800, v38  }
0x9d: {  	p0 =	sne.s32 s0, $0x3F0;
	v38 =	vadd.s32 $0xC00, v38  }
.Ltmp3:
0x9e: {  	_ = 	snop;
	(pc) =	sbr.rel @p0 .LBB2_4-.Ltmp3, $4  }
0x9f: {  	_ = 	snop  }
0xa0: {  	v41 =	vmpcnt.ones.xlane vm0;
	v42 =	vmpcnt.ones.xlane vm1  }
0xa1: {  	[tilespmem:v63+s17+$0x0] =	vst.idx.msk vm1, v40  }
0xa2: {  	s0 =	sadd.s32 $0x10, s0;
	v36 =	vadd.s32 v36, v41;
	s28 =	sadd.s32 $0x10, s28;
	v32 =	vadd.s32 v32, v42;
	[tilespmem:v38+s17+$0x0] =	vst.idx.msk vm1, v37  }
0xa3: {  	v36 =	vxor.u32 $0x80000000, v36  }
0xa4: {  	v32 =	vxor.u32 $0x80000000, v32;
	(xrf0) =	vmax.scan.msk.u32 $0xffff, v36  }
0xa5: {  	(xrf0) =	vmax.scan.msk.u32 $0xffff, v32;
	_ =	sdelay $0x4  }
0xa6: {  	v62, _, _ =	vpop (xrf0)  }
0xa7: {  	(v2sf) =	vpush v62, $0xF;
	v63, _, _ =	vpop (xrf0)  }
0xa8: {  	(v2sf) =	vpush v63, $0xF;
	_ =	sdelay $0xd  }
0xa9: {  	s28 =	spop (v2sf)  }
0xaa: {  	s0 =	spop (v2sf)  }
0xab: {  	_ =	strace $0x9000004A  }
0xac: {  	_ =	strace $0x8000004B  }
0xad: {  	_ =	swait.ge [sflag:s18], $0x4000  }
0xae: {  	[sflag:s18] =	ssyncset.done $0x0  }
0xaf: {  	s28 =	sxor.u32 $0x80000000, s28;
	[sflag:s18] =	ssyncadd.s32 $0xFFFFC000  }
0xb0: {  	p0 =	slt.s32 s28, $0x1;
	_ =	swait.ge [sflag:s18], $0x4000  }
.Ltmp4:
0xb1: {  	[sflag:s18] =	ssyncset.done $0x0;
	(pc) =	sbr.rel @p0 .LBB2_11-.Ltmp4, $4  }
0xb2: {  	[sflag:s18] =	ssyncadd.s32 $0xFFFFC000  }
0xb3: {  	_ =	swait.ge [sflag:s18], $0x4000  }
0xb4: {  	[sflag:s18] =	ssyncset.done $0x0  }
0xb5: {  	v36 =	vimm.s32 $0x80000000;
	v32 =	vimm.s32 $0x80000000;
	[sflag:s18] =	ssyncadd.s32 $0xFFFFC000  }
0xb6: {  	(erf) = vrcp.f32 v33  }
0xb7: {  	(erf) = vrcp.f32 v34  }
0xb8: {  	(erf) = vrcp.f32 v35;
	_ =	sdelay $0x3  }
0xb9: {  	p1 =	sne.s32 s28, $0x1  }
.Ltmp5:
0xba: {  	_ = 	snop;
	(pc) =	sbr.rel @!p1 .LBB2_7-.Ltmp5, $4  }
0xbb: {  	s29 =	simm.s32 $0x0  }
0xbc: {  	v38 =	vmov s29;
	v34 =	vpop (erf)  }
0xbd: {  	v37 =	vand.u32 $0x7FFFFFFF, v38;
	v35 =	vpop (erf)  }
0xbe: {  	v33 =	vimm.s32 $0x0;
	p0 =	por $0x0, $0x0;
	s29 =	simm.s32 $0x1;
	v37 =	vadd.s32 $0x400, v37;
	v36 =	vpop (erf)  }
0xbf: {  	_ =	sdelay $0x3  }
0xc0: {  	v38 =	vld.idx.msk [tilespmem:v38+s17+$0x0], $0xffff;
	_ =	sdelay $0x4  }
0xc1: {  	v38 =	vxor.u32 $0x80000000, v38  }
0xc2: {  	(xrf0) =	vmax.scan.msk.u32 $0xffff, v38;
	_ =	sdelay $0x5  }
0xc3: {  	v38, _, _ =	vpop (xrf0)  }
0xc4: {  	(v2sf) =	vpush v38, $0xF;
	_ =	sdelay $0xe  }
0xc5: {  	s30 =	spop (v2sf)  }
0xc6: {  	s30 =	sshll.u32 s30, $0x4  }
0xc7: {  	v53 =	vld [tilespmem:s30+$0x20]  }
0xc8: {  	v39 =	vld [tilespmem:s30+$0x4020];
	_ =	sdelay $0x3  }
0xc9: {  	v38 =	vsub.f32 v53, v30  }
0xca: {  	v39 =	vsub.f32 v39, v31  }
0xcb: {  	v40 =	vmul.f32 v38, v28;
	v38 =	vmul.f32 v38, v29  }
0xcc: {  	v41 =	vld [tilespmem:s30+$0x8020];
	v42 =	vmul.f32 v39, v29;
	v39 =	vmul.f32 v39, v28  }
0xcd: {  	v37 =	vld.idx.msk [tilespmem:v37+s17+$0x0], $0xffff  }
0xce: {  	v40 =	vsub.f32 v40, v42;
	v38 =	vadd.f32 v39, v38;
	_ =	sdelay $0x1  }
0xcf: {  	v54 =	vadd.f32 v40, v26;
	v38 =	vadd.f32 v38, v27  }
0xd0: {  	v55 =	vsub.f32 v41, v25  }
0xd1: {  	v37 =	vand.u32 v11, v37;
	v39 =	vmul.f32 v54, v34;
	v38 =	vmul.f32 v38, v35  }
0xd2: {  	vm0 =	vne.s32 v37, $0x0;
	v40 =	vmul.f32 v55, v36  }
0xd3: {  	v57 =	vsel vm0, $0x1, v9;
	v56 =	vtrunc.f32 v39;
	v38 =	vtrunc.f32 v38  }
0xd4: {  	(xrf0) =	vadd.scan.msk.s32 $0xffff, v57;
	v37 =	vcvt.f32.s32 v56;
	v38 =	vcvt.f32.s32 v38  }
0xd5: {  	v58 =	vtrunc.f32 v40  }
0xd6: {  	v39 =	vcvt.f32.s32 v58;
	vm1 =	vgt.s32 v37, $0x0;
	vm2 =	vgt.s32 v38, $0x0  }
0xd7: {  	v59 =	vsel vm0, $0xFFFFFFFF, v9;
	v37 =	vnsel vm1, $0x0, v37;
	v38 =	vnsel vm2, $0x0, v38  }
0xd8: {  	vm1 =	vgt.s32 v39, $0x0;
	v37 =	vmin.u32 v37, $0x7;
	v38 =	vmin.u32 v38, $0x7  }
0xd9: {  	p1 =	sne.s32 s28, $0x2;
	v39 =	vnsel vm1, $0x0, v39;
	v37 =	vshll.u32 v37, $0x6;
	v38 =	vshll.u32 v38, $0x3  }
.Ltmp6:
0xda: {  	v61, _, _ =	vpop (xrf0);
	v40 =	vadd.s32 v59, v33;
	v39 =	vmin.u32 v39, $0x7;
	v37 =	vor.u32 v38, v37;
	(pc) =	sbr.rel @!p1 .LBB2_10-.Ltmp6, $4  }
0xdb: {  	v37 =	vor.u32 v39, v37;
	v39 =	vadd.s32 v61, v40  }
0xdc: {  	v60 =	vmpcnt.ones.xlane vm0;
	v38 =	vmov s29  }
0xdd: {  	v62 =	vand.u32 $0x7FFFFFFF, v38;
	v63 =	vshll.u32 v37, $0xE  }
0xde: {  	p0 =	por $0x1, $0x1;
	v33 =	vadd.s32 v33, v60;
	s29 =	simm.s32 $0x2;
	v37 =	vadd.s32 $0x400, v62;
	v40 =	vor.u32 s30, v63  }
.LBB2_9:
0xdf: {  	v40 =	vor.u32 v10, v40;
	s30 =	smov.u32 s29;
	s29 =	sadd.s32 $0x1, s29  }
0xe0: {  	p1 =	sne.s32 s28, s29;
	[tilespmem:v39+s19+$0x0] =	vst.idx.msk vm0, v40  }
0xe1: {  	v38 =	vld.idx.msk [tilespmem:v38+s17+$0x0], $0xffff;
	_ =	sdelay $0x5  }
0xe2: {  	v38 =	vxor.u32 $0x80000000, v38  }
0xe3: {  	(xrf0) =	vmax.scan.msk.u32 $0xffff, v38;
	_ =	sdelay $0x5  }
0xe4: {  	v38, _, _ =	vpop (xrf0)  }
0xe5: {  	(v2sf) =	vpush v38, $0xF;
	_ =	sdelay $0xe  }
0xe6: {  	s31 =	spop (v2sf)  }
0xe7: {  	s31 =	sshll.u32 s31, $0x4  }
0xe8: {  	v38 =	vld [tilespmem:s31+$0x20]  }
0xe9: {  	v39 =	vld [tilespmem:s31+$0x4020];
	_ =	sdelay $0x3  }
0xea: {  	v38 =	vsub.f32 v38, v30  }
0xeb: {  	v39 =	vsub.f32 v39, v31  }
0xec: {  	v37 =	vld.idx.msk [tilespmem:v37+s17+$0x0], $0xffff;
	v40 =	vmul.f32 v38, v28;
	v38 =	vmul.f32 v38, v29  }
0xed: {  	v41 =	vld [tilespmem:s31+$0x8020];
	v42 =	vmul.f32 v39, v29;
	v39 =	vmul.f32 v39, v28;
	_ =	sdelay $0x1  }
0xee: {  	v40 =	vsub.f32 v40, v42;
	v38 =	vadd.f32 v39, v38;
	_ =	sdelay $0x1  }
0xef: {  	v39 =	vadd.f32 v40, v26;
	v38 =	vadd.f32 v38, v27  }
0xf0: {  	v37 =	vand.u32 v11, v37;
	v40 =	vsub.f32 v41, v25  }
0xf1: {  	vm0 =	vne.s32 v37, $0x0;
	v37 =	vmul.f32 v39, v34;
	v38 =	vmul.f32 v38, v35  }
0xf2: {  	v41 =	vsel vm0, $0x1, v9;
	v39 =	vmul.f32 v40, v36;
	v40 =	vsel vm0, $0xFFFFFFFF, v9  }
0xf3: {  	v37 =	vtrunc.f32 v37;
	v38 =	vtrunc.f32 v38;
	(xrf0) =	vadd.scan.msk.s32 $0xffff, v41  }
0xf4: {  	v37 =	vcvt.f32.s32 v37;
	v38 =	vcvt.f32.s32 v38  }
0xf5: {  	v41 =	vmpcnt.ones.xlane vm0;
	v39 =	vtrunc.f32 v39  }
0xf6: {  	v39 =	vcvt.f32.s32 v39;
	vm1 =	vgt.s32 v37, $0x0;
	vm2 =	vgt.s32 v38, $0x0  }
0xf7: {  	v40 =	vadd.s32 v40, v33;
	v37 =	vnsel vm1, $0x0, v37;
	v38 =	vnsel vm2, $0x0, v38  }
0xf8: {  	vm1 =	vgt.s32 v39, $0x0;
	v37 =	vmin.u32 v37, $0x7;
	v38 =	vmin.u32 v38, $0x7  }
.Ltmp7:
0xf9: {  	v39 =	vnsel vm1, $0x0, v39;
	v37 =	vshll.u32 v37, $0x6;
	v38 =	vshll.u32 v38, $0x3;
	v42, _, _ =	vpop (xrf0);
	(pc) =	sbr.rel @p1 .LBB2_9-.Ltmp7, $4  }
0xfa: {  	v43 =	vmin.u32 v39, $0x7;
	v37 =	vor.u32 v38, v37;
	v39 =	vadd.s32 v42, v40  }
0xfb: {  	v33 =	vadd.s32 v33, v41;
	v38 =	vmov s30;
	v37 =	vor.u32 v43, v37  }
0xfc: {  	v40 =	vand.u32 $0x7FFFFFFF, v38;
	v41 =	vshll.u32 v37, $0xE  }
0xfd: {  	v37 =	vadd.s32 $0x400, v40;
	v40 =	vor.u32 s31, v41  }
.LBB2_10:
0xfe: {  	_ =	sdelay $0x3  }
0xff: {  	v40 =	vor.u32 @p0 v10, v40  }
0x100: {  	[tilespmem:v39+s19+$0x0] =	vst.idx.msk @p0 vm0, v40  }
0x101: {  	v38 =	vld.idx.msk [tilespmem:v38+s17+$0x0], $0xffff;
	_ =	sdelay $0x4  }
0x102: {  	v38 =	vxor.u32 $0x80000000, v38  }
0x103: {  	(xrf0) =	vmax.scan.msk.u32 $0xffff, v38;
	_ =	sdelay $0x5  }
0x104: {  	v38, _, _ =	vpop (xrf0)  }
0x105: {  	(v2sf) =	vpush v38, $0xF;
	_ =	sdelay $0xe  }
0x106: {  	s28 =	spop (v2sf)  }
0x107: {  	s28 =	sshll.u32 s28, $0x4  }
0x108: {  	v57 =	vld [tilespmem:s28+$0x20]  }
0x109: {  	v39 =	vld [tilespmem:s28+$0x4020];
	_ =	sdelay $0x3  }
0x10a: {  	v30 =	vsub.f32 v57, v30  }
0x10b: {  	v31 =	vsub.f32 v39, v31  }
0x10c: {  	v37 =	vld.idx.msk [tilespmem:v37+s17+$0x0], $0xffff;
	v38 =	vmul.f32 v30, v28;
	v30 =	vmul.f32 v30, v29  }
0x10d: {  	v58 =	vld [tilespmem:s28+$0x8020];
	v59 =	vmul.f32 v31, v29;
	v60 =	vmul.f32 v31, v28;
	_ =	sdelay $0x1  }
0x10e: {  	v29 =	vsub.f32 v38, v59;
	v28 =	vadd.f32 v60, v30;
	_ =	sdelay $0x1  }
0x10f: {  	v26 =	vadd.f32 v29, v26;
	v27 =	vadd.f32 v28, v27  }
0x110: {  	v61 =	vand.u32 v11, v37;
	v25 =	vsub.f32 v58, v25  }
0x111: {  	vm14 =	vne.s32 v61, $0x0;
	v26 =	vmul.f32 v26, v34;
	v27 =	vmul.f32 v27, v35  }
0x112: {  	v25 =	vmul.f32 v25, v36;
	v28 =	vsel vm14, $0x1, v9  }
0x113: {  	(xrf0) =	vadd.scan.msk.s32 $0xffff, v28;
	v26 =	vtrunc.f32 v26;
	v27 =	vtrunc.f32 v27  }
0x114: {  	v26 =	vcvt.f32.s32 v26;
	v27 =	vcvt.f32.s32 v27  }
0x115: {  	v62 =	vsel vm14, $0xFFFFFFFF, v9;
	v25 =	vtrunc.f32 v25  }
0x116: {  	v25 =	vcvt.f32.s32 v25;
	vm1 =	vgt.s32 v26, $0x0;
	vm2 =	vgt.s32 v27, $0x0  }
0x117: {  	v28 =	vadd.s32 v62, v33;
	v26 =	vnsel vm1, $0x0, v26;
	v27 =	vnsel vm2, $0x0, v27  }
0x118: {  	vm15 =	vgt.s32 v25, $0x0;
	v26 =	vmin.u32 v26, $0x7;
	v27 =	vmin.u32 v27, $0x7  }
0x119: {  	v25 =	vnsel vm15, $0x0, v25;
	v63, _, _ =	vpop (xrf0);
	v26 =	vshll.u32 v26, $0x6;
	v27 =	vshll.u32 v27, $0x3  }
0x11a: {  	v25 =	vmin.u32 v25, $0x7;
	v26 =	vor.u32 v27, v26;
	v27 =	vadd.s32 v63, v28  }
0x11b: {  	v25 =	vor.u32 v25, v26  }
0x11c: {  	v26 =	vmpcnt.ones.xlane vm14;
	v25 =	vshll.u32 v25, $0xE  }
0x11d: {  	v25 =	vor.u32 s28, v25  }
0x11e: {  	v26 =	vadd.s32 v33, v26;
	v25 =	vor.u32 v10, v25  }
0x11f: {  	v36 =	vxor.u32 $0x80000000, v26;
	[tilespmem:v27+s19+$0x0] =	vst.idx.msk vm14, v25  }
.LBB2_11:
0x120: {  	(xrf0) =	vmax.scan.msk.u32 $0xffff, v36;
	_ =	sdelay $0x5  }
0x121: {  	v25, _, _ =	vpop (xrf0)  }
0x122: {  	(v2sf) =	vpush v25, $0xF;
	_ =	sdelay $0x8  }
0x123: {  	s28 =	sxor.u32 $0x80000000, s0  }
0x124: {  	p0 =	slt.s32 s28, $0x1  }
.Ltmp8:
0x125: {  	_ = 	snop;
	(pc) =	sbr.rel @p0 .LBB2_19-.Ltmp8, $2  }
0x126: {  	_ =	sdelay $0x2  }
0x127: {  	s0 =	spop (v2sf)  }
0x128: {  	(erf) = vrcp.f32 v22  }
0x129: {  	(erf) = vrcp.f32 v23  }
0x12a: {  	(erf) = vrcp.f32 v24;
	_ =	sdelay $0x3  }
0x12b: {  	p1 =	sne.s32 s28, $0x1  }
.Ltmp9:
0x12c: {  	s29 =	simm.s32 $0x0;
	(pc) =	sbr.rel @!p1 .LBB2_13-.Ltmp9, $4  }
0x12d: {  	v24 =	vmov s29  }
0x12e: {  	v22 =	vpop (erf)  }
0x12f: {  	v28 =	vand.u32 $0x7FFFFFFF, v24;
	v23 =	vpop (erf)  }
0x130: {  	v27 =	vimm.s32 $0x0;
	s30 =	simm.s32 $0x1;
	p0 =	por $0x0, $0x0;
	v29 =	vadd.s32 $0x800, v28;
	v24 =	vpop (erf)  }
0x131: {  	_ =	sdelay $0x3  }
0x132: {  	v25 =	vld.idx.msk [tilespmem:v29+s17+$0x0], $0xffff;
	_ =	sdelay $0x4  }
0x133: {  	v25 =	vxor.u32 $0x80000000, v25  }
0x134: {  	(xrf0) =	vmax.scan.msk.u32 $0xffff, v25;
	_ =	sdelay $0x5  }
0x135: {  	v25, _, _ =	vpop (xrf0)  }
0x136: {  	(v2sf) =	vpush v25, $0xF;
	_ =	sdelay $0xe  }
0x137: {  	s29 =	spop (v2sf)  }
0x138: {  	s29 =	sshll.u32 s29, $0x4  }
0x139: {  	v25 =	vld [tilespmem:s29+$0x20]  }
0x13a: {  	v26 =	vadd.s32 $0xC00, v28;
	v28 =	vld [tilespmem:s29+$0x4020];
	_ =	sdelay $0x3  }
0x13b: {  	v25 =	vsub.f32 v25, v21  }
0x13c: {  	v29 =	vld [tilespmem:s29+$0x8020];
	v28 =	vsub.f32 v28, v19  }
0x13d: {  	v30 =	vmul.f32 v25, v18;
	v25 =	vmul.f32 v25, v20  }
0x13e: {  	v26 =	vld.idx.msk [tilespmem:v26+s17+$0x0], $0xffff;
	v31 =	vmul.f32 v28, v20;
	v28 =	vmul.f32 v28, v18;
	_ =	sdelay $0x1  }
0x13f: {  	v25 =	vadd.f32 v28, v25  }
0x140: {  	v29 =	vsub.f32 v29, v17  }
0x141: {  	v30 =	vsub.f32 v30, v31;
	v25 =	vadd.f32 v25, v16  }
0x142: {  	v26 =	vand.u32 v11, v26;
	v28 =	vmul.f32 v29, v24  }
0x143: {  	vm0 =	vne.s32 v26, $0x0;
	v26 =	vadd.f32 v30, v15;
	v25 =	vmul.f32 v25, v23  }
0x144: {  	v31 =	vsel vm0, $0x1, v9;
	v28 =	vtrunc.f32 v28  }
0x145: {  	(xrf0) =	vadd.scan.msk.s32 $0xffff, v31;
	v26 =	vmul.f32 v26, v22;
	v25 =	vtrunc.f32 v25  }
0x146: {  	v28 =	vcvt.f32.s32 v28;
	v25 =	vcvt.f32.s32 v25  }
0x147: {  	v29 =	vmpcnt.ones.xlane vm0;
	v26 =	vtrunc.f32 v26  }
0x148: {  	p1 =	sne.s32 s28, $0x2;
	vm1 =	vgt.s32 v28, $0x0;
	v32 =	vcvt.f32.s32 v26;
	vm2 =	vgt.s32 v25, $0x0  }
.Ltmp10:
0x149: {  	v30 =	vnsel vm1, $0x0, v28;
	v26 =	vadd.s32 v27, v29;
	v25 =	vnsel vm2, $0x0, v25;
	(pc) =	sbr.rel @!p1 .LBB2_15-.Ltmp10, $4  }
0x14a: {  	v29 =	vmov s30;
	vm1 =	vgt.s32 v32, $0x0;
	v25 =	vmin.u32 v25, $0x7  }
0x14b: {  	v33, _, _ =	vpop (xrf0);
	v28 =	vand.u32 $0x7FFFFFFF, v29;
	v32 =	vnsel vm1, $0x0, v32  }
0x14c: {  	v33 =	vsub.s32 v33, v31;
	v29 =	vadd.s32 $0x800, v28;
	v32 =	vmin.u32 v32, $0x7  }
0x14d: {  	p0 =	por $0x1, $0x1;
	s30 =	simm.s32 $0x2;
	v33 =	vadd.s32 v27, v33;
	v31 =	vshll.u32 v32, $0x6;
	v32 =	vshll.u32 v25, $0x3;
	v25 =	vmovc v26  }
.LBB2_16:
0x14e: {  	v27 =	vmin.u32 v30, $0x7;
	v30 =	vor.u32 v32, v31;
	v31 =	vadd.s32 $0x4000, v33;
	s31 =	smov.u32 s30;
	s30 =	sadd.s32 $0x1, s30  }
0x14f: {  	p1 =	sne.s32 s28, s30;
	v27 =	vor.u32 v27, v30  }
0x150: {  	v27 =	vshll.u32 v27, $0xE  }
0x151: {  	v27 =	vor.u32 s29, v27  }
0x152: {  	v27 =	vor.u32 v10, v27  }
0x153: {  	[tilespmem:v31+s19+$0x0] =	vst.idx.msk vm0, v27  }
0x154: {  	v27 =	vld.idx.msk [tilespmem:v29+s17+$0x0], $0xffff;
	_ =	sdelay $0x5  }
0x155: {  	v27 =	vxor.u32 $0x80000000, v27  }
0x156: {  	(xrf0) =	vmax.scan.msk.u32 $0xffff, v27;
	_ =	sdelay $0x5  }
0x157: {  	v27, _, _ =	vpop (xrf0)  }
0x158: {  	(v2sf) =	vpush v27, $0xF;
	_ =	sdelay $0xe  }
0x159: {  	v27 =	vadd.s32 $0xC00, v28;
	s29 =	spop (v2sf)  }
0x15a: {  	s29 =	sshll.u32 s29, $0x4  }
0x15b: {  	v28 =	vld [tilespmem:s29+$0x20]  }
0x15c: {  	v29 =	vld [tilespmem:s29+$0x4020];
	_ =	sdelay $0x1  }
0x15d: {  	v27 =	vld.idx.msk [tilespmem:v27+s17+$0x0], $0xffff  }
0x15e: {  	v30 =	vld [tilespmem:s29+$0x8020]  }
0x15f: {  	v28 =	vsub.f32 v28, v21  }
0x160: {  	v29 =	vsub.f32 v29, v19  }
0x161: {  	v31 =	vmul.f32 v28, v18;
	v28 =	vmul.f32 v28, v20  }
0x162: {  	v32 =	vmul.f32 v29, v20;
	v29 =	vmul.f32 v29, v18  }
0x163: {  	v27 =	vand.u32 v11, v27;
	v30 =	vsub.f32 v30, v17  }
0x164: {  	v31 =	vsub.f32 v31, v32;
	v28 =	vadd.f32 v29, v28  }
0x165: {  	vm0 =	vne.s32 v27, $0x0;
	v27 =	vmul.f32 v30, v24  }
0x166: {  	v29 =	vadd.f32 v31, v15;
	v28 =	vadd.f32 v28, v16;
	v31 =	vsel vm0, $0x1, v9  }
0x167: {  	v30 =	vmpcnt.ones.xlane vm0;
	v27 =	vtrunc.f32 v27;
	(xrf0) =	vadd.scan.msk.s32 $0xffff, v31  }
0x168: {  	v29 =	vmul.f32 v29, v22;
	v28 =	vmul.f32 v28, v23  }
0x169: {  	v26 =	vadd.s32 v26, v30;
	v27 =	vcvt.f32.s32 v27  }
0x16a: {  	v29 =	vtrunc.f32 v29;
	v28 =	vtrunc.f32 v28  }
0x16b: {  	vm1 =	vgt.s32 v27, $0x0;
	v32 =	vcvt.f32.s32 v29;
	v33 =	vcvt.f32.s32 v28  }
.Ltmp11:
0x16c: {  	v28 =	vmov s31;
	v30 =	vnsel vm1, $0x0, v27;
	(pc) =	sbr.rel @p1 .LBB2_16-.Ltmp11, $4  }
0x16d: {  	v28 =	vand.u32 $0x7FFFFFFF, v28;
	vm1 =	vgt.s32 v32, $0x0;
	vm2 =	vgt.s32 v33, $0x0;
	v27, _, _ =	vpop (xrf0)  }
0x16e: {  	v29 =	vadd.s32 $0x800, v28;
	v32 =	vnsel vm1, $0x0, v32;
	v33 =	vnsel vm2, $0x0, v33  }
0x16f: {  	v27 =	vsub.s32 v27, v31;
	v32 =	vmin.u32 v32, $0x7;
	v33 =	vmin.u32 v33, $0x7  }
0x170: {  	v31 =	vshll.u32 v32, $0x6;
	v32 =	vshll.u32 v33, $0x3;
	v33 =	vadd.s32 v25, v27;
	v25 =	vmovc v26  }
0x171: {  	v27 =	vmov v26  }
.LBB2_18:
0x172: {  	v26 =	vmin.u32 @p0 v30, $0x7;
	v30 =	vor.u32 @p0 v32, v31;
	v31 =	vadd.s32 @p0 $0x4000, v33  }
0x173: {  	v26 =	vor.u32 @p0 v26, v30  }
0x174: {  	v26 =	vshll.u32 @p0 v26, $0xE  }
0x175: {  	v26 =	vor.u32 @p0 s29, v26  }
0x176: {  	v26 =	vor.u32 @p0 v10, v26  }
0x177: {  	[tilespmem:v31+s19+$0x0] =	vst.idx.msk @p0 vm0, v26  }
0x178: {  	v26 =	vld.idx.msk [tilespmem:v29+s17+$0x0], $0xffff;
	_ =	sdelay $0x4  }
0x179: {  	v26 =	vxor.u32 $0x80000000, v26  }
0x17a: {  	(xrf0) =	vmax.scan.msk.u32 $0xffff, v26;
	_ =	sdelay $0x5  }
0x17b: {  	v26, _, _ =	vpop (xrf0)  }
0x17c: {  	(v2sf) =	vpush v26, $0xF;
	_ =	sdelay $0xe  }
0x17d: {  	s28 =	spop (v2sf)  }
0x17e: {  	v28 =	vadd.s32 $0xC00, v28;
	s28 =	sshll.u32 s28, $0x4  }
0x17f: {  	v51 =	vld [tilespmem:s28+$0x20]  }
0x180: {  	v52 =	vld [tilespmem:s28+$0x4020];
	_ =	sdelay $0x2  }
0x181: {  	v54 =	vld.idx.msk [tilespmem:v28+s17+$0x0], $0xffff  }
0x182: {  	v21 =	vsub.f32 v51, v21  }
0x183: {  	v53 =	vld [tilespmem:s28+$0x8020];
	v19 =	vsub.f32 v52, v19  }
0x184: {  	v55 =	vmul.f32 v21, v18;
	v21 =	vmul.f32 v21, v20  }
0x185: {  	v56 =	vmul.f32 v19, v20;
	v57 =	vmul.f32 v19, v18  }
0x186: {  	v59 =	vand.u32 v11, v54  }
0x187: {  	vm15 =	vne.s32 v59, $0x0;
	v58 =	vsub.f32 v55, v56;
	v18 =	vadd.f32 v57, v21  }
0x188: {  	v60 =	vsel vm15, $0x1, v9;
	v17 =	vsub.f32 v53, v17  }
0x189: {  	(xrf0) =	vadd.scan.msk.s32 $0xffff, v60;
	v15 =	vadd.f32 v58, v15;
	v16 =	vadd.f32 v18, v16  }
0x18a: {  	v17 =	vmul.f32 v17, v24  }
0x18b: {  	v15 =	vmul.f32 v15, v22;
	v16 =	vmul.f32 v16, v23  }
0x18c: {  	v17 =	vtrunc.f32 v17  }
0x18d: {  	v15 =	vtrunc.f32 v15;
	v16 =	vtrunc.f32 v16  }
0x18e: {  	v15 =	vcvt.f32.s32 v15;
	v16 =	vcvt.f32.s32 v16  }
0x18f: {  	v61, _, _ =	vpop (xrf0);
	v17 =	vcvt.f32.s32 v17  }
0x190: {  	v18 =	vsub.s32 v61, v60;
	vm2 =	vgt.s32 v15, $0x0;
	vm3 =	vgt.s32 v16, $0x0  }
0x191: {  	vm1 =	vgt.s32 v17, $0x0;
	v15 =	vnsel vm2, $0x0, v15;
	v16 =	vnsel vm3, $0x0, v16  }
0x192: {  	v18 =	vadd.s32 v25, v18;
	v15 =	vmin.u32 v15, $0x7;
	v16 =	vmin.u32 v16, $0x7  }
0x193: {  	v17 =	vnsel vm1, $0x0, v17;
	v15 =	vshll.u32 v15, $0x6;
	v16 =	vshll.u32 v16, $0x3  }
0x194: {  	v62 =	vadd.s32 $0x4000, v18;
	v17 =	vmin.u32 v17, $0x7;
	v15 =	vor.u32 v16, v15  }
0x195: {  	v15 =	vor.u32 v17, v15  }
0x196: {  	v63 =	vmpcnt.ones.xlane vm15;
	v15 =	vshll.u32 v15, $0xE  }
0x197: {  	v15 =	vor.u32 s28, v15  }
0x198: {  	v17 =	vadd.s32 v27, v63;
	v15 =	vor.u32 v10, v15  }
0x199: {  	v32 =	vxor.u32 $0x80000000, v17;
	[tilespmem:v62+s19+$0x0] =	vst.idx.msk vm15, v15  }
.LBB2_19:
0x19a: {  	(xrf0) =	vmax.scan.msk.u32 $0xffff, v32;
	_ =	sdelay $0x5  }
0x19b: {  	v15, _, _ =	vpop (xrf0)  }
0x19c: {  	(v2sf) =	vpush v15, $0xF;
	_ =	sdelay $0x9  }
0x19d: {  	s28 =	sadd.s32 $0x8000000F, s0  }
0x19e: {  	s28 =	sshra.s32 s28, $0x4  }
0x19f: {  	p0 =	slt.s32 s28, $0x1  }
.Ltmp12:
0x1a0: {  	_ = 	snop;
	(pc) =	sbr.rel @p0 .LBB2_22-.Ltmp12, $4  }
0x1a1: {  	_ = 	snop  }
0x1a2: {  	s29 =	spop (v2sf)  }
0x1a3: {  	_ =	strace $0x9000004B  }
0x1a4: {  	_ =	strace $0x8000004C  }
0x1a5: {  	s30 =	sxor.u32 $0x80000000, s0;
	s31 =	simm.s32 $0xF;
	s0 =	simm.s32 $0x15C20  }
.LBB2_21:
0x1a6: {  	v16 =	vld [tilespmem:s0+$0x0];
	_ =	sdelay $0x1  }
0x1a7: {  	s1 =	sadd.s32 $0xFFFFFFF1, s31  }
0x1a8: {  	v17 =	vmov s1  }
0x1a9: {  	v15 =	vmov s30;
	v17 =	vshrl.u32 v17, $0x3  }
0x1aa: {  	vm0 =	vgt.s32 v15, v10;
	v18 =	vand.u32 $0x3FFF, v16;
	v16 =	vshll.u32 v17, v13  }
0x1ab: {  	v32 =	vnsel vm0, $0x0, v18;
	v33 =	vbroadcast v16, $0x0  }
0x1ac: {  	[tilespmem:$0x1DE20] =	vst v32  }
0x1ad: {  	[tilespmem:s22], [sflag:$0x1] =	stream.indirect.gather [hbm4b:s6+s20], $0x20, s21, s20, $0x2000b8;
	[tilespmem:$0x1DE30] =	vst v63  }
0x1ae: {  	_ =	swait.ge [sflag:s18], $0x200  }
0x1af: {  	[sflag:s18] =	ssyncset.done $0x0  }
0x1b0: {  	[sflag:s18] =	ssyncadd.s32 $0xFFFFFE00  }
0x1b1: {  	v34 =	vld.idx.msk [tilespmem:v33+s19+$0x0], $0xffff;
	_ =	sdelay $0x4  }
0x1b2: {  	v17 =	vshra.s32 v34, $0xE  }
0x1b3: {  	vm5 =	vgt.s32 v17, $0x0  }
0x1b4: {  	v17 =	vnsel vm5, $0x0, v17  }
0x1b5: {  	v17 =	vmin.u32 v17, $0x1FF  }
0x1b6: {  	v35 =	vshll.u32 v17, $0x5  }
0x1b7: {  	v19 =	vor.u32 v10, v35  }
0x1b8: {  	v18 =	vor.u32 v14, v35;
	_ =	sdelay $0x1  }
0x1b9: {  	v23 =	vld [tilespmem:$0x1DC20]  }
0x1ba: {  	v20 =	vld.idx.msk [tilespmem:v17+s23+$0x0], $0xffff  }
0x1bb: {  	v21 =	vld.idx.msk [tilespmem:v19+s24+$0x0], $0xffff  }
0x1bc: {  	vm6 =	vgt.s32 v15, $0x0;
	v22 =	vld.idx.msk [tilespmem:v18+s24+$0x0], $0xffff  }
0x1bd: {  	v24 =	vld [tilespmem:$0x1DC30]  }
0x1be: {  	v25 =	vadd.s32 $0x1, v16  }
0x1bf: {  	v36 =	vbroadcast v25, $0x0;
	vm1 =	vgt.s32 v20, $0x0  }
0x1c0: {  	v21 =	vnsel vm1, $0xFF61B1E6, v21  }
0x1c1: {  	v22 =	vnsel vm1, $0xFF61B1E6, v22;
	v21 =	vmax.f32 v21, v23  }
0x1c2: {  	v22 =	vmax.f32 v22, v24;
	[tilespmem:v19+s24+$0x0] =	vst.idx.msk vm6, v21  }
0x1c3: {  	[tilespmem:v18+s24+$0x0] =	vst.idx.msk vm6, v22  }
0x1c4: {  	[tilespmem:v17+s23+$0x0] =	vst.idx.msk vm6, v1  }
0x1c5: {  	v17 =	vld.idx.msk [tilespmem:v36+s19+$0x0], $0xffff;
	_ =	sdelay $0x4  }
0x1c6: {  	v17 =	vshra.s32 v17, $0xE  }
0x1c7: {  	vm7 =	vgt.s32 v17, $0x0  }
0x1c8: {  	v17 =	vnsel vm7, $0x0, v17  }
0x1c9: {  	v17 =	vmin.u32 v17, $0x1FF  }
0x1ca: {  	v37 =	vshll.u32 v17, $0x5  }
0x1cb: {  	v38 =	vor.u32 v10, v37  }
0x1cc: {  	v18 =	vor.u32 v14, v37;
	_ =	sdelay $0x1  }
0x1cd: {  	v40 =	vld [tilespmem:$0x1DC40]  }
0x1ce: {  	v39 =	vld.idx.msk [tilespmem:v17+s23+$0x0], $0xffff  }
0x1cf: {  	v21 =	vld.idx.msk [tilespmem:v38+s24+$0x0], $0xffff  }
0x1d0: {  	vm8 =	vgt.s32 v15, $0x1;
	v22 =	vld.idx.msk [tilespmem:v18+s24+$0x0], $0xffff  }
0x1d1: {  	v41 =	vld [tilespmem:$0x1DC50]  }
0x1d2: {  	v42 =	vadd.s32 $0x2, v16  }
0x1d3: {  	v43 =	vbroadcast v42, $0x0;
	vm9 =	vgt.s32 v39, $0x0  }
0x1d4: {  	v21 =	vnsel vm9, $0xFF61B1E6, v21  }
0x1d5: {  	v22 =	vnsel vm9, $0xFF61B1E6, v22;
	v21 =	vmax.f32 v21, v40  }
0x1d6: {  	v22 =	vmax.f32 v22, v41;
	[tilespmem:v38+s24+$0x0] =	vst.idx.msk vm8, v21  }
0x1d7: {  	[tilespmem:v18+s24+$0x0] =	vst.idx.msk vm8, v22  }
0x1d8: {  	[tilespmem:v17+s23+$0x0] =	vst.idx.msk vm8, v1  }
0x1d9: {  	v17 =	vld.idx.msk [tilespmem:v43+s19+$0x0], $0xffff;
	_ =	sdelay $0x4  }
0x1da: {  	v17 =	vshra.s32 v17, $0xE  }
0x1db: {  	vm10 =	vgt.s32 v17, $0x0  }
0x1dc: {  	v17 =	vnsel vm10, $0x0, v17  }
0x1dd: {  	v17 =	vmin.u32 v17, $0x1FF  }
0x1de: {  	v44 =	vshll.u32 v17, $0x5  }
0x1df: {  	v45 =	vor.u32 v10, v44  }
0x1e0: {  	v18 =	vor.u32 v14, v44;
	_ =	sdelay $0x1  }
0x1e1: {  	v47 =	vld [tilespmem:$0x1DC60]  }
0x1e2: {  	v46 =	vld.idx.msk [tilespmem:v17+s23+$0x0], $0xffff  }
0x1e3: {  	v21 =	vld.idx.msk [tilespmem:v45+s24+$0x0], $0xffff  }
0x1e4: {  	vm11 =	vgt.s32 v15, $0x2;
	v22 =	vld.idx.msk [tilespmem:v18+s24+$0x0], $0xffff  }
0x1e5: {  	v48 =	vld [tilespmem:$0x1DC70]  }
0x1e6: {  	v49 =	vadd.s32 $0x3, v16  }
0x1e7: {  	v50 =	vbroadcast v49, $0x0;
	vm12 =	vgt.s32 v46, $0x0  }
0x1e8: {  	v21 =	vnsel vm12, $0xFF61B1E6, v21  }
0x1e9: {  	v22 =	vnsel vm12, $0xFF61B1E6, v22;
	v21 =	vmax.f32 v21, v47  }
0x1ea: {  	v22 =	vmax.f32 v22, v48;
	[tilespmem:v45+s24+$0x0] =	vst.idx.msk vm11, v21  }
0x1eb: {  	[tilespmem:v18+s24+$0x0] =	vst.idx.msk vm11, v22  }
0x1ec: {  	[tilespmem:v17+s23+$0x0] =	vst.idx.msk vm11, v1  }
0x1ed: {  	v17 =	vld.idx.msk [tilespmem:v50+s19+$0x0], $0xffff;
	_ =	sdelay $0x4  }
0x1ee: {  	v17 =	vshra.s32 v17, $0xE  }
0x1ef: {  	vm13 =	vgt.s32 v17, $0x0  }
0x1f0: {  	v17 =	vnsel vm13, $0x0, v17  }
0x1f1: {  	v17 =	vmin.u32 v17, $0x1FF  }
0x1f2: {  	v51 =	vshll.u32 v17, $0x5  }
0x1f3: {  	v52 =	vor.u32 v10, v51  }
0x1f4: {  	v18 =	vor.u32 v14, v51;
	_ =	sdelay $0x1  }
0x1f5: {  	v54 =	vld [tilespmem:$0x1DC80]  }
0x1f6: {  	v53 =	vld.idx.msk [tilespmem:v17+s23+$0x0], $0xffff  }
0x1f7: {  	v21 =	vld.idx.msk [tilespmem:v52+s24+$0x0], $0xffff  }
0x1f8: {  	vm14 =	vgt.s32 v15, $0x3;
	v22 =	vld.idx.msk [tilespmem:v18+s24+$0x0], $0xffff  }
0x1f9: {  	v55 =	vld [tilespmem:$0x1DC90]  }
0x1fa: {  	v56 =	vadd.s32 $0x4, v16  }
0x1fb: {  	v57 =	vbroadcast v56, $0x0;
	vm15 =	vgt.s32 v53, $0x0  }
0x1fc: {  	v21 =	vnsel vm15, $0xFF61B1E6, v21  }
0x1fd: {  	v22 =	vnsel vm15, $0xFF61B1E6, v22;
	v21 =	vmax.f32 v21, v54  }
0x1fe: {  	v22 =	vmax.f32 v22, v55;
	[tilespmem:v52+s24+$0x0] =	vst.idx.msk vm14, v21  }
0x1ff: {  	[tilespmem:v18+s24+$0x0] =	vst.idx.msk vm14, v22  }
0x200: {  	[tilespmem:v17+s23+$0x0] =	vst.idx.msk vm14, v1  }
0x201: {  	v17 =	vld.idx.msk [tilespmem:v57+s19+$0x0], $0xffff;
	_ =	sdelay $0x4  }
0x202: {  	v17 =	vshra.s32 v17, $0xE  }
0x203: {  	vm4 =	vgt.s32 v17, $0x0  }
0x204: {  	v17 =	vnsel vm4, $0x0, v17  }
0x205: {  	v17 =	vmin.u32 v17, $0x1FF  }
0x206: {  	v58 =	vshll.u32 v17, $0x5  }
0x207: {  	v59 =	vor.u32 v10, v58  }
0x208: {  	v18 =	vor.u32 v14, v58;
	_ =	sdelay $0x1  }
0x209: {  	v61 =	vld [tilespmem:$0x1DCA0]  }
0x20a: {  	v60 =	vld.idx.msk [tilespmem:v17+s23+$0x0], $0xffff  }
0x20b: {  	v21 =	vld.idx.msk [tilespmem:v59+s24+$0x0], $0xffff  }
0x20c: {  	vm5 =	vgt.s32 v15, $0x4;
	v22 =	vld.idx.msk [tilespmem:v18+s24+$0x0], $0xffff  }
0x20d: {  	v62 =	vld [tilespmem:$0x1DCB0]  }
0x20e: {  	v63 =	vadd.s32 $0x5, v16  }
0x20f: {  	v27 =	vbroadcast v63, $0x0;
	vm6 =	vgt.s32 v60, $0x0  }
0x210: {  	v21 =	vnsel vm6, $0xFF61B1E6, v21  }
0x211: {  	v22 =	vnsel vm6, $0xFF61B1E6, v22;
	v21 =	vmax.f32 v21, v61  }
0x212: {  	v22 =	vmax.f32 v22, v62;
	[tilespmem:v59+s24+$0x0] =	vst.idx.msk vm5, v21  }
0x213: {  	[tilespmem:v18+s24+$0x0] =	vst.idx.msk vm5, v22  }
0x214: {  	[tilespmem:v17+s23+$0x0] =	vst.idx.msk vm5, v1  }
0x215: {  	v17 =	vld.idx.msk [tilespmem:v27+s19+$0x0], $0xffff;
	_ =	sdelay $0x4  }
0x216: {  	v17 =	vshra.s32 v17, $0xE  }
0x217: {  	vm7 =	vgt.s32 v17, $0x0  }
0x218: {  	v17 =	vnsel vm7, $0x0, v17  }
0x219: {  	v17 =	vmin.u32 v17, $0x1FF  }
0x21a: {  	v28 =	vshll.u32 v17, $0x5  }
0x21b: {  	v29 =	vor.u32 v10, v28  }
0x21c: {  	v18 =	vor.u32 v14, v28;
	_ =	sdelay $0x1  }
0x21d: {  	v31 =	vld [tilespmem:$0x1DCC0]  }
0x21e: {  	v30 =	vld.idx.msk [tilespmem:v17+s23+$0x0], $0xffff  }
0x21f: {  	v21 =	vld.idx.msk [tilespmem:v29+s24+$0x0], $0xffff  }
0x220: {  	vm8 =	vgt.s32 v15, $0x5;
	v22 =	vld.idx.msk [tilespmem:v18+s24+$0x0], $0xffff  }
0x221: {  	v32 =	vld [tilespmem:$0x1DCD0]  }
0x222: {  	v33 =	vadd.s32 $0x6, v16  }
0x223: {  	v34 =	vbroadcast v33, $0x0;
	vm9 =	vgt.s32 v30, $0x0  }
0x224: {  	v21 =	vnsel vm9, $0xFF61B1E6, v21  }
0x225: {  	v22 =	vnsel vm9, $0xFF61B1E6, v22;
	v21 =	vmax.f32 v21, v31  }
0x226: {  	v22 =	vmax.f32 v22, v32;
	[tilespmem:v29+s24+$0x0] =	vst.idx.msk vm8, v21  }
0x227: {  	[tilespmem:v18+s24+$0x0] =	vst.idx.msk vm8, v22  }
0x228: {  	[tilespmem:v17+s23+$0x0] =	vst.idx.msk vm8, v1  }
0x229: {  	v17 =	vld.idx.msk [tilespmem:v34+s19+$0x0], $0xffff;
	_ =	sdelay $0x4  }
0x22a: {  	v17 =	vshra.s32 v17, $0xE  }
0x22b: {  	vm10 =	vgt.s32 v17, $0x0  }
0x22c: {  	v17 =	vnsel vm10, $0x0, v17  }
0x22d: {  	v17 =	vmin.u32 v17, $0x1FF  }
0x22e: {  	v35 =	vshll.u32 v17, $0x5  }
0x22f: {  	v36 =	vor.u32 v10, v35  }
0x230: {  	v18 =	vor.u32 v14, v35;
	_ =	sdelay $0x1  }
0x231: {  	v38 =	vld [tilespmem:$0x1DCE0]  }
0x232: {  	v37 =	vld.idx.msk [tilespmem:v17+s23+$0x0], $0xffff  }
0x233: {  	v21 =	vld.idx.msk [tilespmem:v36+s24+$0x0], $0xffff  }
0x234: {  	vm11 =	vgt.s32 v15, $0x6;
	v22 =	vld.idx.msk [tilespmem:v18+s24+$0x0], $0xffff  }
0x235: {  	v39 =	vld [tilespmem:$0x1DCF0]  }
0x236: {  	v16 =	vadd.s32 $0x7, v16  }
0x237: {  	v16 =	vbroadcast v16, $0x0;
	vm12 =	vgt.s32 v37, $0x0  }
0x238: {  	v20 =	vnsel vm12, $0xFF61B1E6, v21  }
0x239: {  	v40 =	vnsel vm12, $0xFF61B1E6, v22;
	v20 =	vmax.f32 v20, v38  }
0x23a: {  	v21 =	vmax.f32 v40, v39;
	[tilespmem:v36+s24+$0x0] =	vst.idx.msk vm11, v20  }
0x23b: {  	[tilespmem:v18+s24+$0x0] =	vst.idx.msk vm11, v21  }
0x23c: {  	[tilespmem:v17+s23+$0x0] =	vst.idx.msk vm11, v1  }
0x23d: {  	v16 =	vld.idx.msk [tilespmem:v16+s19+$0x0], $0xffff;
	_ =	sdelay $0x4  }
0x23e: {  	v16 =	vshra.s32 v16, $0xE  }
0x23f: {  	vm13 =	vgt.s32 v16, $0x0  }
0x240: {  	v16 =	vnsel vm13, $0x0, v16  }
0x241: {  	v16 =	vmin.u32 v16, $0x1FF  }
0x242: {  	v41 =	vshll.u32 v16, $0x5  }
0x243: {  	v42 =	vor.u32 v10, v41  }
0x244: {  	v17 =	vor.u32 v14, v41;
	_ =	sdelay $0x1  }
0x245: {  	v43 =	vld [tilespmem:$0x1DD00]  }
0x246: {  	v19 =	vld.idx.msk [tilespmem:v16+s23+$0x0], $0xffff  }
0x247: {  	s1 =	sadd.s32 $0xFFFFFFF9, s31;
	v20 =	vld.idx.msk [tilespmem:v42+s24+$0x0], $0xffff  }
0x248: {  	v44 =	vmov s1;
	vm14 =	vgt.s32 v15, $0x7;
	v21 =	vld.idx.msk [tilespmem:v17+s24+$0x0], $0xffff  }
0x249: {  	v23 =	vshrl.u32 v44, $0x3;
	v45 =	vld [tilespmem:$0x1DD10]  }
0x24a: {  	v23 =	vshll.u32 v23, v13  }
0x24b: {  	v46 =	vbroadcast v23, $0x0;
	vm15 =	vgt.s32 v19, $0x0  }
0x24c: {  	v20 =	vnsel vm15, $0xFF61B1E6, v20  }
0x24d: {  	v21 =	vnsel vm15, $0xFF61B1E6, v21;
	v20 =	vmax.f32 v20, v43  }
0x24e: {  	v21 =	vmax.f32 v21, v45;
	[tilespmem:v42+s24+$0x0] =	vst.idx.msk vm14, v20  }
0x24f: {  	[tilespmem:v17+s24+$0x0] =	vst.idx.msk vm14, v21  }
0x250: {  	[tilespmem:v16+s23+$0x0] =	vst.idx.msk vm14, v1  }
0x251: {  	v16 =	vld.idx.msk [tilespmem:v46+s19+$0x0], $0xffff;
	_ =	sdelay $0x4  }
0x252: {  	v16 =	vshra.s32 v16, $0xE  }
0x253: {  	vm4 =	vgt.s32 v16, $0x0  }
0x254: {  	v16 =	vnsel vm4, $0x0, v16  }
0x255: {  	v16 =	vmin.u32 v16, $0x1FF  }
0x256: {  	v47 =	vshll.u32 v16, $0x5  }
0x257: {  	v48 =	vor.u32 v10, v47  }
0x258: {  	v17 =	vor.u32 v14, v47;
	_ =	sdelay $0x1  }
0x259: {  	v51 =	vld [tilespmem:$0x1DD20]  }
0x25a: {  	s1 =	sadd.s32 $0xFFFFFFFA, s31;
	v49 =	vld.idx.msk [tilespmem:v16+s23+$0x0], $0xffff  }
0x25b: {  	v50 =	vmov s1;
	v20 =	vld.idx.msk [tilespmem:v48+s24+$0x0], $0xffff  }
0x25c: {  	vm5 =	vgt.s32 v15, $0x8;
	v22 =	vshrl.u32 v50, $0x3;
	v21 =	vld.idx.msk [tilespmem:v17+s24+$0x0], $0xffff  }
0x25d: {  	v22 =	vshll.u32 v22, v13;
	v52 =	vld [tilespmem:$0x1DD30]  }
0x25e: {  	v22 =	vadd.s32 $0x1, v22  }
0x25f: {  	v53 =	vbroadcast v22, $0x0;
	vm6 =	vgt.s32 v49, $0x0  }
0x260: {  	v20 =	vnsel vm6, $0xFF61B1E6, v20  }
0x261: {  	v21 =	vnsel vm6, $0xFF61B1E6, v21;
	v20 =	vmax.f32 v20, v51  }
0x262: {  	v21 =	vmax.f32 v21, v52;
	[tilespmem:v48+s24+$0x0] =	vst.idx.msk vm5, v20  }
0x263: {  	[tilespmem:v17+s24+$0x0] =	vst.idx.msk vm5, v21  }
0x264: {  	[tilespmem:v16+s23+$0x0] =	vst.idx.msk vm5, v1  }
0x265: {  	v16 =	vld.idx.msk [tilespmem:v53+s19+$0x0], $0xffff;
	_ =	sdelay $0x4  }
0x266: {  	v16 =	vshra.s32 v16, $0xE  }
0x267: {  	vm7 =	vgt.s32 v16, $0x0  }
0x268: {  	v16 =	vnsel vm7, $0x0, v16  }
0x269: {  	v16 =	vmin.u32 v16, $0x1FF  }
0x26a: {  	v54 =	vshll.u32 v16, $0x5  }
0x26b: {  	v55 =	vor.u32 v10, v54  }
0x26c: {  	v17 =	vor.u32 v14, v54;
	_ =	sdelay $0x1  }
0x26d: {  	v58 =	vld [tilespmem:$0x1DD40]  }
0x26e: {  	s1 =	sadd.s32 $0xFFFFFFFB, s31;
	v56 =	vld.idx.msk [tilespmem:v16+s23+$0x0], $0xffff  }
0x26f: {  	v57 =	vmov s1;
	v20 =	vld.idx.msk [tilespmem:v55+s24+$0x0], $0xffff  }
0x270: {  	vm8 =	vgt.s32 v15, $0x9;
	v22 =	vshrl.u32 v57, $0x3;
	v21 =	vld.idx.msk [tilespmem:v17+s24+$0x0], $0xffff  }
0x271: {  	v22 =	vshll.u32 v22, v13;
	v59 =	vld [tilespmem:$0x1DD50]  }
0x272: {  	v22 =	vadd.s32 $0x2, v22  }
0x273: {  	v60 =	vbroadcast v22, $0x0;
	vm9 =	vgt.s32 v56, $0x0  }
0x274: {  	v20 =	vnsel vm9, $0xFF61B1E6, v20  }
0x275: {  	v21 =	vnsel vm9, $0xFF61B1E6, v21;
	v20 =	vmax.f32 v20, v58  }
0x276: {  	v21 =	vmax.f32 v21, v59;
	[tilespmem:v55+s24+$0x0] =	vst.idx.msk vm8, v20  }
0x277: {  	[tilespmem:v17+s24+$0x0] =	vst.idx.msk vm8, v21  }
0x278: {  	[tilespmem:v16+s23+$0x0] =	vst.idx.msk vm8, v1  }
0x279: {  	v16 =	vld.idx.msk [tilespmem:v60+s19+$0x0], $0xffff;
	_ =	sdelay $0x4  }
0x27a: {  	v16 =	vshra.s32 v16, $0xE  }
0x27b: {  	vm10 =	vgt.s32 v16, $0x0  }
0x27c: {  	v16 =	vnsel vm10, $0x0, v16  }
0x27d: {  	v16 =	vmin.u32 v16, $0x1FF  }
0x27e: {  	v61 =	vshll.u32 v16, $0x5  }
0x27f: {  	v62 =	vor.u32 v10, v61  }
0x280: {  	v17 =	vor.u32 v14, v61;
	_ =	sdelay $0x1  }
0x281: {  	v28 =	vld [tilespmem:$0x1DD60]  }
0x282: {  	s1 =	sadd.s32 $0xFFFFFFFC, s31;
	v63 =	vld.idx.msk [tilespmem:v16+s23+$0x0], $0xffff  }
0x283: {  	v27 =	vmov s1;
	v20 =	vld.idx.msk [tilespmem:v62+s24+$0x0], $0xffff  }
0x284: {  	vm11 =	vgt.s32 v15, $0xA;
	v22 =	vshrl.u32 v27, $0x3;
	v21 =	vld.idx.msk [tilespmem:v17+s24+$0x0], $0xffff  }
0x285: {  	v22 =	vshll.u32 v22, v13;
	v29 =	vld [tilespmem:$0x1DD70]  }
0x286: {  	v22 =	vadd.s32 $0x3, v22  }
0x287: {  	v30 =	vbroadcast v22, $0x0;
	vm12 =	vgt.s32 v63, $0x0  }
0x288: {  	v20 =	vnsel vm12, $0xFF61B1E6, v20  }
0x289: {  	v21 =	vnsel vm12, $0xFF61B1E6, v21;
	v20 =	vmax.f32 v20, v28  }
0x28a: {  	v21 =	vmax.f32 v21, v29;
	[tilespmem:v62+s24+$0x0] =	vst.idx.msk vm11, v20  }
0x28b: {  	[tilespmem:v17+s24+$0x0] =	vst.idx.msk vm11, v21  }
0x28c: {  	[tilespmem:v16+s23+$0x0] =	vst.idx.msk vm11, v1  }
0x28d: {  	v16 =	vld.idx.msk [tilespmem:v30+s19+$0x0], $0xffff;
	_ =	sdelay $0x4  }
0x28e: {  	v16 =	vshra.s32 v16, $0xE  }
0x28f: {  	vm13 =	vgt.s32 v16, $0x0  }
0x290: {  	v16 =	vnsel vm13, $0x0, v16  }
0x291: {  	v16 =	vmin.u32 v16, $0x1FF  }
0x292: {  	v31 =	vshll.u32 v16, $0x5  }
0x293: {  	v32 =	vor.u32 v10, v31  }
0x294: {  	v17 =	vor.u32 v14, v31;
	_ =	sdelay $0x1  }
0x295: {  	v35 =	vld [tilespmem:$0x1DD80]  }
0x296: {  	s1 =	sadd.s32 $0xFFFFFFFD, s31;
	v33 =	vld.idx.msk [tilespmem:v16+s23+$0x0], $0xffff  }
0x297: {  	v34 =	vmov s1;
	v20 =	vld.idx.msk [tilespmem:v32+s24+$0x0], $0xffff  }
0x298: {  	v22 =	vshrl.u32 v34, $0x3;
	vm14 =	vgt.s32 v15, $0xB;
	v21 =	vld.idx.msk [tilespmem:v17+s24+$0x0], $0xffff  }
0x299: {  	v22 =	vshll.u32 v22, v13;
	v36 =	vld [tilespmem:$0x1DD90]  }
0x29a: {  	v22 =	vadd.s32 $0x4, v22  }
0x29b: {  	v37 =	vbroadcast v22, $0x0;
	vm15 =	vgt.s32 v33, $0x0  }
0x29c: {  	v20 =	vnsel vm15, $0xFF61B1E6, v20  }
0x29d: {  	v21 =	vnsel vm15, $0xFF61B1E6, v21;
	v20 =	vmax.f32 v20, v35  }
0x29e: {  	v21 =	vmax.f32 v21, v36;
	[tilespmem:v32+s24+$0x0] =	vst.idx.msk vm14, v20  }
0x29f: {  	[tilespmem:v17+s24+$0x0] =	vst.idx.msk vm14, v21  }
0x2a0: {  	[tilespmem:v16+s23+$0x0] =	vst.idx.msk vm14, v1  }
0x2a1: {  	v16 =	vld.idx.msk [tilespmem:v37+s19+$0x0], $0xffff;
	_ =	sdelay $0x4  }
0x2a2: {  	v16 =	vshra.s32 v16, $0xE  }
0x2a3: {  	vm4 =	vgt.s32 v16, $0x0  }
0x2a4: {  	v16 =	vnsel vm4, $0x0, v16  }
0x2a5: {  	v16 =	vmin.u32 v16, $0x1FF  }
0x2a6: {  	v38 =	vshll.u32 v16, $0x5  }
0x2a7: {  	v39 =	vor.u32 v10, v38  }
0x2a8: {  	v17 =	vor.u32 v14, v38;
	_ =	sdelay $0x1  }
0x2a9: {  	v42 =	vld [tilespmem:$0x1DDA0]  }
0x2aa: {  	s1 =	sadd.s32 $0xFFFFFFFE, s31;
	v40 =	vld.idx.msk [tilespmem:v16+s23+$0x0], $0xffff  }
0x2ab: {  	v41 =	vmov s1;
	v20 =	vld.idx.msk [tilespmem:v39+s24+$0x0], $0xffff  }
0x2ac: {  	v22 =	vshrl.u32 v41, $0x3;
	vm5 =	vgt.s32 v15, $0xC;
	v21 =	vld.idx.msk [tilespmem:v17+s24+$0x0], $0xffff  }
0x2ad: {  	v22 =	vshll.u32 v22, v13;
	v43 =	vld [tilespmem:$0x1DDB0]  }
0x2ae: {  	v22 =	vadd.s32 $0x5, v22  }
0x2af: {  	v44 =	vbroadcast v22, $0x0;
	vm6 =	vgt.s32 v40, $0x0  }
0x2b0: {  	v20 =	vnsel vm6, $0xFF61B1E6, v20  }
0x2b1: {  	v21 =	vnsel vm6, $0xFF61B1E6, v21;
	v20 =	vmax.f32 v20, v42  }
0x2b2: {  	v21 =	vmax.f32 v21, v43;
	[tilespmem:v39+s24+$0x0] =	vst.idx.msk vm5, v20  }
0x2b3: {  	[tilespmem:v17+s24+$0x0] =	vst.idx.msk vm5, v21  }
0x2b4: {  	[tilespmem:v16+s23+$0x0] =	vst.idx.msk vm5, v1  }
0x2b5: {  	v16 =	vld.idx.msk [tilespmem:v44+s19+$0x0], $0xffff;
	_ =	sdelay $0x4  }
0x2b6: {  	v16 =	vshra.s32 v16, $0xE  }
0x2b7: {  	vm7 =	vgt.s32 v16, $0x0  }
0x2b8: {  	v16 =	vnsel vm7, $0x0, v16  }
0x2b9: {  	v16 =	vmin.u32 v16, $0x1FF  }
0x2ba: {  	v45 =	vshll.u32 v16, $0x5  }
0x2bb: {  	v46 =	vor.u32 v10, v45  }
0x2bc: {  	v17 =	vor.u32 v14, v45;
	_ =	sdelay $0x1  }
0x2bd: {  	v49 =	vld [tilespmem:$0x1DDC0]  }
0x2be: {  	s1 =	sadd.s32 $0xFFFFFFFF, s31;
	v47 =	vld.idx.msk [tilespmem:v16+s23+$0x0], $0xffff  }
0x2bf: {  	v48 =	vmov s1;
	v20 =	vld.idx.msk [tilespmem:v46+s24+$0x0], $0xffff  }
0x2c0: {  	v22 =	vshrl.u32 v48, $0x3;
	vm8 =	vgt.s32 v15, $0xD;
	v21 =	vld.idx.msk [tilespmem:v17+s24+$0x0], $0xffff  }
0x2c1: {  	v22 =	vshll.u32 v22, v13;
	v50 =	vld [tilespmem:$0x1DDD0]  }
0x2c2: {  	v22 =	vadd.s32 $0x6, v22  }
0x2c3: {  	v51 =	vbroadcast v22, $0x0;
	vm9 =	vgt.s32 v47, $0x0  }
0x2c4: {  	v20 =	vnsel vm9, $0xFF61B1E6, v20  }
0x2c5: {  	v21 =	vnsel vm9, $0xFF61B1E6, v21;
	v20 =	vmax.f32 v20, v49  }
0x2c6: {  	v21 =	vmax.f32 v21, v50;
	[tilespmem:v46+s24+$0x0] =	vst.idx.msk vm8, v20  }
0x2c7: {  	[tilespmem:v17+s24+$0x0] =	vst.idx.msk vm8, v21  }
0x2c8: {  	[tilespmem:v16+s23+$0x0] =	vst.idx.msk vm8, v1  }
0x2c9: {  	v16 =	vld.idx.msk [tilespmem:v51+s19+$0x0], $0xffff;
	_ =	sdelay $0x4  }
0x2ca: {  	v16 =	vshra.s32 v16, $0xE  }
0x2cb: {  	vm10 =	vgt.s32 v16, $0x0  }
0x2cc: {  	v16 =	vnsel vm10, $0x0, v16  }
0x2cd: {  	v16 =	vmin.u32 v16, $0x1FF  }
0x2ce: {  	v52 =	vshll.u32 v16, $0x5  }
0x2cf: {  	v53 =	vor.u32 v10, v52  }
0x2d0: {  	v17 =	vor.u32 v14, v52;
	_ =	sdelay $0x1  }
0x2d1: {  	v56 =	vld [tilespmem:$0x1DDE0]  }
0x2d2: {  	v54 =	vld.idx.msk [tilespmem:v16+s23+$0x0], $0xffff  }
0x2d3: {  	v55 =	vmov s31;
	v20 =	vld.idx.msk [tilespmem:v53+s24+$0x0], $0xffff  }
0x2d4: {  	v22 =	vshrl.u32 v55, $0x3;
	vm11 =	vgt.s32 v15, $0xE;
	v21 =	vld.idx.msk [tilespmem:v17+s24+$0x0], $0xffff  }
0x2d5: {  	v22 =	vshll.u32 v22, v13;
	v57 =	vld [tilespmem:$0x1DDF0]  }
0x2d6: {  	v22 =	vadd.s32 $0x7, v22  }
0x2d7: {  	v58 =	vbroadcast v22, $0x0;
	vm12 =	vgt.s32 v54, $0x0  }
0x2d8: {  	v20 =	vnsel vm12, $0xFF61B1E6, v20  }
0x2d9: {  	v21 =	vnsel vm12, $0xFF61B1E6, v21;
	v20 =	vmax.f32 v20, v56  }
0x2da: {  	v21 =	vmax.f32 v21, v57;
	[tilespmem:v53+s24+$0x0] =	vst.idx.msk vm11, v20  }
0x2db: {  	[tilespmem:v17+s24+$0x0] =	vst.idx.msk vm11, v21  }
0x2dc: {  	[tilespmem:v16+s23+$0x0] =	vst.idx.msk vm11, v1  }
0x2dd: {  	v16 =	vld.idx.msk [tilespmem:v58+s19+$0x0], $0xffff;
	_ =	sdelay $0x4  }
0x2de: {  	v16 =	vshra.s32 v16, $0xE  }
0x2df: {  	vm13 =	vgt.s32 v16, $0x0  }
0x2e0: {  	v16 =	vnsel vm13, $0x0, v16  }
0x2e1: {  	v16 =	vmin.u32 v16, $0x1FF  }
0x2e2: {  	v59 =	vshll.u32 v16, $0x5  }
0x2e3: {  	v60 =	vor.u32 v10, v59  }
0x2e4: {  	v17 =	vor.u32 v14, v59;
	_ =	sdelay $0x1  }
0x2e5: {  	vm14 =	vgt.s32 v15, $0xF;
	v15 =	vld [tilespmem:$0x1DE00]  }
0x2e6: {  	v61 =	vld.idx.msk [tilespmem:v16+s23+$0x0], $0xffff  }
0x2e7: {  	v20 =	vld.idx.msk [tilespmem:v60+s24+$0x0], $0xffff  }
0x2e8: {  	v21 =	vld.idx.msk [tilespmem:v17+s24+$0x0], $0xffff  }
0x2e9: {  	v62 =	vld [tilespmem:$0x1DE10];
	_ =	sdelay $0x1  }
0x2ea: {  	p0 =	sne.s32 s28, $0x1;
	vm15 =	vgt.s32 v61, $0x0  }
.Ltmp13:
0x2eb: {  	v19 =	vnsel vm15, $0xFF61B1E6, v20;
	(pc) =	sbr.rel @p0 .LBB2_21-.Ltmp13, $4  }
0x2ec: {  	v63 =	vnsel vm15, $0xFF61B1E6, v21;
	v15 =	vmax.f32 v19, v15  }
0x2ed: {  	v19 =	vmax.f32 v63, v62;
	[tilespmem:v60+s24+$0x0] =	vst.idx.msk vm14, v15  }
0x2ee: {  	s0 =	sadd.s32 $0x10, s0;
	[tilespmem:v17+s24+$0x0] =	vst.idx.msk vm14, v19  }
0x2ef: {  	s30 =	sadd.s32 $0xFFFFFFF0, s30;
	s28 =	sadd.s32 $0xFFFFFFFF, s28;
	s31 =	sadd.s32 $0x10, s31;
	[tilespmem:v16+s23+$0x0] =	vst.idx.msk vm14, v1  }
.LBB2_22:
0x2f0: {  	s0 =	sadd.s32 $0x8000000F, s29  }
0x2f1: {  	s28 =	sshra.s32 s0, $0x4  }
0x2f2: {  	p0 =	slt.s32 s28, $0x1  }
.Ltmp14:
0x2f3: {  	_ = 	snop;
	(pc) =	sbr.rel @p0 .LBB2_25-.Ltmp14, $1  }
0x2f4: {  	_ =	sdelay $0x3  }
0x2f5: {  	s29 =	sxor.u32 $0x80000000, s29;
	s30 =	simm.s32 $0xF;
	s31 =	simm.s32 $0x19C20  }
.LBB2_24:
0x2f6: {  	v16 =	vld [tilespmem:s31+$0x0]  }
0x2f7: {  	s0 =	sadd.s32 $0xFFFFFFF1, s30  }
0x2f8: {  	v15 =	vmov s0  }
0x2f9: {  	v17 =	vshrl.u32 v15, $0x3  }
0x2fa: {  	v15 =	vmov s29;
	v18 =	vshll.u32 v17, v13  }
0x2fb: {  	vm0 =	vgt.s32 v15, v10;
	v17 =	vadd.s32 $0x4000, v18;
	v16 =	vand.u32 $0x3FFF, v16  }
0x2fc: {  	v17 =	vbroadcast v17, $0x0;
	v16 =	vnsel vm0, $0x0, v16  }
0x2fd: {  	[tilespmem:$0x1DE20] =	vst v16  }
0x2fe: {  	[tilespmem:s22], [sflag:$0x1] =	stream.indirect.gather [hbm4b:s6+s20], $0x20, s21, s20, $0x2000b8;
	[tilespmem:$0x1DE30] =	vst v63  }
0x2ff: {  	_ =	swait.ge [sflag:s18], $0x200  }
0x300: {  	[sflag:s18] =	ssyncset.done $0x0  }
0x301: {  	[sflag:s18] =	ssyncadd.s32 $0xFFFFFE00  }
0x302: {  	v32 =	vld.idx.msk [tilespmem:v17+s19+$0x0], $0xffff;
	_ =	sdelay $0x4  }
0x303: {  	v16 =	vshra.s32 v32, $0xE  }
0x304: {  	vm5 =	vgt.s32 v16, $0x0  }
0x305: {  	v16 =	vnsel vm5, $0x0, v16  }
0x306: {  	v16 =	vmin.u32 v16, $0x1FF  }
0x307: {  	v19 =	vshll.u32 v16, $0x5;
	v20 =	vor.u32 $0x200, v16;
	v16 =	vor.u32 $0x4000, v10  }
0x308: {  	v17 =	vor.u32 $0x4010, v10;
	v21 =	vor.u32 v16, v19  }
0x309: {  	v19 =	vor.u32 v17, v19;
	_ =	sdelay $0x1  }
0x30a: {  	v25 =	vld [tilespmem:$0x1DC20]  }
0x30b: {  	v22 =	vld.idx.msk [tilespmem:v20+s23+$0x0], $0xffff  }
0x30c: {  	v23 =	vld.idx.msk [tilespmem:v21+s24+$0x0], $0xffff  }
0x30d: {  	vm6 =	vgt.s32 v15, $0x0;
	v24 =	vld.idx.msk [tilespmem:v19+s24+$0x0], $0xffff  }
0x30e: {  	v26 =	vld [tilespmem:$0x1DC30]  }
0x30f: {  	v27 =	vadd.s32 $0x4001, v18  }
0x310: {  	v33 =	vbroadcast v27, $0x0;
	vm1 =	vgt.s32 v22, $0x0  }
0x311: {  	v23 =	vnsel vm1, $0xFF61B1E6, v23  }
0x312: {  	v24 =	vnsel vm1, $0xFF61B1E6, v24;
	v23 =	vmax.f32 v23, v25  }
0x313: {  	v24 =	vmax.f32 v24, v26;
	[tilespmem:v21+s24+$0x0] =	vst.idx.msk vm6, v23  }
0x314: {  	[tilespmem:v19+s24+$0x0] =	vst.idx.msk vm6, v24  }
0x315: {  	[tilespmem:v20+s23+$0x0] =	vst.idx.msk vm6, v1  }
0x316: {  	v19 =	vld.idx.msk [tilespmem:v33+s19+$0x0], $0xffff;
	_ =	sdelay $0x4  }
0x317: {  	v19 =	vshra.s32 v19, $0xE  }
0x318: {  	vm7 =	vgt.s32 v19, $0x0  }
0x319: {  	v19 =	vnsel vm7, $0x0, v19  }
0x31a: {  	v19 =	vmin.u32 v19, $0x1FF  }
0x31b: {  	v34 =	vshll.u32 v19, $0x5;
	v19 =	vor.u32 $0x200, v19  }
0x31c: {  	v35 =	vor.u32 v16, v34  }
0x31d: {  	v20 =	vor.u32 v17, v34;
	_ =	sdelay $0x1  }
0x31e: {  	v37 =	vld [tilespmem:$0x1DC40]  }
0x31f: {  	v36 =	vld.idx.msk [tilespmem:v19+s23+$0x0], $0xffff  }
0x320: {  	v23 =	vld.idx.msk [tilespmem:v35+s24+$0x0], $0xffff  }
0x321: {  	vm8 =	vgt.s32 v15, $0x1;
	v24 =	vld.idx.msk [tilespmem:v20+s24+$0x0], $0xffff  }
0x322: {  	v38 =	vld [tilespmem:$0x1DC50]  }
0x323: {  	v39 =	vadd.s32 $0x4002, v18  }
0x324: {  	v40 =	vbroadcast v39, $0x0;
	vm9 =	vgt.s32 v36, $0x0  }
0x325: {  	v23 =	vnsel vm9, $0xFF61B1E6, v23  }
0x326: {  	v24 =	vnsel vm9, $0xFF61B1E6, v24;
	v23 =	vmax.f32 v23, v37  }
0x327: {  	v24 =	vmax.f32 v24, v38;
	[tilespmem:v35+s24+$0x0] =	vst.idx.msk vm8, v23  }
0x328: {  	[tilespmem:v20+s24+$0x0] =	vst.idx.msk vm8, v24  }
0x329: {  	[tilespmem:v19+s23+$0x0] =	vst.idx.msk vm8, v1  }
0x32a: {  	v19 =	vld.idx.msk [tilespmem:v40+s19+$0x0], $0xffff;
	_ =	sdelay $0x4  }
0x32b: {  	v19 =	vshra.s32 v19, $0xE  }
0x32c: {  	vm10 =	vgt.s32 v19, $0x0  }
0x32d: {  	v19 =	vnsel vm10, $0x0, v19  }
0x32e: {  	v19 =	vmin.u32 v19, $0x1FF  }
0x32f: {  	v41 =	vshll.u32 v19, $0x5;
	v19 =	vor.u32 $0x200, v19  }
0x330: {  	v42 =	vor.u32 v16, v41  }
0x331: {  	v20 =	vor.u32 v17, v41;
	_ =	sdelay $0x1  }
0x332: {  	v44 =	vld [tilespmem:$0x1DC60]  }
0x333: {  	v43 =	vld.idx.msk [tilespmem:v19+s23+$0x0], $0xffff  }
0x334: {  	v23 =	vld.idx.msk [tilespmem:v42+s24+$0x0], $0xffff  }
0x335: {  	vm11 =	vgt.s32 v15, $0x2;
	v24 =	vld.idx.msk [tilespmem:v20+s24+$0x0], $0xffff  }
0x336: {  	v45 =	vld [tilespmem:$0x1DC70]  }
0x337: {  	v46 =	vadd.s32 $0x4003, v18  }
0x338: {  	v47 =	vbroadcast v46, $0x0;
	vm12 =	vgt.s32 v43, $0x0  }
0x339: {  	v23 =	vnsel vm12, $0xFF61B1E6, v23  }
0x33a: {  	v24 =	vnsel vm12, $0xFF61B1E6, v24;
	v23 =	vmax.f32 v23, v44  }
0x33b: {  	v24 =	vmax.f32 v24, v45;
	[tilespmem:v42+s24+$0x0] =	vst.idx.msk vm11, v23  }
0x33c: {  	[tilespmem:v20+s24+$0x0] =	vst.idx.msk vm11, v24  }
0x33d: {  	[tilespmem:v19+s23+$0x0] =	vst.idx.msk vm11, v1  }
0x33e: {  	v19 =	vld.idx.msk [tilespmem:v47+s19+$0x0], $0xffff;
	_ =	sdelay $0x4  }
0x33f: {  	v19 =	vshra.s32 v19, $0xE  }
0x340: {  	vm13 =	vgt.s32 v19, $0x0  }
0x341: {  	v19 =	vnsel vm13, $0x0, v19  }
0x342: {  	v19 =	vmin.u32 v19, $0x1FF  }
0x343: {  	v48 =	vshll.u32 v19, $0x5;
	v19 =	vor.u32 $0x200, v19  }
0x344: {  	v49 =	vor.u32 v16, v48  }
0x345: {  	v20 =	vor.u32 v17, v48;
	_ =	sdelay $0x1  }
0x346: {  	v51 =	vld [tilespmem:$0x1DC80]  }
0x347: {  	v50 =	vld.idx.msk [tilespmem:v19+s23+$0x0], $0xffff  }
0x348: {  	v23 =	vld.idx.msk [tilespmem:v49+s24+$0x0], $0xffff  }
0x349: {  	vm14 =	vgt.s32 v15, $0x3;
	v24 =	vld.idx.msk [tilespmem:v20+s24+$0x0], $0xffff  }
0x34a: {  	v52 =	vld [tilespmem:$0x1DC90]  }
0x34b: {  	v53 =	vadd.s32 $0x4004, v18  }
0x34c: {  	v54 =	vbroadcast v53, $0x0;
	vm15 =	vgt.s32 v50, $0x0  }
0x34d: {  	v23 =	vnsel vm15, $0xFF61B1E6, v23  }
0x34e: {  	v24 =	vnsel vm15, $0xFF61B1E6, v24;
	v23 =	vmax.f32 v23, v51  }
0x34f: {  	v24 =	vmax.f32 v24, v52;
	[tilespmem:v49+s24+$0x0] =	vst.idx.msk vm14, v23  }
0x350: {  	[tilespmem:v20+s24+$0x0] =	vst.idx.msk vm14, v24  }
0x351: {  	[tilespmem:v19+s23+$0x0] =	vst.idx.msk vm14, v1  }
0x352: {  	v19 =	vld.idx.msk [tilespmem:v54+s19+$0x0], $0xffff;
	_ =	sdelay $0x4  }
0x353: {  	v19 =	vshra.s32 v19, $0xE  }
0x354: {  	vm4 =	vgt.s32 v19, $0x0  }
0x355: {  	v19 =	vnsel vm4, $0x0, v19  }
0x356: {  	v19 =	vmin.u32 v19, $0x1FF  }
0x357: {  	v55 =	vshll.u32 v19, $0x5;
	v19 =	vor.u32 $0x200, v19  }
0x358: {  	v56 =	vor.u32 v16, v55  }
0x359: {  	v20 =	vor.u32 v17, v55;
	_ =	sdelay $0x1  }
0x35a: {  	v58 =	vld [tilespmem:$0x1DCA0]  }
0x35b: {  	v57 =	vld.idx.msk [tilespmem:v19+s23+$0x0], $0xffff  }
0x35c: {  	v23 =	vld.idx.msk [tilespmem:v56+s24+$0x0], $0xffff  }
0x35d: {  	vm5 =	vgt.s32 v15, $0x4;
	v24 =	vld.idx.msk [tilespmem:v20+s24+$0x0], $0xffff  }
0x35e: {  	v59 =	vld [tilespmem:$0x1DCB0]  }
0x35f: {  	v60 =	vadd.s32 $0x4005, v18  }
0x360: {  	v61 =	vbroadcast v60, $0x0;
	vm6 =	vgt.s32 v57, $0x0  }
0x361: {  	v23 =	vnsel vm6, $0xFF61B1E6, v23  }
0x362: {  	v24 =	vnsel vm6, $0xFF61B1E6, v24;
	v23 =	vmax.f32 v23, v58  }
0x363: {  	v24 =	vmax.f32 v24, v59;
	[tilespmem:v56+s24+$0x0] =	vst.idx.msk vm5, v23  }
0x364: {  	[tilespmem:v20+s24+$0x0] =	vst.idx.msk vm5, v24  }
0x365: {  	[tilespmem:v19+s23+$0x0] =	vst.idx.msk vm5, v1  }
0x366: {  	v19 =	vld.idx.msk [tilespmem:v61+s19+$0x0], $0xffff;
	_ =	sdelay $0x4  }
0x367: {  	v19 =	vshra.s32 v19, $0xE  }
0x368: {  	vm7 =	vgt.s32 v19, $0x0  }
0x369: {  	v19 =	vnsel vm7, $0x0, v19  }
0x36a: {  	v19 =	vmin.u32 v19, $0x1FF  }
0x36b: {  	v62 =	vshll.u32 v19, $0x5;
	v19 =	vor.u32 $0x200, v19  }
0x36c: {  	v63 =	vor.u32 v16, v62  }
0x36d: {  	v20 =	vor.u32 v17, v62;
	_ =	sdelay $0x1  }
0x36e: {  	v31 =	vld [tilespmem:$0x1DCC0]  }
0x36f: {  	v30 =	vld.idx.msk [tilespmem:v19+s23+$0x0], $0xffff  }
0x370: {  	v23 =	vld.idx.msk [tilespmem:v63+s24+$0x0], $0xffff  }
0x371: {  	vm8 =	vgt.s32 v15, $0x5;
	v24 =	vld.idx.msk [tilespmem:v20+s24+$0x0], $0xffff  }
0x372: {  	v32 =	vld [tilespmem:$0x1DCD0]  }
0x373: {  	v33 =	vadd.s32 $0x4006, v18  }
0x374: {  	v34 =	vbroadcast v33, $0x0;
	vm9 =	vgt.s32 v30, $0x0  }
0x375: {  	v23 =	vnsel vm9, $0xFF61B1E6, v23  }
0x376: {  	v24 =	vnsel vm9, $0xFF61B1E6, v24;
	v23 =	vmax.f32 v23, v31  }
0x377: {  	v24 =	vmax.f32 v24, v32;
	[tilespmem:v63+s24+$0x0] =	vst.idx.msk vm8, v23  }
0x378: {  	[tilespmem:v20+s24+$0x0] =	vst.idx.msk vm8, v24  }
0x379: {  	[tilespmem:v19+s23+$0x0] =	vst.idx.msk vm8, v1  }
0x37a: {  	v19 =	vld.idx.msk [tilespmem:v34+s19+$0x0], $0xffff;
	_ =	sdelay $0x4  }
0x37b: {  	v19 =	vshra.s32 v19, $0xE  }
0x37c: {  	vm10 =	vgt.s32 v19, $0x0  }
0x37d: {  	v19 =	vnsel vm10, $0x0, v19  }
0x37e: {  	v19 =	vmin.u32 v19, $0x1FF  }
0x37f: {  	v35 =	vshll.u32 v19, $0x5;
	v19 =	vor.u32 $0x200, v19  }
0x380: {  	v36 =	vor.u32 v16, v35  }
0x381: {  	v20 =	vor.u32 v17, v35;
	_ =	sdelay $0x1  }
0x382: {  	v38 =	vld [tilespmem:$0x1DCE0]  }
0x383: {  	v37 =	vld.idx.msk [tilespmem:v19+s23+$0x0], $0xffff  }
0x384: {  	v23 =	vld.idx.msk [tilespmem:v36+s24+$0x0], $0xffff  }
0x385: {  	vm11 =	vgt.s32 v15, $0x6;
	v24 =	vld.idx.msk [tilespmem:v20+s24+$0x0], $0xffff  }
0x386: {  	v39 =	vld [tilespmem:$0x1DCF0]  }
0x387: {  	v18 =	vadd.s32 $0x4007, v18  }
0x388: {  	v18 =	vbroadcast v18, $0x0;
	vm12 =	vgt.s32 v37, $0x0  }
0x389: {  	v22 =	vnsel vm12, $0xFF61B1E6, v23  }
0x38a: {  	v40 =	vnsel vm12, $0xFF61B1E6, v24;
	v22 =	vmax.f32 v22, v38  }
0x38b: {  	v23 =	vmax.f32 v40, v39;
	[tilespmem:v36+s24+$0x0] =	vst.idx.msk vm11, v22  }
0x38c: {  	[tilespmem:v20+s24+$0x0] =	vst.idx.msk vm11, v23  }
0x38d: {  	[tilespmem:v19+s23+$0x0] =	vst.idx.msk vm11, v1  }
0x38e: {  	v18 =	vld.idx.msk [tilespmem:v18+s19+$0x0], $0xffff;
	_ =	sdelay $0x4  }
0x38f: {  	v18 =	vshra.s32 v18, $0xE  }
0x390: {  	vm13 =	vgt.s32 v18, $0x0  }
0x391: {  	v18 =	vnsel vm13, $0x0, v18  }
0x392: {  	v18 =	vmin.u32 v18, $0x1FF  }
0x393: {  	v41 =	vshll.u32 v18, $0x5;
	v18 =	vor.u32 $0x200, v18  }
0x394: {  	v42 =	vor.u32 v16, v41  }
0x395: {  	v19 =	vor.u32 v17, v41;
	_ =	sdelay $0x1  }
0x396: {  	v44 =	vld [tilespmem:$0x1DD00]  }
0x397: {  	s1 =	sadd.s32 $0xFFFFFFF9, s30;
	v21 =	vld.idx.msk [tilespmem:v18+s23+$0x0], $0xffff  }
0x398: {  	v43 =	vmov s1;
	v22 =	vld.idx.msk [tilespmem:v42+s24+$0x0], $0xffff  }
0x399: {  	vm14 =	vgt.s32 v15, $0x7;
	v24 =	vshrl.u32 v43, $0x3;
	v23 =	vld.idx.msk [tilespmem:v19+s24+$0x0], $0xffff  }
0x39a: {  	v24 =	vshll.u32 v24, v13;
	v45 =	vld [tilespmem:$0x1DD10]  }
0x39b: {  	v24 =	vadd.s32 $0x4000, v24  }
0x39c: {  	v46 =	vbroadcast v24, $0x0;
	vm15 =	vgt.s32 v21, $0x0  }
0x39d: {  	v22 =	vnsel vm15, $0xFF61B1E6, v22  }
0x39e: {  	v23 =	vnsel vm15, $0xFF61B1E6, v23;
	v22 =	vmax.f32 v22, v44  }
0x39f: {  	v23 =	vmax.f32 v23, v45;
	[tilespmem:v42+s24+$0x0] =	vst.idx.msk vm14, v22  }
0x3a0: {  	[tilespmem:v19+s24+$0x0] =	vst.idx.msk vm14, v23  }
0x3a1: {  	[tilespmem:v18+s23+$0x0] =	vst.idx.msk vm14, v1  }
0x3a2: {  	v18 =	vld.idx.msk [tilespmem:v46+s19+$0x0], $0xffff;
	_ =	sdelay $0x4  }
0x3a3: {  	v18 =	vshra.s32 v18, $0xE  }
0x3a4: {  	vm4 =	vgt.s32 v18, $0x0  }
0x3a5: {  	v18 =	vnsel vm4, $0x0, v18  }
0x3a6: {  	v18 =	vmin.u32 v18, $0x1FF  }
0x3a7: {  	v47 =	vshll.u32 v18, $0x5;
	v18 =	vor.u32 $0x200, v18  }
0x3a8: {  	v48 =	vor.u32 v16, v47  }
0x3a9: {  	v19 =	vor.u32 v17, v47;
	_ =	sdelay $0x1  }
0x3aa: {  	v51 =	vld [tilespmem:$0x1DD20]  }
0x3ab: {  	s1 =	sadd.s32 $0xFFFFFFFA, s30;
	v49 =	vld.idx.msk [tilespmem:v18+s23+$0x0], $0xffff  }
0x3ac: {  	v50 =	vmov s1;
	v22 =	vld.idx.msk [tilespmem:v48+s24+$0x0], $0xffff  }
0x3ad: {  	vm5 =	vgt.s32 v15, $0x8;
	v24 =	vshrl.u32 v50, $0x3;
	v23 =	vld.idx.msk [tilespmem:v19+s24+$0x0], $0xffff  }
0x3ae: {  	v24 =	vshll.u32 v24, v13;
	v52 =	vld [tilespmem:$0x1DD30]  }
0x3af: {  	v24 =	vadd.s32 $0x4001, v24  }
0x3b0: {  	v53 =	vbroadcast v24, $0x0;
	vm6 =	vgt.s32 v49, $0x0  }
0x3b1: {  	v22 =	vnsel vm6, $0xFF61B1E6, v22  }
0x3b2: {  	v23 =	vnsel vm6, $0xFF61B1E6, v23;
	v22 =	vmax.f32 v22, v51  }
0x3b3: {  	v23 =	vmax.f32 v23, v52;
	[tilespmem:v48+s24+$0x0] =	vst.idx.msk vm5, v22  }
0x3b4: {  	[tilespmem:v19+s24+$0x0] =	vst.idx.msk vm5, v23  }
0x3b5: {  	[tilespmem:v18+s23+$0x0] =	vst.idx.msk vm5, v1  }
0x3b6: {  	v18 =	vld.idx.msk [tilespmem:v53+s19+$0x0], $0xffff;
	_ =	sdelay $0x4  }
0x3b7: {  	v18 =	vshra.s32 v18, $0xE  }
0x3b8: {  	vm7 =	vgt.s32 v18, $0x0  }
0x3b9: {  	v18 =	vnsel vm7, $0x0, v18  }
0x3ba: {  	v18 =	vmin.u32 v18, $0x1FF  }
0x3bb: {  	v54 =	vshll.u32 v18, $0x5;
	v18 =	vor.u32 $0x200, v18  }
0x3bc: {  	v55 =	vor.u32 v16, v54  }
0x3bd: {  	v19 =	vor.u32 v17, v54;
	_ =	sdelay $0x1  }
0x3be: {  	v58 =	vld [tilespmem:$0x1DD40]  }
0x3bf: {  	s1 =	sadd.s32 $0xFFFFFFFB, s30;
	v56 =	vld.idx.msk [tilespmem:v18+s23+$0x0], $0xffff  }
0x3c0: {  	v57 =	vmov s1;
	v22 =	vld.idx.msk [tilespmem:v55+s24+$0x0], $0xffff  }
0x3c1: {  	vm8 =	vgt.s32 v15, $0x9;
	v24 =	vshrl.u32 v57, $0x3;
	v23 =	vld.idx.msk [tilespmem:v19+s24+$0x0], $0xffff  }
0x3c2: {  	v24 =	vshll.u32 v24, v13;
	v59 =	vld [tilespmem:$0x1DD50]  }
0x3c3: {  	v24 =	vadd.s32 $0x4002, v24  }
0x3c4: {  	v60 =	vbroadcast v24, $0x0;
	vm9 =	vgt.s32 v56, $0x0  }
0x3c5: {  	v22 =	vnsel vm9, $0xFF61B1E6, v22  }
0x3c6: {  	v23 =	vnsel vm9, $0xFF61B1E6, v23;
	v22 =	vmax.f32 v22, v58  }
0x3c7: {  	v23 =	vmax.f32 v23, v59;
	[tilespmem:v55+s24+$0x0] =	vst.idx.msk vm8, v22  }
0x3c8: {  	[tilespmem:v19+s24+$0x0] =	vst.idx.msk vm8, v23  }
0x3c9: {  	[tilespmem:v18+s23+$0x0] =	vst.idx.msk vm8, v1  }
0x3ca: {  	v18 =	vld.idx.msk [tilespmem:v60+s19+$0x0], $0xffff;
	_ =	sdelay $0x4  }
0x3cb: {  	v18 =	vshra.s32 v18, $0xE  }
0x3cc: {  	vm10 =	vgt.s32 v18, $0x0  }
0x3cd: {  	v18 =	vnsel vm10, $0x0, v18  }
0x3ce: {  	v18 =	vmin.u32 v18, $0x1FF  }
0x3cf: {  	v61 =	vshll.u32 v18, $0x5;
	v18 =	vor.u32 $0x200, v18  }
0x3d0: {  	v62 =	vor.u32 v16, v61  }
0x3d1: {  	v19 =	vor.u32 v17, v61;
	_ =	sdelay $0x1  }
0x3d2: {  	v29 =	vld [tilespmem:$0x1DD60]  }
0x3d3: {  	s1 =	sadd.s32 $0xFFFFFFFC, s30;
	v63 =	vld.idx.msk [tilespmem:v18+s23+$0x0], $0xffff  }
0x3d4: {  	v28 =	vmov s1;
	v22 =	vld.idx.msk [tilespmem:v62+s24+$0x0], $0xffff  }
0x3d5: {  	vm11 =	vgt.s32 v15, $0xA;
	v24 =	vshrl.u32 v28, $0x3;
	v23 =	vld.idx.msk [tilespmem:v19+s24+$0x0], $0xffff  }
0x3d6: {  	v24 =	vshll.u32 v24, v13;
	v30 =	vld [tilespmem:$0x1DD70]  }
0x3d7: {  	v24 =	vadd.s32 $0x4003, v24  }
0x3d8: {  	v31 =	vbroadcast v24, $0x0;
	vm12 =	vgt.s32 v63, $0x0  }
0x3d9: {  	v22 =	vnsel vm12, $0xFF61B1E6, v22  }
0x3da: {  	v23 =	vnsel vm12, $0xFF61B1E6, v23;
	v22 =	vmax.f32 v22, v29  }
0x3db: {  	v23 =	vmax.f32 v23, v30;
	[tilespmem:v62+s24+$0x0] =	vst.idx.msk vm11, v22  }
0x3dc: {  	[tilespmem:v19+s24+$0x0] =	vst.idx.msk vm11, v23  }
0x3dd: {  	[tilespmem:v18+s23+$0x0] =	vst.idx.msk vm11, v1  }
0x3de: {  	v18 =	vld.idx.msk [tilespmem:v31+s19+$0x0], $0xffff;
	_ =	sdelay $0x4  }
0x3df: {  	v18 =	vshra.s32 v18, $0xE  }
0x3e0: {  	vm13 =	vgt.s32 v18, $0x0  }
0x3e1: {  	v18 =	vnsel vm13, $0x0, v18  }
0x3e2: {  	v18 =	vmin.u32 v18, $0x1FF  }
0x3e3: {  	v32 =	vshll.u32 v18, $0x5;
	v18 =	vor.u32 $0x200, v18  }
0x3e4: {  	v33 =	vor.u32 v16, v32  }
0x3e5: {  	v19 =	vor.u32 v17, v32;
	_ =	sdelay $0x1  }
0x3e6: {  	v36 =	vld [tilespmem:$0x1DD80]  }
0x3e7: {  	s1 =	sadd.s32 $0xFFFFFFFD, s30;
	v34 =	vld.idx.msk [tilespmem:v18+s23+$0x0], $0xffff  }
0x3e8: {  	v35 =	vmov s1;
	v22 =	vld.idx.msk [tilespmem:v33+s24+$0x0], $0xffff  }
0x3e9: {  	v24 =	vshrl.u32 v35, $0x3;
	vm14 =	vgt.s32 v15, $0xB;
	v23 =	vld.idx.msk [tilespmem:v19+s24+$0x0], $0xffff  }
0x3ea: {  	v24 =	vshll.u32 v24, v13;
	v37 =	vld [tilespmem:$0x1DD90]  }
0x3eb: {  	v24 =	vadd.s32 $0x4004, v24  }
0x3ec: {  	v38 =	vbroadcast v24, $0x0;
	vm15 =	vgt.s32 v34, $0x0  }
0x3ed: {  	v22 =	vnsel vm15, $0xFF61B1E6, v22  }
0x3ee: {  	v23 =	vnsel vm15, $0xFF61B1E6, v23;
	v22 =	vmax.f32 v22, v36  }
0x3ef: {  	v23 =	vmax.f32 v23, v37;
	[tilespmem:v33+s24+$0x0] =	vst.idx.msk vm14, v22  }
0x3f0: {  	[tilespmem:v19+s24+$0x0] =	vst.idx.msk vm14, v23  }
0x3f1: {  	[tilespmem:v18+s23+$0x0] =	vst.idx.msk vm14, v1  }
0x3f2: {  	v18 =	vld.idx.msk [tilespmem:v38+s19+$0x0], $0xffff;
	_ =	sdelay $0x4  }
0x3f3: {  	v18 =	vshra.s32 v18, $0xE  }
0x3f4: {  	vm4 =	vgt.s32 v18, $0x0  }
0x3f5: {  	v18 =	vnsel vm4, $0x0, v18  }
0x3f6: {  	v18 =	vmin.u32 v18, $0x1FF  }
0x3f7: {  	v39 =	vshll.u32 v18, $0x5;
	v18 =	vor.u32 $0x200, v18  }
0x3f8: {  	v40 =	vor.u32 v16, v39  }
0x3f9: {  	v19 =	vor.u32 v17, v39;
	_ =	sdelay $0x1  }
0x3fa: {  	v43 =	vld [tilespmem:$0x1DDA0]  }
0x3fb: {  	s1 =	sadd.s32 $0xFFFFFFFE, s30;
	v41 =	vld.idx.msk [tilespmem:v18+s23+$0x0], $0xffff  }
0x3fc: {  	v42 =	vmov s1;
	v22 =	vld.idx.msk [tilespmem:v40+s24+$0x0], $0xffff  }
0x3fd: {  	v24 =	vshrl.u32 v42, $0x3;
	vm5 =	vgt.s32 v15, $0xC;
	v23 =	vld.idx.msk [tilespmem:v19+s24+$0x0], $0xffff  }
0x3fe: {  	v24 =	vshll.u32 v24, v13;
	v44 =	vld [tilespmem:$0x1DDB0]  }
0x3ff: {  	v24 =	vadd.s32 $0x4005, v24  }
0x400: {  	v45 =	vbroadcast v24, $0x0;
	vm6 =	vgt.s32 v41, $0x0  }
0x401: {  	v22 =	vnsel vm6, $0xFF61B1E6, v22  }
0x402: {  	v23 =	vnsel vm6, $0xFF61B1E6, v23;
	v22 =	vmax.f32 v22, v43  }
0x403: {  	v23 =	vmax.f32 v23, v44;
	[tilespmem:v40+s24+$0x0] =	vst.idx.msk vm5, v22  }
0x404: {  	[tilespmem:v19+s24+$0x0] =	vst.idx.msk vm5, v23  }
0x405: {  	[tilespmem:v18+s23+$0x0] =	vst.idx.msk vm5, v1  }
0x406: {  	v18 =	vld.idx.msk [tilespmem:v45+s19+$0x0], $0xffff;
	_ =	sdelay $0x4  }
0x407: {  	v18 =	vshra.s32 v18, $0xE  }
0x408: {  	vm7 =	vgt.s32 v18, $0x0  }
0x409: {  	v18 =	vnsel vm7, $0x0, v18  }
0x40a: {  	v18 =	vmin.u32 v18, $0x1FF  }
0x40b: {  	v46 =	vshll.u32 v18, $0x5;
	v18 =	vor.u32 $0x200, v18  }
0x40c: {  	v47 =	vor.u32 v16, v46  }
0x40d: {  	v19 =	vor.u32 v17, v46;
	_ =	sdelay $0x1  }
0x40e: {  	v50 =	vld [tilespmem:$0x1DDC0]  }
0x40f: {  	s1 =	sadd.s32 $0xFFFFFFFF, s30;
	v48 =	vld.idx.msk [tilespmem:v18+s23+$0x0], $0xffff  }
0x410: {  	v49 =	vmov s1;
	v22 =	vld.idx.msk [tilespmem:v47+s24+$0x0], $0xffff  }
0x411: {  	v24 =	vshrl.u32 v49, $0x3;
	vm8 =	vgt.s32 v15, $0xD;
	v23 =	vld.idx.msk [tilespmem:v19+s24+$0x0], $0xffff  }
0x412: {  	v24 =	vshll.u32 v24, v13;
	v51 =	vld [tilespmem:$0x1DDD0]  }
0x413: {  	v24 =	vadd.s32 $0x4006, v24  }
0x414: {  	v52 =	vbroadcast v24, $0x0;
	vm9 =	vgt.s32 v48, $0x0  }
0x415: {  	v22 =	vnsel vm9, $0xFF61B1E6, v22  }
0x416: {  	v23 =	vnsel vm9, $0xFF61B1E6, v23;
	v22 =	vmax.f32 v22, v50  }
0x417: {  	v23 =	vmax.f32 v23, v51;
	[tilespmem:v47+s24+$0x0] =	vst.idx.msk vm8, v22  }
0x418: {  	[tilespmem:v19+s24+$0x0] =	vst.idx.msk vm8, v23  }
0x419: {  	[tilespmem:v18+s23+$0x0] =	vst.idx.msk vm8, v1  }
0x41a: {  	v18 =	vld.idx.msk [tilespmem:v52+s19+$0x0], $0xffff;
	_ =	sdelay $0x4  }
0x41b: {  	v18 =	vshra.s32 v18, $0xE  }
0x41c: {  	vm10 =	vgt.s32 v18, $0x0  }
0x41d: {  	v18 =	vnsel vm10, $0x0, v18  }
0x41e: {  	v18 =	vmin.u32 v18, $0x1FF  }
0x41f: {  	v53 =	vshll.u32 v18, $0x5;
	v18 =	vor.u32 $0x200, v18  }
0x420: {  	v54 =	vor.u32 v16, v53  }
0x421: {  	v19 =	vor.u32 v17, v53;
	_ =	sdelay $0x1  }
0x422: {  	v57 =	vld [tilespmem:$0x1DDE0]  }
0x423: {  	v55 =	vld.idx.msk [tilespmem:v18+s23+$0x0], $0xffff  }
0x424: {  	v56 =	vmov s30;
	v22 =	vld.idx.msk [tilespmem:v54+s24+$0x0], $0xffff  }
0x425: {  	v24 =	vshrl.u32 v56, $0x3;
	vm11 =	vgt.s32 v15, $0xE;
	v23 =	vld.idx.msk [tilespmem:v19+s24+$0x0], $0xffff  }
0x426: {  	v24 =	vshll.u32 v24, v13;
	v58 =	vld [tilespmem:$0x1DDF0]  }
0x427: {  	v24 =	vadd.s32 $0x4007, v24  }
0x428: {  	v59 =	vbroadcast v24, $0x0;
	vm12 =	vgt.s32 v55, $0x0  }
0x429: {  	v22 =	vnsel vm12, $0xFF61B1E6, v22  }
0x42a: {  	v23 =	vnsel vm12, $0xFF61B1E6, v23;
	v22 =	vmax.f32 v22, v57  }
0x42b: {  	v23 =	vmax.f32 v23, v58;
	[tilespmem:v54+s24+$0x0] =	vst.idx.msk vm11, v22  }
0x42c: {  	[tilespmem:v19+s24+$0x0] =	vst.idx.msk vm11, v23  }
0x42d: {  	[tilespmem:v18+s23+$0x0] =	vst.idx.msk vm11, v1  }
0x42e: {  	v18 =	vld.idx.msk [tilespmem:v59+s19+$0x0], $0xffff;
	_ =	sdelay $0x4  }
0x42f: {  	v18 =	vshra.s32 v18, $0xE  }
0x430: {  	vm13 =	vgt.s32 v18, $0x0  }
0x431: {  	v18 =	vnsel vm13, $0x0, v18  }
0x432: {  	v18 =	vmin.u32 v18, $0x1FF  }
0x433: {  	v60 =	vshll.u32 v18, $0x5;
	v18 =	vor.u32 $0x200, v18  }
0x434: {  	v16 =	vor.u32 v16, v60  }
0x435: {  	v17 =	vor.u32 v17, v60;
	_ =	sdelay $0x1  }
0x436: {  	vm14 =	vgt.s32 v15, $0xF;
	v15 =	vld [tilespmem:$0x1DE00]  }
0x437: {  	v61 =	vld.idx.msk [tilespmem:v18+s23+$0x0], $0xffff  }
0x438: {  	v20 =	vld.idx.msk [tilespmem:v16+s24+$0x0], $0xffff  }
0x439: {  	v62 =	vld.idx.msk [tilespmem:v17+s24+$0x0], $0xffff  }
0x43a: {  	v22 =	vld [tilespmem:$0x1DE10];
	_ =	sdelay $0x1  }
0x43b: {  	p0 =	sne.s32 s28, $0x1;
	vm15 =	vgt.s32 v61, $0x0  }
.Ltmp15:
0x43c: {  	v19 =	vnsel vm15, $0xFF61B1E6, v20;
	(pc) =	sbr.rel @p0 .LBB2_24-.Ltmp15, $4  }
0x43d: {  	v63 =	vnsel vm15, $0xFF61B1E6, v62;
	v15 =	vmax.f32 v19, v15  }
0x43e: {  	v19 =	vmax.f32 v63, v22;
	[tilespmem:v16+s24+$0x0] =	vst.idx.msk vm14, v15  }
0x43f: {  	s31 =	sadd.s32 $0x10, s31;
	[tilespmem:v17+s24+$0x0] =	vst.idx.msk vm14, v19  }
0x440: {  	s28 =	sadd.s32 $0xFFFFFFFF, s28;
	s29 =	sadd.s32 $0xFFFFFFF0, s29;
	s30 =	sadd.s32 $0x10, s30;
	[tilespmem:v18+s23+$0x0] =	vst.idx.msk vm14, v1  }
.Ltmp16:
0x441: {  	_ = 	snop;
	(pc) =	sbr.rel .LBB2_25-.Ltmp16, $1  }
0x442: {  	_ =	sdelay $0x3  }
.LBB2_7:
.Ltmp17:
0x443: {  	(pc) =	sbr.rel .LBB2_10-.Ltmp17, $2  }
0x444: {  	_ =	sdelay $0x2  }
0x445: {  	_ = 	snop  }
.LBB2_13:
.Ltmp18:
0x446: {  	(pc) =	sbr.rel .LBB2_18-.Ltmp18, $2  }
0x447: {  	_ =	sdelay $0x2  }
0x448: {  	v25 =	vimm.s32 $0x0  }
.LBB2_15:
.Ltmp19:
0x449: {  	(pc) =	sbr.rel .LBB2_18-.Ltmp19, $2  }
0x44a: {  	_ =	sdelay $0x2  }
0x44b: {  	v27 =	vmov v26;
	v25 =	vmov v26  }
.LBB2_26:
0x44c: {  	_ =	sfence.sel $0x180000  }
0x44d: {  	[bflag:$0x0] =	sbarrier.arrive $0xFFFF  }
0x44e: {  	_ =	strace $0x90000047  }
0x44f: {  	s0 =	stileid.u32;
	[bflag:$0x2] =	sbarrier.arrive $0xFFFF  }
0x450: {  	p0 =	sne.s32 s0, $0x0;
	s0 =	rddreg [dreg:$0x2]  }
0x451: {  	s0 =	sadd.s32 @!p0 $0x100000, s0  }
0x452: {  	[sflag:s0] =	ssyncadd.tile.s32 @!p0 $0x1;
	_ =	shalt  }
.Lfunc_end2:
_tile_overlayer_lowered:
.L_overlay_start_2:
0x453: {  	(tag) =	ssettag $0x2  }
0x454: {  	s0 =	rddreg [dreg:$0x0];
	s2 =	stileid.u32  }
0x455: {  	s1 =	rddreg [dreg:$0x1];
	p0 =	sne.s32 s2, $0x0  }
0x456: {  	s3 =	rddreg [dreg:$0x2];
	[bflag:$0x3] =	sbarrier.arrive $0xFFFF;
	s2 =	simm.s32 @!p0 $0x1C02  }
0x457: {  	[timem:s3], [sflag:s2] =	dma.local @!p0 [hbm:s0], s1  }
0x458: {  	s0 =	simm.s32 @!p0 $0x2  }
0x459: {  	_ =	swait.ge @!p0 [sflag:s0], s1  }
0x45a: {  	s1 =	ssub.s32 @!p0 $0x0, s1;
	[sflag:s0] =	ssyncset.done @!p0 $0x0  }
0x45b: {  	[sflag:s0] =	ssyncadd.s32 @!p0 s1  }
0x45c: {  	[bflag:$0x3] =	sbarrier.arrive $0xFFFF  }
0x45d: {  	_ =	shalt  }

</sc_bundles>
